<compile_context>
chip_gen: v7x
topology: tpu7x:2x2x1
jax: 0.10.2.dev20260603
libtpu: 0.0.44.dev20260713+nightly
codegen_flags: <defaults>
</compile_context>

<pallas_src>
import functools

import jax
import jax.numpy as jnp
from jax import lax
from jax.experimental import pallas as pl
from jax.experimental.pallas import tpu as pltpu
from jax.experimental.pallas import tpu_sc as plsc

_LANES = 16
_NC, _NS = 2, 16
_NW = _NC * _NS

_T = 256
_BU = 16


@functools.cache
def _build_table_kernel(K, B, D):
    K2 = K // 2
    D2 = 2 * D
    n_pairs = K2 * B
    blocks_per_w = n_pairs // _NW
    assert blocks_per_w % 2 == 0

    mesh = plsc.VectorSubcoreMesh(core_axis_name="c", subcore_axis_name="s")

    @functools.partial(
        pl.kernel,
        mesh=mesh,
        out_type=jax.ShapeDtypeStruct((K2 * B * B, D2), jnp.float32),
        compiler_params=pltpu.CompilerParams(use_tc_tiling_on_sc=False),
        scratch_types=[
            pltpu.VMEM((blocks_per_w * D + _LANES,), jnp.float32),
            pltpu.VMEM((D + B * D + _LANES,), jnp.float32),
            pltpu.VMEM((B, D2), jnp.float32),
            pltpu.VMEM((B, D2), jnp.float32),
            pltpu.SemaphoreType.DMA,
            pltpu.SemaphoreType.DMA,
        ],
    )
    def build(cb_hbm, tab_hbm, left_v, right_v, blk_a, blk_b, sem_a, sem_b):
        wid = lax.axis_index("s") * _NC + lax.axis_index("c")
        lane = lax.iota(jnp.int32, _LANES)
        left_half = lane < D
        j2 = wid // (B // blocks_per_w)
        hi0 = (wid % (B // blocks_per_w)) * blocks_per_w
        blk = (blk_a, blk_b)
        sem = (sem_a, sem_b)

        pltpu.sync_copy(
            cb_hbm.at[pl.ds((2 * j2 * B + hi0) * D, blocks_per_w * D)],
            left_v.at[pl.ds(0, blocks_per_w * D)])
        pltpu.sync_copy(
            cb_hbm.at[pl.ds((2 * j2 + 1) * B * D, B * D)],
            right_v.at[pl.ds(D, B * D)])

        def out_copy(h, p):
            pid = (wid * blocks_per_w + h) * B
            return pltpu.make_async_copy(
                blk[p], tab_hbm.at[pl.ds(pid, B)], sem[p])

        def fill(h, p):
            lv = left_v[pl.ds(h * D, _LANES)]

            def rows(r, carry):
                for u in range(_BU):
                    lo = r * _BU + u
                    rv = right_v[pl.ds(lo * D, _LANES)]
                    blk[p][lo, :] = jnp.where(left_half, lv, rv)
                return carry

            lax.fori_loop(0, B // _BU, rows, 0)

        def loop(h2, carry):
            for p in (0, 1):
                h = h2 * 2 + p
                @pl.when(h2 >= 1)
                def _():
                    out_copy(h - 2, p).wait()
                fill(h, p)
                out_copy(h, p).start()
            return carry

        lax.fori_loop(0, blocks_per_w // 2, loop, 0)
        out_copy(blocks_per_w - 2, 0).wait()
        out_copy(blocks_per_w - 1, 1).wait()

    return build


@functools.cache
def _build_main_kernel(N, K, B, D):
    K2 = K // 2
    D2 = 2 * D
    rows_per_w = N // _NW
    steps = rows_per_w // _T
    idx_per_step = _T * K2
    assert steps % 2 == 0 and steps >= 4

    mesh = plsc.VectorSubcoreMesh(core_axis_name="c", subcore_axis_name="s")

    @functools.partial(
        pl.kernel,
        mesh=mesh,
        out_type=jax.ShapeDtypeStruct((N * K2, D2), jnp.float32),
        compiler_params=pltpu.CompilerParams(use_tc_tiling_on_sc=False),
        scratch_types=[
            pltpu.VMEM((K * _T,), jnp.int32),
            pltpu.VMEM((K * _T,), jnp.int32),
            pltpu.VMEM((idx_per_step,), jnp.int32),
            pltpu.VMEM((idx_per_step,), jnp.int32),
            pltpu.VMEM((idx_per_step, D2), jnp.float32),
            pltpu.VMEM((idx_per_step, D2), jnp.float32),
            pltpu.SemaphoreType.DMA,
            pltpu.SemaphoreType.DMA,
            pltpu.SemaphoreType.DMA,
            pltpu.SemaphoreType.DMA,
            pltpu.SemaphoreType.DMA,
            pltpu.SemaphoreType.DMA,
        ],
    )
    def pq(idx_hbm, pair_hbm, out_hbm,
           idx2_a, idx2_b, idx1_a, idx1_b, rows_a, rows_b,
           semi_a, semi_b, semg_a, semg_b, sems_a, sems_b):
        wid = lax.axis_index("s") * _NC + lax.axis_index("c")
        lane = lax.iota(jnp.int32, _LANES)
        j2 = lane % K2
        j2_base = j2 * (B * B)
        low_half = lane < K2
        perm_e = (lane % K2) * 2
        perm_o = perm_e + 1
        idx2 = (idx2_a, idx2_b)
        idx1 = (idx1_a, idx1_b)
        rows = (rows_a, rows_b)
        semi = (semi_a, semi_b)
        semg = (semg_a, semg_b)
        sems = (sems_a, sems_b)

        def idx_copies(t, p):
            row = wid * rows_per_w + t * _T
            return [pltpu.make_async_copy(
                        idx_hbm.at[pl.ds(j * N + row, _T)],
                        idx2[p].at[pl.ds(j * _T, _T)], semi[p])
                    for j in range(K)]

        def idx_start(t, p):
            for cp in idx_copies(t, p):
                cp.start()

        def idx_wait(t, p):
            for cp in idx_copies(t, p):
                cp.wait()

        def gather_copy(t, p):
            return pltpu.make_async_copy(pair_hbm.at[idx1[p]], rows[p], semg[p])

        def store_copy(t, p):
            base = (wid * rows_per_w + t * _T) * K2
            return pltpu.make_async_copy(
                rows[p], out_hbm.at[pl.ds(base, idx_per_step)], sems[p])

        def permute(vec, perm):
            dnums = lax.GatherDimensionNumbers(
                offset_dims=(), collapsed_slice_dims=(0,), start_index_map=(0,))
            return lax.gather(vec, perm[:, None], dnums, slice_sizes=(1,),
                              mode=lax.GatherScatterMode.PROMISE_IN_BOUNDS)

        xor_perms = {s: lane ^ s for s in (1, 2, 4, 8)}

        def make_pair_idx(p):
            def body(c, carry):
                m = [idx2[p][pl.ds(j * _T + c * _LANES, _LANES)]
                     for j in range(K)]
                for s in (1, 2, 4, 8):
                    bit = (lane & s) == 0
                    nm = list(m)
                    for i in range(K):
                        if i & s:
                            continue
                        a, b = m[i], m[i | s]
                        nm[i] = jnp.where(bit, a, permute(b, xor_perms[s]))
                        nm[i | s] = jnp.where(bit, permute(a, xor_perms[s]), b)
                    m = nm
                for u in range(_LANES // 2):
                    hi = jnp.where(low_half, permute(m[2 * u], perm_e),
                                   permute(m[2 * u + 1], perm_e))
                    lo = jnp.where(low_half, permute(m[2 * u], perm_o),
                                   permute(m[2 * u + 1], perm_o))
                    q = (c * _LANES + 2 * u) * K2
                    idx1[p][pl.ds(q, _LANES)] = hi * B + lo + j2_base
                return carry
            lax.fori_loop(0, _T // _LANES, body, 0)

        idx_start(0, 0)
        idx_start(1, 1)
        idx_wait(0, 0)
        make_pair_idx(0)

        def loop(t2, carry):
            for p in (0, 1):
                t = t2 * 2 + p
                @pl.when(t2 >= 1)
                def _():
                    store_copy(t - 2, p).wait()
                gather_copy(t, p).start()
                @pl.when(t + 2 < steps)
                def _():
                    idx_start(t + 2, p)
                @pl.when(t + 1 < steps)
                def _():
                    idx_wait(t + 1, 1 - p)
                    make_pair_idx(1 - p)
                gather_copy(t, p).wait()
                store_copy(t, p).start()
            return carry

        lax.fori_loop(0, steps // 2, loop, 0)
        store_copy(steps - 2, 0).wait()
        store_copy(steps - 1, 1).wait()

    return pq


def kernel(indices, codebook):
    N, K = indices.shape
    _, B, D = codebook.shape
    pair = _build_table_kernel(K, B, D)(codebook.reshape(-1))
    out = _build_main_kernel(N, K, B, D)(indices.T.reshape(-1), pair)
    return out.reshape(N, K * D)

# --- scband reference (transcript-rebuilt; emitter-appended) ---
"""Pipeline reference for scband-product-quantization-41764261987121 (READ-ONLY COPY).

The authoritative reference and input builder live on the scoring server;
editing this copy changes nothing except your own understanding.
"""

import jax, jax.numpy as jnp
import numpy as np

N_VECTORS = 262144
K_SUB = 16
B_CENTROIDS = 256
SUB_DIM = 8

def setup_inputs(seed: int = 0) -> dict:
    key = jax.random.key(seed)
    k1, k2 = jax.random.split(key)
    indices = jax.random.randint(k1, (N_VECTORS, K_SUB), 0, B_CENTROIDS, dtype=jnp.int32)
    # learned/fitted codebooks of the k sub-quantizers, stacked: [k, b, sub_dim]
    codebook = jax.random.normal(k2, (K_SUB, B_CENTROIDS, SUB_DIM), dtype=jnp.float32)
    return {"indices": indices, "codebook": codebook}

def reference(indices, codebook):
    # ProductQuantization.reconstruct:
    #   codebook[torch.arange(k), indices].view(num_vectors, -1)
    num_vectors, k = indices.shape
    # advanced indexing: for each vector n and subquantizer j, gather codebook[j, indices[n, j]]
    recon = codebook[jnp.arange(k)[None, :], indices]  # [N, k, sub_dim]
    return recon.reshape(num_vectors, -1)  # [N, k*sub_dim]

if __name__ == "__main__":
    import jax
    _d = setup_inputs()
    print(jax.jit(kernel)(*tuple(_d.values())))

</pallas_src>

<mosaic_0001>
#map = affine_map<(d0, d1) -> (0)>
#map1 = affine_map<(d0, d1) -> (0, 0)>
module attributes {stable_mosaic.version = 14 : i64} {
  func.func @pq(%arg0: i32, %arg1: i32, %arg2: memref<4194304xi32, #tpu.memory_space<hbm>>, %arg3: memref<524288x16xf32, #tpu.memory_space<hbm>>, %arg4: memref<2097152x16xf32, #tpu.memory_space<hbm>>, %arg5: memref<4096xi32, #tpu.memory_space<vmem>>, %arg6: memref<4096xi32, #tpu.memory_space<vmem>>, %arg7: memref<2048xi32, #tpu.memory_space<vmem>>, %arg8: memref<2048xi32, #tpu.memory_space<vmem>>, %arg9: memref<2048x16xf32, #tpu.memory_space<vmem>>, %arg10: memref<2048x16xf32, #tpu.memory_space<vmem>>, %arg11: memref<!tpu.dma_semaphore, #tpu.memory_space<semaphore_mem>>, %arg12: memref<!tpu.dma_semaphore, #tpu.memory_space<semaphore_mem>>, %arg13: memref<!tpu.dma_semaphore, #tpu.memory_space<semaphore_mem>>, %arg14: memref<!tpu.dma_semaphore, #tpu.memory_space<semaphore_mem>>, %arg15: memref<!tpu.dma_semaphore, #tpu.memory_space<semaphore_mem>>, %arg16: memref<!tpu.dma_semaphore, #tpu.memory_space<semaphore_mem>>) attributes {dimension_semantics = [#tpu.dimension_semantics<core_parallel>, #tpu.dimension_semantics<subcore_parallel>], iteration_bounds = array<i64: 2, 16>, scalar_prefetch = 0 : i64, scratch_operands = 12 : i64, tpu.core_type = #tpu.core_type<sc_vector_subcore>, window_params = [{transform_indices = #map}, {transform_indices = #map1}, {transform_indices = #map1}]} {
    %mul3A = arith.constant 2 : i32
    %mul3A_0 = arith.muli %arg1, %mul3A : i32
    %add3A = arith.addi %mul3A_0, %arg0 : i32
    %iota3A = tpu.iota {dimensions = array<i32: 0>} : vector<16xi32>
    %jit3A = arith.constant 8 : i32
    %eq3A = arith.constant 0 : i32
    %eq3A_1 = arith.cmpi eq, %jit3A, %eq3A : i32
    %jit3A_2 = arith.constant 1 : i32
    %select_n3A = arith.select %eq3A_1, %jit3A_2, %jit3A : i32
    %rem3A = vector.broadcast %select_n3A : i32 to vector<16xi32>
    %rem3A_3 = arith.remsi %iota3A, %rem3A : vector<16xi32>
    %ne3A = arith.constant 0 : i32
    %ne3A_4 = vector.broadcast %ne3A : i32 to vector<16xi32>
    %ne3A_5 = arith.cmpi ne, %rem3A_3, %ne3A_4 : vector<16xi32>
    %lt3A = arith.constant 0 : i32
    %lt3A_6 = vector.broadcast %lt3A : i32 to vector<16xi32>
    %lt3A_7 = arith.cmpi slt, %rem3A_3, %lt3A_6 : vector<16xi32>
    %lt3A_8 = arith.constant 0 : i32
    %lt3A_9 = arith.cmpi slt, %select_n3A, %lt3A_8 : i32
    %ne3A_10 = vector.broadcast %lt3A_9 : i1 to vector<16xi1>
    %ne3A_11 = vector.broadcast %ne3A_10 : vector<16xi1> to vector<16xi1>
    %ne3A_12 = arith.xori %lt3A_7, %ne3A_11 : vector<16xi1>
    %and3A = arith.andi %ne3A_12, %ne3A_5 : vector<16xi1>
    %add3A_13 = vector.broadcast %select_n3A : i32 to vector<16xi32>
    %add3A_14 = arith.addi %rem3A_3, %add3A_13 : vector<16xi32>
    %select_n3A_15 = arith.select %and3A, %add3A_14, %rem3A_3 : vector<16xi1>, vector<16xi32>
    %mul3A_16 = arith.constant 65536 : i32
    %mul3A_17 = vector.broadcast %mul3A_16 : i32 to vector<16xi32>
    %mul3A_18 = arith.muli %select_n3A_15, %mul3A_17 : vector<16xi32>
    %lt3A_19 = arith.constant 8 : i32
    %lt3A_20 = vector.broadcast %lt3A_19 : i32 to vector<16xi32>
    %lt3A_21 = arith.cmpi slt, %iota3A, %lt3A_20 : vector<16xi32>
    %jit3A_22 = arith.constant 8 : i32
    %eq3A_23 = arith.constant 0 : i32
    %eq3A_24 = arith.cmpi eq, %jit3A_22, %eq3A_23 : i32
    %jit3A_25 = arith.constant 1 : i32
    %select_n3A_26 = arith.select %eq3A_24, %jit3A_25, %jit3A_22 : i32
    %rem3A_27 = vector.broadcast %select_n3A_26 : i32 to vector<16xi32>
    %rem3A_28 = arith.remsi %iota3A, %rem3A_27 : vector<16xi32>
    %ne3A_29 = arith.constant 0 : i32
    %ne3A_30 = vector.broadcast %ne3A_29 : i32 to vector<16xi32>
    %ne3A_31 = arith.cmpi ne, %rem3A_28, %ne3A_30 : vector<16xi32>
    %lt3A_32 = arith.constant 0 : i32
    %lt3A_33 = vector.broadcast %lt3A_32 : i32 to vector<16xi32>
    %lt3A_34 = arith.cmpi slt, %rem3A_28, %lt3A_33 : vector<16xi32>
    %lt3A_35 = arith.constant 0 : i32
    %lt3A_36 = arith.cmpi slt, %select_n3A_26, %lt3A_35 : i32
    %ne3A_37 = vector.broadcast %lt3A_36 : i1 to vector<16xi1>
    %ne3A_38 = vector.broadcast %ne3A_37 : vector<16xi1> to vector<16xi1>
    %ne3A_39 = arith.xori %lt3A_34, %ne3A_38 : vector<16xi1>
    %and3A_40 = arith.andi %ne3A_39, %ne3A_31 : vector<16xi1>
    %add3A_41 = vector.broadcast %select_n3A_26 : i32 to vector<16xi32>
    %add3A_42 = arith.addi %rem3A_28, %add3A_41 : vector<16xi32>
    %select_n3A_43 = arith.select %and3A_40, %add3A_42, %rem3A_28 : vector<16xi1>, vector<16xi32>
    %mul3A_44 = arith.constant 2 : i32
    %mul3A_45 = vector.broadcast %mul3A_44 : i32 to vector<16xi32>
    %mul3A_46 = arith.muli %select_n3A_43, %mul3A_45 : vector<16xi32>
    %add3A_47 = arith.constant 1 : i32
    %add3A_48 = vector.broadcast %add3A_47 : i32 to vector<16xi32>
    %add3A_49 = arith.addi %mul3A_46, %add3A_48 : vector<16xi32>
    %xor3A = arith.constant 1 : i32
    %xor3A_50 = vector.broadcast %xor3A : i32 to vector<16xi32>
    %xor3A_51 = arith.xori %iota3A, %xor3A_50 : vector<16xi32>
    %xor3A_52 = arith.constant 2 : i32
    %xor3A_53 = vector.broadcast %xor3A_52 : i32 to vector<16xi32>
    %xor3A_54 = arith.xori %iota3A, %xor3A_53 : vector<16xi32>
    %xor3A_55 = arith.constant 4 : i32
    %xor3A_56 = vector.broadcast %xor3A_55 : i32 to vector<16xi32>
    %xor3A_57 = arith.xori %iota3A, %xor3A_56 : vector<16xi32>
    %xor3A_58 = arith.constant 8 : i32
    %xor3A_59 = vector.broadcast %xor3A_58 : i32 to vector<16xi32>
    %xor3A_60 = arith.xori %iota3A, %xor3A_59 : vector<16xi32>
    %mul3A_61 = arith.constant 8192 : i32
    %mul3A_62 = arith.muli %add3A, %mul3A_61 : i32
    %add3A_63 = arith.constant 0 : i32
    %add3A_64 = arith.addi %mul3A_62, %add3A_63 : i32
    %add3A_65 = arith.constant 0 : i32
    %add3A_66 = arith.addi %add3A_65, %add3A_64 : i32
    %add3A_67 = arith.constant 262144 : i32
    %add3A_68 = arith.addi %add3A_67, %add3A_64 : i32
    %add3A_69 = arith.constant 524288 : i32
    %add3A_70 = arith.addi %add3A_69, %add3A_64 : i32
    %add3A_71 = arith.constant 786432 : i32
    %add3A_72 = arith.addi %add3A_71, %add3A_64 : i32
    %add3A_73 = arith.constant 1048576 : i32
    %add3A_74 = arith.addi %add3A_73, %add3A_64 : i32
    %add3A_75 = arith.constant 1310720 : i32
    %add3A_76 = arith.addi %add3A_75, %add3A_64 : i32
    %add3A_77 = arith.constant 1572864 : i32
    %add3A_78 = arith.addi %add3A_77, %add3A_64 : i32
    %add3A_79 = arith.constant 1835008 : i32
    %add3A_80 = arith.addi %add3A_79, %add3A_64 : i32
    %add3A_81 = arith.constant 2097152 : i32
    %add3A_82 = arith.addi %add3A_81, %add3A_64 : i32
    %add3A_83 = arith.constant 2359296 : i32
    %add3A_84 = arith.addi %add3A_83, %add3A_64 : i32
    %add3A_85 = arith.constant 2621440 : i32
    %add3A_86 = arith.addi %add3A_85, %add3A_64 : i32
    %add3A_87 = arith.constant 2883584 : i32
    %add3A_88 = arith.addi %add3A_87, %add3A_64 : i32
    %add3A_89 = arith.constant 3145728 : i32
    %add3A_90 = arith.addi %add3A_89, %add3A_64 : i32
    %add3A_91 = arith.constant 3407872 : i32
    %add3A_92 = arith.addi %add3A_91, %add3A_64 : i32
    %add3A_93 = arith.constant 3670016 : i32
    %add3A_94 = arith.addi %add3A_93, %add3A_64 : i32
    %add3A_95 = arith.constant 3932160 : i32
    %add3A_96 = arith.addi %add3A_95, %add3A_64 : i32
    %dma_start3A = arith.constant 0 : i32
    %dma_start3A_97 = tpu.memref_slice %arg5[%dma_start3A] : memref<4096xi32, #tpu.memory_space<vmem>> -> memref<256xi32, #tpu.memory_space<vmem>>
    %dma_start3A_98 = tpu.memref_slice %arg2[%add3A_66] : memref<4194304xi32, #tpu.memory_space<hbm>> -> memref<256xi32, #tpu.memory_space<hbm>>
    %dma_start3A_99 = arith.constant 0 : i32
    %dma_start3A_100 = tpu.memref_slice %arg5[%dma_start3A_99] : memref<4096xi32, #tpu.memory_space<vmem>> -> memref<256xi32, #tpu.memory_space<vmem>>
    %dma_start3A_101 = tpu.memref_slice %arg2[%add3A_66] : memref<4194304xi32, #tpu.memory_space<hbm>> -> memref<256xi32, #tpu.memory_space<hbm>>
    tpu.enqueue_dma source(%dma_start3A_101 : memref<256xi32, #tpu.memory_space<hbm>>) target(%dma_start3A_100 : memref<256xi32, #tpu.memory_space<vmem>>) target_semaphore(%arg11 : memref<!tpu.dma_semaphore, #tpu.memory_space<semaphore_mem>>)
    %dma_start3A_102 = arith.constant 256 : i32
    %dma_start3A_103 = tpu.memref_slice %arg5[%dma_start3A_102] : memref<4096xi32, #tpu.memory_space<vmem>> -> memref<256xi32, #tpu.memory_space<vmem>>
    %dma_start3A_104 = tpu.memref_slice %arg2[%add3A_68] : memref<4194304xi32, #tpu.memory_space<hbm>> -> memref<256xi32, #tpu.memory_space<hbm>>
    %dma_start3A_105 = arith.constant 256 : i32
    %dma_start3A_106 = tpu.memref_slice %arg5[%dma_start3A_105] : memref<4096xi32, #tpu.memory_space<vmem>> -> memref<256xi32, #tpu.memory_space<vmem>>
    %dma_start3A_107 = tpu.memref_slice %arg2[%add3A_68] : memref<4194304xi32, #tpu.memory_space<hbm>> -> memref<256xi32, #tpu.memory_space<hbm>>
    tpu.enqueue_dma source(%dma_start3A_107 : memref<256xi32, #tpu.memory_space<hbm>>) target(%dma_start3A_106 : memref<256xi32, #tpu.memory_space<vmem>>) target_semaphore(%arg11 : memref<!tpu.dma_semaphore, #tpu.memory_space<semaphore_mem>>)
    %dma_start3A_108 = arith.constant 512 : i32
    %dma_start3A_109 = tpu.memref_slice %arg5[%dma_start3A_108] : memref<4096xi32, #tpu.memory_space<vmem>> -> memref<256xi32, #tpu.memory_space<vmem>>
    %dma_start3A_110 = tpu.memref_slice %arg2[%add3A_70] : memref<4194304xi32, #tpu.memory_space<hbm>> -> memref<256xi32, #tpu.memory_space<hbm>>
    %dma_start3A_111 = arith.constant 512 : i32
    %dma_start3A_112 = tpu.memref_slice %arg5[%dma_start3A_111] : memref<4096xi32, #tpu.memory_space<vmem>> -> memref<256xi32, #tpu.memory_space<vmem>>
    %dma_start3A_113 = tpu.memref_slice %arg2[%add3A_70] : memref<4194304xi32, #tpu.memory_space<hbm>> -> memref<256xi32, #tpu.memory_space<hbm>>
    tpu.enqueue_dma source(%dma_start3A_113 : memref<256xi32, #tpu.memory_space<hbm>>) target(%dma_start3A_112 : memref<256xi32, #tpu.memory_space<vmem>>) target_semaphore(%arg11 : memref<!tpu.dma_semaphore, #tpu.memory_space<semaphore_mem>>)
    %dma_start3A_114 = arith.constant 768 : i32
    %dma_start3A_115 = tpu.memref_slice %arg5[%dma_start3A_114] : memref<4096xi32, #tpu.memory_space<vmem>> -> memref<256xi32, #tpu.memory_space<vmem>>
    %dma_start3A_116 = tpu.memref_slice %arg2[%add3A_72] : memref<4194304xi32, #tpu.memory_space<hbm>> -> memref<256xi32, #tpu.memory_space<hbm>>
    %dma_start3A_117 = arith.constant 768 : i32
    %dma_start3A_118 = tpu.memref_slice %arg5[%dma_start3A_117] : memref<4096xi32, #tpu.memory_space<vmem>> -> memref<256xi32, #tpu.memory_space<vmem>>
    %dma_start3A_119 = tpu.memref_slice %arg2[%add3A_72] : memref<4194304xi32, #tpu.memory_space<hbm>> -> memref<256xi32, #tpu.memory_space<hbm>>
    tpu.enqueue_dma source(%dma_start3A_119 : memref<256xi32, #tpu.memory_space<hbm>>) target(%dma_start3A_118 : memref<256xi32, #tpu.memory_space<vmem>>) target_semaphore(%arg11 : memref<!tpu.dma_semaphore, #tpu.memory_space<semaphore_mem>>)
    %dma_start3A_120 = arith.constant 1024 : i32
    %dma_start3A_121 = tpu.memref_slice %arg5[%dma_start3A_120] : memref<4096xi32, #tpu.memory_space<vmem>> -> memref<256xi32, #tpu.memory_space<vmem>>
    %dma_start3A_122 = tpu.memref_slice %arg2[%add3A_74] : memref<4194304xi32, #tpu.memory_space<hbm>> -> memref<256xi32, #tpu.memory_space<hbm>>
    %dma_start3A_123 = arith.constant 1024 : i32
    %dma_start3A_124 = tpu.memref_slice %arg5[%dma_start3A_123] : memref<4096xi32, #tpu.memory_space<vmem>> -> memref<256xi32, #tpu.memory_space<vmem>>
    %dma_start3A_125 = tpu.memref_slice %arg2[%add3A_74] : memref<4194304xi32, #tpu.memory_space<hbm>> -> memref<256xi32, #tpu.memory_space<hbm>>
    tpu.enqueue_dma source(%dma_start3A_125 : memref<256xi32, #tpu.memory_space<hbm>>) target(%dma_start3A_124 : memref<256xi32, #tpu.memory_space<vmem>>) target_semaphore(%arg11 : memref<!tpu.dma_semaphore, #tpu.memory_space<semaphore_mem>>)
    %dma_start3A_126 = arith.constant 1280 : i32
    %dma_start3A_127 = tpu.memref_slice %arg5[%dma_start3A_126] : memref<4096xi32, #tpu.memory_space<vmem>> -> memref<256xi32, #tpu.memory_space<vmem>>
    %dma_start3A_128 = tpu.memref_slice %arg2[%add3A_76] : memref<4194304xi32, #tpu.memory_space<hbm>> -> memref<256xi32, #tpu.memory_space<hbm>>
    %dma_start3A_129 = arith.constant 1280 : i32
    %dma_start3A_130 = tpu.memref_slice %arg5[%dma_start3A_129] : memref<4096xi32, #tpu.memory_space<vmem>> -> memref<256xi32, #tpu.memory_space<vmem>>
    %dma_start3A_131 = tpu.memref_slice %arg2[%add3A_76] : memref<4194304xi32, #tpu.memory_space<hbm>> -> memref<256xi32, #tpu.memory_space<hbm>>
    tpu.enqueue_dma source(%dma_start3A_131 : memref<256xi32, #tpu.memory_space<hbm>>) target(%dma_start3A_130 : memref<256xi32, #tpu.memory_space<vmem>>) target_semaphore(%arg11 : memref<!tpu.dma_semaphore, #tpu.memory_space<semaphore_mem>>)
    %dma_start3A_132 = arith.constant 1536 : i32
    %dma_start3A_133 = tpu.memref_slice %arg5[%dma_start3A_132] : memref<4096xi32, #tpu.memory_space<vmem>> -> memref<256xi32, #tpu.memory_space<vmem>>
    %dma_start3A_134 = tpu.memref_slice %arg2[%add3A_78] : memref<4194304xi32, #tpu.memory_space<hbm>> -> memref<256xi32, #tpu.memory_space<hbm>>
    %dma_start3A_135 = arith.constant 1536 : i32
    %dma_start3A_136 = tpu.memref_slice %arg5[%dma_start3A_135] : memref<4096xi32, #tpu.memory_space<vmem>> -> memref<256xi32, #tpu.memory_space<vmem>>
    %dma_start3A_137 = tpu.memref_slice %arg2[%add3A_78] : memref<4194304xi32, #tpu.memory_space<hbm>> -> memref<256xi32, #tpu.memory_space<hbm>>
    tpu.enqueue_dma source(%dma_start3A_137 : memref<256xi32, #tpu.memory_space<hbm>>) target(%dma_start3A_136 : memref<256xi32, #tpu.memory_space<vmem>>) target_semaphore(%arg11 : memref<!tpu.dma_semaphore, #tpu.memory_space<semaphore_mem>>)
    %dma_start3A_138 = arith.constant 1792 : i32
    %dma_start3A_139 = tpu.memref_slice %arg5[%dma_start3A_138] : memref<4096xi32, #tpu.memory_space<vmem>> -> memref<256xi32, #tpu.memory_space<vmem>>
    %dma_start3A_140 = tpu.memref_slice %arg2[%add3A_80] : memref<4194304xi32, #tpu.memory_space<hbm>> -> memref<256xi32, #tpu.memory_space<hbm>>
    %dma_start3A_141 = arith.constant 1792 : i32
    %dma_start3A_142 = tpu.memref_slice %arg5[%dma_start3A_141] : memref<4096xi32, #tpu.memory_space<vmem>> -> memref<256xi32, #tpu.memory_space<vmem>>
    %dma_start3A_143 = tpu.memref_slice %arg2[%add3A_80] : memref<4194304xi32, #tpu.memory_space<hbm>> -> memref<256xi32, #tpu.memory_space<hbm>>
    tpu.enqueue_dma source(%dma_start3A_143 : memref<256xi32, #tpu.memory_space<hbm>>) target(%dma_start3A_142 : memref<256xi32, #tpu.memory_space<vmem>>) target_semaphore(%arg11 : memref<!tpu.dma_semaphore, #tpu.memory_space<semaphore_mem>>)
    %dma_start3A_144 = arith.constant 2048 : i32
    %dma_start3A_145 = tpu.memref_slice %arg5[%dma_start3A_144] : memref<4096xi32, #tpu.memory_space<vmem>> -> memref<256xi32, #tpu.memory_space<vmem>>
    %dma_start3A_146 = tpu.memref_slice %arg2[%add3A_82] : memref<4194304xi32, #tpu.memory_space<hbm>> -> memref<256xi32, #tpu.memory_space<hbm>>
    %dma_start3A_147 = arith.constant 2048 : i32
    %dma_start3A_148 = tpu.memref_slice %arg5[%dma_start3A_147] : memref<4096xi32, #tpu.memory_space<vmem>> -> memref<256xi32, #tpu.memory_space<vmem>>
    %dma_start3A_149 = tpu.memref_slice %arg2[%add3A_82] : memref<4194304xi32, #tpu.memory_space<hbm>> -> memref<256xi32, #tpu.memory_space<hbm>>
    tpu.enqueue_dma source(%dma_start3A_149 : memref<256xi32, #tpu.memory_space<hbm>>) target(%dma_start3A_148 : memref<256xi32, #tpu.memory_space<vmem>>) target_semaphore(%arg11 : memref<!tpu.dma_semaphore, #tpu.memory_space<semaphore_mem>>)
    %dma_start3A_150 = arith.constant 2304 : i32
    %dma_start3A_151 = tpu.memref_slice %arg5[%dma_start3A_150] : memref<4096xi32, #tpu.memory_space<vmem>> -> memref<256xi32, #tpu.memory_space<vmem>>
    %dma_start3A_152 = tpu.memref_slice %arg2[%add3A_84] : memref<4194304xi32, #tpu.memory_space<hbm>> -> memref<256xi32, #tpu.memory_space<hbm>>
    %dma_start3A_153 = arith.constant 2304 : i32
    %dma_start3A_154 = tpu.memref_slice %arg5[%dma_start3A_153] : memref<4096xi32, #tpu.memory_space<vmem>> -> memref<256xi32, #tpu.memory_space<vmem>>
    %dma_start3A_155 = tpu.memref_slice %arg2[%add3A_84] : memref<4194304xi32, #tpu.memory_space<hbm>> -> memref<256xi32, #tpu.memory_space<hbm>>
    tpu.enqueue_dma source(%dma_start3A_155 : memref<256xi32, #tpu.memory_space<hbm>>) target(%dma_start3A_154 : memref<256xi32, #tpu.memory_space<vmem>>) target_semaphore(%arg11 : memref<!tpu.dma_semaphore, #tpu.memory_space<semaphore_mem>>)
    %dma_start3A_156 = arith.constant 2560 : i32
    %dma_start3A_157 = tpu.memref_slice %arg5[%dma_start3A_156] : memref<4096xi32, #tpu.memory_space<vmem>> -> memref<256xi32, #tpu.memory_space<vmem>>
    %dma_start3A_158 = tpu.memref_slice %arg2[%add3A_86] : memref<4194304xi32, #tpu.memory_space<hbm>> -> memref<256xi32, #tpu.memory_space<hbm>>
    %dma_start3A_159 = arith.constant 2560 : i32
    %dma_start3A_160 = tpu.memref_slice %arg5[%dma_start3A_159] : memref<4096xi32, #tpu.memory_space<vmem>> -> memref<256xi32, #tpu.memory_space<vmem>>
    %dma_start3A_161 = tpu.memref_slice %arg2[%add3A_86] : memref<4194304xi32, #tpu.memory_space<hbm>> -> memref<256xi32, #tpu.memory_space<hbm>>
    tpu.enqueue_dma source(%dma_start3A_161 : memref<256xi32, #tpu.memory_space<hbm>>) target(%dma_start3A_160 : memref<256xi32, #tpu.memory_space<vmem>>) target_semaphore(%arg11 : memref<!tpu.dma_semaphore, #tpu.memory_space<semaphore_mem>>)
    %dma_start3A_162 = arith.constant 2816 : i32
    %dma_start3A_163 = tpu.memref_slice %arg5[%dma_start3A_162] : memref<4096xi32, #tpu.memory_space<vmem>> -> memref<256xi32, #tpu.memory_space<vmem>>
    %dma_start3A_164 = tpu.memref_slice %arg2[%add3A_88] : memref<4194304xi32, #tpu.memory_space<hbm>> -> memref<256xi32, #tpu.memory_space<hbm>>
    %dma_start3A_165 = arith.constant 2816 : i32
    %dma_start3A_166 = tpu.memref_slice %arg5[%dma_start3A_165] : memref<4096xi32, #tpu.memory_space<vmem>> -> memref<256xi32, #tpu.memory_space<vmem>>
    %dma_start3A_167 = tpu.memref_slice %arg2[%add3A_88] : memref<4194304xi32, #tpu.memory_space<hbm>> -> memref<256xi32, #tpu.memory_space<hbm>>
    tpu.enqueue_dma source(%dma_start3A_167 : memref<256xi32, #tpu.memory_space<hbm>>) target(%dma_start3A_166 : memref<256xi32, #tpu.memory_space<vmem>>) target_semaphore(%arg11 : memref<!tpu.dma_semaphore, #tpu.memory_space<semaphore_mem>>)
    %dma_start3A_168 = arith.constant 3072 : i32
    %dma_start3A_169 = tpu.memref_slice %arg5[%dma_start3A_168] : memref<4096xi32, #tpu.memory_space<vmem>> -> memref<256xi32, #tpu.memory_space<vmem>>
    %dma_start3A_170 = tpu.memref_slice %arg2[%add3A_90] : memref<4194304xi32, #tpu.memory_space<hbm>> -> memref<256xi32, #tpu.memory_space<hbm>>
    %dma_start3A_171 = arith.constant 3072 : i32
    %dma_start3A_172 = tpu.memref_slice %arg5[%dma_start3A_171] : memref<4096xi32, #tpu.memory_space<vmem>> -> memref<256xi32, #tpu.memory_space<vmem>>
    %dma_start3A_173 = tpu.memref_slice %arg2[%add3A_90] : memref<4194304xi32, #tpu.memory_space<hbm>> -> memref<256xi32, #tpu.memory_space<hbm>>
    tpu.enqueue_dma source(%dma_start3A_173 : memref<256xi32, #tpu.memory_space<hbm>>) target(%dma_start3A_172 : memref<256xi32, #tpu.memory_space<vmem>>) target_semaphore(%arg11 : memref<!tpu.dma_semaphore, #tpu.memory_space<semaphore_mem>>)
    %dma_start3A_174 = arith.constant 3328 : i32
    %dma_start3A_175 = tpu.memref_slice %arg5[%dma_start3A_174] : memref<4096xi32, #tpu.memory_space<vmem>> -> memref<256xi32, #tpu.memory_space<vmem>>
    %dma_start3A_176 = tpu.memref_slice %arg2[%add3A_92] : memref<4194304xi32, #tpu.memory_space<hbm>> -> memref<256xi32, #tpu.memory_space<hbm>>
    %dma_start3A_177 = arith.constant 3328 : i32
    %dma_start3A_178 = tpu.memref_slice %arg5[%dma_start3A_177] : memref<4096xi32, #tpu.memory_space<vmem>> -> memref<256xi32, #tpu.memory_space<vmem>>
    %dma_start3A_179 = tpu.memref_slice %arg2[%add3A_92] : memref<4194304xi32, #tpu.memory_space<hbm>> -> memref<256xi32, #tpu.memory_space<hbm>>
    tpu.enqueue_dma source(%dma_start3A_179 : memref<256xi32, #tpu.memory_space<hbm>>) target(%dma_start3A_178 : memref<256xi32, #tpu.memory_space<vmem>>) target_semaphore(%arg11 : memref<!tpu.dma_semaphore, #tpu.memory_space<semaphore_mem>>)
    %dma_start3A_180 = arith.constant 3584 : i32
    %dma_start3A_181 = tpu.memref_slice %arg5[%dma_start3A_180] : memref<4096xi32, #tpu.memory_space<vmem>> -> memref<256xi32, #tpu.memory_space<vmem>>
    %dma_start3A_182 = tpu.memref_slice %arg2[%add3A_94] : memref<4194304xi32, #tpu.memory_space<hbm>> -> memref<256xi32, #tpu.memory_space<hbm>>
    %dma_start3A_183 = arith.constant 3584 : i32
    %dma_start3A_184 = tpu.memref_slice %arg5[%dma_start3A_183] : memref<4096xi32, #tpu.memory_space<vmem>> -> memref<256xi32, #tpu.memory_space<vmem>>
    %dma_start3A_185 = tpu.memref_slice %arg2[%add3A_94] : memref<4194304xi32, #tpu.memory_space<hbm>> -> memref<256xi32, #tpu.memory_space<hbm>>
    tpu.enqueue_dma source(%dma_start3A_185 : memref<256xi32, #tpu.memory_space<hbm>>) target(%dma_start3A_184 : memref<256xi32, #tpu.memory_space<vmem>>) target_semaphore(%arg11 : memref<!tpu.dma_semaphore, #tpu.memory_space<semaphore_mem>>)
    %dma_start3A_186 = arith.constant 3840 : i32
    %dma_start3A_187 = tpu.memref_slice %arg5[%dma_start3A_186] : memref<4096xi32, #tpu.memory_space<vmem>> -> memref<256xi32, #tpu.memory_space<vmem>>
    %dma_start3A_188 = tpu.memref_slice %arg2[%add3A_96] : memref<4194304xi32, #tpu.memory_space<hbm>> -> memref<256xi32, #tpu.memory_space<hbm>>
    %dma_start3A_189 = arith.constant 3840 : i32
    %dma_start3A_190 = tpu.memref_slice %arg5[%dma_start3A_189] : memref<4096xi32, #tpu.memory_space<vmem>> -> memref<256xi32, #tpu.memory_space<vmem>>
    %dma_start3A_191 = tpu.memref_slice %arg2[%add3A_96] : memref<4194304xi32, #tpu.memory_space<hbm>> -> memref<256xi32, #tpu.memory_space<hbm>>
    tpu.enqueue_dma source(%dma_start3A_191 : memref<256xi32, #tpu.memory_space<hbm>>) target(%dma_start3A_190 : memref<256xi32, #tpu.memory_space<vmem>>) target_semaphore(%arg11 : memref<!tpu.dma_semaphore, #tpu.memory_space<semaphore_mem>>)
    %mul3A_192 = arith.constant 8192 : i32
    %mul3A_193 = arith.muli %add3A, %mul3A_192 : i32
    %add3A_194 = arith.constant 256 : i32
    %add3A_195 = arith.addi %mul3A_193, %add3A_194 : i32
    %add3A_196 = arith.constant 0 : i32
    %add3A_197 = arith.addi %add3A_196, %add3A_195 : i32
    %add3A_198 = arith.constant 262144 : i32
    %add3A_199 = arith.addi %add3A_198, %add3A_195 : i32
    %add3A_200 = arith.constant 524288 : i32
    %add3A_201 = arith.addi %add3A_200, %add3A_195 : i32
    %add3A_202 = arith.constant 786432 : i32
    %add3A_203 = arith.addi %add3A_202, %add3A_195 : i32
    %add3A_204 = arith.constant 1048576 : i32
    %add3A_205 = arith.addi %add3A_204, %add3A_195 : i32
    %add3A_206 = arith.constant 1310720 : i32
    %add3A_207 = arith.addi %add3A_206, %add3A_195 : i32
    %add3A_208 = arith.constant 1572864 : i32
    %add3A_209 = arith.addi %add3A_208, %add3A_195 : i32
    %add3A_210 = arith.constant 1835008 : i32
    %add3A_211 = arith.addi %add3A_210, %add3A_195 : i32
    %add3A_212 = arith.constant 2097152 : i32
    %add3A_213 = arith.addi %add3A_212, %add3A_195 : i32
    %add3A_214 = arith.constant 2359296 : i32
    %add3A_215 = arith.addi %add3A_214, %add3A_195 : i32
    %add3A_216 = arith.constant 2621440 : i32
    %add3A_217 = arith.addi %add3A_216, %add3A_195 : i32
    %add3A_218 = arith.constant 2883584 : i32
    %add3A_219 = arith.addi %add3A_218, %add3A_195 : i32
    %add3A_220 = arith.constant 3145728 : i32
    %add3A_221 = arith.addi %add3A_220, %add3A_195 : i32
    %add3A_222 = arith.constant 3407872 : i32
    %add3A_223 = arith.addi %add3A_222, %add3A_195 : i32
    %add3A_224 = arith.constant 3670016 : i32
    %add3A_225 = arith.addi %add3A_224, %add3A_195 : i32
    %add3A_226 = arith.constant 3932160 : i32
    %add3A_227 = arith.addi %add3A_226, %add3A_195 : i32
    %dma_start3A_228 = arith.constant 0 : i32
    %dma_start3A_229 = tpu.memref_slice %arg6[%dma_start3A_228] : memref<4096xi32, #tpu.memory_space<vmem>> -> memref<256xi32, #tpu.memory_space<vmem>>
    %dma_start3A_230 = tpu.memref_slice %arg2[%add3A_197] : memref<4194304xi32, #tpu.memory_space<hbm>> -> memref<256xi32, #tpu.memory_space<hbm>>
    %dma_start3A_231 = arith.constant 0 : i32
    %dma_start3A_232 = tpu.memref_slice %arg6[%dma_start3A_231] : memref<4096xi32, #tpu.memory_space<vmem>> -> memref<256xi32, #tpu.memory_space<vmem>>
    %dma_start3A_233 = tpu.memref_slice %arg2[%add3A_197] : memref<4194304xi32, #tpu.memory_space<hbm>> -> memref<256xi32, #tpu.memory_space<hbm>>
    tpu.enqueue_dma source(%dma_start3A_233 : memref<256xi32, #tpu.memory_space<hbm>>) target(%dma_start3A_232 : memref<256xi32, #tpu.memory_space<vmem>>) target_semaphore(%arg12 : memref<!tpu.dma_semaphore, #tpu.memory_space<semaphore_mem>>)
    %dma_start3A_234 = arith.constant 256 : i32
    %dma_start3A_235 = tpu.memref_slice %arg6[%dma_start3A_234] : memref<4096xi32, #tpu.memory_space<vmem>> -> memref<256xi32, #tpu.memory_space<vmem>>
    %dma_start3A_236 = tpu.memref_slice %arg2[%add3A_199] : memref<4194304xi32, #tpu.memory_space<hbm>> -> memref<256xi32, #tpu.memory_space<hbm>>
    %dma_start3A_237 = arith.constant 256 : i32
    %dma_start3A_238 = tpu.memref_slice %arg6[%dma_start3A_237] : memref<4096xi32, #tpu.memory_space<vmem>> -> memref<256xi32, #tpu.memory_space<vmem>>
    %dma_start3A_239 = tpu.memref_slice %arg2[%add3A_199] : memref<4194304xi32, #tpu.memory_space<hbm>> -> memref<256xi32, #tpu.memory_space<hbm>>
    tpu.enqueue_dma source(%dma_start3A_239 : memref<256xi32, #tpu.memory_space<hbm>>) target(%dma_start3A_238 : memref<256xi32, #tpu.memory_space<vmem>>) target_semaphore(%arg12 : memref<!tpu.dma_semaphore, #tpu.memory_space<semaphore_mem>>)
    %dma_start3A_240 = arith.constant 512 : i32
    %dma_start3A_241 = tpu.memref_slice %arg6[%dma_start3A_240] : memref<4096xi32, #tpu.memory_space<vmem>> -> memref<256xi32, #tpu.memory_space<vmem>>
    %dma_start3A_242 = tpu.memref_slice %arg2[%add3A_201] : memref<4194304xi32, #tpu.memory_space<hbm>> -> memref<256xi32, #tpu.memory_space<hbm>>
    %dma_start3A_243 = arith.constant 512 : i32
    %dma_start3A_244 = tpu.memref_slice %arg6[%dma_start3A_243] : memref<4096xi32, #tpu.memory_space<vmem>> -> memref<256xi32, #tpu.memory_space<vmem>>
    %dma_start3A_245 = tpu.memref_slice %arg2[%add3A_201] : memref<4194304xi32, #tpu.memory_space<hbm>> -> memref<256xi32, #tpu.memory_space<hbm>>
    tpu.enqueue_dma source(%dma_start3A_245 : memref<256xi32, #tpu.memory_space<hbm>>) target(%dma_start3A_244 : memref<256xi32, #tpu.memory_space<vmem>>) target_semaphore(%arg12 : memref<!tpu.dma_semaphore, #tpu.memory_space<semaphore_mem>>)
    %dma_start3A_246 = arith.constant 768 : i32
    %dma_start3A_247 = tpu.memref_slice %arg6[%dma_start3A_246] : memref<4096xi32, #tpu.memory_space<vmem>> -> memref<256xi32, #tpu.memory_space<vmem>>
    %dma_start3A_248 = tpu.memref_slice %arg2[%add3A_203] : memref<4194304xi32, #tpu.memory_space<hbm>> -> memref<256xi32, #tpu.memory_space<hbm>>
    %dma_start3A_249 = arith.constant 768 : i32
    %dma_start3A_250 = tpu.memref_slice %arg6[%dma_start3A_249] : memref<4096xi32, #tpu.memory_space<vmem>> -> memref<256xi32, #tpu.memory_space<vmem>>
    %dma_start3A_251 = tpu.memref_slice %arg2[%add3A_203] : memref<4194304xi32, #tpu.memory_space<hbm>> -> memref<256xi32, #tpu.memory_space<hbm>>
    tpu.enqueue_dma source(%dma_start3A_251 : memref<256xi32, #tpu.memory_space<hbm>>) target(%dma_start3A_250 : memref<256xi32, #tpu.memory_space<vmem>>) target_semaphore(%arg12 : memref<!tpu.dma_semaphore, #tpu.memory_space<semaphore_mem>>)
    %dma_start3A_252 = arith.constant 1024 : i32
    %dma_start3A_253 = tpu.memref_slice %arg6[%dma_start3A_252] : memref<4096xi32, #tpu.memory_space<vmem>> -> memref<256xi32, #tpu.memory_space<vmem>>
    %dma_start3A_254 = tpu.memref_slice %arg2[%add3A_205] : memref<4194304xi32, #tpu.memory_space<hbm>> -> memref<256xi32, #tpu.memory_space<hbm>>
    %dma_start3A_255 = arith.constant 1024 : i32
    %dma_start3A_256 = tpu.memref_slice %arg6[%dma_start3A_255] : memref<4096xi32, #tpu.memory_space<vmem>> -> memref<256xi32, #tpu.memory_space<vmem>>
    %dma_start3A_257 = tpu.memref_slice %arg2[%add3A_205] : memref<4194304xi32, #tpu.memory_space<hbm>> -> memref<256xi32, #tpu.memory_space<hbm>>
    tpu.enqueue_dma source(%dma_start3A_257 : memref<256xi32, #tpu.memory_space<hbm>>) target(%dma_start3A_256 : memref<256xi32, #tpu.memory_space<vmem>>) target_semaphore(%arg12 : memref<!tpu.dma_semaphore, #tpu.memory_space<semaphore_mem>>)
    %dma_start3A_258 = arith.constant 1280 : i32
    %dma_start3A_259 = tpu.memref_slice %arg6[%dma_start3A_258] : memref<4096xi32, #tpu.memory_space<vmem>> -> memref<256xi32, #tpu.memory_space<vmem>>
    %dma_start3A_260 = tpu.memref_slice %arg2[%add3A_207] : memref<4194304xi32, #tpu.memory_space<hbm>> -> memref<256xi32, #tpu.memory_space<hbm>>
    %dma_start3A_261 = arith.constant 1280 : i32
    %dma_start3A_262 = tpu.memref_slice %arg6[%dma_start3A_261] : memref<4096xi32, #tpu.memory_space<vmem>> -> memref<256xi32, #tpu.memory_space<vmem>>
    %dma_start3A_263 = tpu.memref_slice %arg2[%add3A_207] : memref<4194304xi32, #tpu.memory_space<hbm>> -> memref<256xi32, #tpu.memory_space<hbm>>
    tpu.enqueue_dma source(%dma_start3A_263 : memref<256xi32, #tpu.memory_space<hbm>>) target(%dma_start3A_262 : memref<256xi32, #tpu.memory_space<vmem>>) target_semaphore(%arg12 : memref<!tpu.dma_semaphore, #tpu.memory_space<semaphore_mem>>)
    %dma_start3A_264 = arith.constant 1536 : i32
    %dma_start3A_265 = tpu.memref_slice %arg6[%dma_start3A_264] : memref<4096xi32, #tpu.memory_space<vmem>> -> memref<256xi32, #tpu.memory_space<vmem>>
    %dma_start3A_266 = tpu.memref_slice %arg2[%add3A_209] : memref<4194304xi32, #tpu.memory_space<hbm>> -> memref<256xi32, #tpu.memory_space<hbm>>
    %dma_start3A_267 = arith.constant 1536 : i32
    %dma_start3A_268 = tpu.memref_slice %arg6[%dma_start3A_267] : memref<4096xi32, #tpu.memory_space<vmem>> -> memref<256xi32, #tpu.memory_space<vmem>>
    %dma_start3A_269 = tpu.memref_slice %arg2[%add3A_209] : memref<4194304xi32, #tpu.memory_space<hbm>> -> memref<256xi32, #tpu.memory_space<hbm>>
    tpu.enqueue_dma source(%dma_start3A_269 : memref<256xi32, #tpu.memory_space<hbm>>) target(%dma_start3A_268 : memref<256xi32, #tpu.memory_space<vmem>>) target_semaphore(%arg12 : memref<!tpu.dma_semaphore, #tpu.memory_space<semaphore_mem>>)
    %dma_start3A_270 = arith.constant 1792 : i32
    %dma_start3A_271 = tpu.memref_slice %arg6[%dma_start3A_270] : memref<4096xi32, #tpu.memory_space<vmem>> -> memref<256xi32, #tpu.memory_space<vmem>>
    %dma_start3A_272 = tpu.memref_slice %arg2[%add3A_211] : memref<4194304xi32, #tpu.memory_space<hbm>> -> memref<256xi32, #tpu.memory_space<hbm>>
    %dma_start3A_273 = arith.constant 1792 : i32
    %dma_start3A_274 = tpu.memref_slice %arg6[%dma_start3A_273] : memref<4096xi32, #tpu.memory_space<vmem>> -> memref<256xi32, #tpu.memory_space<vmem>>
    %dma_start3A_275 = tpu.memref_slice %arg2[%add3A_211] : memref<4194304xi32, #tpu.memory_space<hbm>> -> memref<256xi32, #tpu.memory_space<hbm>>
    tpu.enqueue_dma source(%dma_start3A_275 : memref<256xi32, #tpu.memory_space<hbm>>) target(%dma_start3A_274 : memref<256xi32, #tpu.memory_space<vmem>>) target_semaphore(%arg12 : memref<!tpu.dma_semaphore, #tpu.memory_space<semaphore_mem>>)
    %dma_start3A_276 = arith.constant 2048 : i32
    %dma_start3A_277 = tpu.memref_slice %arg6[%dma_start3A_276] : memref<4096xi32, #tpu.memory_space<vmem>> -> memref<256xi32, #tpu.memory_space<vmem>>
    %dma_start3A_278 = tpu.memref_slice %arg2[%add3A_213] : memref<4194304xi32, #tpu.memory_space<hbm>> -> memref<256xi32, #tpu.memory_space<hbm>>
    %dma_start3A_279 = arith.constant 2048 : i32
    %dma_start3A_280 = tpu.memref_slice %arg6[%dma_start3A_279] : memref<4096xi32, #tpu.memory_space<vmem>> -> memref<256xi32, #tpu.memory_space<vmem>>
    %dma_start3A_281 = tpu.memref_slice %arg2[%add3A_213] : memref<4194304xi32, #tpu.memory_space<hbm>> -> memref<256xi32, #tpu.memory_space<hbm>>
    tpu.enqueue_dma source(%dma_start3A_281 : memref<256xi32, #tpu.memory_space<hbm>>) target(%dma_start3A_280 : memref<256xi32, #tpu.memory_space<vmem>>) target_semaphore(%arg12 : memref<!tpu.dma_semaphore, #tpu.memory_space<semaphore_mem>>)
    %dma_start3A_282 = arith.constant 2304 : i32
    %dma_start3A_283 = tpu.memref_slice %arg6[%dma_start3A_282] : memref<4096xi32, #tpu.memory_space<vmem>> -> memref<256xi32, #tpu.memory_space<vmem>>
    %dma_start3A_284 = tpu.memref_slice %arg2[%add3A_215] : memref<4194304xi32, #tpu.memory_space<hbm>> -> memref<256xi32, #tpu.memory_space<hbm>>
    %dma_start3A_285 = arith.constant 2304 : i32
    %dma_start3A_286 = tpu.memref_slice %arg6[%dma_start3A_285] : memref<4096xi32, #tpu.memory_space<vmem>> -> memref<256xi32, #tpu.memory_space<vmem>>
    %dma_start3A_287 = tpu.memref_slice %arg2[%add3A_215] : memref<4194304xi32, #tpu.memory_space<hbm>> -> memref<256xi32, #tpu.memory_space<hbm>>
    tpu.enqueue_dma source(%dma_start3A_287 : memref<256xi32, #tpu.memory_space<hbm>>) target(%dma_start3A_286 : memref<256xi32, #tpu.memory_space<vmem>>) target_semaphore(%arg12 : memref<!tpu.dma_semaphore, #tpu.memory_space<semaphore_mem>>)
    %dma_start3A_288 = arith.constant 2560 : i32
    %dma_start3A_289 = tpu.memref_slice %arg6[%dma_start3A_288] : memref<4096xi32, #tpu.memory_space<vmem>> -> memref<256xi32, #tpu.memory_space<vmem>>
    %dma_start3A_290 = tpu.memref_slice %arg2[%add3A_217] : memref<4194304xi32, #tpu.memory_space<hbm>> -> memref<256xi32, #tpu.memory_space<hbm>>
    %dma_start3A_291 = arith.constant 2560 : i32
    %dma_start3A_292 = tpu.memref_slice %arg6[%dma_start3A_291] : memref<4096xi32, #tpu.memory_space<vmem>> -> memref<256xi32, #tpu.memory_space<vmem>>
    %dma_start3A_293 = tpu.memref_slice %arg2[%add3A_217] : memref<4194304xi32, #tpu.memory_space<hbm>> -> memref<256xi32, #tpu.memory_space<hbm>>
    tpu.enqueue_dma source(%dma_start3A_293 : memref<256xi32, #tpu.memory_space<hbm>>) target(%dma_start3A_292 : memref<256xi32, #tpu.memory_space<vmem>>) target_semaphore(%arg12 : memref<!tpu.dma_semaphore, #tpu.memory_space<semaphore_mem>>)
    %dma_start3A_294 = arith.constant 2816 : i32
    %dma_start3A_295 = tpu.memref_slice %arg6[%dma_start3A_294] : memref<4096xi32, #tpu.memory_space<vmem>> -> memref<256xi32, #tpu.memory_space<vmem>>
    %dma_start3A_296 = tpu.memref_slice %arg2[%add3A_219] : memref<4194304xi32, #tpu.memory_space<hbm>> -> memref<256xi32, #tpu.memory_space<hbm>>
    %dma_start3A_297 = arith.constant 2816 : i32
    %dma_start3A_298 = tpu.memref_slice %arg6[%dma_start3A_297] : memref<4096xi32, #tpu.memory_space<vmem>> -> memref<256xi32, #tpu.memory_space<vmem>>
    %dma_start3A_299 = tpu.memref_slice %arg2[%add3A_219] : memref<4194304xi32, #tpu.memory_space<hbm>> -> memref<256xi32, #tpu.memory_space<hbm>>
    tpu.enqueue_dma source(%dma_start3A_299 : memref<256xi32, #tpu.memory_space<hbm>>) target(%dma_start3A_298 : memref<256xi32, #tpu.memory_space<vmem>>) target_semaphore(%arg12 : memref<!tpu.dma_semaphore, #tpu.memory_space<semaphore_mem>>)
    %dma_start3A_300 = arith.constant 3072 : i32
    %dma_start3A_301 = tpu.memref_slice %arg6[%dma_start3A_300] : memref<4096xi32, #tpu.memory_space<vmem>> -> memref<256xi32, #tpu.memory_space<vmem>>
    %dma_start3A_302 = tpu.memref_slice %arg2[%add3A_221] : memref<4194304xi32, #tpu.memory_space<hbm>> -> memref<256xi32, #tpu.memory_space<hbm>>
    %dma_start3A_303 = arith.constant 3072 : i32
    %dma_start3A_304 = tpu.memref_slice %arg6[%dma_start3A_303] : memref<4096xi32, #tpu.memory_space<vmem>> -> memref<256xi32, #tpu.memory_space<vmem>>
    %dma_start3A_305 = tpu.memref_slice %arg2[%add3A_221] : memref<4194304xi32, #tpu.memory_space<hbm>> -> memref<256xi32, #tpu.memory_space<hbm>>
    tpu.enqueue_dma source(%dma_start3A_305 : memref<256xi32, #tpu.memory_space<hbm>>) target(%dma_start3A_304 : memref<256xi32, #tpu.memory_space<vmem>>) target_semaphore(%arg12 : memref<!tpu.dma_semaphore, #tpu.memory_space<semaphore_mem>>)
    %dma_start3A_306 = arith.constant 3328 : i32
    %dma_start3A_307 = tpu.memref_slice %arg6[%dma_start3A_306] : memref<4096xi32, #tpu.memory_space<vmem>> -> memref<256xi32, #tpu.memory_space<vmem>>
    %dma_start3A_308 = tpu.memref_slice %arg2[%add3A_223] : memref<4194304xi32, #tpu.memory_space<hbm>> -> memref<256xi32, #tpu.memory_space<hbm>>
    %dma_start3A_309 = arith.constant 3328 : i32
    %dma_start3A_310 = tpu.memref_slice %arg6[%dma_start3A_309] : memref<4096xi32, #tpu.memory_space<vmem>> -> memref<256xi32, #tpu.memory_space<vmem>>
    %dma_start3A_311 = tpu.memref_slice %arg2[%add3A_223] : memref<4194304xi32, #tpu.memory_space<hbm>> -> memref<256xi32, #tpu.memory_space<hbm>>
    tpu.enqueue_dma source(%dma_start3A_311 : memref<256xi32, #tpu.memory_space<hbm>>) target(%dma_start3A_310 : memref<256xi32, #tpu.memory_space<vmem>>) target_semaphore(%arg12 : memref<!tpu.dma_semaphore, #tpu.memory_space<semaphore_mem>>)
    %dma_start3A_312 = arith.constant 3584 : i32
    %dma_start3A_313 = tpu.memref_slice %arg6[%dma_start3A_312] : memref<4096xi32, #tpu.memory_space<vmem>> -> memref<256xi32, #tpu.memory_space<vmem>>
    %dma_start3A_314 = tpu.memref_slice %arg2[%add3A_225] : memref<4194304xi32, #tpu.memory_space<hbm>> -> memref<256xi32, #tpu.memory_space<hbm>>
    %dma_start3A_315 = arith.constant 3584 : i32
    %dma_start3A_316 = tpu.memref_slice %arg6[%dma_start3A_315] : memref<4096xi32, #tpu.memory_space<vmem>> -> memref<256xi32, #tpu.memory_space<vmem>>
    %dma_start3A_317 = tpu.memref_slice %arg2[%add3A_225] : memref<4194304xi32, #tpu.memory_space<hbm>> -> memref<256xi32, #tpu.memory_space<hbm>>
    tpu.enqueue_dma source(%dma_start3A_317 : memref<256xi32, #tpu.memory_space<hbm>>) target(%dma_start3A_316 : memref<256xi32, #tpu.memory_space<vmem>>) target_semaphore(%arg12 : memref<!tpu.dma_semaphore, #tpu.memory_space<semaphore_mem>>)
    %dma_start3A_318 = arith.constant 3840 : i32
    %dma_start3A_319 = tpu.memref_slice %arg6[%dma_start3A_318] : memref<4096xi32, #tpu.memory_space<vmem>> -> memref<256xi32, #tpu.memory_space<vmem>>
    %dma_start3A_320 = tpu.memref_slice %arg2[%add3A_227] : memref<4194304xi32, #tpu.memory_space<hbm>> -> memref<256xi32, #tpu.memory_space<hbm>>
    %dma_start3A_321 = arith.constant 3840 : i32
    %dma_start3A_322 = tpu.memref_slice %arg6[%dma_start3A_321] : memref<4096xi32, #tpu.memory_space<vmem>> -> memref<256xi32, #tpu.memory_space<vmem>>
    %dma_start3A_323 = tpu.memref_slice %arg2[%add3A_227] : memref<4194304xi32, #tpu.memory_space<hbm>> -> memref<256xi32, #tpu.memory_space<hbm>>
    tpu.enqueue_dma source(%dma_start3A_323 : memref<256xi32, #tpu.memory_space<hbm>>) target(%dma_start3A_322 : memref<256xi32, #tpu.memory_space<vmem>>) target_semaphore(%arg12 : memref<!tpu.dma_semaphore, #tpu.memory_space<semaphore_mem>>)
    %mul3A_324 = arith.constant 8192 : i32
    %mul3A_325 = arith.muli %add3A, %mul3A_324 : i32
    %add3A_326 = arith.constant 0 : i32
    %add3A_327 = arith.addi %mul3A_325, %add3A_326 : i32
    %add3A_328 = arith.constant 0 : i32
    %add3A_329 = arith.addi %add3A_328, %add3A_327 : i32
    %add3A_330 = arith.constant 262144 : i32
    %add3A_331 = arith.addi %add3A_330, %add3A_327 : i32
    %add3A_332 = arith.constant 524288 : i32
    %add3A_333 = arith.addi %add3A_332, %add3A_327 : i32
    %add3A_334 = arith.constant 786432 : i32
    %add3A_335 = arith.addi %add3A_334, %add3A_327 : i32
    %add3A_336 = arith.constant 1048576 : i32
    %add3A_337 = arith.addi %add3A_336, %add3A_327 : i32
    %add3A_338 = arith.constant 1310720 : i32
    %add3A_339 = arith.addi %add3A_338, %add3A_327 : i32
    %add3A_340 = arith.constant 1572864 : i32
    %add3A_341 = arith.addi %add3A_340, %add3A_327 : i32
    %add3A_342 = arith.constant 1835008 : i32
    %add3A_343 = arith.addi %add3A_342, %add3A_327 : i32
    %add3A_344 = arith.constant 2097152 : i32
    %add3A_345 = arith.addi %add3A_344, %add3A_327 : i32
    %add3A_346 = arith.constant 2359296 : i32
    %add3A_347 = arith.addi %add3A_346, %add3A_327 : i32
    %add3A_348 = arith.constant 2621440 : i32
    %add3A_349 = arith.addi %add3A_348, %add3A_327 : i32
    %add3A_350 = arith.constant 2883584 : i32
    %add3A_351 = arith.addi %add3A_350, %add3A_327 : i32
    %add3A_352 = arith.constant 3145728 : i32
    %add3A_353 = arith.addi %add3A_352, %add3A_327 : i32
    %add3A_354 = arith.constant 3407872 : i32
    %add3A_355 = arith.addi %add3A_354, %add3A_327 : i32
    %add3A_356 = arith.constant 3670016 : i32
    %add3A_357 = arith.addi %add3A_356, %add3A_327 : i32
    %add3A_358 = arith.constant 3932160 : i32
    %add3A_359 = arith.addi %add3A_358, %add3A_327 : i32
    %dma_wait3A = arith.constant 0 : i32
    %dma_wait3A_360 = tpu.memref_slice %arg5[%dma_wait3A] : memref<4096xi32, #tpu.memory_space<vmem>> -> memref<256xi32, #tpu.memory_space<vmem>>
    %dma_wait3A_361 = tpu.memref_slice %arg2[%add3A_329] : memref<4194304xi32, #tpu.memory_space<hbm>> -> memref<256xi32, #tpu.memory_space<hbm>>
    %dma_wait3A_362 = arith.constant 0 : i32
    %dma_wait3A_363 = tpu.memref_slice %arg5[%dma_wait3A_362] : memref<4096xi32, #tpu.memory_space<vmem>> -> memref<256xi32, #tpu.memory_space<vmem>>
    %dma_wait3A_364 = tpu.memref_slice %arg2[%add3A_329] : memref<4194304xi32, #tpu.memory_space<hbm>> -> memref<256xi32, #tpu.memory_space<hbm>>
    tpu.wait_dma2 semaphore(%arg11 : memref<!tpu.dma_semaphore, #tpu.memory_space<semaphore_mem>>) src(%dma_wait3A_364 : memref<256xi32, #tpu.memory_space<hbm>>) dst(%dma_wait3A_363 : memref<256xi32, #tpu.memory_space<vmem>>)
    %dma_wait3A_365 = arith.constant 256 : i32
    %dma_wait3A_366 = tpu.memref_slice %arg5[%dma_wait3A_365] : memref<4096xi32, #tpu.memory_space<vmem>> -> memref<256xi32, #tpu.memory_space<vmem>>
    %dma_wait3A_367 = tpu.memref_slice %arg2[%add3A_331] : memref<4194304xi32, #tpu.memory_space<hbm>> -> memref<256xi32, #tpu.memory_space<hbm>>
    %dma_wait3A_368 = arith.constant 256 : i32
    %dma_wait3A_369 = tpu.memref_slice %arg5[%dma_wait3A_368] : memref<4096xi32, #tpu.memory_space<vmem>> -> memref<256xi32, #tpu.memory_space<vmem>>
    %dma_wait3A_370 = tpu.memref_slice %arg2[%add3A_331] : memref<4194304xi32, #tpu.memory_space<hbm>> -> memref<256xi32, #tpu.memory_space<hbm>>
    tpu.wait_dma2 semaphore(%arg11 : memref<!tpu.dma_semaphore, #tpu.memory_space<semaphore_mem>>) src(%dma_wait3A_370 : memref<256xi32, #tpu.memory_space<hbm>>) dst(%dma_wait3A_369 : memref<256xi32, #tpu.memory_space<vmem>>)
    %dma_wait3A_371 = arith.constant 512 : i32
    %dma_wait3A_372 = tpu.memref_slice %arg5[%dma_wait3A_371] : memref<4096xi32, #tpu.memory_space<vmem>> -> memref<256xi32, #tpu.memory_space<vmem>>
    %dma_wait3A_373 = tpu.memref_slice %arg2[%add3A_333] : memref<4194304xi32, #tpu.memory_space<hbm>> -> memref<256xi32, #tpu.memory_space<hbm>>
    %dma_wait3A_374 = arith.constant 512 : i32
    %dma_wait3A_375 = tpu.memref_slice %arg5[%dma_wait3A_374] : memref<4096xi32, #tpu.memory_space<vmem>> -> memref<256xi32, #tpu.memory_space<vmem>>
    %dma_wait3A_376 = tpu.memref_slice %arg2[%add3A_333] : memref<4194304xi32, #tpu.memory_space<hbm>> -> memref<256xi32, #tpu.memory_space<hbm>>
    tpu.wait_dma2 semaphore(%arg11 : memref<!tpu.dma_semaphore, #tpu.memory_space<semaphore_mem>>) src(%dma_wait3A_376 : memref<256xi32, #tpu.memory_space<hbm>>) dst(%dma_wait3A_375 : memref<256xi32, #tpu.memory_space<vmem>>)
    %dma_wait3A_377 = arith.constant 768 : i32
    %dma_wait3A_378 = tpu.memref_slice %arg5[%dma_wait3A_377] : memref<4096xi32, #tpu.memory_space<vmem>> -> memref<256xi32, #tpu.memory_space<vmem>>
    %dma_wait3A_379 = tpu.memref_slice %arg2[%add3A_335] : memref<4194304xi32, #tpu.memory_space<hbm>> -> memref<256xi32, #tpu.memory_space<hbm>>
    %dma_wait3A_380 = arith.constant 768 : i32
    %dma_wait3A_381 = tpu.memref_slice %arg5[%dma_wait3A_380] : memref<4096xi32, #tpu.memory_space<vmem>> -> memref<256xi32, #tpu.memory_space<vmem>>
    %dma_wait3A_382 = tpu.memref_slice %arg2[%add3A_335] : memref<4194304xi32, #tpu.memory_space<hbm>> -> memref<256xi32, #tpu.memory_space<hbm>>
    tpu.wait_dma2 semaphore(%arg11 : memref<!tpu.dma_semaphore, #tpu.memory_space<semaphore_mem>>) src(%dma_wait3A_382 : memref<256xi32, #tpu.memory_space<hbm>>) dst(%dma_wait3A_381 : memref<256xi32, #tpu.memory_space<vmem>>)
    %dma_wait3A_383 = arith.constant 1024 : i32
    %dma_wait3A_384 = tpu.memref_slice %arg5[%dma_wait3A_383] : memref<4096xi32, #tpu.memory_space<vmem>> -> memref<256xi32, #tpu.memory_space<vmem>>
    %dma_wait3A_385 = tpu.memref_slice %arg2[%add3A_337] : memref<4194304xi32, #tpu.memory_space<hbm>> -> memref<256xi32, #tpu.memory_space<hbm>>
    %dma_wait3A_386 = arith.constant 1024 : i32
    %dma_wait3A_387 = tpu.memref_slice %arg5[%dma_wait3A_386] : memref<4096xi32, #tpu.memory_space<vmem>> -> memref<256xi32, #tpu.memory_space<vmem>>
    %dma_wait3A_388 = tpu.memref_slice %arg2[%add3A_337] : memref<4194304xi32, #tpu.memory_space<hbm>> -> memref<256xi32, #tpu.memory_space<hbm>>
    tpu.wait_dma2 semaphore(%arg11 : memref<!tpu.dma_semaphore, #tpu.memory_space<semaphore_mem>>) src(%dma_wait3A_388 : memref<256xi32, #tpu.memory_space<hbm>>) dst(%dma_wait3A_387 : memref<256xi32, #tpu.memory_space<vmem>>)
    %dma_wait3A_389 = arith.constant 1280 : i32
    %dma_wait3A_390 = tpu.memref_slice %arg5[%dma_wait3A_389] : memref<4096xi32, #tpu.memory_space<vmem>> -> memref<256xi32, #tpu.memory_space<vmem>>
    %dma_wait3A_391 = tpu.memref_slice %arg2[%add3A_339] : memref<4194304xi32, #tpu.memory_space<hbm>> -> memref<256xi32, #tpu.memory_space<hbm>>
    %dma_wait3A_392 = arith.constant 1280 : i32
    %dma_wait3A_393 = tpu.memref_slice %arg5[%dma_wait3A_392] : memref<4096xi32, #tpu.memory_space<vmem>> -> memref<256xi32, #tpu.memory_space<vmem>>
    %dma_wait3A_394 = tpu.memref_slice %arg2[%add3A_339] : memref<4194304xi32, #tpu.memory_space<hbm>> -> memref<256xi32, #tpu.memory_space<hbm>>
    tpu.wait_dma2 semaphore(%arg11 : memref<!tpu.dma_semaphore, #tpu.memory_space<semaphore_mem>>) src(%dma_wait3A_394 : memref<256xi32, #tpu.memory_space<hbm>>) dst(%dma_wait3A_393 : memref<256xi32, #tpu.memory_space<vmem>>)
    %dma_wait3A_395 = arith.constant 1536 : i32
    %dma_wait3A_396 = tpu.memref_slice %arg5[%dma_wait3A_395] : memref<4096xi32, #tpu.memory_space<vmem>> -> memref<256xi32, #tpu.memory_space<vmem>>
    %dma_wait3A_397 = tpu.memref_slice %arg2[%add3A_341] : memref<4194304xi32, #tpu.memory_space<hbm>> -> memref<256xi32, #tpu.memory_space<hbm>>
    %dma_wait3A_398 = arith.constant 1536 : i32
    %dma_wait3A_399 = tpu.memref_slice %arg5[%dma_wait3A_398] : memref<4096xi32, #tpu.memory_space<vmem>> -> memref<256xi32, #tpu.memory_space<vmem>>
    %dma_wait3A_400 = tpu.memref_slice %arg2[%add3A_341] : memref<4194304xi32, #tpu.memory_space<hbm>> -> memref<256xi32, #tpu.memory_space<hbm>>
    tpu.wait_dma2 semaphore(%arg11 : memref<!tpu.dma_semaphore, #tpu.memory_space<semaphore_mem>>) src(%dma_wait3A_400 : memref<256xi32, #tpu.memory_space<hbm>>) dst(%dma_wait3A_399 : memref<256xi32, #tpu.memory_space<vmem>>)
    %dma_wait3A_401 = arith.constant 1792 : i32
    %dma_wait3A_402 = tpu.memref_slice %arg5[%dma_wait3A_401] : memref<4096xi32, #tpu.memory_space<vmem>> -> memref<256xi32, #tpu.memory_space<vmem>>
    %dma_wait3A_403 = tpu.memref_slice %arg2[%add3A_343] : memref<4194304xi32, #tpu.memory_space<hbm>> -> memref<256xi32, #tpu.memory_space<hbm>>
    %dma_wait3A_404 = arith.constant 1792 : i32
    %dma_wait3A_405 = tpu.memref_slice %arg5[%dma_wait3A_404] : memref<4096xi32, #tpu.memory_space<vmem>> -> memref<256xi32, #tpu.memory_space<vmem>>
    %dma_wait3A_406 = tpu.memref_slice %arg2[%add3A_343] : memref<4194304xi32, #tpu.memory_space<hbm>> -> memref<256xi32, #tpu.memory_space<hbm>>
    tpu.wait_dma2 semaphore(%arg11 : memref<!tpu.dma_semaphore, #tpu.memory_space<semaphore_mem>>) src(%dma_wait3A_406 : memref<256xi32, #tpu.memory_space<hbm>>) dst(%dma_wait3A_405 : memref<256xi32, #tpu.memory_space<vmem>>)
    %dma_wait3A_407 = arith.constant 2048 : i32
    %dma_wait3A_408 = tpu.memref_slice %arg5[%dma_wait3A_407] : memref<4096xi32, #tpu.memory_space<vmem>> -> memref<256xi32, #tpu.memory_space<vmem>>
    %dma_wait3A_409 = tpu.memref_slice %arg2[%add3A_345] : memref<4194304xi32, #tpu.memory_space<hbm>> -> memref<256xi32, #tpu.memory_space<hbm>>
    %dma_wait3A_410 = arith.constant 2048 : i32
    %dma_wait3A_411 = tpu.memref_slice %arg5[%dma_wait3A_410] : memref<4096xi32, #tpu.memory_space<vmem>> -> memref<256xi32, #tpu.memory_space<vmem>>
    %dma_wait3A_412 = tpu.memref_slice %arg2[%add3A_345] : memref<4194304xi32, #tpu.memory_space<hbm>> -> memref<256xi32, #tpu.memory_space<hbm>>
    tpu.wait_dma2 semaphore(%arg11 : memref<!tpu.dma_semaphore, #tpu.memory_space<semaphore_mem>>) src(%dma_wait3A_412 : memref<256xi32, #tpu.memory_space<hbm>>) dst(%dma_wait3A_411 : memref<256xi32, #tpu.memory_space<vmem>>)
    %dma_wait3A_413 = arith.constant 2304 : i32
    %dma_wait3A_414 = tpu.memref_slice %arg5[%dma_wait3A_413] : memref<4096xi32, #tpu.memory_space<vmem>> -> memref<256xi32, #tpu.memory_space<vmem>>
    %dma_wait3A_415 = tpu.memref_slice %arg2[%add3A_347] : memref<4194304xi32, #tpu.memory_space<hbm>> -> memref<256xi32, #tpu.memory_space<hbm>>
    %dma_wait3A_416 = arith.constant 2304 : i32
    %dma_wait3A_417 = tpu.memref_slice %arg5[%dma_wait3A_416] : memref<4096xi32, #tpu.memory_space<vmem>> -> memref<256xi32, #tpu.memory_space<vmem>>
    %dma_wait3A_418 = tpu.memref_slice %arg2[%add3A_347] : memref<4194304xi32, #tpu.memory_space<hbm>> -> memref<256xi32, #tpu.memory_space<hbm>>
    tpu.wait_dma2 semaphore(%arg11 : memref<!tpu.dma_semaphore, #tpu.memory_space<semaphore_mem>>) src(%dma_wait3A_418 : memref<256xi32, #tpu.memory_space<hbm>>) dst(%dma_wait3A_417 : memref<256xi32, #tpu.memory_space<vmem>>)
    %dma_wait3A_419 = arith.constant 2560 : i32
    %dma_wait3A_420 = tpu.memref_slice %arg5[%dma_wait3A_419] : memref<4096xi32, #tpu.memory_space<vmem>> -> memref<256xi32, #tpu.memory_space<vmem>>
    %dma_wait3A_421 = tpu.memref_slice %arg2[%add3A_349] : memref<4194304xi32, #tpu.memory_space<hbm>> -> memref<256xi32, #tpu.memory_space<hbm>>
    %dma_wait3A_422 = arith.constant 2560 : i32
    %dma_wait3A_423 = tpu.memref_slice %arg5[%dma_wait3A_422] : memref<4096xi32, #tpu.memory_space<vmem>> -> memref<256xi32, #tpu.memory_space<vmem>>
    %dma_wait3A_424 = tpu.memref_slice %arg2[%add3A_349] : memref<4194304xi32, #tpu.memory_space<hbm>> -> memref<256xi32, #tpu.memory_space<hbm>>
    tpu.wait_dma2 semaphore(%arg11 : memref<!tpu.dma_semaphore, #tpu.memory_space<semaphore_mem>>) src(%dma_wait3A_424 : memref<256xi32, #tpu.memory_space<hbm>>) dst(%dma_wait3A_423 : memref<256xi32, #tpu.memory_space<vmem>>)
    %dma_wait3A_425 = arith.constant 2816 : i32
    %dma_wait3A_426 = tpu.memref_slice %arg5[%dma_wait3A_425] : memref<4096xi32, #tpu.memory_space<vmem>> -> memref<256xi32, #tpu.memory_space<vmem>>
    %dma_wait3A_427 = tpu.memref_slice %arg2[%add3A_351] : memref<4194304xi32, #tpu.memory_space<hbm>> -> memref<256xi32, #tpu.memory_space<hbm>>
    %dma_wait3A_428 = arith.constant 2816 : i32
    %dma_wait3A_429 = tpu.memref_slice %arg5[%dma_wait3A_428] : memref<4096xi32, #tpu.memory_space<vmem>> -> memref<256xi32, #tpu.memory_space<vmem>>
    %dma_wait3A_430 = tpu.memref_slice %arg2[%add3A_351] : memref<4194304xi32, #tpu.memory_space<hbm>> -> memref<256xi32, #tpu.memory_space<hbm>>
    tpu.wait_dma2 semaphore(%arg11 : memref<!tpu.dma_semaphore, #tpu.memory_space<semaphore_mem>>) src(%dma_wait3A_430 : memref<256xi32, #tpu.memory_space<hbm>>) dst(%dma_wait3A_429 : memref<256xi32, #tpu.memory_space<vmem>>)
    %dma_wait3A_431 = arith.constant 3072 : i32
    %dma_wait3A_432 = tpu.memref_slice %arg5[%dma_wait3A_431] : memref<4096xi32, #tpu.memory_space<vmem>> -> memref<256xi32, #tpu.memory_space<vmem>>
    %dma_wait3A_433 = tpu.memref_slice %arg2[%add3A_353] : memref<4194304xi32, #tpu.memory_space<hbm>> -> memref<256xi32, #tpu.memory_space<hbm>>
    %dma_wait3A_434 = arith.constant 3072 : i32
    %dma_wait3A_435 = tpu.memref_slice %arg5[%dma_wait3A_434] : memref<4096xi32, #tpu.memory_space<vmem>> -> memref<256xi32, #tpu.memory_space<vmem>>
    %dma_wait3A_436 = tpu.memref_slice %arg2[%add3A_353] : memref<4194304xi32, #tpu.memory_space<hbm>> -> memref<256xi32, #tpu.memory_space<hbm>>
    tpu.wait_dma2 semaphore(%arg11 : memref<!tpu.dma_semaphore, #tpu.memory_space<semaphore_mem>>) src(%dma_wait3A_436 : memref<256xi32, #tpu.memory_space<hbm>>) dst(%dma_wait3A_435 : memref<256xi32, #tpu.memory_space<vmem>>)
    %dma_wait3A_437 = arith.constant 3328 : i32
    %dma_wait3A_438 = tpu.memref_slice %arg5[%dma_wait3A_437] : memref<4096xi32, #tpu.memory_space<vmem>> -> memref<256xi32, #tpu.memory_space<vmem>>
    %dma_wait3A_439 = tpu.memref_slice %arg2[%add3A_355] : memref<4194304xi32, #tpu.memory_space<hbm>> -> memref<256xi32, #tpu.memory_space<hbm>>
    %dma_wait3A_440 = arith.constant 3328 : i32
    %dma_wait3A_441 = tpu.memref_slice %arg5[%dma_wait3A_440] : memref<4096xi32, #tpu.memory_space<vmem>> -> memref<256xi32, #tpu.memory_space<vmem>>
    %dma_wait3A_442 = tpu.memref_slice %arg2[%add3A_355] : memref<4194304xi32, #tpu.memory_space<hbm>> -> memref<256xi32, #tpu.memory_space<hbm>>
    tpu.wait_dma2 semaphore(%arg11 : memref<!tpu.dma_semaphore, #tpu.memory_space<semaphore_mem>>) src(%dma_wait3A_442 : memref<256xi32, #tpu.memory_space<hbm>>) dst(%dma_wait3A_441 : memref<256xi32, #tpu.memory_space<vmem>>)
    %dma_wait3A_443 = arith.constant 3584 : i32
    %dma_wait3A_444 = tpu.memref_slice %arg5[%dma_wait3A_443] : memref<4096xi32, #tpu.memory_space<vmem>> -> memref<256xi32, #tpu.memory_space<vmem>>
    %dma_wait3A_445 = tpu.memref_slice %arg2[%add3A_357] : memref<4194304xi32, #tpu.memory_space<hbm>> -> memref<256xi32, #tpu.memory_space<hbm>>
    %dma_wait3A_446 = arith.constant 3584 : i32
    %dma_wait3A_447 = tpu.memref_slice %arg5[%dma_wait3A_446] : memref<4096xi32, #tpu.memory_space<vmem>> -> memref<256xi32, #tpu.memory_space<vmem>>
    %dma_wait3A_448 = tpu.memref_slice %arg2[%add3A_357] : memref<4194304xi32, #tpu.memory_space<hbm>> -> memref<256xi32, #tpu.memory_space<hbm>>
    tpu.wait_dma2 semaphore(%arg11 : memref<!tpu.dma_semaphore, #tpu.memory_space<semaphore_mem>>) src(%dma_wait3A_448 : memref<256xi32, #tpu.memory_space<hbm>>) dst(%dma_wait3A_447 : memref<256xi32, #tpu.memory_space<vmem>>)
    %dma_wait3A_449 = arith.constant 3840 : i32
    %dma_wait3A_450 = tpu.memref_slice %arg5[%dma_wait3A_449] : memref<4096xi32, #tpu.memory_space<vmem>> -> memref<256xi32, #tpu.memory_space<vmem>>
    %dma_wait3A_451 = tpu.memref_slice %arg2[%add3A_359] : memref<4194304xi32, #tpu.memory_space<hbm>> -> memref<256xi32, #tpu.memory_space<hbm>>
    %dma_wait3A_452 = arith.constant 3840 : i32
    %dma_wait3A_453 = tpu.memref_slice %arg5[%dma_wait3A_452] : memref<4096xi32, #tpu.memory_space<vmem>> -> memref<256xi32, #tpu.memory_space<vmem>>
    %dma_wait3A_454 = tpu.memref_slice %arg2[%add3A_359] : memref<4194304xi32, #tpu.memory_space<hbm>> -> memref<256xi32, #tpu.memory_space<hbm>>
    tpu.wait_dma2 semaphore(%arg11 : memref<!tpu.dma_semaphore, #tpu.memory_space<semaphore_mem>>) src(%dma_wait3A_454 : memref<256xi32, #tpu.memory_space<hbm>>) dst(%dma_wait3A_453 : memref<256xi32, #tpu.memory_space<vmem>>)
    %scan3A = arith.constant 0 : i32
    %scan3A_455 = arith.constant 0 : i32
    %scan3A_456 = arith.constant 16 : i32
    %scan3A_457 = arith.addi %scan3A_455, %scan3A_456 : i32
    %scan3A_458 = arith.constant 1 : i32
    scf.for %scan3A_486 = %scan3A_455 to %scan3A_457 step %scan3A_458  : i32 {
      %mul3A_487 = arith.constant 16 : i32
      %mul3A_488 = arith.muli %scan3A_486, %mul3A_487 : i32
      %add3A_489 = arith.constant 0 : i32
      %add3A_490 = arith.addi %add3A_489, %mul3A_488 : i32
      %get3A = arith.index_cast %add3A_490 : i32 to index
      %get3A_491 = tpu.vector_load %arg5[%get3A] {strides = array<i32>} : memref<4096xi32, #tpu.memory_space<vmem>>, vector<16xi32>,
      %get3A_492 = vector.shape_cast %get3A_491 : vector<16xi32> to vector<16xi32>
      %mul3A_493 = arith.constant 16 : i32
      %mul3A_494 = arith.muli %scan3A_486, %mul3A_493 : i32
      %add3A_495 = arith.constant 256 : i32
      %add3A_496 = arith.addi %add3A_495, %mul3A_494 : i32
      %get3A_497 = arith.index_cast %add3A_496 : i32 to index
      %get3A_498 = tpu.vector_load %arg5[%get3A_497] {strides = array<i32>} : memref<4096xi32, #tpu.memory_space<vmem>>, vector<16xi32>,
      %get3A_499 = vector.shape_cast %get3A_498 : vector<16xi32> to vector<16xi32>
      %mul3A_500 = arith.constant 16 : i32
      %mul3A_501 = arith.muli %scan3A_486, %mul3A_500 : i32
      %add3A_502 = arith.constant 512 : i32
      %add3A_503 = arith.addi %add3A_502, %mul3A_501 : i32
      %get3A_504 = arith.index_cast %add3A_503 : i32 to index
      %get3A_505 = tpu.vector_load %arg5[%get3A_504] {strides = array<i32>} : memref<4096xi32, #tpu.memory_space<vmem>>, vector<16xi32>,
      %get3A_506 = vector.shape_cast %get3A_505 : vector<16xi32> to vector<16xi32>
      %mul3A_507 = arith.constant 16 : i32
      %mul3A_508 = arith.muli %scan3A_486, %mul3A_507 : i32
      %add3A_509 = arith.constant 768 : i32
      %add3A_510 = arith.addi %add3A_509, %mul3A_508 : i32
      %get3A_511 = arith.index_cast %add3A_510 : i32 to index
      %get3A_512 = tpu.vector_load %arg5[%get3A_511] {strides = array<i32>} : memref<4096xi32, #tpu.memory_space<vmem>>, vector<16xi32>,
      %get3A_513 = vector.shape_cast %get3A_512 : vector<16xi32> to vector<16xi32>
      %mul3A_514 = arith.constant 16 : i32
      %mul3A_515 = arith.muli %scan3A_486, %mul3A_514 : i32
      %add3A_516 = arith.constant 1024 : i32
      %add3A_517 = arith.addi %add3A_516, %mul3A_515 : i32
      %get3A_518 = arith.index_cast %add3A_517 : i32 to index
      %get3A_519 = tpu.vector_load %arg5[%get3A_518] {strides = array<i32>} : memref<4096xi32, #tpu.memory_space<vmem>>, vector<16xi32>,
      %get3A_520 = vector.shape_cast %get3A_519 : vector<16xi32> to vector<16xi32>
      %mul3A_521 = arith.constant 16 : i32
      %mul3A_522 = arith.muli %scan3A_486, %mul3A_521 : i32
      %add3A_523 = arith.constant 1280 : i32
      %add3A_524 = arith.addi %add3A_523, %mul3A_522 : i32
      %get3A_525 = arith.index_cast %add3A_524 : i32 to index
      %get3A_526 = tpu.vector_load %arg5[%get3A_525] {strides = array<i32>} : memref<4096xi32, #tpu.memory_space<vmem>>, vector<16xi32>,
      %get3A_527 = vector.shape_cast %get3A_526 : vector<16xi32> to vector<16xi32>
      %mul3A_528 = arith.constant 16 : i32
      %mul3A_529 = arith.muli %scan3A_486, %mul3A_528 : i32
      %add3A_530 = arith.constant 1536 : i32
      %add3A_531 = arith.addi %add3A_530, %mul3A_529 : i32
      %get3A_532 = arith.index_cast %add3A_531 : i32 to index
      %get3A_533 = tpu.vector_load %arg5[%get3A_532] {strides = array<i32>} : memref<4096xi32, #tpu.memory_space<vmem>>, vector<16xi32>,
      %get3A_534 = vector.shape_cast %get3A_533 : vector<16xi32> to vector<16xi32>
      %mul3A_535 = arith.constant 16 : i32
      %mul3A_536 = arith.muli %scan3A_486, %mul3A_535 : i32
      %add3A_537 = arith.constant 1792 : i32
      %add3A_538 = arith.addi %add3A_537, %mul3A_536 : i32
      %get3A_539 = arith.index_cast %add3A_538 : i32 to index
      %get3A_540 = tpu.vector_load %arg5[%get3A_539] {strides = array<i32>} : memref<4096xi32, #tpu.memory_space<vmem>>, vector<16xi32>,
      %get3A_541 = vector.shape_cast %get3A_540 : vector<16xi32> to vector<16xi32>
      %mul3A_542 = arith.constant 16 : i32
      %mul3A_543 = arith.muli %scan3A_486, %mul3A_542 : i32
      %add3A_544 = arith.constant 2048 : i32
      %add3A_545 = arith.addi %add3A_544, %mul3A_543 : i32
      %get3A_546 = arith.index_cast %add3A_545 : i32 to index
      %get3A_547 = tpu.vector_load %arg5[%get3A_546] {strides = array<i32>} : memref<4096xi32, #tpu.memory_space<vmem>>, vector<16xi32>,
      %get3A_548 = vector.shape_cast %get3A_547 : vector<16xi32> to vector<16xi32>
      %mul3A_549 = arith.constant 16 : i32
      %mul3A_550 = arith.muli %scan3A_486, %mul3A_549 : i32
      %add3A_551 = arith.constant 2304 : i32
      %add3A_552 = arith.addi %add3A_551, %mul3A_550 : i32
      %get3A_553 = arith.index_cast %add3A_552 : i32 to index
      %get3A_554 = tpu.vector_load %arg5[%get3A_553] {strides = array<i32>} : memref<4096xi32, #tpu.memory_space<vmem>>, vector<16xi32>,
      %get3A_555 = vector.shape_cast %get3A_554 : vector<16xi32> to vector<16xi32>
      %mul3A_556 = arith.constant 16 : i32
      %mul3A_557 = arith.muli %scan3A_486, %mul3A_556 : i32
      %add3A_558 = arith.constant 2560 : i32
      %add3A_559 = arith.addi %add3A_558, %mul3A_557 : i32
      %get3A_560 = arith.index_cast %add3A_559 : i32 to index
      %get3A_561 = tpu.vector_load %arg5[%get3A_560] {strides = array<i32>} : memref<4096xi32, #tpu.memory_space<vmem>>, vector<16xi32>,
      %get3A_562 = vector.shape_cast %get3A_561 : vector<16xi32> to vector<16xi32>
      %mul3A_563 = arith.constant 16 : i32
      %mul3A_564 = arith.muli %scan3A_486, %mul3A_563 : i32
      %add3A_565 = arith.constant 2816 : i32
      %add3A_566 = arith.addi %add3A_565, %mul3A_564 : i32
      %get3A_567 = arith.index_cast %add3A_566 : i32 to index
      %get3A_568 = tpu.vector_load %arg5[%get3A_567] {strides = array<i32>} : memref<4096xi32, #tpu.memory_space<vmem>>, vector<16xi32>,
      %get3A_569 = vector.shape_cast %get3A_568 : vector<16xi32> to vector<16xi32>
      %mul3A_570 = arith.constant 16 : i32
      %mul3A_571 = arith.muli %scan3A_486, %mul3A_570 : i32
      %add3A_572 = arith.constant 3072 : i32
      %add3A_573 = arith.addi %add3A_572, %mul3A_571 : i32
      %get3A_574 = arith.index_cast %add3A_573 : i32 to index
      %get3A_575 = tpu.vector_load %arg5[%get3A_574] {strides = array<i32>} : memref<4096xi32, #tpu.memory_space<vmem>>, vector<16xi32>,
      %get3A_576 = vector.shape_cast %get3A_575 : vector<16xi32> to vector<16xi32>
      %mul3A_577 = arith.constant 16 : i32
      %mul3A_578 = arith.muli %scan3A_486, %mul3A_577 : i32
      %add3A_579 = arith.constant 3328 : i32
      %add3A_580 = arith.addi %add3A_579, %mul3A_578 : i32
      %get3A_581 = arith.index_cast %add3A_580 : i32 to index
      %get3A_582 = tpu.vector_load %arg5[%get3A_581] {strides = array<i32>} : memref<4096xi32, #tpu.memory_space<vmem>>, vector<16xi32>,
      %get3A_583 = vector.shape_cast %get3A_582 : vector<16xi32> to vector<16xi32>
      %mul3A_584 = arith.constant 16 : i32
      %mul3A_585 = arith.muli %scan3A_486, %mul3A_584 : i32
      %add3A_586 = arith.constant 3584 : i32
      %add3A_587 = arith.addi %add3A_586, %mul3A_585 : i32
      %get3A_588 = arith.index_cast %add3A_587 : i32 to index
      %get3A_589 = tpu.vector_load %arg5[%get3A_588] {strides = array<i32>} : memref<4096xi32, #tpu.memory_space<vmem>>, vector<16xi32>,
      %get3A_590 = vector.shape_cast %get3A_589 : vector<16xi32> to vector<16xi32>
      %mul3A_591 = arith.constant 16 : i32
      %mul3A_592 = arith.muli %scan3A_486, %mul3A_591 : i32
      %add3A_593 = arith.constant 3840 : i32
      %add3A_594 = arith.addi %add3A_593, %mul3A_592 : i32
      %get3A_595 = arith.index_cast %add3A_594 : i32 to index
      %get3A_596 = tpu.vector_load %arg5[%get3A_595] {strides = array<i32>} : memref<4096xi32, #tpu.memory_space<vmem>>, vector<16xi32>,
      %get3A_597 = vector.shape_cast %get3A_596 : vector<16xi32> to vector<16xi32>
      %and3A_598 = arith.constant 1 : i32
      %and3A_599 = vector.broadcast %and3A_598 : i32 to vector<16xi32>
      %and3A_600 = arith.andi %iota3A, %and3A_599 : vector<16xi32>
      %eq3A_601 = arith.constant 0 : i32
      %eq3A_602 = vector.broadcast %eq3A_601 : i32 to vector<16xi32>
      %eq3A_603 = arith.cmpi eq, %and3A_600, %eq3A_602 : vector<16xi32>
      %broadcast_in_dim3A = vector.shape_cast %xor3A_51 : vector<16xi32> to vector<16x1xi32>
      %gather3A = vector.shape_cast %broadcast_in_dim3A : vector<16x1xi32> to vector<16xi32>
      %gather3A_604 = tpu.dynamic_gather %get3A_499[%gather3A] in [0] : vector<16xi32>, vector<16xi32> -> vector<16xi32>
      %select_n3A_605 = arith.select %eq3A_603, %get3A_492, %gather3A_604 : vector<16xi1>, vector<16xi32>
      %broadcast_in_dim3A_606 = vector.shape_cast %xor3A_51 : vector<16xi32> to vector<16x1xi32>
      %gather3A_607 = vector.shape_cast %broadcast_in_dim3A_606 : vector<16x1xi32> to vector<16xi32>
      %gather3A_608 = tpu.dynamic_gather %get3A_492[%gather3A_607] in [0] : vector<16xi32>, vector<16xi32> -> vector<16xi32>
      %select_n3A_609 = arith.select %eq3A_603, %gather3A_608, %get3A_499 : vector<16xi1>, vector<16xi32>
      %broadcast_in_dim3A_610 = vector.shape_cast %xor3A_51 : vector<16xi32> to vector<16x1xi32>
      %gather3A_611 = vector.shape_cast %broadcast_in_dim3A_610 : vector<16x1xi32> to vector<16xi32>
      %gather3A_612 = tpu.dynamic_gather %get3A_513[%gather3A_611] in [0] : vector<16xi32>, vector<16xi32> -> vector<16xi32>
      %select_n3A_613 = arith.select %eq3A_603, %get3A_506, %gather3A_612 : vector<16xi1>, vector<16xi32>
      %broadcast_in_dim3A_614 = vector.shape_cast %xor3A_51 : vector<16xi32> to vector<16x1xi32>
      %gather3A_615 = vector.shape_cast %broadcast_in_dim3A_614 : vector<16x1xi32> to vector<16xi32>
      %gather3A_616 = tpu.dynamic_gather %get3A_506[%gather3A_615] in [0] : vector<16xi32>, vector<16xi32> -> vector<16xi32>
      %select_n3A_617 = arith.select %eq3A_603, %gather3A_616, %get3A_513 : vector<16xi1>, vector<16xi32>
      %broadcast_in_dim3A_618 = vector.shape_cast %xor3A_51 : vector<16xi32> to vector<16x1xi32>
      %gather3A_619 = vector.shape_cast %broadcast_in_dim3A_618 : vector<16x1xi32> to vector<16xi32>
      %gather3A_620 = tpu.dynamic_gather %get3A_527[%gather3A_619] in [0] : vector<16xi32>, vector<16xi32> -> vector<16xi32>
      %select_n3A_621 = arith.select %eq3A_603, %get3A_520, %gather3A_620 : vector<16xi1>, vector<16xi32>
      %broadcast_in_dim3A_622 = vector.shape_cast %xor3A_51 : vector<16xi32> to vector<16x1xi32>
      %gather3A_623 = vector.shape_cast %broadcast_in_dim3A_622 : vector<16x1xi32> to vector<16xi32>
      %gather3A_624 = tpu.dynamic_gather %get3A_520[%gather3A_623] in [0] : vector<16xi32>, vector<16xi32> -> vector<16xi32>
      %select_n3A_625 = arith.select %eq3A_603, %gather3A_624, %get3A_527 : vector<16xi1>, vector<16xi32>
      %broadcast_in_dim3A_626 = vector.shape_cast %xor3A_51 : vector<16xi32> to vector<16x1xi32>
      %gather3A_627 = vector.shape_cast %broadcast_in_dim3A_626 : vector<16x1xi32> to vector<16xi32>
      %gather3A_628 = tpu.dynamic_gather %get3A_541[%gather3A_627] in [0] : vector<16xi32>, vector<16xi32> -> vector<16xi32>
      %select_n3A_629 = arith.select %eq3A_603, %get3A_534, %gather3A_628 : vector<16xi1>, vector<16xi32>
      %broadcast_in_dim3A_630 = vector.shape_cast %xor3A_51 : vector<16xi32> to vector<16x1xi32>
      %gather3A_631 = vector.shape_cast %broadcast_in_dim3A_630 : vector<16x1xi32> to vector<16xi32>
      %gather3A_632 = tpu.dynamic_gather %get3A_534[%gather3A_631] in [0] : vector<16xi32>, vector<16xi32> -> vector<16xi32>
      %select_n3A_633 = arith.select %eq3A_603, %gather3A_632, %get3A_541 : vector<16xi1>, vector<16xi32>
      %broadcast_in_dim3A_634 = vector.shape_cast %xor3A_51 : vector<16xi32> to vector<16x1xi32>
      %gather3A_635 = vector.shape_cast %broadcast_in_dim3A_634 : vector<16x1xi32> to vector<16xi32>
      %gather3A_636 = tpu.dynamic_gather %get3A_555[%gather3A_635] in [0] : vector<16xi32>, vector<16xi32> -> vector<16xi32>
      %select_n3A_637 = arith.select %eq3A_603, %get3A_548, %gather3A_636 : vector<16xi1>, vector<16xi32>
      %broadcast_in_dim3A_638 = vector.shape_cast %xor3A_51 : vector<16xi32> to vector<16x1xi32>
      %gather3A_639 = vector.shape_cast %broadcast_in_dim3A_638 : vector<16x1xi32> to vector<16xi32>
      %gather3A_640 = tpu.dynamic_gather %get3A_548[%gather3A_639] in [0] : vector<16xi32>, vector<16xi32> -> vector<16xi32>
      %select_n3A_641 = arith.select %eq3A_603, %gather3A_640, %get3A_555 : vector<16xi1>, vector<16xi32>
      %broadcast_in_dim3A_642 = vector.shape_cast %xor3A_51 : vector<16xi32> to vector<16x1xi32>
      %gather3A_643 = vector.shape_cast %broadcast_in_dim3A_642 : vector<16x1xi32> to vector<16xi32>
      %gather3A_644 = tpu.dynamic_gather %get3A_569[%gather3A_643] in [0] : vector<16xi32>, vector<16xi32> -> vector<16xi32>
      %select_n3A_645 = arith.select %eq3A_603, %get3A_562, %gather3A_644 : vector<16xi1>, vector<16xi32>
      %broadcast_in_dim3A_646 = vector.shape_cast %xor3A_51 : vector<16xi32> to vector<16x1xi32>
      %gather3A_647 = vector.shape_cast %broadcast_in_dim3A_646 : vector<16x1xi32> to vector<16xi32>
      %gather3A_648 = tpu.dynamic_gather %get3A_562[%gather3A_647] in [0] : vector<16xi32>, vector<16xi32> -> vector<16xi32>
      %select_n3A_649 = arith.select %eq3A_603, %gather3A_648, %get3A_569 : vector<16xi1>, vector<16xi32>
      %broadcast_in_dim3A_650 = vector.shape_cast %xor3A_51 : vector<16xi32> to vector<16x1xi32>
      %gather3A_651 = vector.shape_cast %broadcast_in_dim3A_650 : vector<16x1xi32> to vector<16xi32>
      %gather3A_652 = tpu.dynamic_gather %get3A_583[%gather3A_651] in [0] : vector<16xi32>, vector<16xi32> -> vector<16xi32>
      %select_n3A_653 = arith.select %eq3A_603, %get3A_576, %gather3A_652 : vector<16xi1>, vector<16xi32>
      %broadcast_in_dim3A_654 = vector.shape_cast %xor3A_51 : vector<16xi32> to vector<16x1xi32>
      %gather3A_655 = vector.shape_cast %broadcast_in_dim3A_654 : vector<16x1xi32> to vector<16xi32>
      %gather3A_656 = tpu.dynamic_gather %get3A_576[%gather3A_655] in [0] : vector<16xi32>, vector<16xi32> -> vector<16xi32>
      %select_n3A_657 = arith.select %eq3A_603, %gather3A_656, %get3A_583 : vector<16xi1>, vector<16xi32>
      %broadcast_in_dim3A_658 = vector.shape_cast %xor3A_51 : vector<16xi32> to vector<16x1xi32>
      %gather3A_659 = vector.shape_cast %broadcast_in_dim3A_658 : vector<16x1xi32> to vector<16xi32>
      %gather3A_660 = tpu.dynamic_gather %get3A_597[%gather3A_659] in [0] : vector<16xi32>, vector<16xi32> -> vector<16xi32>
      %select_n3A_661 = arith.select %eq3A_603, %get3A_590, %gather3A_660 : vector<16xi1>, vector<16xi32>
      %broadcast_in_dim3A_662 = vector.shape_cast %xor3A_51 : vector<16xi32> to vector<16x1xi32>
      %gather3A_663 = vector.shape_cast %broadcast_in_dim3A_662 : vector<16x1xi32> to vector<16xi32>
      %gather3A_664 = tpu.dynamic_gather %get3A_590[%gather3A_663] in [0] : vector<16xi32>, vector<16xi32> -> vector<16xi32>
      %select_n3A_665 = arith.select %eq3A_603, %gather3A_664, %get3A_597 : vector<16xi1>, vector<16xi32>
      %and3A_666 = arith.constant 2 : i32
      %and3A_667 = vector.broadcast %and3A_666 : i32 to vector<16xi32>
      %and3A_668 = arith.andi %iota3A, %and3A_667 : vector<16xi32>
      %eq3A_669 = arith.constant 0 : i32
      %eq3A_670 = vector.broadcast %eq3A_669 : i32 to vector<16xi32>
      %eq3A_671 = arith.cmpi eq, %and3A_668, %eq3A_670 : vector<16xi32>
      %broadcast_in_dim3A_672 = vector.shape_cast %xor3A_54 : vector<16xi32> to vector<16x1xi32>
      %gather3A_673 = vector.shape_cast %broadcast_in_dim3A_672 : vector<16x1xi32> to vector<16xi32>
      %gather3A_674 = tpu.dynamic_gather %select_n3A_613[%gather3A_673] in [0] : vector<16xi32>, vector<16xi32> -> vector<16xi32>
      %select_n3A_675 = arith.select %eq3A_671, %select_n3A_605, %gather3A_674 : vector<16xi1>, vector<16xi32>
      %broadcast_in_dim3A_676 = vector.shape_cast %xor3A_54 : vector<16xi32> to vector<16x1xi32>
      %gather3A_677 = vector.shape_cast %broadcast_in_dim3A_676 : vector<16x1xi32> to vector<16xi32>
      %gather3A_678 = tpu.dynamic_gather %select_n3A_605[%gather3A_677] in [0] : vector<16xi32>, vector<16xi32> -> vector<16xi32>
      %select_n3A_679 = arith.select %eq3A_671, %gather3A_678, %select_n3A_613 : vector<16xi1>, vector<16xi32>
      %broadcast_in_dim3A_680 = vector.shape_cast %xor3A_54 : vector<16xi32> to vector<16x1xi32>
      %gather3A_681 = vector.shape_cast %broadcast_in_dim3A_680 : vector<16x1xi32> to vector<16xi32>
      %gather3A_682 = tpu.dynamic_gather %select_n3A_617[%gather3A_681] in [0] : vector<16xi32>, vector<16xi32> -> vector<16xi32>
      %select_n3A_683 = arith.select %eq3A_671, %select_n3A_609, %gather3A_682 : vector<16xi1>, vector<16xi32>
      %broadcast_in_dim3A_684 = vector.shape_cast %xor3A_54 : vector<16xi32> to vector<16x1xi32>
      %gather3A_685 = vector.shape_cast %broadcast_in_dim3A_684 : vector<16x1xi32> to vector<16xi32>
      %gather3A_686 = tpu.dynamic_gather %select_n3A_609[%gather3A_685] in [0] : vector<16xi32>, vector<16xi32> -> vector<16xi32>
      %select_n3A_687 = arith.select %eq3A_671, %gather3A_686, %select_n3A_617 : vector<16xi1>, vector<16xi32>
      %broadcast_in_dim3A_688 = vector.shape_cast %xor3A_54 : vector<16xi32> to vector<16x1xi32>
      %gather3A_689 = vector.shape_cast %broadcast_in_dim3A_688 : vector<16x1xi32> to vector<16xi32>
      %gather3A_690 = tpu.dynamic_gather %select_n3A_629[%gather3A_689] in [0] : vector<16xi32>, vector<16xi32> -> vector<16xi32>
      %select_n3A_691 = arith.select %eq3A_671, %select_n3A_621, %gather3A_690 : vector<16xi1>, vector<16xi32>
      %broadcast_in_dim3A_692 = vector.shape_cast %xor3A_54 : vector<16xi32> to vector<16x1xi32>
      %gather3A_693 = vector.shape_cast %broadcast_in_dim3A_692 : vector<16x1xi32> to vector<16xi32>
      %gather3A_694 = tpu.dynamic_gather %select_n3A_621[%gather3A_693] in [0] : vector<16xi32>, vector<16xi32> -> vector<16xi32>
      %select_n3A_695 = arith.select %eq3A_671, %gather3A_694, %select_n3A_629 : vector<16xi1>, vector<16xi32>
      %broadcast_in_dim3A_696 = vector.shape_cast %xor3A_54 : vector<16xi32> to vector<16x1xi32>
      %gather3A_697 = vector.shape_cast %broadcast_in_dim3A_696 : vector<16x1xi32> to vector<16xi32>
      %gather3A_698 = tpu.dynamic_gather %select_n3A_633[%gather3A_697] in [0] : vector<16xi32>, vector<16xi32> -> vector<16xi32>
      %select_n3A_699 = arith.select %eq3A_671, %select_n3A_625, %gather3A_698 : vector<16xi1>, vector<16xi32>
      %broadcast_in_dim3A_700 = vector.shape_cast %xor3A_54 : vector<16xi32> to vector<16x1xi32>
      %gather3A_701 = vector.shape_cast %broadcast_in_dim3A_700 : vector<16x1xi32> to vector<16xi32>
      %gather3A_702 = tpu.dynamic_gather %select_n3A_625[%gather3A_701] in [0] : vector<16xi32>, vector<16xi32> -> vector<16xi32>
      %select_n3A_703 = arith.select %eq3A_671, %gather3A_702, %select_n3A_633 : vector<16xi1>, vector<16xi32>
      %broadcast_in_dim3A_704 = vector.shape_cast %xor3A_54 : vector<16xi32> to vector<16x1xi32>
      %gather3A_705 = vector.shape_cast %broadcast_in_dim3A_704 : vector<16x1xi32> to vector<16xi32>
      %gather3A_706 = tpu.dynamic_gather %select_n3A_645[%gather3A_705] in [0] : vector<16xi32>, vector<16xi32> -> vector<16xi32>
      %select_n3A_707 = arith.select %eq3A_671, %select_n3A_637, %gather3A_706 : vector<16xi1>, vector<16xi32>
      %broadcast_in_dim3A_708 = vector.shape_cast %xor3A_54 : vector<16xi32> to vector<16x1xi32>
      %gather3A_709 = vector.shape_cast %broadcast_in_dim3A_708 : vector<16x1xi32> to vector<16xi32>
      %gather3A_710 = tpu.dynamic_gather %select_n3A_637[%gather3A_709] in [0] : vector<16xi32>, vector<16xi32> -> vector<16xi32>
      %select_n3A_711 = arith.select %eq3A_671, %gather3A_710, %select_n3A_645 : vector<16xi1>, vector<16xi32>
      %broadcast_in_dim3A_712 = vector.shape_cast %xor3A_54 : vector<16xi32> to vector<16x1xi32>
      %gather3A_713 = vector.shape_cast %broadcast_in_dim3A_712 : vector<16x1xi32> to vector<16xi32>
      %gather3A_714 = tpu.dynamic_gather %select_n3A_649[%gather3A_713] in [0] : vector<16xi32>, vector<16xi32> -> vector<16xi32>
      %select_n3A_715 = arith.select %eq3A_671, %select_n3A_641, %gather3A_714 : vector<16xi1>, vector<16xi32>
      %broadcast_in_dim3A_716 = vector.shape_cast %xor3A_54 : vector<16xi32> to vector<16x1xi32>
      %gather3A_717 = vector.shape_cast %broadcast_in_dim3A_716 : vector<16x1xi32> to vector<16xi32>
      %gather3A_718 = tpu.dynamic_gather %select_n3A_641[%gather3A_717] in [0] : vector<16xi32>, vector<16xi32> -> vector<16xi32>
      %select_n3A_719 = arith.select %eq3A_671, %gather3A_718, %select_n3A_649 : vector<16xi1>, vector<16xi32>
      %broadcast_in_dim3A_720 = vector.shape_cast %xor3A_54 : vector<16xi32> to vector<16x1xi32>
      %gather3A_721 = vector.shape_cast %broadcast_in_dim3A_720 : vector<16x1xi32> to vector<16xi32>
      %gather3A_722 = tpu.dynamic_gather %select_n3A_661[%gather3A_721] in [0] : vector<16xi32>, vector<16xi32> -> vector<16xi32>
      %select_n3A_723 = arith.select %eq3A_671, %select_n3A_653, %gather3A_722 : vector<16xi1>, vector<16xi32>
      %broadcast_in_dim3A_724 = vector.shape_cast %xor3A_54 : vector<16xi32> to vector<16x1xi32>
      %gather3A_725 = vector.shape_cast %broadcast_in_dim3A_724 : vector<16x1xi32> to vector<16xi32>
      %gather3A_726 = tpu.dynamic_gather %select_n3A_653[%gather3A_725] in [0] : vector<16xi32>, vector<16xi32> -> vector<16xi32>
      %select_n3A_727 = arith.select %eq3A_671, %gather3A_726, %select_n3A_661 : vector<16xi1>, vector<16xi32>
      %broadcast_in_dim3A_728 = vector.shape_cast %xor3A_54 : vector<16xi32> to vector<16x1xi32>
      %gather3A_729 = vector.shape_cast %broadcast_in_dim3A_728 : vector<16x1xi32> to vector<16xi32>
      %gather3A_730 = tpu.dynamic_gather %select_n3A_665[%gather3A_729] in [0] : vector<16xi32>, vector<16xi32> -> vector<16xi32>
      %select_n3A_731 = arith.select %eq3A_671, %select_n3A_657, %gather3A_730 : vector<16xi1>, vector<16xi32>
      %broadcast_in_dim3A_732 = vector.shape_cast %xor3A_54 : vector<16xi32> to vector<16x1xi32>
      %gather3A_733 = vector.shape_cast %broadcast_in_dim3A_732 : vector<16x1xi32> to vector<16xi32>
      %gather3A_734 = tpu.dynamic_gather %select_n3A_657[%gather3A_733] in [0] : vector<16xi32>, vector<16xi32> -> vector<16xi32>
      %select_n3A_735 = arith.select %eq3A_671, %gather3A_734, %select_n3A_665 : vector<16xi1>, vector<16xi32>
      %and3A_736 = arith.constant 4 : i32
      %and3A_737 = vector.broadcast %and3A_736 : i32 to vector<16xi32>
      %and3A_738 = arith.andi %iota3A, %and3A_737 : vector<16xi32>
      %eq3A_739 = arith.constant 0 : i32
      %eq3A_740 = vector.broadcast %eq3A_739 : i32 to vector<16xi32>
      %eq3A_741 = arith.cmpi eq, %and3A_738, %eq3A_740 : vector<16xi32>
      %broadcast_in_dim3A_742 = vector.shape_cast %xor3A_57 : vector<16xi32> to vector<16x1xi32>
      %gather3A_743 = vector.shape_cast %broadcast_in_dim3A_742 : vector<16x1xi32> to vector<16xi32>
      %gather3A_744 = tpu.dynamic_gather %select_n3A_691[%gather3A_743] in [0] : vector<16xi32>, vector<16xi32> -> vector<16xi32>
      %select_n3A_745 = arith.select %eq3A_741, %select_n3A_675, %gather3A_744 : vector<16xi1>, vector<16xi32>
      %broadcast_in_dim3A_746 = vector.shape_cast %xor3A_57 : vector<16xi32> to vector<16x1xi32>
      %gather3A_747 = vector.shape_cast %broadcast_in_dim3A_746 : vector<16x1xi32> to vector<16xi32>
      %gather3A_748 = tpu.dynamic_gather %select_n3A_675[%gather3A_747] in [0] : vector<16xi32>, vector<16xi32> -> vector<16xi32>
      %select_n3A_749 = arith.select %eq3A_741, %gather3A_748, %select_n3A_691 : vector<16xi1>, vector<16xi32>
      %broadcast_in_dim3A_750 = vector.shape_cast %xor3A_57 : vector<16xi32> to vector<16x1xi32>
      %gather3A_751 = vector.shape_cast %broadcast_in_dim3A_750 : vector<16x1xi32> to vector<16xi32>
      %gather3A_752 = tpu.dynamic_gather %select_n3A_699[%gather3A_751] in [0] : vector<16xi32>, vector<16xi32> -> vector<16xi32>
      %select_n3A_753 = arith.select %eq3A_741, %select_n3A_683, %gather3A_752 : vector<16xi1>, vector<16xi32>
      %broadcast_in_dim3A_754 = vector.shape_cast %xor3A_57 : vector<16xi32> to vector<16x1xi32>
      %gather3A_755 = vector.shape_cast %broadcast_in_dim3A_754 : vector<16x1xi32> to vector<16xi32>
      %gather3A_756 = tpu.dynamic_gather %select_n3A_683[%gather3A_755] in [0] : vector<16xi32>, vector<16xi32> -> vector<16xi32>
      %select_n3A_757 = arith.select %eq3A_741, %gather3A_756, %select_n3A_699 : vector<16xi1>, vector<16xi32>
      %broadcast_in_dim3A_758 = vector.shape_cast %xor3A_57 : vector<16xi32> to vector<16x1xi32>
      %gather3A_759 = vector.shape_cast %broadcast_in_dim3A_758 : vector<16x1xi32> to vector<16xi32>
      %gather3A_760 = tpu.dynamic_gather %select_n3A_695[%gather3A_759] in [0] : vector<16xi32>, vector<16xi32> -> vector<16xi32>
      %select_n3A_761 = arith.select %eq3A_741, %select_n3A_679, %gather3A_760 : vector<16xi1>, vector<16xi32>
      %broadcast_in_dim3A_762 = vector.shape_cast %xor3A_57 : vector<16xi32> to vector<16x1xi32>
      %gather3A_763 = vector.shape_cast %broadcast_in_dim3A_762 : vector<16x1xi32> to vector<16xi32>
      %gather3A_764 = tpu.dynamic_gather %select_n3A_679[%gather3A_763] in [0] : vector<16xi32>, vector<16xi32> -> vector<16xi32>
      %select_n3A_765 = arith.select %eq3A_741, %gather3A_764, %select_n3A_695 : vector<16xi1>, vector<16xi32>
      %broadcast_in_dim3A_766 = vector.shape_cast %xor3A_57 : vector<16xi32> to vector<16x1xi32>
      %gather3A_767 = vector.shape_cast %broadcast_in_dim3A_766 : vector<16x1xi32> to vector<16xi32>
      %gather3A_768 = tpu.dynamic_gather %select_n3A_703[%gather3A_767] in [0] : vector<16xi32>, vector<16xi32> -> vector<16xi32>
      %select_n3A_769 = arith.select %eq3A_741, %select_n3A_687, %gather3A_768 : vector<16xi1>, vector<16xi32>
      %broadcast_in_dim3A_770 = vector.shape_cast %xor3A_57 : vector<16xi32> to vector<16x1xi32>
      %gather3A_771 = vector.shape_cast %broadcast_in_dim3A_770 : vector<16x1xi32> to vector<16xi32>
      %gather3A_772 = tpu.dynamic_gather %select_n3A_687[%gather3A_771] in [0] : vector<16xi32>, vector<16xi32> -> vector<16xi32>
      %select_n3A_773 = arith.select %eq3A_741, %gather3A_772, %select_n3A_703 : vector<16xi1>, vector<16xi32>
      %broadcast_in_dim3A_774 = vector.shape_cast %xor3A_57 : vector<16xi32> to vector<16x1xi32>
      %gather3A_775 = vector.shape_cast %broadcast_in_dim3A_774 : vector<16x1xi32> to vector<16xi32>
      %gather3A_776 = tpu.dynamic_gather %select_n3A_723[%gather3A_775] in [0] : vector<16xi32>, vector<16xi32> -> vector<16xi32>
      %select_n3A_777 = arith.select %eq3A_741, %select_n3A_707, %gather3A_776 : vector<16xi1>, vector<16xi32>
      %broadcast_in_dim3A_778 = vector.shape_cast %xor3A_57 : vector<16xi32> to vector<16x1xi32>
      %gather3A_779 = vector.shape_cast %broadcast_in_dim3A_778 : vector<16x1xi32> to vector<16xi32>
      %gather3A_780 = tpu.dynamic_gather %select_n3A_707[%gather3A_779] in [0] : vector<16xi32>, vector<16xi32> -> vector<16xi32>
      %select_n3A_781 = arith.select %eq3A_741, %gather3A_780, %select_n3A_723 : vector<16xi1>, vector<16xi32>
      %broadcast_in_dim3A_782 = vector.shape_cast %xor3A_57 : vector<16xi32> to vector<16x1xi32>
      %gather3A_783 = vector.shape_cast %broadcast_in_dim3A_782 : vector<16x1xi32> to vector<16xi32>
      %gather3A_784 = tpu.dynamic_gather %select_n3A_731[%gather3A_783] in [0] : vector<16xi32>, vector<16xi32> -> vector<16xi32>
      %select_n3A_785 = arith.select %eq3A_741, %select_n3A_715, %gather3A_784 : vector<16xi1>, vector<16xi32>
      %broadcast_in_dim3A_786 = vector.shape_cast %xor3A_57 : vector<16xi32> to vector<16x1xi32>
      %gather3A_787 = vector.shape_cast %broadcast_in_dim3A_786 : vector<16x1xi32> to vector<16xi32>
      %gather3A_788 = tpu.dynamic_gather %select_n3A_715[%gather3A_787] in [0] : vector<16xi32>, vector<16xi32> -> vector<16xi32>
      %select_n3A_789 = arith.select %eq3A_741, %gather3A_788, %select_n3A_731 : vector<16xi1>, vector<16xi32>
      %broadcast_in_dim3A_790 = vector.shape_cast %xor3A_57 : vector<16xi32> to vector<16x1xi32>
      %gather3A_791 = vector.shape_cast %broadcast_in_dim3A_790 : vector<16x1xi32> to vector<16xi32>
      %gather3A_792 = tpu.dynamic_gather %select_n3A_727[%gather3A_791] in [0] : vector<16xi32>, vector<16xi32> -> vector<16xi32>
      %select_n3A_793 = arith.select %eq3A_741, %select_n3A_711, %gather3A_792 : vector<16xi1>, vector<16xi32>
      %broadcast_in_dim3A_794 = vector.shape_cast %xor3A_57 : vector<16xi32> to vector<16x1xi32>
      %gather3A_795 = vector.shape_cast %broadcast_in_dim3A_794 : vector<16x1xi32> to vector<16xi32>
      %gather3A_796 = tpu.dynamic_gather %select_n3A_711[%gather3A_795] in [0] : vector<16xi32>, vector<16xi32> -> vector<16xi32>
      %select_n3A_797 = arith.select %eq3A_741, %gather3A_796, %select_n3A_727 : vector<16xi1>, vector<16xi32>
      %broadcast_in_dim3A_798 = vector.shape_cast %xor3A_57 : vector<16xi32> to vector<16x1xi32>
      %gather3A_799 = vector.shape_cast %broadcast_in_dim3A_798 : vector<16x1xi32> to vector<16xi32>
      %gather3A_800 = tpu.dynamic_gather %select_n3A_735[%gather3A_799] in [0] : vector<16xi32>, vector<16xi32> -> vector<16xi32>
      %select_n3A_801 = arith.select %eq3A_741, %select_n3A_719, %gather3A_800 : vector<16xi1>, vector<16xi32>
      %broadcast_in_dim3A_802 = vector.shape_cast %xor3A_57 : vector<16xi32> to vector<16x1xi32>
      %gather3A_803 = vector.shape_cast %broadcast_in_dim3A_802 : vector<16x1xi32> to vector<16xi32>
      %gather3A_804 = tpu.dynamic_gather %select_n3A_719[%gather3A_803] in [0] : vector<16xi32>, vector<16xi32> -> vector<16xi32>
      %select_n3A_805 = arith.select %eq3A_741, %gather3A_804, %select_n3A_735 : vector<16xi1>, vector<16xi32>
      %and3A_806 = arith.constant 8 : i32
      %and3A_807 = vector.broadcast %and3A_806 : i32 to vector<16xi32>
      %and3A_808 = arith.andi %iota3A, %and3A_807 : vector<16xi32>
      %eq3A_809 = arith.constant 0 : i32
      %eq3A_810 = vector.broadcast %eq3A_809 : i32 to vector<16xi32>
      %eq3A_811 = arith.cmpi eq, %and3A_808, %eq3A_810 : vector<16xi32>
      %broadcast_in_dim3A_812 = vector.shape_cast %xor3A_60 : vector<16xi32> to vector<16x1xi32>
      %gather3A_813 = vector.shape_cast %broadcast_in_dim3A_812 : vector<16x1xi32> to vector<16xi32>
      %gather3A_814 = tpu.dynamic_gather %select_n3A_777[%gather3A_813] in [0] : vector<16xi32>, vector<16xi32> -> vector<16xi32>
      %select_n3A_815 = arith.select %eq3A_811, %select_n3A_745, %gather3A_814 : vector<16xi1>, vector<16xi32>
      %broadcast_in_dim3A_816 = vector.shape_cast %xor3A_60 : vector<16xi32> to vector<16x1xi32>
      %gather3A_817 = vector.shape_cast %broadcast_in_dim3A_816 : vector<16x1xi32> to vector<16xi32>
      %gather3A_818 = tpu.dynamic_gather %select_n3A_745[%gather3A_817] in [0] : vector<16xi32>, vector<16xi32> -> vector<16xi32>
      %select_n3A_819 = arith.select %eq3A_811, %gather3A_818, %select_n3A_777 : vector<16xi1>, vector<16xi32>
      %broadcast_in_dim3A_820 = vector.shape_cast %xor3A_60 : vector<16xi32> to vector<16x1xi32>
      %gather3A_821 = vector.shape_cast %broadcast_in_dim3A_820 : vector<16x1xi32> to vector<16xi32>
      %gather3A_822 = tpu.dynamic_gather %select_n3A_785[%gather3A_821] in [0] : vector<16xi32>, vector<16xi32> -> vector<16xi32>
      %select_n3A_823 = arith.select %eq3A_811, %select_n3A_753, %gather3A_822 : vector<16xi1>, vector<16xi32>
      %broadcast_in_dim3A_824 = vector.shape_cast %xor3A_60 : vector<16xi32> to vector<16x1xi32>
      %gather3A_825 = vector.shape_cast %broadcast_in_dim3A_824 : vector<16x1xi32> to vector<16xi32>
      %gather3A_826 = tpu.dynamic_gather %select_n3A_753[%gather3A_825] in [0] : vector<16xi32>, vector<16xi32> -> vector<16xi32>
      %select_n3A_827 = arith.select %eq3A_811, %gather3A_826, %select_n3A_785 : vector<16xi1>, vector<16xi32>
      %broadcast_in_dim3A_828 = vector.shape_cast %xor3A_60 : vector<16xi32> to vector<16x1xi32>
      %gather3A_829 = vector.shape_cast %broadcast_in_dim3A_828 : vector<16x1xi32> to vector<16xi32>
      %gather3A_830 = tpu.dynamic_gather %select_n3A_793[%gather3A_829] in [0] : vector<16xi32>, vector<16xi32> -> vector<16xi32>
      %select_n3A_831 = arith.select %eq3A_811, %select_n3A_761, %gather3A_830 : vector<16xi1>, vector<16xi32>
      %broadcast_in_dim3A_832 = vector.shape_cast %xor3A_60 : vector<16xi32> to vector<16x1xi32>
      %gather3A_833 = vector.shape_cast %broadcast_in_dim3A_832 : vector<16x1xi32> to vector<16xi32>
      %gather3A_834 = tpu.dynamic_gather %select_n3A_761[%gather3A_833] in [0] : vector<16xi32>, vector<16xi32> -> vector<16xi32>
      %select_n3A_835 = arith.select %eq3A_811, %gather3A_834, %select_n3A_793 : vector<16xi1>, vector<16xi32>
      %broadcast_in_dim3A_836 = vector.shape_cast %xor3A_60 : vector<16xi32> to vector<16x1xi32>
      %gather3A_837 = vector.shape_cast %broadcast_in_dim3A_836 : vector<16x1xi32> to vector<16xi32>
      %gather3A_838 = tpu.dynamic_gather %select_n3A_801[%gather3A_837] in [0] : vector<16xi32>, vector<16xi32> -> vector<16xi32>
      %select_n3A_839 = arith.select %eq3A_811, %select_n3A_769, %gather3A_838 : vector<16xi1>, vector<16xi32>
      %broadcast_in_dim3A_840 = vector.shape_cast %xor3A_60 : vector<16xi32> to vector<16x1xi32>
      %gather3A_841 = vector.shape_cast %broadcast_in_dim3A_840 : vector<16x1xi32> to vector<16xi32>
      %gather3A_842 = tpu.dynamic_gather %select_n3A_769[%gather3A_841] in [0] : vector<16xi32>, vector<16xi32> -> vector<16xi32>
      %select_n3A_843 = arith.select %eq3A_811, %gather3A_842, %select_n3A_801 : vector<16xi1>, vector<16xi32>
      %broadcast_in_dim3A_844 = vector.shape_cast %xor3A_60 : vector<16xi32> to vector<16x1xi32>
      %gather3A_845 = vector.shape_cast %broadcast_in_dim3A_844 : vector<16x1xi32> to vector<16xi32>
      %gather3A_846 = tpu.dynamic_gather %select_n3A_781[%gather3A_845] in [0] : vector<16xi32>, vector<16xi32> -> vector<16xi32>
      %select_n3A_847 = arith.select %eq3A_811, %select_n3A_749, %gather3A_846 : vector<16xi1>, vector<16xi32>
      %broadcast_in_dim3A_848 = vector.shape_cast %xor3A_60 : vector<16xi32> to vector<16x1xi32>
      %gather3A_849 = vector.shape_cast %broadcast_in_dim3A_848 : vector<16x1xi32> to vector<16xi32>
      %gather3A_850 = tpu.dynamic_gather %select_n3A_749[%gather3A_849] in [0] : vector<16xi32>, vector<16xi32> -> vector<16xi32>
      %select_n3A_851 = arith.select %eq3A_811, %gather3A_850, %select_n3A_781 : vector<16xi1>, vector<16xi32>
      %broadcast_in_dim3A_852 = vector.shape_cast %xor3A_60 : vector<16xi32> to vector<16x1xi32>
      %gather3A_853 = vector.shape_cast %broadcast_in_dim3A_852 : vector<16x1xi32> to vector<16xi32>
      %gather3A_854 = tpu.dynamic_gather %select_n3A_789[%gather3A_853] in [0] : vector<16xi32>, vector<16xi32> -> vector<16xi32>
      %select_n3A_855 = arith.select %eq3A_811, %select_n3A_757, %gather3A_854 : vector<16xi1>, vector<16xi32>
      %broadcast_in_dim3A_856 = vector.shape_cast %xor3A_60 : vector<16xi32> to vector<16x1xi32>
      %gather3A_857 = vector.shape_cast %broadcast_in_dim3A_856 : vector<16x1xi32> to vector<16xi32>
      %gather3A_858 = tpu.dynamic_gather %select_n3A_757[%gather3A_857] in [0] : vector<16xi32>, vector<16xi32> -> vector<16xi32>
      %select_n3A_859 = arith.select %eq3A_811, %gather3A_858, %select_n3A_789 : vector<16xi1>, vector<16xi32>
      %broadcast_in_dim3A_860 = vector.shape_cast %xor3A_60 : vector<16xi32> to vector<16x1xi32>
      %gather3A_861 = vector.shape_cast %broadcast_in_dim3A_860 : vector<16x1xi32> to vector<16xi32>
      %gather3A_862 = tpu.dynamic_gather %select_n3A_797[%gather3A_861] in [0] : vector<16xi32>, vector<16xi32> -> vector<16xi32>
      %select_n3A_863 = arith.select %eq3A_811, %select_n3A_765, %gather3A_862 : vector<16xi1>, vector<16xi32>
      %broadcast_in_dim3A_864 = vector.shape_cast %xor3A_60 : vector<16xi32> to vector<16x1xi32>
      %gather3A_865 = vector.shape_cast %broadcast_in_dim3A_864 : vector<16x1xi32> to vector<16xi32>
      %gather3A_866 = tpu.dynamic_gather %select_n3A_765[%gather3A_865] in [0] : vector<16xi32>, vector<16xi32> -> vector<16xi32>
      %select_n3A_867 = arith.select %eq3A_811, %gather3A_866, %select_n3A_797 : vector<16xi1>, vector<16xi32>
      %broadcast_in_dim3A_868 = vector.shape_cast %xor3A_60 : vector<16xi32> to vector<16x1xi32>
      %gather3A_869 = vector.shape_cast %broadcast_in_dim3A_868 : vector<16x1xi32> to vector<16xi32>
      %gather3A_870 = tpu.dynamic_gather %select_n3A_805[%gather3A_869] in [0] : vector<16xi32>, vector<16xi32> -> vector<16xi32>
      %select_n3A_871 = arith.select %eq3A_811, %select_n3A_773, %gather3A_870 : vector<16xi1>, vector<16xi32>
      %broadcast_in_dim3A_872 = vector.shape_cast %xor3A_60 : vector<16xi32> to vector<16x1xi32>
      %gather3A_873 = vector.shape_cast %broadcast_in_dim3A_872 : vector<16x1xi32> to vector<16xi32>
      %gather3A_874 = tpu.dynamic_gather %select_n3A_773[%gather3A_873] in [0] : vector<16xi32>, vector<16xi32> -> vector<16xi32>
      %select_n3A_875 = arith.select %eq3A_811, %gather3A_874, %select_n3A_805 : vector<16xi1>, vector<16xi32>
      %broadcast_in_dim3A_876 = vector.shape_cast %mul3A_46 : vector<16xi32> to vector<16x1xi32>
      %gather3A_877 = vector.shape_cast %broadcast_in_dim3A_876 : vector<16x1xi32> to vector<16xi32>
      %gather3A_878 = tpu.dynamic_gather %select_n3A_815[%gather3A_877] in [0] : vector<16xi32>, vector<16xi32> -> vector<16xi32>
      %broadcast_in_dim3A_879 = vector.shape_cast %mul3A_46 : vector<16xi32> to vector<16x1xi32>
      %gather3A_880 = vector.shape_cast %broadcast_in_dim3A_879 : vector<16x1xi32> to vector<16xi32>
      %gather3A_881 = tpu.dynamic_gather %select_n3A_823[%gather3A_880] in [0] : vector<16xi32>, vector<16xi32> -> vector<16xi32>
      %select_n3A_882 = arith.select %lt3A_21, %gather3A_878, %gather3A_881 : vector<16xi1>, vector<16xi32>
      %broadcast_in_dim3A_883 = vector.shape_cast %add3A_49 : vector<16xi32> to vector<16x1xi32>
      %gather3A_884 = vector.shape_cast %broadcast_in_dim3A_883 : vector<16x1xi32> to vector<16xi32>
      %gather3A_885 = tpu.dynamic_gather %select_n3A_815[%gather3A_884] in [0] : vector<16xi32>, vector<16xi32> -> vector<16xi32>
      %broadcast_in_dim3A_886 = vector.shape_cast %add3A_49 : vector<16xi32> to vector<16x1xi32>
      %gather3A_887 = vector.shape_cast %broadcast_in_dim3A_886 : vector<16x1xi32> to vector<16xi32>
      %gather3A_888 = tpu.dynamic_gather %select_n3A_823[%gather3A_887] in [0] : vector<16xi32>, vector<16xi32> -> vector<16xi32>
      %select_n3A_889 = arith.select %lt3A_21, %gather3A_885, %gather3A_888 : vector<16xi1>, vector<16xi32>
      %mul3A_890 = arith.constant 16 : i32
      %mul3A_891 = arith.muli %scan3A_486, %mul3A_890 : i32
      %add3A_892 = arith.constant 0 : i32
      %add3A_893 = arith.addi %mul3A_891, %add3A_892 : i32
      %mul3A_894 = arith.constant 8 : i32
      %mul3A_895 = arith.muli %add3A_893, %mul3A_894 : i32
      %mul3A_896 = arith.constant 256 : i32
      %mul3A_897 = vector.broadcast %mul3A_896 : i32 to vector<16xi32>
      %mul3A_898 = arith.muli %select_n3A_882, %mul3A_897 : vector<16xi32>
      %add3A_899 = arith.addi %mul3A_898, %select_n3A_889 : vector<16xi32>
      %add3A_900 = arith.addi %add3A_899, %mul3A_18 : vector<16xi32>
      %swap3A = arith.index_cast %mul3A_895 : i32 to index
      %swap3A_901 = tpu.vector_load %arg7[%swap3A] {strides = array<i32>} : memref<2048xi32, #tpu.memory_space<vmem>>, vector<16xi32>,
      %swap3A_902 = vector.shape_cast %swap3A_901 : vector<16xi32> to vector<16xi32>
      %swap3A_903 = vector.shape_cast %add3A_900 : vector<16xi32> to vector<16xi32>
      tpu.vector_store %arg7[%swap3A], %swap3A_903 {strides = array<i32>} : memref<2048xi32, #tpu.memory_space<vmem>>, vector<16xi32>,
      %broadcast_in_dim3A_904 = vector.shape_cast %mul3A_46 : vector<16xi32> to vector<16x1xi32>
      %gather3A_905 = vector.shape_cast %broadcast_in_dim3A_904 : vector<16x1xi32> to vector<16xi32>
      %gather3A_906 = tpu.dynamic_gather %select_n3A_831[%gather3A_905] in [0] : vector<16xi32>, vector<16xi32> -> vector<16xi32>
      %broadcast_in_dim3A_907 = vector.shape_cast %mul3A_46 : vector<16xi32> to vector<16x1xi32>
      %gather3A_908 = vector.shape_cast %broadcast_in_dim3A_907 : vector<16x1xi32> to vector<16xi32>
      %gather3A_909 = tpu.dynamic_gather %select_n3A_839[%gather3A_908] in [0] : vector<16xi32>, vector<16xi32> -> vector<16xi32>
      %select_n3A_910 = arith.select %lt3A_21, %gather3A_906, %gather3A_909 : vector<16xi1>, vector<16xi32>
      %broadcast_in_dim3A_911 = vector.shape_cast %add3A_49 : vector<16xi32> to vector<16x1xi32>
      %gather3A_912 = vector.shape_cast %broadcast_in_dim3A_911 : vector<16x1xi32> to vector<16xi32>
      %gather3A_913 = tpu.dynamic_gather %select_n3A_831[%gather3A_912] in [0] : vector<16xi32>, vector<16xi32> -> vector<16xi32>
      %broadcast_in_dim3A_914 = vector.shape_cast %add3A_49 : vector<16xi32> to vector<16x1xi32>
      %gather3A_915 = vector.shape_cast %broadcast_in_dim3A_914 : vector<16x1xi32> to vector<16xi32>
      %gather3A_916 = tpu.dynamic_gather %select_n3A_839[%gather3A_915] in [0] : vector<16xi32>, vector<16xi32> -> vector<16xi32>
      %select_n3A_917 = arith.select %lt3A_21, %gather3A_913, %gather3A_916 : vector<16xi1>, vector<16xi32>
      %mul3A_918 = arith.constant 16 : i32
      %mul3A_919 = arith.muli %scan3A_486, %mul3A_918 : i32
      %add3A_920 = arith.constant 2 : i32
      %add3A_921 = arith.addi %mul3A_919, %add3A_920 : i32
      %mul3A_922 = arith.constant 8 : i32
      %mul3A_923 = arith.muli %add3A_921, %mul3A_922 : i32
      %mul3A_924 = arith.constant 256 : i32
      %mul3A_925 = vector.broadcast %mul3A_924 : i32 to vector<16xi32>
      %mul3A_926 = arith.muli %select_n3A_910, %mul3A_925 : vector<16xi32>
      %add3A_927 = arith.addi %mul3A_926, %select_n3A_917 : vector<16xi32>
      %add3A_928 = arith.addi %add3A_927, %mul3A_18 : vector<16xi32>
      %swap3A_929 = arith.index_cast %mul3A_923 : i32 to index
      %swap3A_930 = tpu.vector_load %arg7[%swap3A_929] {strides = array<i32>} : memref<2048xi32, #tpu.memory_space<vmem>>, vector<16xi32>,
      %swap3A_931 = vector.shape_cast %swap3A_930 : vector<16xi32> to vector<16xi32>
      %swap3A_932 = vector.shape_cast %add3A_928 : vector<16xi32> to vector<16xi32>
      tpu.vector_store %arg7[%swap3A_929], %swap3A_932 {strides = array<i32>} : memref<2048xi32, #tpu.memory_space<vmem>>, vector<16xi32>,
      %broadcast_in_dim3A_933 = vector.shape_cast %mul3A_46 : vector<16xi32> to vector<16x1xi32>
      %gather3A_934 = vector.shape_cast %broadcast_in_dim3A_933 : vector<16x1xi32> to vector<16xi32>
      %gather3A_935 = tpu.dynamic_gather %select_n3A_847[%gather3A_934] in [0] : vector<16xi32>, vector<16xi32> -> vector<16xi32>
      %broadcast_in_dim3A_936 = vector.shape_cast %mul3A_46 : vector<16xi32> to vector<16x1xi32>
      %gather3A_937 = vector.shape_cast %broadcast_in_dim3A_936 : vector<16x1xi32> to vector<16xi32>
      %gather3A_938 = tpu.dynamic_gather %select_n3A_855[%gather3A_937] in [0] : vector<16xi32>, vector<16xi32> -> vector<16xi32>
      %select_n3A_939 = arith.select %lt3A_21, %gather3A_935, %gather3A_938 : vector<16xi1>, vector<16xi32>
      %broadcast_in_dim3A_940 = vector.shape_cast %add3A_49 : vector<16xi32> to vector<16x1xi32>
      %gather3A_941 = vector.shape_cast %broadcast_in_dim3A_940 : vector<16x1xi32> to vector<16xi32>
      %gather3A_942 = tpu.dynamic_gather %select_n3A_847[%gather3A_941] in [0] : vector<16xi32>, vector<16xi32> -> vector<16xi32>
      %broadcast_in_dim3A_943 = vector.shape_cast %add3A_49 : vector<16xi32> to vector<16x1xi32>
      %gather3A_944 = vector.shape_cast %broadcast_in_dim3A_943 : vector<16x1xi32> to vector<16xi32>
      %gather3A_945 = tpu.dynamic_gather %select_n3A_855[%gather3A_944] in [0] : vector<16xi32>, vector<16xi32> -> vector<16xi32>
      %select_n3A_946 = arith.select %lt3A_21, %gather3A_942, %gather3A_945 : vector<16xi1>, vector<16xi32>
      %mul3A_947 = arith.constant 16 : i32
      %mul3A_948 = arith.muli %scan3A_486, %mul3A_947 : i32
      %add3A_949 = arith.constant 4 : i32
      %add3A_950 = arith.addi %mul3A_948, %add3A_949 : i32
      %mul3A_951 = arith.constant 8 : i32
      %mul3A_952 = arith.muli %add3A_950, %mul3A_951 : i32
      %mul3A_953 = arith.constant 256 : i32
      %mul3A_954 = vector.broadcast %mul3A_953 : i32 to vector<16xi32>
      %mul3A_955 = arith.muli %select_n3A_939, %mul3A_954 : vector<16xi32>
      %add3A_956 = arith.addi %mul3A_955, %select_n3A_946 : vector<16xi32>
      %add3A_957 = arith.addi %add3A_956, %mul3A_18 : vector<16xi32>
      %swap3A_958 = arith.index_cast %mul3A_952 : i32 to index
      %swap3A_959 = tpu.vector_load %arg7[%swap3A_958] {strides = array<i32>} : memref<2048xi32, #tpu.memory_space<vmem>>, vector<16xi32>,
      %swap3A_960 = vector.shape_cast %swap3A_959 : vector<16xi32> to vector<16xi32>
      %swap3A_961 = vector.shape_cast %add3A_957 : vector<16xi32> to vector<16xi32>
      tpu.vector_store %arg7[%swap3A_958], %swap3A_961 {strides = array<i32>} : memref<2048xi32, #tpu.memory_space<vmem>>, vector<16xi32>,
      %broadcast_in_dim3A_962 = vector.shape_cast %mul3A_46 : vector<16xi32> to vector<16x1xi32>
      %gather3A_963 = vector.shape_cast %broadcast_in_dim3A_962 : vector<16x1xi32> to vector<16xi32>
      %gather3A_964 = tpu.dynamic_gather %select_n3A_863[%gather3A_963] in [0] : vector<16xi32>, vector<16xi32> -> vector<16xi32>
      %broadcast_in_dim3A_965 = vector.shape_cast %mul3A_46 : vector<16xi32> to vector<16x1xi32>
      %gather3A_966 = vector.shape_cast %broadcast_in_dim3A_965 : vector<16x1xi32> to vector<16xi32>
      %gather3A_967 = tpu.dynamic_gather %select_n3A_871[%gather3A_966] in [0] : vector<16xi32>, vector<16xi32> -> vector<16xi32>
      %select_n3A_968 = arith.select %lt3A_21, %gather3A_964, %gather3A_967 : vector<16xi1>, vector<16xi32>
      %broadcast_in_dim3A_969 = vector.shape_cast %add3A_49 : vector<16xi32> to vector<16x1xi32>
      %gather3A_970 = vector.shape_cast %broadcast_in_dim3A_969 : vector<16x1xi32> to vector<16xi32>
      %gather3A_971 = tpu.dynamic_gather %select_n3A_863[%gather3A_970] in [0] : vector<16xi32>, vector<16xi32> -> vector<16xi32>
      %broadcast_in_dim3A_972 = vector.shape_cast %add3A_49 : vector<16xi32> to vector<16x1xi32>
      %gather3A_973 = vector.shape_cast %broadcast_in_dim3A_972 : vector<16x1xi32> to vector<16xi32>
      %gather3A_974 = tpu.dynamic_gather %select_n3A_871[%gather3A_973] in [0] : vector<16xi32>, vector<16xi32> -> vector<16xi32>
      %select_n3A_975 = arith.select %lt3A_21, %gather3A_971, %gather3A_974 : vector<16xi1>, vector<16xi32>
      %mul3A_976 = arith.constant 16 : i32
      %mul3A_977 = arith.muli %scan3A_486, %mul3A_976 : i32
      %add3A_978 = arith.constant 6 : i32
      %add3A_979 = arith.addi %mul3A_977, %add3A_978 : i32
      %mul3A_980 = arith.constant 8 : i32
      %mul3A_981 = arith.muli %add3A_979, %mul3A_980 : i32
      %mul3A_982 = arith.constant 256 : i32
      %mul3A_983 = vector.broadcast %mul3A_982 : i32 to vector<16xi32>
      %mul3A_984 = arith.muli %select_n3A_968, %mul3A_983 : vector<16xi32>
      %add3A_985 = arith.addi %mul3A_984, %select_n3A_975 : vector<16xi32>
      %add3A_986 = arith.addi %add3A_985, %mul3A_18 : vector<16xi32>
      %swap3A_987 = arith.index_cast %mul3A_981 : i32 to index
      %swap3A_988 = tpu.vector_load %arg7[%swap3A_987] {strides = array<i32>} : memref<2048xi32, #tpu.memory_space<vmem>>, vector<16xi32>,
      %swap3A_989 = vector.shape_cast %swap3A_988 : vector<16xi32> to vector<16xi32>
      %swap3A_990 = vector.shape_cast %add3A_986 : vector<16xi32> to vector<16xi32>
      tpu.vector_store %arg7[%swap3A_987], %swap3A_990 {strides = array<i32>} : memref<2048xi32, #tpu.memory_space<vmem>>, vector<16xi32>,
      %broadcast_in_dim3A_991 = vector.shape_cast %mul3A_46 : vector<16xi32> to vector<16x1xi32>
      %gather3A_992 = vector.shape_cast %broadcast_in_dim3A_991 : vector<16x1xi32> to vector<16xi32>
      %gather3A_993 = tpu.dynamic_gather %select_n3A_819[%gather3A_992] in [0] : vector<16xi32>, vector<16xi32> -> vector<16xi32>
      %broadcast_in_dim3A_994 = vector.shape_cast %mul3A_46 : vector<16xi32> to vector<16x1xi32>
      %gather3A_995 = vector.shape_cast %broadcast_in_dim3A_994 : vector<16x1xi32> to vector<16xi32>
      %gather3A_996 = tpu.dynamic_gather %select_n3A_827[%gather3A_995] in [0] : vector<16xi32>, vector<16xi32> -> vector<16xi32>
      %select_n3A_997 = arith.select %lt3A_21, %gather3A_993, %gather3A_996 : vector<16xi1>, vector<16xi32>
      %broadcast_in_dim3A_998 = vector.shape_cast %add3A_49 : vector<16xi32> to vector<16x1xi32>
      %gather3A_999 = vector.shape_cast %broadcast_in_dim3A_998 : vector<16x1xi32> to vector<16xi32>
      %gather3A_1000 = tpu.dynamic_gather %select_n3A_819[%gather3A_999] in [0] : vector<16xi32>, vector<16xi32> -> vector<16xi32>
      %broadcast_in_dim3A_1001 = vector.shape_cast %add3A_49 : vector<16xi32> to vector<16x1xi32>
      %gather3A_1002 = vector.shape_cast %broadcast_in_dim3A_1001 : vector<16x1xi32> to vector<16xi32>
      %gather3A_1003 = tpu.dynamic_gather %select_n3A_827[%gather3A_1002] in [0] : vector<16xi32>, vector<16xi32> -> vector<16xi32>
      %select_n3A_1004 = arith.select %lt3A_21, %gather3A_1000, %gather3A_1003 : vector<16xi1>, vector<16xi32>
      %mul3A_1005 = arith.constant 16 : i32
      %mul3A_1006 = arith.muli %scan3A_486, %mul3A_1005 : i32
      %add3A_1007 = arith.constant 8 : i32
      %add3A_1008 = arith.addi %mul3A_1006, %add3A_1007 : i32
      %mul3A_1009 = arith.constant 8 : i32
      %mul3A_1010 = arith.muli %add3A_1008, %mul3A_1009 : i32
      %mul3A_1011 = arith.constant 256 : i32
      %mul3A_1012 = vector.broadcast %mul3A_1011 : i32 to vector<16xi32>
      %mul3A_1013 = arith.muli %select_n3A_997, %mul3A_1012 : vector<16xi32>
      %add3A_1014 = arith.addi %mul3A_1013, %select_n3A_1004 : vector<16xi32>
      %add3A_1015 = arith.addi %add3A_1014, %mul3A_18 : vector<16xi32>
      %swap3A_1016 = arith.index_cast %mul3A_1010 : i32 to index
      %swap3A_1017 = tpu.vector_load %arg7[%swap3A_1016] {strides = array<i32>} : memref<2048xi32, #tpu.memory_space<vmem>>, vector<16xi32>,
      %swap3A_1018 = vector.shape_cast %swap3A_1017 : vector<16xi32> to vector<16xi32>
      %swap3A_1019 = vector.shape_cast %add3A_1015 : vector<16xi32> to vector<16xi32>
      tpu.vector_store %arg7[%swap3A_1016], %swap3A_1019 {strides = array<i32>} : memref<2048xi32, #tpu.memory_space<vmem>>, vector<16xi32>,
      %broadcast_in_dim3A_1020 = vector.shape_cast %mul3A_46 : vector<16xi32> to vector<16x1xi32>
      %gather3A_1021 = vector.shape_cast %broadcast_in_dim3A_1020 : vector<16x1xi32> to vector<16xi32>
      %gather3A_1022 = tpu.dynamic_gather %select_n3A_835[%gather3A_1021] in [0] : vector<16xi32>, vector<16xi32> -> vector<16xi32>
      %broadcast_in_dim3A_1023 = vector.shape_cast %mul3A_46 : vector<16xi32> to vector<16x1xi32>
      %gather3A_1024 = vector.shape_cast %broadcast_in_dim3A_1023 : vector<16x1xi32> to vector<16xi32>
      %gather3A_1025 = tpu.dynamic_gather %select_n3A_843[%gather3A_1024] in [0] : vector<16xi32>, vector<16xi32> -> vector<16xi32>
      %select_n3A_1026 = arith.select %lt3A_21, %gather3A_1022, %gather3A_1025 : vector<16xi1>, vector<16xi32>
      %broadcast_in_dim3A_1027 = vector.shape_cast %add3A_49 : vector<16xi32> to vector<16x1xi32>
      %gather3A_1028 = vector.shape_cast %broadcast_in_dim3A_1027 : vector<16x1xi32> to vector<16xi32>
      %gather3A_1029 = tpu.dynamic_gather %select_n3A_835[%gather3A_1028] in [0] : vector<16xi32>, vector<16xi32> -> vector<16xi32>
      %broadcast_in_dim3A_1030 = vector.shape_cast %add3A_49 : vector<16xi32> to vector<16x1xi32>
      %gather3A_1031 = vector.shape_cast %broadcast_in_dim3A_1030 : vector<16x1xi32> to vector<16xi32>
      %gather3A_1032 = tpu.dynamic_gather %select_n3A_843[%gather3A_1031] in [0] : vector<16xi32>, vector<16xi32> -> vector<16xi32>
      %select_n3A_1033 = arith.select %lt3A_21, %gather3A_1029, %gather3A_1032 : vector<16xi1>, vector<16xi32>
      %mul3A_1034 = arith.constant 16 : i32
      %mul3A_1035 = arith.muli %scan3A_486, %mul3A_1034 : i32
      %add3A_1036 = arith.constant 10 : i32
      %add3A_1037 = arith.addi %mul3A_1035, %add3A_1036 : i32
      %mul3A_1038 = arith.constant 8 : i32
      %mul3A_1039 = arith.muli %add3A_1037, %mul3A_1038 : i32
      %mul3A_1040 = arith.constant 256 : i32
      %mul3A_1041 = vector.broadcast %mul3A_1040 : i32 to vector<16xi32>
      %mul3A_1042 = arith.muli %select_n3A_1026, %mul3A_1041 : vector<16xi32>
      %add3A_1043 = arith.addi %mul3A_1042, %select_n3A_1033 : vector<16xi32>
      %add3A_1044 = arith.addi %add3A_1043, %mul3A_18 : vector<16xi32>
      %swap3A_1045 = arith.index_cast %mul3A_1039 : i32 to index
      %swap3A_1046 = tpu.vector_load %arg7[%swap3A_1045] {strides = array<i32>} : memref<2048xi32, #tpu.memory_space<vmem>>, vector<16xi32>,
      %swap3A_1047 = vector.shape_cast %swap3A_1046 : vector<16xi32> to vector<16xi32>
      %swap3A_1048 = vector.shape_cast %add3A_1044 : vector<16xi32> to vector<16xi32>
      tpu.vector_store %arg7[%swap3A_1045], %swap3A_1048 {strides = array<i32>} : memref<2048xi32, #tpu.memory_space<vmem>>, vector<16xi32>,
      %broadcast_in_dim3A_1049 = vector.shape_cast %mul3A_46 : vector<16xi32> to vector<16x1xi32>
      %gather3A_1050 = vector.shape_cast %broadcast_in_dim3A_1049 : vector<16x1xi32> to vector<16xi32>
      %gather3A_1051 = tpu.dynamic_gather %select_n3A_851[%gather3A_1050] in [0] : vector<16xi32>, vector<16xi32> -> vector<16xi32>
      %broadcast_in_dim3A_1052 = vector.shape_cast %mul3A_46 : vector<16xi32> to vector<16x1xi32>
      %gather3A_1053 = vector.shape_cast %broadcast_in_dim3A_1052 : vector<16x1xi32> to vector<16xi32>
      %gather3A_1054 = tpu.dynamic_gather %select_n3A_859[%gather3A_1053] in [0] : vector<16xi32>, vector<16xi32> -> vector<16xi32>
      %select_n3A_1055 = arith.select %lt3A_21, %gather3A_1051, %gather3A_1054 : vector<16xi1>, vector<16xi32>
      %broadcast_in_dim3A_1056 = vector.shape_cast %add3A_49 : vector<16xi32> to vector<16x1xi32>
      %gather3A_1057 = vector.shape_cast %broadcast_in_dim3A_1056 : vector<16x1xi32> to vector<16xi32>
      %gather3A_1058 = tpu.dynamic_gather %select_n3A_851[%gather3A_1057] in [0] : vector<16xi32>, vector<16xi32> -> vector<16xi32>
      %broadcast_in_dim3A_1059 = vector.shape_cast %add3A_49 : vector<16xi32> to vector<16x1xi32>
      %gather3A_1060 = vector.shape_cast %broadcast_in_dim3A_1059 : vector<16x1xi32> to vector<16xi32>
      %gather3A_1061 = tpu.dynamic_gather %select_n3A_859[%gather3A_1060] in [0] : vector<16xi32>, vector<16xi32> -> vector<16xi32>
      %select_n3A_1062 = arith.select %lt3A_21, %gather3A_1058, %gather3A_1061 : vector<16xi1>, vector<16xi32>
      %mul3A_1063 = arith.constant 16 : i32
      %mul3A_1064 = arith.muli %scan3A_486, %mul3A_1063 : i32
      %add3A_1065 = arith.constant 12 : i32
      %add3A_1066 = arith.addi %mul3A_1064, %add3A_1065 : i32
      %mul3A_1067 = arith.constant 8 : i32
      %mul3A_1068 = arith.muli %add3A_1066, %mul3A_1067 : i32
      %mul3A_1069 = arith.constant 256 : i32
      %mul3A_1070 = vector.broadcast %mul3A_1069 : i32 to vector<16xi32>
      %mul3A_1071 = arith.muli %select_n3A_1055, %mul3A_1070 : vector<16xi32>
      %add3A_1072 = arith.addi %mul3A_1071, %select_n3A_1062 : vector<16xi32>
      %add3A_1073 = arith.addi %add3A_1072, %mul3A_18 : vector<16xi32>
      %swap3A_1074 = arith.index_cast %mul3A_1068 : i32 to index
      %swap3A_1075 = tpu.vector_load %arg7[%swap3A_1074] {strides = array<i32>} : memref<2048xi32, #tpu.memory_space<vmem>>, vector<16xi32>,
      %swap3A_1076 = vector.shape_cast %swap3A_1075 : vector<16xi32> to vector<16xi32>
      %swap3A_1077 = vector.shape_cast %add3A_1073 : vector<16xi32> to vector<16xi32>
      tpu.vector_store %arg7[%swap3A_1074], %swap3A_1077 {strides = array<i32>} : memref<2048xi32, #tpu.memory_space<vmem>>, vector<16xi32>,
      %broadcast_in_dim3A_1078 = vector.shape_cast %mul3A_46 : vector<16xi32> to vector<16x1xi32>
      %gather3A_1079 = vector.shape_cast %broadcast_in_dim3A_1078 : vector<16x1xi32> to vector<16xi32>
      %gather3A_1080 = tpu.dynamic_gather %select_n3A_867[%gather3A_1079] in [0] : vector<16xi32>, vector<16xi32> -> vector<16xi32>
      %broadcast_in_dim3A_1081 = vector.shape_cast %mul3A_46 : vector<16xi32> to vector<16x1xi32>
      %gather3A_1082 = vector.shape_cast %broadcast_in_dim3A_1081 : vector<16x1xi32> to vector<16xi32>
      %gather3A_1083 = tpu.dynamic_gather %select_n3A_875[%gather3A_1082] in [0] : vector<16xi32>, vector<16xi32> -> vector<16xi32>
      %select_n3A_1084 = arith.select %lt3A_21, %gather3A_1080, %gather3A_1083 : vector<16xi1>, vector<16xi32>
      %broadcast_in_dim3A_1085 = vector.shape_cast %add3A_49 : vector<16xi32> to vector<16x1xi32>
      %gather3A_1086 = vector.shape_cast %broadcast_in_dim3A_1085 : vector<16x1xi32> to vector<16xi32>
      %gather3A_1087 = tpu.dynamic_gather %select_n3A_867[%gather3A_1086] in [0] : vector<16xi32>, vector<16xi32> -> vector<16xi32>
      %broadcast_in_dim3A_1088 = vector.shape_cast %add3A_49 : vector<16xi32> to vector<16x1xi32>
      %gather3A_1089 = vector.shape_cast %broadcast_in_dim3A_1088 : vector<16x1xi32> to vector<16xi32>
      %gather3A_1090 = tpu.dynamic_gather %select_n3A_875[%gather3A_1089] in [0] : vector<16xi32>, vector<16xi32> -> vector<16xi32>
      %select_n3A_1091 = arith.select %lt3A_21, %gather3A_1087, %gather3A_1090 : vector<16xi1>, vector<16xi32>
      %mul3A_1092 = arith.constant 16 : i32
      %mul3A_1093 = arith.muli %scan3A_486, %mul3A_1092 : i32
      %add3A_1094 = arith.constant 14 : i32
      %add3A_1095 = arith.addi %mul3A_1093, %add3A_1094 : i32
      %mul3A_1096 = arith.constant 8 : i32
      %mul3A_1097 = arith.muli %add3A_1095, %mul3A_1096 : i32
      %mul3A_1098 = arith.constant 256 : i32
      %mul3A_1099 = vector.broadcast %mul3A_1098 : i32 to vector<16xi32>
      %mul3A_1100 = arith.muli %select_n3A_1084, %mul3A_1099 : vector<16xi32>
      %add3A_1101 = arith.addi %mul3A_1100, %select_n3A_1091 : vector<16xi32>
      %add3A_1102 = arith.addi %add3A_1101, %mul3A_18 : vector<16xi32>
      %swap3A_1103 = arith.index_cast %mul3A_1097 : i32 to index
      %swap3A_1104 = tpu.vector_load %arg7[%swap3A_1103] {strides = array<i32>} : memref<2048xi32, #tpu.memory_space<vmem>>, vector<16xi32>,
      %swap3A_1105 = vector.shape_cast %swap3A_1104 : vector<16xi32> to vector<16xi32>
      %swap3A_1106 = vector.shape_cast %add3A_1102 : vector<16xi32> to vector<16xi32>
      tpu.vector_store %arg7[%swap3A_1103], %swap3A_1106 {strides = array<i32>} : memref<2048xi32, #tpu.memory_space<vmem>>, vector<16xi32>,
    }
    %scan3A_459 = arith.constant 16 : i32
    %scan3A_460 = arith.constant 0 : i32
    %scan3A_461 = arith.constant 0 : i32
    %scan3A_462 = arith.constant 16 : i32
    %scan3A_463 = arith.addi %scan3A_461, %scan3A_462 : i32
    %scan3A_464 = arith.constant 1 : i32
    scf.for %scan3A_486 = %scan3A_461 to %scan3A_463 step %scan3A_464  : i32 {
      %mul3A_487 = arith.constant 2 : i32
      %mul3A_488 = arith.muli %scan3A_486, %mul3A_487 : i32
      %add3A_489 = arith.constant 0 : i32
      %add3A_490 = arith.addi %mul3A_488, %add3A_489 : i32
      %ge3A = arith.constant 1 : i32
      %ge3A_491 = arith.cmpi sge, %scan3A_486, %ge3A : i32
      %convert_element_type3A = arith.extui %ge3A_491 : i1 to i32
      %cond3A = arith.constant 0 : i32
      %cond3A_492 = arith.cmpi ne, %convert_element_type3A, %cond3A : i32
      scf.if %cond3A_492 {
        %sub3A = arith.constant 2 : i32
        %sub3A_564 = arith.subi %add3A_490, %sub3A : i32
        %mul3A_565 = arith.constant 8192 : i32
        %mul3A_566 = arith.muli %add3A, %mul3A_565 : i32
        %mul3A_567 = arith.constant 256 : i32
        %mul3A_568 = arith.muli %sub3A_564, %mul3A_567 : i32
        %add3A_569 = arith.addi %mul3A_566, %mul3A_568 : i32
        %mul3A_570 = arith.constant 8 : i32
        %mul3A_571 = arith.muli %add3A_569, %mul3A_570 : i32
        %dma_wait3A_572 = arith.constant 0 : i32
        %dma_wait3A_573 = tpu.memref_slice %arg4[%mul3A_571, %dma_wait3A_572] : memref<2097152x16xf32, #tpu.memory_space<hbm>> -> memref<2048x16xf32, #tpu.memory_space<hbm>>
        %dma_wait3A_574 = arith.constant 0 : i32
        %dma_wait3A_575 = tpu.memref_slice %arg4[%mul3A_571, %dma_wait3A_574] : memref<2097152x16xf32, #tpu.memory_space<hbm>> -> memref<2048x16xf32, #tpu.memory_space<hbm>>
        tpu.wait_dma2 semaphore(%arg15 : memref<!tpu.dma_semaphore, #tpu.memory_space<semaphore_mem>>) src(%arg9 : memref<2048x16xf32, #tpu.memory_space<vmem>>) dst(%dma_wait3A_575 : memref<2048x16xf32, #tpu.memory_space<hbm>>)
      } else {
      }
      %dma_start3A_493 = arith.constant 0 : i32
      %dma_start3A_494 = arith.constant 0 : i32
      %dma_start3A_495 = tpu.memref_slice %arg3[%dma_start3A_493, %dma_start3A_494] : memref<524288x16xf32, #tpu.memory_space<hbm>> -> memref<524288x16xf32, #tpu.memory_space<hbm>>
      tpu.enqueue_indirect_dma source(%dma_start3A_495 : memref<524288x16xf32, #tpu.memory_space<hbm>>) target(%arg9 : memref<2048x16xf32, #tpu.memory_space<vmem>>) offsets(%arg7 : memref<2048xi32, #tpu.memory_space<vmem>>) semaphore(%arg13 : memref<!tpu.dma_semaphore, #tpu.memory_space<semaphore_mem>>)
      %add3A_496 = arith.constant 2 : i32
      %add3A_497 = arith.addi %add3A_490, %add3A_496 : i32
      %lt3A_498 = arith.constant 32 : i32
      %lt3A_499 = arith.cmpi slt, %add3A_497, %lt3A_498 : i32
      %convert_element_type3A_500 = arith.extui %lt3A_499 : i1 to i32
      %cond3A_501 = arith.constant 0 : i32
      %cond3A_502 = arith.cmpi ne, %convert_element_type3A_500, %cond3A_501 : i32
      scf.if %cond3A_502 {
        %add3A_564 = arith.constant 2 : i32
        %add3A_565 = arith.addi %add3A_490, %add3A_564 : i32
        %mul3A_566 = arith.constant 8192 : i32
        %mul3A_567 = arith.muli %add3A, %mul3A_566 : i32
        %mul3A_568 = arith.constant 256 : i32
        %mul3A_569 = arith.muli %add3A_565, %mul3A_568 : i32
        %add3A_570 = arith.addi %mul3A_567, %mul3A_569 : i32
        %add3A_571 = arith.constant 0 : i32
        %add3A_572 = arith.addi %add3A_571, %add3A_570 : i32
        %add3A_573 = arith.constant 262144 : i32
        %add3A_574 = arith.addi %add3A_573, %add3A_570 : i32
        %add3A_575 = arith.constant 524288 : i32
        %add3A_576 = arith.addi %add3A_575, %add3A_570 : i32
        %add3A_577 = arith.constant 786432 : i32
        %add3A_578 = arith.addi %add3A_577, %add3A_570 : i32
        %add3A_579 = arith.constant 1048576 : i32
        %add3A_580 = arith.addi %add3A_579, %add3A_570 : i32
        %add3A_581 = arith.constant 1310720 : i32
        %add3A_582 = arith.addi %add3A_581, %add3A_570 : i32
        %add3A_583 = arith.constant 1572864 : i32
        %add3A_584 = arith.addi %add3A_583, %add3A_570 : i32
        %add3A_585 = arith.constant 1835008 : i32
        %add3A_586 = arith.addi %add3A_585, %add3A_570 : i32
        %add3A_587 = arith.constant 2097152 : i32
        %add3A_588 = arith.addi %add3A_587, %add3A_570 : i32
        %add3A_589 = arith.constant 2359296 : i32
        %add3A_590 = arith.addi %add3A_589, %add3A_570 : i32
        %add3A_591 = arith.constant 2621440 : i32
        %add3A_592 = arith.addi %add3A_591, %add3A_570 : i32
        %add3A_593 = arith.constant 2883584 : i32
        %add3A_594 = arith.addi %add3A_593, %add3A_570 : i32
        %add3A_595 = arith.constant 3145728 : i32
        %add3A_596 = arith.addi %add3A_595, %add3A_570 : i32
        %add3A_597 = arith.constant 3407872 : i32
        %add3A_598 = arith.addi %add3A_597, %add3A_570 : i32
        %add3A_599 = arith.constant 3670016 : i32
        %add3A_600 = arith.addi %add3A_599, %add3A_570 : i32
        %add3A_601 = arith.constant 3932160 : i32
        %add3A_602 = arith.addi %add3A_601, %add3A_570 : i32
        %dma_start3A_603 = arith.constant 0 : i32
        %dma_start3A_604 = tpu.memref_slice %arg5[%dma_start3A_603] : memref<4096xi32, #tpu.memory_space<vmem>> -> memref<256xi32, #tpu.memory_space<vmem>>
        %dma_start3A_605 = tpu.memref_slice %arg2[%add3A_572] : memref<4194304xi32, #tpu.memory_space<hbm>> -> memref<256xi32, #tpu.memory_space<hbm>>
        %dma_start3A_606 = arith.constant 0 : i32
        %dma_start3A_607 = tpu.memref_slice %arg5[%dma_start3A_606] : memref<4096xi32, #tpu.memory_space<vmem>> -> memref<256xi32, #tpu.memory_space<vmem>>
        %dma_start3A_608 = tpu.memref_slice %arg2[%add3A_572] : memref<4194304xi32, #tpu.memory_space<hbm>> -> memref<256xi32, #tpu.memory_space<hbm>>
        tpu.enqueue_dma source(%dma_start3A_608 : memref<256xi32, #tpu.memory_space<hbm>>) target(%dma_start3A_607 : memref<256xi32, #tpu.memory_space<vmem>>) target_semaphore(%arg11 : memref<!tpu.dma_semaphore, #tpu.memory_space<semaphore_mem>>)
        %dma_start3A_609 = arith.constant 256 : i32
        %dma_start3A_610 = tpu.memref_slice %arg5[%dma_start3A_609] : memref<4096xi32, #tpu.memory_space<vmem>> -> memref<256xi32, #tpu.memory_space<vmem>>
        %dma_start3A_611 = tpu.memref_slice %arg2[%add3A_574] : memref<4194304xi32, #tpu.memory_space<hbm>> -> memref<256xi32, #tpu.memory_space<hbm>>
        %dma_start3A_612 = arith.constant 256 : i32
        %dma_start3A_613 = tpu.memref_slice %arg5[%dma_start3A_612] : memref<4096xi32, #tpu.memory_space<vmem>> -> memref<256xi32, #tpu.memory_space<vmem>>
        %dma_start3A_614 = tpu.memref_slice %arg2[%add3A_574] : memref<4194304xi32, #tpu.memory_space<hbm>> -> memref<256xi32, #tpu.memory_space<hbm>>
        tpu.enqueue_dma source(%dma_start3A_614 : memref<256xi32, #tpu.memory_space<hbm>>) target(%dma_start3A_613 : memref<256xi32, #tpu.memory_space<vmem>>) target_semaphore(%arg11 : memref<!tpu.dma_semaphore, #tpu.memory_space<semaphore_mem>>)
        %dma_start3A_615 = arith.constant 512 : i32
        %dma_start3A_616 = tpu.memref_slice %arg5[%dma_start3A_615] : memref<4096xi32, #tpu.memory_space<vmem>> -> memref<256xi32, #tpu.memory_space<vmem>>
        %dma_start3A_617 = tpu.memref_slice %arg2[%add3A_576] : memref<4194304xi32, #tpu.memory_space<hbm>> -> memref<256xi32, #tpu.memory_space<hbm>>
        %dma_start3A_618 = arith.constant 512 : i32
        %dma_start3A_619 = tpu.memref_slice %arg5[%dma_start3A_618] : memref<4096xi32, #tpu.memory_space<vmem>> -> memref<256xi32, #tpu.memory_space<vmem>>
        %dma_start3A_620 = tpu.memref_slice %arg2[%add3A_576] : memref<4194304xi32, #tpu.memory_space<hbm>> -> memref<256xi32, #tpu.memory_space<hbm>>
        tpu.enqueue_dma source(%dma_start3A_620 : memref<256xi32, #tpu.memory_space<hbm>>) target(%dma_start3A_619 : memref<256xi32, #tpu.memory_space<vmem>>) target_semaphore(%arg11 : memref<!tpu.dma_semaphore, #tpu.memory_space<semaphore_mem>>)
        %dma_start3A_621 = arith.constant 768 : i32
        %dma_start3A_622 = tpu.memref_slice %arg5[%dma_start3A_621] : memref<4096xi32, #tpu.memory_space<vmem>> -> memref<256xi32, #tpu.memory_space<vmem>>
        %dma_start3A_623 = tpu.memref_slice %arg2[%add3A_578] : memref<4194304xi32, #tpu.memory_space<hbm>> -> memref<256xi32, #tpu.memory_space<hbm>>
        %dma_start3A_624 = arith.constant 768 : i32
        %dma_start3A_625 = tpu.memref_slice %arg5[%dma_start3A_624] : memref<4096xi32, #tpu.memory_space<vmem>> -> memref<256xi32, #tpu.memory_space<vmem>>
        %dma_start3A_626 = tpu.memref_slice %arg2[%add3A_578] : memref<4194304xi32, #tpu.memory_space<hbm>> -> memref<256xi32, #tpu.memory_space<hbm>>
        tpu.enqueue_dma source(%dma_start3A_626 : memref<256xi32, #tpu.memory_space<hbm>>) target(%dma_start3A_625 : memref<256xi32, #tpu.memory_space<vmem>>) target_semaphore(%arg11 : memref<!tpu.dma_semaphore, #tpu.memory_space<semaphore_mem>>)
        %dma_start3A_627 = arith.constant 1024 : i32
        %dma_start3A_628 = tpu.memref_slice %arg5[%dma_start3A_627] : memref<4096xi32, #tpu.memory_space<vmem>> -> memref<256xi32, #tpu.memory_space<vmem>>
        %dma_start3A_629 = tpu.memref_slice %arg2[%add3A_580] : memref<4194304xi32, #tpu.memory_space<hbm>> -> memref<256xi32, #tpu.memory_space<hbm>>
        %dma_start3A_630 = arith.constant 1024 : i32
        %dma_start3A_631 = tpu.memref_slice %arg5[%dma_start3A_630] : memref<4096xi32, #tpu.memory_space<vmem>> -> memref<256xi32, #tpu.memory_space<vmem>>
        %dma_start3A_632 = tpu.memref_slice %arg2[%add3A_580] : memref<4194304xi32, #tpu.memory_space<hbm>> -> memref<256xi32, #tpu.memory_space<hbm>>
        tpu.enqueue_dma source(%dma_start3A_632 : memref<256xi32, #tpu.memory_space<hbm>>) target(%dma_start3A_631 : memref<256xi32, #tpu.memory_space<vmem>>) target_semaphore(%arg11 : memref<!tpu.dma_semaphore, #tpu.memory_space<semaphore_mem>>)
        %dma_start3A_633 = arith.constant 1280 : i32
        %dma_start3A_634 = tpu.memref_slice %arg5[%dma_start3A_633] : memref<4096xi32, #tpu.memory_space<vmem>> -> memref<256xi32, #tpu.memory_space<vmem>>
        %dma_start3A_635 = tpu.memref_slice %arg2[%add3A_582] : memref<4194304xi32, #tpu.memory_space<hbm>> -> memref<256xi32, #tpu.memory_space<hbm>>
        %dma_start3A_636 = arith.constant 1280 : i32
        %dma_start3A_637 = tpu.memref_slice %arg5[%dma_start3A_636] : memref<4096xi32, #tpu.memory_space<vmem>> -> memref<256xi32, #tpu.memory_space<vmem>>
        %dma_start3A_638 = tpu.memref_slice %arg2[%add3A_582] : memref<4194304xi32, #tpu.memory_space<hbm>> -> memref<256xi32, #tpu.memory_space<hbm>>
        tpu.enqueue_dma source(%dma_start3A_638 : memref<256xi32, #tpu.memory_space<hbm>>) target(%dma_start3A_637 : memref<256xi32, #tpu.memory_space<vmem>>) target_semaphore(%arg11 : memref<!tpu.dma_semaphore, #tpu.memory_space<semaphore_mem>>)
        %dma_start3A_639 = arith.constant 1536 : i32
        %dma_start3A_640 = tpu.memref_slice %arg5[%dma_start3A_639] : memref<4096xi32, #tpu.memory_space<vmem>> -> memref<256xi32, #tpu.memory_space<vmem>>
        %dma_start3A_641 = tpu.memref_slice %arg2[%add3A_584] : memref<4194304xi32, #tpu.memory_space<hbm>> -> memref<256xi32, #tpu.memory_space<hbm>>
        %dma_start3A_642 = arith.constant 1536 : i32
        %dma_start3A_643 = tpu.memref_slice %arg5[%dma_start3A_642] : memref<4096xi32, #tpu.memory_space<vmem>> -> memref<256xi32, #tpu.memory_space<vmem>>
        %dma_start3A_644 = tpu.memref_slice %arg2[%add3A_584] : memref<4194304xi32, #tpu.memory_space<hbm>> -> memref<256xi32, #tpu.memory_space<hbm>>
        tpu.enqueue_dma source(%dma_start3A_644 : memref<256xi32, #tpu.memory_space<hbm>>) target(%dma_start3A_643 : memref<256xi32, #tpu.memory_space<vmem>>) target_semaphore(%arg11 : memref<!tpu.dma_semaphore, #tpu.memory_space<semaphore_mem>>)
        %dma_start3A_645 = arith.constant 1792 : i32
        %dma_start3A_646 = tpu.memref_slice %arg5[%dma_start3A_645] : memref<4096xi32, #tpu.memory_space<vmem>> -> memref<256xi32, #tpu.memory_space<vmem>>
        %dma_start3A_647 = tpu.memref_slice %arg2[%add3A_586] : memref<4194304xi32, #tpu.memory_space<hbm>> -> memref<256xi32, #tpu.memory_space<hbm>>
        %dma_start3A_648 = arith.constant 1792 : i32
        %dma_start3A_649 = tpu.memref_slice %arg5[%dma_start3A_648] : memref<4096xi32, #tpu.memory_space<vmem>> -> memref<256xi32, #tpu.memory_space<vmem>>
        %dma_start3A_650 = tpu.memref_slice %arg2[%add3A_586] : memref<4194304xi32, #tpu.memory_space<hbm>> -> memref<256xi32, #tpu.memory_space<hbm>>
        tpu.enqueue_dma source(%dma_start3A_650 : memref<256xi32, #tpu.memory_space<hbm>>) target(%dma_start3A_649 : memref<256xi32, #tpu.memory_space<vmem>>) target_semaphore(%arg11 : memref<!tpu.dma_semaphore, #tpu.memory_space<semaphore_mem>>)
        %dma_start3A_651 = arith.constant 2048 : i32
        %dma_start3A_652 = tpu.memref_slice %arg5[%dma_start3A_651] : memref<4096xi32, #tpu.memory_space<vmem>> -> memref<256xi32, #tpu.memory_space<vmem>>
        %dma_start3A_653 = tpu.memref_slice %arg2[%add3A_588] : memref<4194304xi32, #tpu.memory_space<hbm>> -> memref<256xi32, #tpu.memory_space<hbm>>
        %dma_start3A_654 = arith.constant 2048 : i32
        %dma_start3A_655 = tpu.memref_slice %arg5[%dma_start3A_654] : memref<4096xi32, #tpu.memory_space<vmem>> -> memref<256xi32, #tpu.memory_space<vmem>>
        %dma_start3A_656 = tpu.memref_slice %arg2[%add3A_588] : memref<4194304xi32, #tpu.memory_space<hbm>> -> memref<256xi32, #tpu.memory_space<hbm>>
        tpu.enqueue_dma source(%dma_start3A_656 : memref<256xi32, #tpu.memory_space<hbm>>) target(%dma_start3A_655 : memref<256xi32, #tpu.memory_space<vmem>>) target_semaphore(%arg11 : memref<!tpu.dma_semaphore, #tpu.memory_space<semaphore_mem>>)
        %dma_start3A_657 = arith.constant 2304 : i32
        %dma_start3A_658 = tpu.memref_slice %arg5[%dma_start3A_657] : memref<4096xi32, #tpu.memory_space<vmem>> -> memref<256xi32, #tpu.memory_space<vmem>>
        %dma_start3A_659 = tpu.memref_slice %arg2[%add3A_590] : memref<4194304xi32, #tpu.memory_space<hbm>> -> memref<256xi32, #tpu.memory_space<hbm>>
        %dma_start3A_660 = arith.constant 2304 : i32
        %dma_start3A_661 = tpu.memref_slice %arg5[%dma_start3A_660] : memref<4096xi32, #tpu.memory_space<vmem>> -> memref<256xi32, #tpu.memory_space<vmem>>
        %dma_start3A_662 = tpu.memref_slice %arg2[%add3A_590] : memref<4194304xi32, #tpu.memory_space<hbm>> -> memref<256xi32, #tpu.memory_space<hbm>>
        tpu.enqueue_dma source(%dma_start3A_662 : memref<256xi32, #tpu.memory_space<hbm>>) target(%dma_start3A_661 : memref<256xi32, #tpu.memory_space<vmem>>) target_semaphore(%arg11 : memref<!tpu.dma_semaphore, #tpu.memory_space<semaphore_mem>>)
        %dma_start3A_663 = arith.constant 2560 : i32
        %dma_start3A_664 = tpu.memref_slice %arg5[%dma_start3A_663] : memref<4096xi32, #tpu.memory_space<vmem>> -> memref<256xi32, #tpu.memory_space<vmem>>
        %dma_start3A_665 = tpu.memref_slice %arg2[%add3A_592] : memref<4194304xi32, #tpu.memory_space<hbm>> -> memref<256xi32, #tpu.memory_space<hbm>>
        %dma_start3A_666 = arith.constant 2560 : i32
        %dma_start3A_667 = tpu.memref_slice %arg5[%dma_start3A_666] : memref<4096xi32, #tpu.memory_space<vmem>> -> memref<256xi32, #tpu.memory_space<vmem>>
        %dma_start3A_668 = tpu.memref_slice %arg2[%add3A_592] : memref<4194304xi32, #tpu.memory_space<hbm>> -> memref<256xi32, #tpu.memory_space<hbm>>
        tpu.enqueue_dma source(%dma_start3A_668 : memref<256xi32, #tpu.memory_space<hbm>>) target(%dma_start3A_667 : memref<256xi32, #tpu.memory_space<vmem>>) target_semaphore(%arg11 : memref<!tpu.dma_semaphore, #tpu.memory_space<semaphore_mem>>)
        %dma_start3A_669 = arith.constant 2816 : i32
        %dma_start3A_670 = tpu.memref_slice %arg5[%dma_start3A_669] : memref<4096xi32, #tpu.memory_space<vmem>> -> memref<256xi32, #tpu.memory_space<vmem>>
        %dma_start3A_671 = tpu.memref_slice %arg2[%add3A_594] : memref<4194304xi32, #tpu.memory_space<hbm>> -> memref<256xi32, #tpu.memory_space<hbm>>
        %dma_start3A_672 = arith.constant 2816 : i32
        %dma_start3A_673 = tpu.memref_slice %arg5[%dma_start3A_672] : memref<4096xi32, #tpu.memory_space<vmem>> -> memref<256xi32, #tpu.memory_space<vmem>>
        %dma_start3A_674 = tpu.memref_slice %arg2[%add3A_594] : memref<4194304xi32, #tpu.memory_space<hbm>> -> memref<256xi32, #tpu.memory_space<hbm>>
        tpu.enqueue_dma source(%dma_start3A_674 : memref<256xi32, #tpu.memory_space<hbm>>) target(%dma_start3A_673 : memref<256xi32, #tpu.memory_space<vmem>>) target_semaphore(%arg11 : memref<!tpu.dma_semaphore, #tpu.memory_space<semaphore_mem>>)
        %dma_start3A_675 = arith.constant 3072 : i32
        %dma_start3A_676 = tpu.memref_slice %arg5[%dma_start3A_675] : memref<4096xi32, #tpu.memory_space<vmem>> -> memref<256xi32, #tpu.memory_space<vmem>>
        %dma_start3A_677 = tpu.memref_slice %arg2[%add3A_596] : memref<4194304xi32, #tpu.memory_space<hbm>> -> memref<256xi32, #tpu.memory_space<hbm>>
        %dma_start3A_678 = arith.constant 3072 : i32
        %dma_start3A_679 = tpu.memref_slice %arg5[%dma_start3A_678] : memref<4096xi32, #tpu.memory_space<vmem>> -> memref<256xi32, #tpu.memory_space<vmem>>
        %dma_start3A_680 = tpu.memref_slice %arg2[%add3A_596] : memref<4194304xi32, #tpu.memory_space<hbm>> -> memref<256xi32, #tpu.memory_space<hbm>>
        tpu.enqueue_dma source(%dma_start3A_680 : memref<256xi32, #tpu.memory_space<hbm>>) target(%dma_start3A_679 : memref<256xi32, #tpu.memory_space<vmem>>) target_semaphore(%arg11 : memref<!tpu.dma_semaphore, #tpu.memory_space<semaphore_mem>>)
        %dma_start3A_681 = arith.constant 3328 : i32
        %dma_start3A_682 = tpu.memref_slice %arg5[%dma_start3A_681] : memref<4096xi32, #tpu.memory_space<vmem>> -> memref<256xi32, #tpu.memory_space<vmem>>
        %dma_start3A_683 = tpu.memref_slice %arg2[%add3A_598] : memref<4194304xi32, #tpu.memory_space<hbm>> -> memref<256xi32, #tpu.memory_space<hbm>>
        %dma_start3A_684 = arith.constant 3328 : i32
        %dma_start3A_685 = tpu.memref_slice %arg5[%dma_start3A_684] : memref<4096xi32, #tpu.memory_space<vmem>> -> memref<256xi32, #tpu.memory_space<vmem>>
        %dma_start3A_686 = tpu.memref_slice %arg2[%add3A_598] : memref<4194304xi32, #tpu.memory_space<hbm>> -> memref<256xi32, #tpu.memory_space<hbm>>
        tpu.enqueue_dma source(%dma_start3A_686 : memref<256xi32, #tpu.memory_space<hbm>>) target(%dma_start3A_685 : memref<256xi32, #tpu.memory_space<vmem>>) target_semaphore(%arg11 : memref<!tpu.dma_semaphore, #tpu.memory_space<semaphore_mem>>)
        %dma_start3A_687 = arith.constant 3584 : i32
        %dma_start3A_688 = tpu.memref_slice %arg5[%dma_start3A_687] : memref<4096xi32, #tpu.memory_space<vmem>> -> memref<256xi32, #tpu.memory_space<vmem>>
        %dma_start3A_689 = tpu.memref_slice %arg2[%add3A_600] : memref<4194304xi32, #tpu.memory_space<hbm>> -> memref<256xi32, #tpu.memory_space<hbm>>
        %dma_start3A_690 = arith.constant 3584 : i32
        %dma_start3A_691 = tpu.memref_slice %arg5[%dma_start3A_690] : memref<4096xi32, #tpu.memory_space<vmem>> -> memref<256xi32, #tpu.memory_space<vmem>>
        %dma_start3A_692 = tpu.memref_slice %arg2[%add3A_600] : memref<4194304xi32, #tpu.memory_space<hbm>> -> memref<256xi32, #tpu.memory_space<hbm>>
        tpu.enqueue_dma source(%dma_start3A_692 : memref<256xi32, #tpu.memory_space<hbm>>) target(%dma_start3A_691 : memref<256xi32, #tpu.memory_space<vmem>>) target_semaphore(%arg11 : memref<!tpu.dma_semaphore, #tpu.memory_space<semaphore_mem>>)
        %dma_start3A_693 = arith.constant 3840 : i32
        %dma_start3A_694 = tpu.memref_slice %arg5[%dma_start3A_693] : memref<4096xi32, #tpu.memory_space<vmem>> -> memref<256xi32, #tpu.memory_space<vmem>>
        %dma_start3A_695 = tpu.memref_slice %arg2[%add3A_602] : memref<4194304xi32, #tpu.memory_space<hbm>> -> memref<256xi32, #tpu.memory_space<hbm>>
        %dma_start3A_696 = arith.constant 3840 : i32
        %dma_start3A_697 = tpu.memref_slice %arg5[%dma_start3A_696] : memref<4096xi32, #tpu.memory_space<vmem>> -> memref<256xi32, #tpu.memory_space<vmem>>
        %dma_start3A_698 = tpu.memref_slice %arg2[%add3A_602] : memref<4194304xi32, #tpu.memory_space<hbm>> -> memref<256xi32, #tpu.memory_space<hbm>>
        tpu.enqueue_dma source(%dma_start3A_698 : memref<256xi32, #tpu.memory_space<hbm>>) target(%dma_start3A_697 : memref<256xi32, #tpu.memory_space<vmem>>) target_semaphore(%arg11 : memref<!tpu.dma_semaphore, #tpu.memory_space<semaphore_mem>>)
      } else {
      }
      %add3A_503 = arith.constant 1 : i32
      %add3A_504 = arith.addi %add3A_490, %add3A_503 : i32
      %lt3A_505 = arith.constant 32 : i32
      %lt3A_506 = arith.cmpi slt, %add3A_504, %lt3A_505 : i32
      %convert_element_type3A_507 = arith.extui %lt3A_506 : i1 to i32
      %cond3A_508 = arith.constant 0 : i32
      %cond3A_509 = arith.cmpi ne, %convert_element_type3A_507, %cond3A_508 : i32
      scf.if %cond3A_509 {
        %add3A_564 = arith.constant 1 : i32
        %add3A_565 = arith.addi %add3A_490, %add3A_564 : i32
        %mul3A_566 = arith.constant 8192 : i32
        %mul3A_567 = arith.muli %add3A, %mul3A_566 : i32
        %mul3A_568 = arith.constant 256 : i32
        %mul3A_569 = arith.muli %add3A_565, %mul3A_568 : i32
        %add3A_570 = arith.addi %mul3A_567, %mul3A_569 : i32
        %add3A_571 = arith.constant 0 : i32
        %add3A_572 = arith.addi %add3A_571, %add3A_570 : i32
        %add3A_573 = arith.constant 262144 : i32
        %add3A_574 = arith.addi %add3A_573, %add3A_570 : i32
        %add3A_575 = arith.constant 524288 : i32
        %add3A_576 = arith.addi %add3A_575, %add3A_570 : i32
        %add3A_577 = arith.constant 786432 : i32
        %add3A_578 = arith.addi %add3A_577, %add3A_570 : i32
        %add3A_579 = arith.constant 1048576 : i32
        %add3A_580 = arith.addi %add3A_579, %add3A_570 : i32
        %add3A_581 = arith.constant 1310720 : i32
        %add3A_582 = arith.addi %add3A_581, %add3A_570 : i32
        %add3A_583 = arith.constant 1572864 : i32
        %add3A_584 = arith.addi %add3A_583, %add3A_570 : i32
        %add3A_585 = arith.constant 1835008 : i32
        %add3A_586 = arith.addi %add3A_585, %add3A_570 : i32
        %add3A_587 = arith.constant 2097152 : i32
        %add3A_588 = arith.addi %add3A_587, %add3A_570 : i32
        %add3A_589 = arith.constant 2359296 : i32
        %add3A_590 = arith.addi %add3A_589, %add3A_570 : i32
        %add3A_591 = arith.constant 2621440 : i32
        %add3A_592 = arith.addi %add3A_591, %add3A_570 : i32
        %add3A_593 = arith.constant 2883584 : i32
        %add3A_594 = arith.addi %add3A_593, %add3A_570 : i32
        %add3A_595 = arith.constant 3145728 : i32
        %add3A_596 = arith.addi %add3A_595, %add3A_570 : i32
        %add3A_597 = arith.constant 3407872 : i32
        %add3A_598 = arith.addi %add3A_597, %add3A_570 : i32
        %add3A_599 = arith.constant 3670016 : i32
        %add3A_600 = arith.addi %add3A_599, %add3A_570 : i32
        %add3A_601 = arith.constant 3932160 : i32
        %add3A_602 = arith.addi %add3A_601, %add3A_570 : i32
        %dma_wait3A_603 = arith.constant 0 : i32
        %dma_wait3A_604 = tpu.memref_slice %arg6[%dma_wait3A_603] : memref<4096xi32, #tpu.memory_space<vmem>> -> memref<256xi32, #tpu.memory_space<vmem>>
        %dma_wait3A_605 = tpu.memref_slice %arg2[%add3A_572] : memref<4194304xi32, #tpu.memory_space<hbm>> -> memref<256xi32, #tpu.memory_space<hbm>>
        %dma_wait3A_606 = arith.constant 0 : i32
        %dma_wait3A_607 = tpu.memref_slice %arg6[%dma_wait3A_606] : memref<4096xi32, #tpu.memory_space<vmem>> -> memref<256xi32, #tpu.memory_space<vmem>>
        %dma_wait3A_608 = tpu.memref_slice %arg2[%add3A_572] : memref<4194304xi32, #tpu.memory_space<hbm>> -> memref<256xi32, #tpu.memory_space<hbm>>
        tpu.wait_dma2 semaphore(%arg12 : memref<!tpu.dma_semaphore, #tpu.memory_space<semaphore_mem>>) src(%dma_wait3A_608 : memref<256xi32, #tpu.memory_space<hbm>>) dst(%dma_wait3A_607 : memref<256xi32, #tpu.memory_space<vmem>>)
        %dma_wait3A_609 = arith.constant 256 : i32
        %dma_wait3A_610 = tpu.memref_slice %arg6[%dma_wait3A_609] : memref<4096xi32, #tpu.memory_space<vmem>> -> memref<256xi32, #tpu.memory_space<vmem>>
        %dma_wait3A_611 = tpu.memref_slice %arg2[%add3A_574] : memref<4194304xi32, #tpu.memory_space<hbm>> -> memref<256xi32, #tpu.memory_space<hbm>>
        %dma_wait3A_612 = arith.constant 256 : i32
        %dma_wait3A_613 = tpu.memref_slice %arg6[%dma_wait3A_612] : memref<4096xi32, #tpu.memory_space<vmem>> -> memref<256xi32, #tpu.memory_space<vmem>>
        %dma_wait3A_614 = tpu.memref_slice %arg2[%add3A_574] : memref<4194304xi32, #tpu.memory_space<hbm>> -> memref<256xi32, #tpu.memory_space<hbm>>
        tpu.wait_dma2 semaphore(%arg12 : memref<!tpu.dma_semaphore, #tpu.memory_space<semaphore_mem>>) src(%dma_wait3A_614 : memref<256xi32, #tpu.memory_space<hbm>>) dst(%dma_wait3A_613 : memref<256xi32, #tpu.memory_space<vmem>>)
        %dma_wait3A_615 = arith.constant 512 : i32
        %dma_wait3A_616 = tpu.memref_slice %arg6[%dma_wait3A_615] : memref<4096xi32, #tpu.memory_space<vmem>> -> memref<256xi32, #tpu.memory_space<vmem>>
        %dma_wait3A_617 = tpu.memref_slice %arg2[%add3A_576] : memref<4194304xi32, #tpu.memory_space<hbm>> -> memref<256xi32, #tpu.memory_space<hbm>>
        %dma_wait3A_618 = arith.constant 512 : i32
        %dma_wait3A_619 = tpu.memref_slice %arg6[%dma_wait3A_618] : memref<4096xi32, #tpu.memory_space<vmem>> -> memref<256xi32, #tpu.memory_space<vmem>>
        %dma_wait3A_620 = tpu.memref_slice %arg2[%add3A_576] : memref<4194304xi32, #tpu.memory_space<hbm>> -> memref<256xi32, #tpu.memory_space<hbm>>
        tpu.wait_dma2 semaphore(%arg12 : memref<!tpu.dma_semaphore, #tpu.memory_space<semaphore_mem>>) src(%dma_wait3A_620 : memref<256xi32, #tpu.memory_space<hbm>>) dst(%dma_wait3A_619 : memref<256xi32, #tpu.memory_space<vmem>>)
        %dma_wait3A_621 = arith.constant 768 : i32
        %dma_wait3A_622 = tpu.memref_slice %arg6[%dma_wait3A_621] : memref<4096xi32, #tpu.memory_space<vmem>> -> memref<256xi32, #tpu.memory_space<vmem>>
        %dma_wait3A_623 = tpu.memref_slice %arg2[%add3A_578] : memref<4194304xi32, #tpu.memory_space<hbm>> -> memref<256xi32, #tpu.memory_space<hbm>>
        %dma_wait3A_624 = arith.constant 768 : i32
        %dma_wait3A_625 = tpu.memref_slice %arg6[%dma_wait3A_624] : memref<4096xi32, #tpu.memory_space<vmem>> -> memref<256xi32, #tpu.memory_space<vmem>>
        %dma_wait3A_626 = tpu.memref_slice %arg2[%add3A_578] : memref<4194304xi32, #tpu.memory_space<hbm>> -> memref<256xi32, #tpu.memory_space<hbm>>
        tpu.wait_dma2 semaphore(%arg12 : memref<!tpu.dma_semaphore, #tpu.memory_space<semaphore_mem>>) src(%dma_wait3A_626 : memref<256xi32, #tpu.memory_space<hbm>>) dst(%dma_wait3A_625 : memref<256xi32, #tpu.memory_space<vmem>>)
        %dma_wait3A_627 = arith.constant 1024 : i32
        %dma_wait3A_628 = tpu.memref_slice %arg6[%dma_wait3A_627] : memref<4096xi32, #tpu.memory_space<vmem>> -> memref<256xi32, #tpu.memory_space<vmem>>
        %dma_wait3A_629 = tpu.memref_slice %arg2[%add3A_580] : memref<4194304xi32, #tpu.memory_space<hbm>> -> memref<256xi32, #tpu.memory_space<hbm>>
        %dma_wait3A_630 = arith.constant 1024 : i32
        %dma_wait3A_631 = tpu.memref_slice %arg6[%dma_wait3A_630] : memref<4096xi32, #tpu.memory_space<vmem>> -> memref<256xi32, #tpu.memory_space<vmem>>
        %dma_wait3A_632 = tpu.memref_slice %arg2[%add3A_580] : memref<4194304xi32, #tpu.memory_space<hbm>> -> memref<256xi32, #tpu.memory_space<hbm>>
        tpu.wait_dma2 semaphore(%arg12 : memref<!tpu.dma_semaphore, #tpu.memory_space<semaphore_mem>>) src(%dma_wait3A_632 : memref<256xi32, #tpu.memory_space<hbm>>) dst(%dma_wait3A_631 : memref<256xi32, #tpu.memory_space<vmem>>)
        %dma_wait3A_633 = arith.constant 1280 : i32
        %dma_wait3A_634 = tpu.memref_slice %arg6[%dma_wait3A_633] : memref<4096xi32, #tpu.memory_space<vmem>> -> memref<256xi32, #tpu.memory_space<vmem>>
        %dma_wait3A_635 = tpu.memref_slice %arg2[%add3A_582] : memref<4194304xi32, #tpu.memory_space<hbm>> -> memref<256xi32, #tpu.memory_space<hbm>>
        %dma_wait3A_636 = arith.constant 1280 : i32
        %dma_wait3A_637 = tpu.memref_slice %arg6[%dma_wait3A_636] : memref<4096xi32, #tpu.memory_space<vmem>> -> memref<256xi32, #tpu.memory_space<vmem>>
        %dma_wait3A_638 = tpu.memref_slice %arg2[%add3A_582] : memref<4194304xi32, #tpu.memory_space<hbm>> -> memref<256xi32, #tpu.memory_space<hbm>>
        tpu.wait_dma2 semaphore(%arg12 : memref<!tpu.dma_semaphore, #tpu.memory_space<semaphore_mem>>) src(%dma_wait3A_638 : memref<256xi32, #tpu.memory_space<hbm>>) dst(%dma_wait3A_637 : memref<256xi32, #tpu.memory_space<vmem>>)
        %dma_wait3A_639 = arith.constant 1536 : i32
        %dma_wait3A_640 = tpu.memref_slice %arg6[%dma_wait3A_639] : memref<4096xi32, #tpu.memory_space<vmem>> -> memref<256xi32, #tpu.memory_space<vmem>>
        %dma_wait3A_641 = tpu.memref_slice %arg2[%add3A_584] : memref<4194304xi32, #tpu.memory_space<hbm>> -> memref<256xi32, #tpu.memory_space<hbm>>
        %dma_wait3A_642 = arith.constant 1536 : i32
        %dma_wait3A_643 = tpu.memref_slice %arg6[%dma_wait3A_642] : memref<4096xi32, #tpu.memory_space<vmem>> -> memref<256xi32, #tpu.memory_space<vmem>>
        %dma_wait3A_644 = tpu.memref_slice %arg2[%add3A_584] : memref<4194304xi32, #tpu.memory_space<hbm>> -> memref<256xi32, #tpu.memory_space<hbm>>
        tpu.wait_dma2 semaphore(%arg12 : memref<!tpu.dma_semaphore, #tpu.memory_space<semaphore_mem>>) src(%dma_wait3A_644 : memref<256xi32, #tpu.memory_space<hbm>>) dst(%dma_wait3A_643 : memref<256xi32, #tpu.memory_space<vmem>>)
        %dma_wait3A_645 = arith.constant 1792 : i32
        %dma_wait3A_646 = tpu.memref_slice %arg6[%dma_wait3A_645] : memref<4096xi32, #tpu.memory_space<vmem>> -> memref<256xi32, #tpu.memory_space<vmem>>
        %dma_wait3A_647 = tpu.memref_slice %arg2[%add3A_586] : memref<4194304xi32, #tpu.memory_space<hbm>> -> memref<256xi32, #tpu.memory_space<hbm>>
        %dma_wait3A_648 = arith.constant 1792 : i32
        %dma_wait3A_649 = tpu.memref_slice %arg6[%dma_wait3A_648] : memref<4096xi32, #tpu.memory_space<vmem>> -> memref<256xi32, #tpu.memory_space<vmem>>
        %dma_wait3A_650 = tpu.memref_slice %arg2[%add3A_586] : memref<4194304xi32, #tpu.memory_space<hbm>> -> memref<256xi32, #tpu.memory_space<hbm>>
        tpu.wait_dma2 semaphore(%arg12 : memref<!tpu.dma_semaphore, #tpu.memory_space<semaphore_mem>>) src(%dma_wait3A_650 : memref<256xi32, #tpu.memory_space<hbm>>) dst(%dma_wait3A_649 : memref<256xi32, #tpu.memory_space<vmem>>)
        %dma_wait3A_651 = arith.constant 2048 : i32
        %dma_wait3A_652 = tpu.memref_slice %arg6[%dma_wait3A_651] : memref<4096xi32, #tpu.memory_space<vmem>> -> memref<256xi32, #tpu.memory_space<vmem>>
        %dma_wait3A_653 = tpu.memref_slice %arg2[%add3A_588] : memref<4194304xi32, #tpu.memory_space<hbm>> -> memref<256xi32, #tpu.memory_space<hbm>>
        %dma_wait3A_654 = arith.constant 2048 : i32
        %dma_wait3A_655 = tpu.memref_slice %arg6[%dma_wait3A_654] : memref<4096xi32, #tpu.memory_space<vmem>> -> memref<256xi32, #tpu.memory_space<vmem>>
        %dma_wait3A_656 = tpu.memref_slice %arg2[%add3A_588] : memref<4194304xi32, #tpu.memory_space<hbm>> -> memref<256xi32, #tpu.memory_space<hbm>>
        tpu.wait_dma2 semaphore(%arg12 : memref<!tpu.dma_semaphore, #tpu.memory_space<semaphore_mem>>) src(%dma_wait3A_656 : memref<256xi32, #tpu.memory_space<hbm>>) dst(%dma_wait3A_655 : memref<256xi32, #tpu.memory_space<vmem>>)
        %dma_wait3A_657 = arith.constant 2304 : i32
        %dma_wait3A_658 = tpu.memref_slice %arg6[%dma_wait3A_657] : memref<4096xi32, #tpu.memory_space<vmem>> -> memref<256xi32, #tpu.memory_space<vmem>>
        %dma_wait3A_659 = tpu.memref_slice %arg2[%add3A_590] : memref<4194304xi32, #tpu.memory_space<hbm>> -> memref<256xi32, #tpu.memory_space<hbm>>
        %dma_wait3A_660 = arith.constant 2304 : i32
        %dma_wait3A_661 = tpu.memref_slice %arg6[%dma_wait3A_660] : memref<4096xi32, #tpu.memory_space<vmem>> -> memref<256xi32, #tpu.memory_space<vmem>>
        %dma_wait3A_662 = tpu.memref_slice %arg2[%add3A_590] : memref<4194304xi32, #tpu.memory_space<hbm>> -> memref<256xi32, #tpu.memory_space<hbm>>
        tpu.wait_dma2 semaphore(%arg12 : memref<!tpu.dma_semaphore, #tpu.memory_space<semaphore_mem>>) src(%dma_wait3A_662 : memref<256xi32, #tpu.memory_space<hbm>>) dst(%dma_wait3A_661 : memref<256xi32, #tpu.memory_space<vmem>>)
        %dma_wait3A_663 = arith.constant 2560 : i32
        %dma_wait3A_664 = tpu.memref_slice %arg6[%dma_wait3A_663] : memref<4096xi32, #tpu.memory_space<vmem>> -> memref<256xi32, #tpu.memory_space<vmem>>
        %dma_wait3A_665 = tpu.memref_slice %arg2[%add3A_592] : memref<4194304xi32, #tpu.memory_space<hbm>> -> memref<256xi32, #tpu.memory_space<hbm>>
        %dma_wait3A_666 = arith.constant 2560 : i32
        %dma_wait3A_667 = tpu.memref_slice %arg6[%dma_wait3A_666] : memref<4096xi32, #tpu.memory_space<vmem>> -> memref<256xi32, #tpu.memory_space<vmem>>
        %dma_wait3A_668 = tpu.memref_slice %arg2[%add3A_592] : memref<4194304xi32, #tpu.memory_space<hbm>> -> memref<256xi32, #tpu.memory_space<hbm>>
        tpu.wait_dma2 semaphore(%arg12 : memref<!tpu.dma_semaphore, #tpu.memory_space<semaphore_mem>>) src(%dma_wait3A_668 : memref<256xi32, #tpu.memory_space<hbm>>) dst(%dma_wait3A_667 : memref<256xi32, #tpu.memory_space<vmem>>)
        %dma_wait3A_669 = arith.constant 2816 : i32
        %dma_wait3A_670 = tpu.memref_slice %arg6[%dma_wait3A_669] : memref<4096xi32, #tpu.memory_space<vmem>> -> memref<256xi32, #tpu.memory_space<vmem>>
        %dma_wait3A_671 = tpu.memref_slice %arg2[%add3A_594] : memref<4194304xi32, #tpu.memory_space<hbm>> -> memref<256xi32, #tpu.memory_space<hbm>>
        %dma_wait3A_672 = arith.constant 2816 : i32
        %dma_wait3A_673 = tpu.memref_slice %arg6[%dma_wait3A_672] : memref<4096xi32, #tpu.memory_space<vmem>> -> memref<256xi32, #tpu.memory_space<vmem>>
        %dma_wait3A_674 = tpu.memref_slice %arg2[%add3A_594] : memref<4194304xi32, #tpu.memory_space<hbm>> -> memref<256xi32, #tpu.memory_space<hbm>>
        tpu.wait_dma2 semaphore(%arg12 : memref<!tpu.dma_semaphore, #tpu.memory_space<semaphore_mem>>) src(%dma_wait3A_674 : memref<256xi32, #tpu.memory_space<hbm>>) dst(%dma_wait3A_673 : memref<256xi32, #tpu.memory_space<vmem>>)
        %dma_wait3A_675 = arith.constant 3072 : i32
        %dma_wait3A_676 = tpu.memref_slice %arg6[%dma_wait3A_675] : memref<4096xi32, #tpu.memory_space<vmem>> -> memref<256xi32, #tpu.memory_space<vmem>>
        %dma_wait3A_677 = tpu.memref_slice %arg2[%add3A_596] : memref<4194304xi32, #tpu.memory_space<hbm>> -> memref<256xi32, #tpu.memory_space<hbm>>
        %dma_wait3A_678 = arith.constant 3072 : i32
        %dma_wait3A_679 = tpu.memref_slice %arg6[%dma_wait3A_678] : memref<4096xi32, #tpu.memory_space<vmem>> -> memref<256xi32, #tpu.memory_space<vmem>>
        %dma_wait3A_680 = tpu.memref_slice %arg2[%add3A_596] : memref<4194304xi32, #tpu.memory_space<hbm>> -> memref<256xi32, #tpu.memory_space<hbm>>
        tpu.wait_dma2 semaphore(%arg12 : memref<!tpu.dma_semaphore, #tpu.memory_space<semaphore_mem>>) src(%dma_wait3A_680 : memref<256xi32, #tpu.memory_space<hbm>>) dst(%dma_wait3A_679 : memref<256xi32, #tpu.memory_space<vmem>>)
        %dma_wait3A_681 = arith.constant 3328 : i32
        %dma_wait3A_682 = tpu.memref_slice %arg6[%dma_wait3A_681] : memref<4096xi32, #tpu.memory_space<vmem>> -> memref<256xi32, #tpu.memory_space<vmem>>
        %dma_wait3A_683 = tpu.memref_slice %arg2[%add3A_598] : memref<4194304xi32, #tpu.memory_space<hbm>> -> memref<256xi32, #tpu.memory_space<hbm>>
        %dma_wait3A_684 = arith.constant 3328 : i32
        %dma_wait3A_685 = tpu.memref_slice %arg6[%dma_wait3A_684] : memref<4096xi32, #tpu.memory_space<vmem>> -> memref<256xi32, #tpu.memory_space<vmem>>
        %dma_wait3A_686 = tpu.memref_slice %arg2[%add3A_598] : memref<4194304xi32, #tpu.memory_space<hbm>> -> memref<256xi32, #tpu.memory_space<hbm>>
        tpu.wait_dma2 semaphore(%arg12 : memref<!tpu.dma_semaphore, #tpu.memory_space<semaphore_mem>>) src(%dma_wait3A_686 : memref<256xi32, #tpu.memory_space<hbm>>) dst(%dma_wait3A_685 : memref<256xi32, #tpu.memory_space<vmem>>)
        %dma_wait3A_687 = arith.constant 3584 : i32
        %dma_wait3A_688 = tpu.memref_slice %arg6[%dma_wait3A_687] : memref<4096xi32, #tpu.memory_space<vmem>> -> memref<256xi32, #tpu.memory_space<vmem>>
        %dma_wait3A_689 = tpu.memref_slice %arg2[%add3A_600] : memref<4194304xi32, #tpu.memory_space<hbm>> -> memref<256xi32, #tpu.memory_space<hbm>>
        %dma_wait3A_690 = arith.constant 3584 : i32
        %dma_wait3A_691 = tpu.memref_slice %arg6[%dma_wait3A_690] : memref<4096xi32, #tpu.memory_space<vmem>> -> memref<256xi32, #tpu.memory_space<vmem>>
        %dma_wait3A_692 = tpu.memref_slice %arg2[%add3A_600] : memref<4194304xi32, #tpu.memory_space<hbm>> -> memref<256xi32, #tpu.memory_space<hbm>>
        tpu.wait_dma2 semaphore(%arg12 : memref<!tpu.dma_semaphore, #tpu.memory_space<semaphore_mem>>) src(%dma_wait3A_692 : memref<256xi32, #tpu.memory_space<hbm>>) dst(%dma_wait3A_691 : memref<256xi32, #tpu.memory_space<vmem>>)
        %dma_wait3A_693 = arith.constant 3840 : i32
        %dma_wait3A_694 = tpu.memref_slice %arg6[%dma_wait3A_693] : memref<4096xi32, #tpu.memory_space<vmem>> -> memref<256xi32, #tpu.memory_space<vmem>>
        %dma_wait3A_695 = tpu.memref_slice %arg2[%add3A_602] : memref<4194304xi32, #tpu.memory_space<hbm>> -> memref<256xi32, #tpu.memory_space<hbm>>
        %dma_wait3A_696 = arith.constant 3840 : i32
        %dma_wait3A_697 = tpu.memref_slice %arg6[%dma_wait3A_696] : memref<4096xi32, #tpu.memory_space<vmem>> -> memref<256xi32, #tpu.memory_space<vmem>>
        %dma_wait3A_698 = tpu.memref_slice %arg2[%add3A_602] : memref<4194304xi32, #tpu.memory_space<hbm>> -> memref<256xi32, #tpu.memory_space<hbm>>
        tpu.wait_dma2 semaphore(%arg12 : memref<!tpu.dma_semaphore, #tpu.memory_space<semaphore_mem>>) src(%dma_wait3A_698 : memref<256xi32, #tpu.memory_space<hbm>>) dst(%dma_wait3A_697 : memref<256xi32, #tpu.memory_space<vmem>>)
        %scan3A_699 = arith.constant 0 : i32
        %scan3A_700 = arith.constant 0 : i32
        %scan3A_701 = arith.constant 16 : i32
        %scan3A_702 = arith.addi %scan3A_700, %scan3A_701 : i32
        %scan3A_703 = arith.constant 1 : i32
        scf.for %scan3A_705 = %scan3A_700 to %scan3A_702 step %scan3A_703  : i32 {
          %mul3A_706 = arith.constant 16 : i32
          %mul3A_707 = arith.muli %scan3A_705, %mul3A_706 : i32
          %add3A_708 = arith.constant 0 : i32
          %add3A_709 = arith.addi %add3A_708, %mul3A_707 : i32
          %get3A = arith.index_cast %add3A_709 : i32 to index
          %get3A_710 = tpu.vector_load %arg6[%get3A] {strides = array<i32>} : memref<4096xi32, #tpu.memory_space<vmem>>, vector<16xi32>,
          %get3A_711 = vector.shape_cast %get3A_710 : vector<16xi32> to vector<16xi32>
          %mul3A_712 = arith.constant 16 : i32
          %mul3A_713 = arith.muli %scan3A_705, %mul3A_712 : i32
          %add3A_714 = arith.constant 256 : i32
          %add3A_715 = arith.addi %add3A_714, %mul3A_713 : i32
          %get3A_716 = arith.index_cast %add3A_715 : i32 to index
          %get3A_717 = tpu.vector_load %arg6[%get3A_716] {strides = array<i32>} : memref<4096xi32, #tpu.memory_space<vmem>>, vector<16xi32>,
          %get3A_718 = vector.shape_cast %get3A_717 : vector<16xi32> to vector<16xi32>
          %mul3A_719 = arith.constant 16 : i32
          %mul3A_720 = arith.muli %scan3A_705, %mul3A_719 : i32
          %add3A_721 = arith.constant 512 : i32
          %add3A_722 = arith.addi %add3A_721, %mul3A_720 : i32
          %get3A_723 = arith.index_cast %add3A_722 : i32 to index
          %get3A_724 = tpu.vector_load %arg6[%get3A_723] {strides = array<i32>} : memref<4096xi32, #tpu.memory_space<vmem>>, vector<16xi32>,
          %get3A_725 = vector.shape_cast %get3A_724 : vector<16xi32> to vector<16xi32>
          %mul3A_726 = arith.constant 16 : i32
          %mul3A_727 = arith.muli %scan3A_705, %mul3A_726 : i32
          %add3A_728 = arith.constant 768 : i32
          %add3A_729 = arith.addi %add3A_728, %mul3A_727 : i32
          %get3A_730 = arith.index_cast %add3A_729 : i32 to index
          %get3A_731 = tpu.vector_load %arg6[%get3A_730] {strides = array<i32>} : memref<4096xi32, #tpu.memory_space<vmem>>, vector<16xi32>,
          %get3A_732 = vector.shape_cast %get3A_731 : vector<16xi32> to vector<16xi32>
          %mul3A_733 = arith.constant 16 : i32
          %mul3A_734 = arith.muli %scan3A_705, %mul3A_733 : i32
          %add3A_735 = arith.constant 1024 : i32
          %add3A_736 = arith.addi %add3A_735, %mul3A_734 : i32
          %get3A_737 = arith.index_cast %add3A_736 : i32 to index
          %get3A_738 = tpu.vector_load %arg6[%get3A_737] {strides = array<i32>} : memref<4096xi32, #tpu.memory_space<vmem>>, vector<16xi32>,
          %get3A_739 = vector.shape_cast %get3A_738 : vector<16xi32> to vector<16xi32>
          %mul3A_740 = arith.constant 16 : i32
          %mul3A_741 = arith.muli %scan3A_705, %mul3A_740 : i32
          %add3A_742 = arith.constant 1280 : i32
          %add3A_743 = arith.addi %add3A_742, %mul3A_741 : i32
          %get3A_744 = arith.index_cast %add3A_743 : i32 to index
          %get3A_745 = tpu.vector_load %arg6[%get3A_744] {strides = array<i32>} : memref<4096xi32, #tpu.memory_space<vmem>>, vector<16xi32>,
          %get3A_746 = vector.shape_cast %get3A_745 : vector<16xi32> to vector<16xi32>
          %mul3A_747 = arith.constant 16 : i32
          %mul3A_748 = arith.muli %scan3A_705, %mul3A_747 : i32
          %add3A_749 = arith.constant 1536 : i32
          %add3A_750 = arith.addi %add3A_749, %mul3A_748 : i32
          %get3A_751 = arith.index_cast %add3A_750 : i32 to index
          %get3A_752 = tpu.vector_load %arg6[%get3A_751] {strides = array<i32>} : memref<4096xi32, #tpu.memory_space<vmem>>, vector<16xi32>,
          %get3A_753 = vector.shape_cast %get3A_752 : vector<16xi32> to vector<16xi32>
          %mul3A_754 = arith.constant 16 : i32
          %mul3A_755 = arith.muli %scan3A_705, %mul3A_754 : i32
          %add3A_756 = arith.constant 1792 : i32
          %add3A_757 = arith.addi %add3A_756, %mul3A_755 : i32
          %get3A_758 = arith.index_cast %add3A_757 : i32 to index
          %get3A_759 = tpu.vector_load %arg6[%get3A_758] {strides = array<i32>} : memref<4096xi32, #tpu.memory_space<vmem>>, vector<16xi32>,
          %get3A_760 = vector.shape_cast %get3A_759 : vector<16xi32> to vector<16xi32>
          %mul3A_761 = arith.constant 16 : i32
          %mul3A_762 = arith.muli %scan3A_705, %mul3A_761 : i32
          %add3A_763 = arith.constant 2048 : i32
          %add3A_764 = arith.addi %add3A_763, %mul3A_762 : i32
          %get3A_765 = arith.index_cast %add3A_764 : i32 to index
          %get3A_766 = tpu.vector_load %arg6[%get3A_765] {strides = array<i32>} : memref<4096xi32, #tpu.memory_space<vmem>>, vector<16xi32>,
          %get3A_767 = vector.shape_cast %get3A_766 : vector<16xi32> to vector<16xi32>
          %mul3A_768 = arith.constant 16 : i32
          %mul3A_769 = arith.muli %scan3A_705, %mul3A_768 : i32
          %add3A_770 = arith.constant 2304 : i32
          %add3A_771 = arith.addi %add3A_770, %mul3A_769 : i32
          %get3A_772 = arith.index_cast %add3A_771 : i32 to index
          %get3A_773 = tpu.vector_load %arg6[%get3A_772] {strides = array<i32>} : memref<4096xi32, #tpu.memory_space<vmem>>, vector<16xi32>,
          %get3A_774 = vector.shape_cast %get3A_773 : vector<16xi32> to vector<16xi32>
          %mul3A_775 = arith.constant 16 : i32
          %mul3A_776 = arith.muli %scan3A_705, %mul3A_775 : i32
          %add3A_777 = arith.constant 2560 : i32
          %add3A_778 = arith.addi %add3A_777, %mul3A_776 : i32
          %get3A_779 = arith.index_cast %add3A_778 : i32 to index
          %get3A_780 = tpu.vector_load %arg6[%get3A_779] {strides = array<i32>} : memref<4096xi32, #tpu.memory_space<vmem>>, vector<16xi32>,
          %get3A_781 = vector.shape_cast %get3A_780 : vector<16xi32> to vector<16xi32>
          %mul3A_782 = arith.constant 16 : i32
          %mul3A_783 = arith.muli %scan3A_705, %mul3A_782 : i32
          %add3A_784 = arith.constant 2816 : i32
          %add3A_785 = arith.addi %add3A_784, %mul3A_783 : i32
          %get3A_786 = arith.index_cast %add3A_785 : i32 to index
          %get3A_787 = tpu.vector_load %arg6[%get3A_786] {strides = array<i32>} : memref<4096xi32, #tpu.memory_space<vmem>>, vector<16xi32>,
          %get3A_788 = vector.shape_cast %get3A_787 : vector<16xi32> to vector<16xi32>
          %mul3A_789 = arith.constant 16 : i32
          %mul3A_790 = arith.muli %scan3A_705, %mul3A_789 : i32
          %add3A_791 = arith.constant 3072 : i32
          %add3A_792 = arith.addi %add3A_791, %mul3A_790 : i32
          %get3A_793 = arith.index_cast %add3A_792 : i32 to index
          %get3A_794 = tpu.vector_load %arg6[%get3A_793] {strides = array<i32>} : memref<4096xi32, #tpu.memory_space<vmem>>, vector<16xi32>,
          %get3A_795 = vector.shape_cast %get3A_794 : vector<16xi32> to vector<16xi32>
          %mul3A_796 = arith.constant 16 : i32
          %mul3A_797 = arith.muli %scan3A_705, %mul3A_796 : i32
          %add3A_798 = arith.constant 3328 : i32
          %add3A_799 = arith.addi %add3A_798, %mul3A_797 : i32
          %get3A_800 = arith.index_cast %add3A_799 : i32 to index
          %get3A_801 = tpu.vector_load %arg6[%get3A_800] {strides = array<i32>} : memref<4096xi32, #tpu.memory_space<vmem>>, vector<16xi32>,
          %get3A_802 = vector.shape_cast %get3A_801 : vector<16xi32> to vector<16xi32>
          %mul3A_803 = arith.constant 16 : i32
          %mul3A_804 = arith.muli %scan3A_705, %mul3A_803 : i32
          %add3A_805 = arith.constant 3584 : i32
          %add3A_806 = arith.addi %add3A_805, %mul3A_804 : i32
          %get3A_807 = arith.index_cast %add3A_806 : i32 to index
          %get3A_808 = tpu.vector_load %arg6[%get3A_807] {strides = array<i32>} : memref<4096xi32, #tpu.memory_space<vmem>>, vector<16xi32>,
          %get3A_809 = vector.shape_cast %get3A_808 : vector<16xi32> to vector<16xi32>
          %mul3A_810 = arith.constant 16 : i32
          %mul3A_811 = arith.muli %scan3A_705, %mul3A_810 : i32
          %add3A_812 = arith.constant 3840 : i32
          %add3A_813 = arith.addi %add3A_812, %mul3A_811 : i32
          %get3A_814 = arith.index_cast %add3A_813 : i32 to index
          %get3A_815 = tpu.vector_load %arg6[%get3A_814] {strides = array<i32>} : memref<4096xi32, #tpu.memory_space<vmem>>, vector<16xi32>,
          %get3A_816 = vector.shape_cast %get3A_815 : vector<16xi32> to vector<16xi32>
          %and3A_817 = arith.constant 1 : i32
          %and3A_818 = vector.broadcast %and3A_817 : i32 to vector<16xi32>
          %and3A_819 = arith.andi %iota3A, %and3A_818 : vector<16xi32>
          %eq3A_820 = arith.constant 0 : i32
          %eq3A_821 = vector.broadcast %eq3A_820 : i32 to vector<16xi32>
          %eq3A_822 = arith.cmpi eq, %and3A_819, %eq3A_821 : vector<16xi32>
          %broadcast_in_dim3A = vector.shape_cast %xor3A_51 : vector<16xi32> to vector<16x1xi32>
          %gather3A = vector.shape_cast %broadcast_in_dim3A : vector<16x1xi32> to vector<16xi32>
          %gather3A_823 = tpu.dynamic_gather %get3A_718[%gather3A] in [0] : vector<16xi32>, vector<16xi32> -> vector<16xi32>
          %select_n3A_824 = arith.select %eq3A_822, %get3A_711, %gather3A_823 : vector<16xi1>, vector<16xi32>
          %broadcast_in_dim3A_825 = vector.shape_cast %xor3A_51 : vector<16xi32> to vector<16x1xi32>
          %gather3A_826 = vector.shape_cast %broadcast_in_dim3A_825 : vector<16x1xi32> to vector<16xi32>
          %gather3A_827 = tpu.dynamic_gather %get3A_711[%gather3A_826] in [0] : vector<16xi32>, vector<16xi32> -> vector<16xi32>
          %select_n3A_828 = arith.select %eq3A_822, %gather3A_827, %get3A_718 : vector<16xi1>, vector<16xi32>
          %broadcast_in_dim3A_829 = vector.shape_cast %xor3A_51 : vector<16xi32> to vector<16x1xi32>
          %gather3A_830 = vector.shape_cast %broadcast_in_dim3A_829 : vector<16x1xi32> to vector<16xi32>
          %gather3A_831 = tpu.dynamic_gather %get3A_732[%gather3A_830] in [0] : vector<16xi32>, vector<16xi32> -> vector<16xi32>
          %select_n3A_832 = arith.select %eq3A_822, %get3A_725, %gather3A_831 : vector<16xi1>, vector<16xi32>
          %broadcast_in_dim3A_833 = vector.shape_cast %xor3A_51 : vector<16xi32> to vector<16x1xi32>
          %gather3A_834 = vector.shape_cast %broadcast_in_dim3A_833 : vector<16x1xi32> to vector<16xi32>
          %gather3A_835 = tpu.dynamic_gather %get3A_725[%gather3A_834] in [0] : vector<16xi32>, vector<16xi32> -> vector<16xi32>
          %select_n3A_836 = arith.select %eq3A_822, %gather3A_835, %get3A_732 : vector<16xi1>, vector<16xi32>
          %broadcast_in_dim3A_837 = vector.shape_cast %xor3A_51 : vector<16xi32> to vector<16x1xi32>
          %gather3A_838 = vector.shape_cast %broadcast_in_dim3A_837 : vector<16x1xi32> to vector<16xi32>
          %gather3A_839 = tpu.dynamic_gather %get3A_746[%gather3A_838] in [0] : vector<16xi32>, vector<16xi32> -> vector<16xi32>
          %select_n3A_840 = arith.select %eq3A_822, %get3A_739, %gather3A_839 : vector<16xi1>, vector<16xi32>
          %broadcast_in_dim3A_841 = vector.shape_cast %xor3A_51 : vector<16xi32> to vector<16x1xi32>
          %gather3A_842 = vector.shape_cast %broadcast_in_dim3A_841 : vector<16x1xi32> to vector<16xi32>
          %gather3A_843 = tpu.dynamic_gather %get3A_739[%gather3A_842] in [0] : vector<16xi32>, vector<16xi32> -> vector<16xi32>
          %select_n3A_844 = arith.select %eq3A_822, %gather3A_843, %get3A_746 : vector<16xi1>, vector<16xi32>
          %broadcast_in_dim3A_845 = vector.shape_cast %xor3A_51 : vector<16xi32> to vector<16x1xi32>
          %gather3A_846 = vector.shape_cast %broadcast_in_dim3A_845 : vector<16x1xi32> to vector<16xi32>
          %gather3A_847 = tpu.dynamic_gather %get3A_760[%gather3A_846] in [0] : vector<16xi32>, vector<16xi32> -> vector<16xi32>
          %select_n3A_848 = arith.select %eq3A_822, %get3A_753, %gather3A_847 : vector<16xi1>, vector<16xi32>
          %broadcast_in_dim3A_849 = vector.shape_cast %xor3A_51 : vector<16xi32> to vector<16x1xi32>
          %gather3A_850 = vector.shape_cast %broadcast_in_dim3A_849 : vector<16x1xi32> to vector<16xi32>
          %gather3A_851 = tpu.dynamic_gather %get3A_753[%gather3A_850] in [0] : vector<16xi32>, vector<16xi32> -> vector<16xi32>
          %select_n3A_852 = arith.select %eq3A_822, %gather3A_851, %get3A_760 : vector<16xi1>, vector<16xi32>
          %broadcast_in_dim3A_853 = vector.shape_cast %xor3A_51 : vector<16xi32> to vector<16x1xi32>
          %gather3A_854 = vector.shape_cast %broadcast_in_dim3A_853 : vector<16x1xi32> to vector<16xi32>
          %gather3A_855 = tpu.dynamic_gather %get3A_774[%gather3A_854] in [0] : vector<16xi32>, vector<16xi32> -> vector<16xi32>
          %select_n3A_856 = arith.select %eq3A_822, %get3A_767, %gather3A_855 : vector<16xi1>, vector<16xi32>
          %broadcast_in_dim3A_857 = vector.shape_cast %xor3A_51 : vector<16xi32> to vector<16x1xi32>
          %gather3A_858 = vector.shape_cast %broadcast_in_dim3A_857 : vector<16x1xi32> to vector<16xi32>
          %gather3A_859 = tpu.dynamic_gather %get3A_767[%gather3A_858] in [0] : vector<16xi32>, vector<16xi32> -> vector<16xi32>
          %select_n3A_860 = arith.select %eq3A_822, %gather3A_859, %get3A_774 : vector<16xi1>, vector<16xi32>
          %broadcast_in_dim3A_861 = vector.shape_cast %xor3A_51 : vector<16xi32> to vector<16x1xi32>
          %gather3A_862 = vector.shape_cast %broadcast_in_dim3A_861 : vector<16x1xi32> to vector<16xi32>
          %gather3A_863 = tpu.dynamic_gather %get3A_788[%gather3A_862] in [0] : vector<16xi32>, vector<16xi32> -> vector<16xi32>
          %select_n3A_864 = arith.select %eq3A_822, %get3A_781, %gather3A_863 : vector<16xi1>, vector<16xi32>
          %broadcast_in_dim3A_865 = vector.shape_cast %xor3A_51 : vector<16xi32> to vector<16x1xi32>
          %gather3A_866 = vector.shape_cast %broadcast_in_dim3A_865 : vector<16x1xi32> to vector<16xi32>
          %gather3A_867 = tpu.dynamic_gather %get3A_781[%gather3A_866] in [0] : vector<16xi32>, vector<16xi32> -> vector<16xi32>
          %select_n3A_868 = arith.select %eq3A_822, %gather3A_867, %get3A_788 : vector<16xi1>, vector<16xi32>
          %broadcast_in_dim3A_869 = vector.shape_cast %xor3A_51 : vector<16xi32> to vector<16x1xi32>
          %gather3A_870 = vector.shape_cast %broadcast_in_dim3A_869 : vector<16x1xi32> to vector<16xi32>
          %gather3A_871 = tpu.dynamic_gather %get3A_802[%gather3A_870] in [0] : vector<16xi32>, vector<16xi32> -> vector<16xi32>
          %select_n3A_872 = arith.select %eq3A_822, %get3A_795, %gather3A_871 : vector<16xi1>, vector<16xi32>
          %broadcast_in_dim3A_873 = vector.shape_cast %xor3A_51 : vector<16xi32> to vector<16x1xi32>
          %gather3A_874 = vector.shape_cast %broadcast_in_dim3A_873 : vector<16x1xi32> to vector<16xi32>
          %gather3A_875 = tpu.dynamic_gather %get3A_795[%gather3A_874] in [0] : vector<16xi32>, vector<16xi32> -> vector<16xi32>
          %select_n3A_876 = arith.select %eq3A_822, %gather3A_875, %get3A_802 : vector<16xi1>, vector<16xi32>
          %broadcast_in_dim3A_877 = vector.shape_cast %xor3A_51 : vector<16xi32> to vector<16x1xi32>
          %gather3A_878 = vector.shape_cast %broadcast_in_dim3A_877 : vector<16x1xi32> to vector<16xi32>
          %gather3A_879 = tpu.dynamic_gather %get3A_816[%gather3A_878] in [0] : vector<16xi32>, vector<16xi32> -> vector<16xi32>
          %select_n3A_880 = arith.select %eq3A_822, %get3A_809, %gather3A_879 : vector<16xi1>, vector<16xi32>
          %broadcast_in_dim3A_881 = vector.shape_cast %xor3A_51 : vector<16xi32> to vector<16x1xi32>
          %gather3A_882 = vector.shape_cast %broadcast_in_dim3A_881 : vector<16x1xi32> to vector<16xi32>
          %gather3A_883 = tpu.dynamic_gather %get3A_809[%gather3A_882] in [0] : vector<16xi32>, vector<16xi32> -> vector<16xi32>
          %select_n3A_884 = arith.select %eq3A_822, %gather3A_883, %get3A_816 : vector<16xi1>, vector<16xi32>
          %and3A_885 = arith.constant 2 : i32
          %and3A_886 = vector.broadcast %and3A_885 : i32 to vector<16xi32>
          %and3A_887 = arith.andi %iota3A, %and3A_886 : vector<16xi32>
          %eq3A_888 = arith.constant 0 : i32
          %eq3A_889 = vector.broadcast %eq3A_888 : i32 to vector<16xi32>
          %eq3A_890 = arith.cmpi eq, %and3A_887, %eq3A_889 : vector<16xi32>
          %broadcast_in_dim3A_891 = vector.shape_cast %xor3A_54 : vector<16xi32> to vector<16x1xi32>
          %gather3A_892 = vector.shape_cast %broadcast_in_dim3A_891 : vector<16x1xi32> to vector<16xi32>
          %gather3A_893 = tpu.dynamic_gather %select_n3A_832[%gather3A_892] in [0] : vector<16xi32>, vector<16xi32> -> vector<16xi32>
          %select_n3A_894 = arith.select %eq3A_890, %select_n3A_824, %gather3A_893 : vector<16xi1>, vector<16xi32>
          %broadcast_in_dim3A_895 = vector.shape_cast %xor3A_54 : vector<16xi32> to vector<16x1xi32>
          %gather3A_896 = vector.shape_cast %broadcast_in_dim3A_895 : vector<16x1xi32> to vector<16xi32>
          %gather3A_897 = tpu.dynamic_gather %select_n3A_824[%gather3A_896] in [0] : vector<16xi32>, vector<16xi32> -> vector<16xi32>
          %select_n3A_898 = arith.select %eq3A_890, %gather3A_897, %select_n3A_832 : vector<16xi1>, vector<16xi32>
          %broadcast_in_dim3A_899 = vector.shape_cast %xor3A_54 : vector<16xi32> to vector<16x1xi32>
          %gather3A_900 = vector.shape_cast %broadcast_in_dim3A_899 : vector<16x1xi32> to vector<16xi32>
          %gather3A_901 = tpu.dynamic_gather %select_n3A_836[%gather3A_900] in [0] : vector<16xi32>, vector<16xi32> -> vector<16xi32>
          %select_n3A_902 = arith.select %eq3A_890, %select_n3A_828, %gather3A_901 : vector<16xi1>, vector<16xi32>
          %broadcast_in_dim3A_903 = vector.shape_cast %xor3A_54 : vector<16xi32> to vector<16x1xi32>
          %gather3A_904 = vector.shape_cast %broadcast_in_dim3A_903 : vector<16x1xi32> to vector<16xi32>
          %gather3A_905 = tpu.dynamic_gather %select_n3A_828[%gather3A_904] in [0] : vector<16xi32>, vector<16xi32> -> vector<16xi32>
          %select_n3A_906 = arith.select %eq3A_890, %gather3A_905, %select_n3A_836 : vector<16xi1>, vector<16xi32>
          %broadcast_in_dim3A_907 = vector.shape_cast %xor3A_54 : vector<16xi32> to vector<16x1xi32>
          %gather3A_908 = vector.shape_cast %broadcast_in_dim3A_907 : vector<16x1xi32> to vector<16xi32>
          %gather3A_909 = tpu.dynamic_gather %select_n3A_848[%gather3A_908] in [0] : vector<16xi32>, vector<16xi32> -> vector<16xi32>
          %select_n3A_910 = arith.select %eq3A_890, %select_n3A_840, %gather3A_909 : vector<16xi1>, vector<16xi32>
          %broadcast_in_dim3A_911 = vector.shape_cast %xor3A_54 : vector<16xi32> to vector<16x1xi32>
          %gather3A_912 = vector.shape_cast %broadcast_in_dim3A_911 : vector<16x1xi32> to vector<16xi32>
          %gather3A_913 = tpu.dynamic_gather %select_n3A_840[%gather3A_912] in [0] : vector<16xi32>, vector<16xi32> -> vector<16xi32>
          %select_n3A_914 = arith.select %eq3A_890, %gather3A_913, %select_n3A_848 : vector<16xi1>, vector<16xi32>
          %broadcast_in_dim3A_915 = vector.shape_cast %xor3A_54 : vector<16xi32> to vector<16x1xi32>
          %gather3A_916 = vector.shape_cast %broadcast_in_dim3A_915 : vector<16x1xi32> to vector<16xi32>
          %gather3A_917 = tpu.dynamic_gather %select_n3A_852[%gather3A_916] in [0] : vector<16xi32>, vector<16xi32> -> vector<16xi32>
          %select_n3A_918 = arith.select %eq3A_890, %select_n3A_844, %gather3A_917 : vector<16xi1>, vector<16xi32>
          %broadcast_in_dim3A_919 = vector.shape_cast %xor3A_54 : vector<16xi32> to vector<16x1xi32>
          %gather3A_920 = vector.shape_cast %broadcast_in_dim3A_919 : vector<16x1xi32> to vector<16xi32>
          %gather3A_921 = tpu.dynamic_gather %select_n3A_844[%gather3A_920] in [0] : vector<16xi32>, vector<16xi32> -> vector<16xi32>
          %select_n3A_922 = arith.select %eq3A_890, %gather3A_921, %select_n3A_852 : vector<16xi1>, vector<16xi32>
          %broadcast_in_dim3A_923 = vector.shape_cast %xor3A_54 : vector<16xi32> to vector<16x1xi32>
          %gather3A_924 = vector.shape_cast %broadcast_in_dim3A_923 : vector<16x1xi32> to vector<16xi32>
          %gather3A_925 = tpu.dynamic_gather %select_n3A_864[%gather3A_924] in [0] : vector<16xi32>, vector<16xi32> -> vector<16xi32>
          %select_n3A_926 = arith.select %eq3A_890, %select_n3A_856, %gather3A_925 : vector<16xi1>, vector<16xi32>
          %broadcast_in_dim3A_927 = vector.shape_cast %xor3A_54 : vector<16xi32> to vector<16x1xi32>
          %gather3A_928 = vector.shape_cast %broadcast_in_dim3A_927 : vector<16x1xi32> to vector<16xi32>
          %gather3A_929 = tpu.dynamic_gather %select_n3A_856[%gather3A_928] in [0] : vector<16xi32>, vector<16xi32> -> vector<16xi32>
          %select_n3A_930 = arith.select %eq3A_890, %gather3A_929, %select_n3A_864 : vector<16xi1>, vector<16xi32>
          %broadcast_in_dim3A_931 = vector.shape_cast %xor3A_54 : vector<16xi32> to vector<16x1xi32>
          %gather3A_932 = vector.shape_cast %broadcast_in_dim3A_931 : vector<16x1xi32> to vector<16xi32>
          %gather3A_933 = tpu.dynamic_gather %select_n3A_868[%gather3A_932] in [0] : vector<16xi32>, vector<16xi32> -> vector<16xi32>
          %select_n3A_934 = arith.select %eq3A_890, %select_n3A_860, %gather3A_933 : vector<16xi1>, vector<16xi32>
          %broadcast_in_dim3A_935 = vector.shape_cast %xor3A_54 : vector<16xi32> to vector<16x1xi32>
          %gather3A_936 = vector.shape_cast %broadcast_in_dim3A_935 : vector<16x1xi32> to vector<16xi32>
          %gather3A_937 = tpu.dynamic_gather %select_n3A_860[%gather3A_936] in [0] : vector<16xi32>, vector<16xi32> -> vector<16xi32>
          %select_n3A_938 = arith.select %eq3A_890, %gather3A_937, %select_n3A_868 : vector<16xi1>, vector<16xi32>
          %broadcast_in_dim3A_939 = vector.shape_cast %xor3A_54 : vector<16xi32> to vector<16x1xi32>
          %gather3A_940 = vector.shape_cast %broadcast_in_dim3A_939 : vector<16x1xi32> to vector<16xi32>
          %gather3A_941 = tpu.dynamic_gather %select_n3A_880[%gather3A_940] in [0] : vector<16xi32>, vector<16xi32> -> vector<16xi32>
          %select_n3A_942 = arith.select %eq3A_890, %select_n3A_872, %gather3A_941 : vector<16xi1>, vector<16xi32>
          %broadcast_in_dim3A_943 = vector.shape_cast %xor3A_54 : vector<16xi32> to vector<16x1xi32>
          %gather3A_944 = vector.shape_cast %broadcast_in_dim3A_943 : vector<16x1xi32> to vector<16xi32>
          %gather3A_945 = tpu.dynamic_gather %select_n3A_872[%gather3A_944] in [0] : vector<16xi32>, vector<16xi32> -> vector<16xi32>
          %select_n3A_946 = arith.select %eq3A_890, %gather3A_945, %select_n3A_880 : vector<16xi1>, vector<16xi32>
          %broadcast_in_dim3A_947 = vector.shape_cast %xor3A_54 : vector<16xi32> to vector<16x1xi32>
          %gather3A_948 = vector.shape_cast %broadcast_in_dim3A_947 : vector<16x1xi32> to vector<16xi32>
          %gather3A_949 = tpu.dynamic_gather %select_n3A_884[%gather3A_948] in [0] : vector<16xi32>, vector<16xi32> -> vector<16xi32>
          %select_n3A_950 = arith.select %eq3A_890, %select_n3A_876, %gather3A_949 : vector<16xi1>, vector<16xi32>
          %broadcast_in_dim3A_951 = vector.shape_cast %xor3A_54 : vector<16xi32> to vector<16x1xi32>
          %gather3A_952 = vector.shape_cast %broadcast_in_dim3A_951 : vector<16x1xi32> to vector<16xi32>
          %gather3A_953 = tpu.dynamic_gather %select_n3A_876[%gather3A_952] in [0] : vector<16xi32>, vector<16xi32> -> vector<16xi32>
          %select_n3A_954 = arith.select %eq3A_890, %gather3A_953, %select_n3A_884 : vector<16xi1>, vector<16xi32>
          %and3A_955 = arith.constant 4 : i32
          %and3A_956 = vector.broadcast %and3A_955 : i32 to vector<16xi32>
          %and3A_957 = arith.andi %iota3A, %and3A_956 : vector<16xi32>
          %eq3A_958 = arith.constant 0 : i32
          %eq3A_959 = vector.broadcast %eq3A_958 : i32 to vector<16xi32>
          %eq3A_960 = arith.cmpi eq, %and3A_957, %eq3A_959 : vector<16xi32>
          %broadcast_in_dim3A_961 = vector.shape_cast %xor3A_57 : vector<16xi32> to vector<16x1xi32>
          %gather3A_962 = vector.shape_cast %broadcast_in_dim3A_961 : vector<16x1xi32> to vector<16xi32>
          %gather3A_963 = tpu.dynamic_gather %select_n3A_910[%gather3A_962] in [0] : vector<16xi32>, vector<16xi32> -> vector<16xi32>
          %select_n3A_964 = arith.select %eq3A_960, %select_n3A_894, %gather3A_963 : vector<16xi1>, vector<16xi32>
          %broadcast_in_dim3A_965 = vector.shape_cast %xor3A_57 : vector<16xi32> to vector<16x1xi32>
          %gather3A_966 = vector.shape_cast %broadcast_in_dim3A_965 : vector<16x1xi32> to vector<16xi32>
          %gather3A_967 = tpu.dynamic_gather %select_n3A_894[%gather3A_966] in [0] : vector<16xi32>, vector<16xi32> -> vector<16xi32>
          %select_n3A_968 = arith.select %eq3A_960, %gather3A_967, %select_n3A_910 : vector<16xi1>, vector<16xi32>
          %broadcast_in_dim3A_969 = vector.shape_cast %xor3A_57 : vector<16xi32> to vector<16x1xi32>
          %gather3A_970 = vector.shape_cast %broadcast_in_dim3A_969 : vector<16x1xi32> to vector<16xi32>
          %gather3A_971 = tpu.dynamic_gather %select_n3A_918[%gather3A_970] in [0] : vector<16xi32>, vector<16xi32> -> vector<16xi32>
          %select_n3A_972 = arith.select %eq3A_960, %select_n3A_902, %gather3A_971 : vector<16xi1>, vector<16xi32>
          %broadcast_in_dim3A_973 = vector.shape_cast %xor3A_57 : vector<16xi32> to vector<16x1xi32>
          %gather3A_974 = vector.shape_cast %broadcast_in_dim3A_973 : vector<16x1xi32> to vector<16xi32>
          %gather3A_975 = tpu.dynamic_gather %select_n3A_902[%gather3A_974] in [0] : vector<16xi32>, vector<16xi32> -> vector<16xi32>
          %select_n3A_976 = arith.select %eq3A_960, %gather3A_975, %select_n3A_918 : vector<16xi1>, vector<16xi32>
          %broadcast_in_dim3A_977 = vector.shape_cast %xor3A_57 : vector<16xi32> to vector<16x1xi32>
          %gather3A_978 = vector.shape_cast %broadcast_in_dim3A_977 : vector<16x1xi32> to vector<16xi32>
          %gather3A_979 = tpu.dynamic_gather %select_n3A_914[%gather3A_978] in [0] : vector<16xi32>, vector<16xi32> -> vector<16xi32>
          %select_n3A_980 = arith.select %eq3A_960, %select_n3A_898, %gather3A_979 : vector<16xi1>, vector<16xi32>
          %broadcast_in_dim3A_981 = vector.shape_cast %xor3A_57 : vector<16xi32> to vector<16x1xi32>
          %gather3A_982 = vector.shape_cast %broadcast_in_dim3A_981 : vector<16x1xi32> to vector<16xi32>
          %gather3A_983 = tpu.dynamic_gather %select_n3A_898[%gather3A_982] in [0] : vector<16xi32>, vector<16xi32> -> vector<16xi32>
          %select_n3A_984 = arith.select %eq3A_960, %gather3A_983, %select_n3A_914 : vector<16xi1>, vector<16xi32>
          %broadcast_in_dim3A_985 = vector.shape_cast %xor3A_57 : vector<16xi32> to vector<16x1xi32>
          %gather3A_986 = vector.shape_cast %broadcast_in_dim3A_985 : vector<16x1xi32> to vector<16xi32>
          %gather3A_987 = tpu.dynamic_gather %select_n3A_922[%gather3A_986] in [0] : vector<16xi32>, vector<16xi32> -> vector<16xi32>
          %select_n3A_988 = arith.select %eq3A_960, %select_n3A_906, %gather3A_987 : vector<16xi1>, vector<16xi32>
          %broadcast_in_dim3A_989 = vector.shape_cast %xor3A_57 : vector<16xi32> to vector<16x1xi32>
          %gather3A_990 = vector.shape_cast %broadcast_in_dim3A_989 : vector<16x1xi32> to vector<16xi32>
          %gather3A_991 = tpu.dynamic_gather %select_n3A_906[%gather3A_990] in [0] : vector<16xi32>, vector<16xi32> -> vector<16xi32>
          %select_n3A_992 = arith.select %eq3A_960, %gather3A_991, %select_n3A_922 : vector<16xi1>, vector<16xi32>
          %broadcast_in_dim3A_993 = vector.shape_cast %xor3A_57 : vector<16xi32> to vector<16x1xi32>
          %gather3A_994 = vector.shape_cast %broadcast_in_dim3A_993 : vector<16x1xi32> to vector<16xi32>
          %gather3A_995 = tpu.dynamic_gather %select_n3A_942[%gather3A_994] in [0] : vector<16xi32>, vector<16xi32> -> vector<16xi32>
          %select_n3A_996 = arith.select %eq3A_960, %select_n3A_926, %gather3A_995 : vector<16xi1>, vector<16xi32>
          %broadcast_in_dim3A_997 = vector.shape_cast %xor3A_57 : vector<16xi32> to vector<16x1xi32>
          %gather3A_998 = vector.shape_cast %broadcast_in_dim3A_997 : vector<16x1xi32> to vector<16xi32>
          %gather3A_999 = tpu.dynamic_gather %select_n3A_926[%gather3A_998] in [0] : vector<16xi32>, vector<16xi32> -> vector<16xi32>
          %select_n3A_1000 = arith.select %eq3A_960, %gather3A_999, %select_n3A_942 : vector<16xi1>, vector<16xi32>
          %broadcast_in_dim3A_1001 = vector.shape_cast %xor3A_57 : vector<16xi32> to vector<16x1xi32>
          %gather3A_1002 = vector.shape_cast %broadcast_in_dim3A_1001 : vector<16x1xi32> to vector<16xi32>
          %gather3A_1003 = tpu.dynamic_gather %select_n3A_950[%gather3A_1002] in [0] : vector<16xi32>, vector<16xi32> -> vector<16xi32>
          %select_n3A_1004 = arith.select %eq3A_960, %select_n3A_934, %gather3A_1003 : vector<16xi1>, vector<16xi32>
          %broadcast_in_dim3A_1005 = vector.shape_cast %xor3A_57 : vector<16xi32> to vector<16x1xi32>
          %gather3A_1006 = vector.shape_cast %broadcast_in_dim3A_1005 : vector<16x1xi32> to vector<16xi32>
          %gather3A_1007 = tpu.dynamic_gather %select_n3A_934[%gather3A_1006] in [0] : vector<16xi32>, vector<16xi32> -> vector<16xi32>
          %select_n3A_1008 = arith.select %eq3A_960, %gather3A_1007, %select_n3A_950 : vector<16xi1>, vector<16xi32>
          %broadcast_in_dim3A_1009 = vector.shape_cast %xor3A_57 : vector<16xi32> to vector<16x1xi32>
          %gather3A_1010 = vector.shape_cast %broadcast_in_dim3A_1009 : vector<16x1xi32> to vector<16xi32>
          %gather3A_1011 = tpu.dynamic_gather %select_n3A_946[%gather3A_1010] in [0] : vector<16xi32>, vector<16xi32> -> vector<16xi32>
          %select_n3A_1012 = arith.select %eq3A_960, %select_n3A_930, %gather3A_1011 : vector<16xi1>, vector<16xi32>
          %broadcast_in_dim3A_1013 = vector.shape_cast %xor3A_57 : vector<16xi32> to vector<16x1xi32>
          %gather3A_1014 = vector.shape_cast %broadcast_in_dim3A_1013 : vector<16x1xi32> to vector<16xi32>
          %gather3A_1015 = tpu.dynamic_gather %select_n3A_930[%gather3A_1014] in [0] : vector<16xi32>, vector<16xi32> -> vector<16xi32>
          %select_n3A_1016 = arith.select %eq3A_960, %gather3A_1015, %select_n3A_946 : vector<16xi1>, vector<16xi32>
          %broadcast_in_dim3A_1017 = vector.shape_cast %xor3A_57 : vector<16xi32> to vector<16x1xi32>
          %gather3A_1018 = vector.shape_cast %broadcast_in_dim3A_1017 : vector<16x1xi32> to vector<16xi32>
          %gather3A_1019 = tpu.dynamic_gather %select_n3A_954[%gather3A_1018] in [0] : vector<16xi32>, vector<16xi32> -> vector<16xi32>
          %select_n3A_1020 = arith.select %eq3A_960, %select_n3A_938, %gather3A_1019 : vector<16xi1>, vector<16xi32>
          %broadcast_in_dim3A_1021 = vector.shape_cast %xor3A_57 : vector<16xi32> to vector<16x1xi32>
          %gather3A_1022 = vector.shape_cast %broadcast_in_dim3A_1021 : vector<16x1xi32> to vector<16xi32>
          %gather3A_1023 = tpu.dynamic_gather %select_n3A_938[%gather3A_1022] in [0] : vector<16xi32>, vector<16xi32> -> vector<16xi32>
          %select_n3A_1024 = arith.select %eq3A_960, %gather3A_1023, %select_n3A_954 : vector<16xi1>, vector<16xi32>
          %and3A_1025 = arith.constant 8 : i32
          %and3A_1026 = vector.broadcast %and3A_1025 : i32 to vector<16xi32>
          %and3A_1027 = arith.andi %iota3A, %and3A_1026 : vector<16xi32>
          %eq3A_1028 = arith.constant 0 : i32
          %eq3A_1029 = vector.broadcast %eq3A_1028 : i32 to vector<16xi32>
          %eq3A_1030 = arith.cmpi eq, %and3A_1027, %eq3A_1029 : vector<16xi32>
          %broadcast_in_dim3A_1031 = vector.shape_cast %xor3A_60 : vector<16xi32> to vector<16x1xi32>
          %gather3A_1032 = vector.shape_cast %broadcast_in_dim3A_1031 : vector<16x1xi32> to vector<16xi32>
          %gather3A_1033 = tpu.dynamic_gather %select_n3A_996[%gather3A_1032] in [0] : vector<16xi32>, vector<16xi32> -> vector<16xi32>
          %select_n3A_1034 = arith.select %eq3A_1030, %select_n3A_964, %gather3A_1033 : vector<16xi1>, vector<16xi32>
          %broadcast_in_dim3A_1035 = vector.shape_cast %xor3A_60 : vector<16xi32> to vector<16x1xi32>
          %gather3A_1036 = vector.shape_cast %broadcast_in_dim3A_1035 : vector<16x1xi32> to vector<16xi32>
          %gather3A_1037 = tpu.dynamic_gather %select_n3A_964[%gather3A_1036] in [0] : vector<16xi32>, vector<16xi32> -> vector<16xi32>
          %select_n3A_1038 = arith.select %eq3A_1030, %gather3A_1037, %select_n3A_996 : vector<16xi1>, vector<16xi32>
          %broadcast_in_dim3A_1039 = vector.shape_cast %xor3A_60 : vector<16xi32> to vector<16x1xi32>
          %gather3A_1040 = vector.shape_cast %broadcast_in_dim3A_1039 : vector<16x1xi32> to vector<16xi32>
          %gather3A_1041 = tpu.dynamic_gather %select_n3A_1004[%gather3A_1040] in [0] : vector<16xi32>, vector<16xi32> -> vector<16xi32>
          %select_n3A_1042 = arith.select %eq3A_1030, %select_n3A_972, %gather3A_1041 : vector<16xi1>, vector<16xi32>
          %broadcast_in_dim3A_1043 = vector.shape_cast %xor3A_60 : vector<16xi32> to vector<16x1xi32>
          %gather3A_1044 = vector.shape_cast %broadcast_in_dim3A_1043 : vector<16x1xi32> to vector<16xi32>
          %gather3A_1045 = tpu.dynamic_gather %select_n3A_972[%gather3A_1044] in [0] : vector<16xi32>, vector<16xi32> -> vector<16xi32>
          %select_n3A_1046 = arith.select %eq3A_1030, %gather3A_1045, %select_n3A_1004 : vector<16xi1>, vector<16xi32>
          %broadcast_in_dim3A_1047 = vector.shape_cast %xor3A_60 : vector<16xi32> to vector<16x1xi32>
          %gather3A_1048 = vector.shape_cast %broadcast_in_dim3A_1047 : vector<16x1xi32> to vector<16xi32>
          %gather3A_1049 = tpu.dynamic_gather %select_n3A_1012[%gather3A_1048] in [0] : vector<16xi32>, vector<16xi32> -> vector<16xi32>
          %select_n3A_1050 = arith.select %eq3A_1030, %select_n3A_980, %gather3A_1049 : vector<16xi1>, vector<16xi32>
          %broadcast_in_dim3A_1051 = vector.shape_cast %xor3A_60 : vector<16xi32> to vector<16x1xi32>
          %gather3A_1052 = vector.shape_cast %broadcast_in_dim3A_1051 : vector<16x1xi32> to vector<16xi32>
          %gather3A_1053 = tpu.dynamic_gather %select_n3A_980[%gather3A_1052] in [0] : vector<16xi32>, vector<16xi32> -> vector<16xi32>
          %select_n3A_1054 = arith.select %eq3A_1030, %gather3A_1053, %select_n3A_1012 : vector<16xi1>, vector<16xi32>
          %broadcast_in_dim3A_1055 = vector.shape_cast %xor3A_60 : vector<16xi32> to vector<16x1xi32>
          %gather3A_1056 = vector.shape_cast %broadcast_in_dim3A_1055 : vector<16x1xi32> to vector<16xi32>
          %gather3A_1057 = tpu.dynamic_gather %select_n3A_1020[%gather3A_1056] in [0] : vector<16xi32>, vector<16xi32> -> vector<16xi32>
          %select_n3A_1058 = arith.select %eq3A_1030, %select_n3A_988, %gather3A_1057 : vector<16xi1>, vector<16xi32>
          %broadcast_in_dim3A_1059 = vector.shape_cast %xor3A_60 : vector<16xi32> to vector<16x1xi32>
          %gather3A_1060 = vector.shape_cast %broadcast_in_dim3A_1059 : vector<16x1xi32> to vector<16xi32>
          %gather3A_1061 = tpu.dynamic_gather %select_n3A_988[%gather3A_1060] in [0] : vector<16xi32>, vector<16xi32> -> vector<16xi32>
          %select_n3A_1062 = arith.select %eq3A_1030, %gather3A_1061, %select_n3A_1020 : vector<16xi1>, vector<16xi32>
          %broadcast_in_dim3A_1063 = vector.shape_cast %xor3A_60 : vector<16xi32> to vector<16x1xi32>
          %gather3A_1064 = vector.shape_cast %broadcast_in_dim3A_1063 : vector<16x1xi32> to vector<16xi32>
          %gather3A_1065 = tpu.dynamic_gather %select_n3A_1000[%gather3A_1064] in [0] : vector<16xi32>, vector<16xi32> -> vector<16xi32>
          %select_n3A_1066 = arith.select %eq3A_1030, %select_n3A_968, %gather3A_1065 : vector<16xi1>, vector<16xi32>
          %broadcast_in_dim3A_1067 = vector.shape_cast %xor3A_60 : vector<16xi32> to vector<16x1xi32>
          %gather3A_1068 = vector.shape_cast %broadcast_in_dim3A_1067 : vector<16x1xi32> to vector<16xi32>
          %gather3A_1069 = tpu.dynamic_gather %select_n3A_968[%gather3A_1068] in [0] : vector<16xi32>, vector<16xi32> -> vector<16xi32>
          %select_n3A_1070 = arith.select %eq3A_1030, %gather3A_1069, %select_n3A_1000 : vector<16xi1>, vector<16xi32>
          %broadcast_in_dim3A_1071 = vector.shape_cast %xor3A_60 : vector<16xi32> to vector<16x1xi32>
          %gather3A_1072 = vector.shape_cast %broadcast_in_dim3A_1071 : vector<16x1xi32> to vector<16xi32>
          %gather3A_1073 = tpu.dynamic_gather %select_n3A_1008[%gather3A_1072] in [0] : vector<16xi32>, vector<16xi32> -> vector<16xi32>
          %select_n3A_1074 = arith.select %eq3A_1030, %select_n3A_976, %gather3A_1073 : vector<16xi1>, vector<16xi32>
          %broadcast_in_dim3A_1075 = vector.shape_cast %xor3A_60 : vector<16xi32> to vector<16x1xi32>
          %gather3A_1076 = vector.shape_cast %broadcast_in_dim3A_1075 : vector<16x1xi32> to vector<16xi32>
          %gather3A_1077 = tpu.dynamic_gather %select_n3A_976[%gather3A_1076] in [0] : vector<16xi32>, vector<16xi32> -> vector<16xi32>
          %select_n3A_1078 = arith.select %eq3A_1030, %gather3A_1077, %select_n3A_1008 : vector<16xi1>, vector<16xi32>
          %broadcast_in_dim3A_1079 = vector.shape_cast %xor3A_60 : vector<16xi32> to vector<16x1xi32>
          %gather3A_1080 = vector.shape_cast %broadcast_in_dim3A_1079 : vector<16x1xi32> to vector<16xi32>
          %gather3A_1081 = tpu.dynamic_gather %select_n3A_1016[%gather3A_1080] in [0] : vector<16xi32>, vector<16xi32> -> vector<16xi32>
          %select_n3A_1082 = arith.select %eq3A_1030, %select_n3A_984, %gather3A_1081 : vector<16xi1>, vector<16xi32>
          %broadcast_in_dim3A_1083 = vector.shape_cast %xor3A_60 : vector<16xi32> to vector<16x1xi32>
          %gather3A_1084 = vector.shape_cast %broadcast_in_dim3A_1083 : vector<16x1xi32> to vector<16xi32>
          %gather3A_1085 = tpu.dynamic_gather %select_n3A_984[%gather3A_1084] in [0] : vector<16xi32>, vector<16xi32> -> vector<16xi32>
          %select_n3A_1086 = arith.select %eq3A_1030, %gather3A_1085, %select_n3A_1016 : vector<16xi1>, vector<16xi32>
          %broadcast_in_dim3A_1087 = vector.shape_cast %xor3A_60 : vector<16xi32> to vector<16x1xi32>
          %gather3A_1088 = vector.shape_cast %broadcast_in_dim3A_1087 : vector<16x1xi32> to vector<16xi32>
          %gather3A_1089 = tpu.dynamic_gather %select_n3A_1024[%gather3A_1088] in [0] : vector<16xi32>, vector<16xi32> -> vector<16xi32>
          %select_n3A_1090 = arith.select %eq3A_1030, %select_n3A_992, %gather3A_1089 : vector<16xi1>, vector<16xi32>
          %broadcast_in_dim3A_1091 = vector.shape_cast %xor3A_60 : vector<16xi32> to vector<16x1xi32>
          %gather3A_1092 = vector.shape_cast %broadcast_in_dim3A_1091 : vector<16x1xi32> to vector<16xi32>
          %gather3A_1093 = tpu.dynamic_gather %select_n3A_992[%gather3A_1092] in [0] : vector<16xi32>, vector<16xi32> -> vector<16xi32>
          %select_n3A_1094 = arith.select %eq3A_1030, %gather3A_1093, %select_n3A_1024 : vector<16xi1>, vector<16xi32>
          %broadcast_in_dim3A_1095 = vector.shape_cast %mul3A_46 : vector<16xi32> to vector<16x1xi32>
          %gather3A_1096 = vector.shape_cast %broadcast_in_dim3A_1095 : vector<16x1xi32> to vector<16xi32>
          %gather3A_1097 = tpu.dynamic_gather %select_n3A_1034[%gather3A_1096] in [0] : vector<16xi32>, vector<16xi32> -> vector<16xi32>
          %broadcast_in_dim3A_1098 = vector.shape_cast %mul3A_46 : vector<16xi32> to vector<16x1xi32>
          %gather3A_1099 = vector.shape_cast %broadcast_in_dim3A_1098 : vector<16x1xi32> to vector<16xi32>
          %gather3A_1100 = tpu.dynamic_gather %select_n3A_1042[%gather3A_1099] in [0] : vector<16xi32>, vector<16xi32> -> vector<16xi32>
          %select_n3A_1101 = arith.select %lt3A_21, %gather3A_1097, %gather3A_1100 : vector<16xi1>, vector<16xi32>
          %broadcast_in_dim3A_1102 = vector.shape_cast %add3A_49 : vector<16xi32> to vector<16x1xi32>
          %gather3A_1103 = vector.shape_cast %broadcast_in_dim3A_1102 : vector<16x1xi32> to vector<16xi32>
          %gather3A_1104 = tpu.dynamic_gather %select_n3A_1034[%gather3A_1103] in [0] : vector<16xi32>, vector<16xi32> -> vector<16xi32>
          %broadcast_in_dim3A_1105 = vector.shape_cast %add3A_49 : vector<16xi32> to vector<16x1xi32>
          %gather3A_1106 = vector.shape_cast %broadcast_in_dim3A_1105 : vector<16x1xi32> to vector<16xi32>
          %gather3A_1107 = tpu.dynamic_gather %select_n3A_1042[%gather3A_1106] in [0] : vector<16xi32>, vector<16xi32> -> vector<16xi32>
          %select_n3A_1108 = arith.select %lt3A_21, %gather3A_1104, %gather3A_1107 : vector<16xi1>, vector<16xi32>
          %mul3A_1109 = arith.constant 16 : i32
          %mul3A_1110 = arith.muli %scan3A_705, %mul3A_1109 : i32
          %add3A_1111 = arith.constant 0 : i32
          %add3A_1112 = arith.addi %mul3A_1110, %add3A_1111 : i32
          %mul3A_1113 = arith.constant 8 : i32
          %mul3A_1114 = arith.muli %add3A_1112, %mul3A_1113 : i32
          %mul3A_1115 = arith.constant 256 : i32
          %mul3A_1116 = vector.broadcast %mul3A_1115 : i32 to vector<16xi32>
          %mul3A_1117 = arith.muli %select_n3A_1101, %mul3A_1116 : vector<16xi32>
          %add3A_1118 = arith.addi %mul3A_1117, %select_n3A_1108 : vector<16xi32>
          %add3A_1119 = arith.addi %add3A_1118, %mul3A_18 : vector<16xi32>
          %swap3A = arith.index_cast %mul3A_1114 : i32 to index
          %swap3A_1120 = tpu.vector_load %arg8[%swap3A] {strides = array<i32>} : memref<2048xi32, #tpu.memory_space<vmem>>, vector<16xi32>,
          %swap3A_1121 = vector.shape_cast %swap3A_1120 : vector<16xi32> to vector<16xi32>
          %swap3A_1122 = vector.shape_cast %add3A_1119 : vector<16xi32> to vector<16xi32>
          tpu.vector_store %arg8[%swap3A], %swap3A_1122 {strides = array<i32>} : memref<2048xi32, #tpu.memory_space<vmem>>, vector<16xi32>,
          %broadcast_in_dim3A_1123 = vector.shape_cast %mul3A_46 : vector<16xi32> to vector<16x1xi32>
          %gather3A_1124 = vector.shape_cast %broadcast_in_dim3A_1123 : vector<16x1xi32> to vector<16xi32>
          %gather3A_1125 = tpu.dynamic_gather %select_n3A_1050[%gather3A_1124] in [0] : vector<16xi32>, vector<16xi32> -> vector<16xi32>
          %broadcast_in_dim3A_1126 = vector.shape_cast %mul3A_46 : vector<16xi32> to vector<16x1xi32>
          %gather3A_1127 = vector.shape_cast %broadcast_in_dim3A_1126 : vector<16x1xi32> to vector<16xi32>
          %gather3A_1128 = tpu.dynamic_gather %select_n3A_1058[%gather3A_1127] in [0] : vector<16xi32>, vector<16xi32> -> vector<16xi32>
          %select_n3A_1129 = arith.select %lt3A_21, %gather3A_1125, %gather3A_1128 : vector<16xi1>, vector<16xi32>
          %broadcast_in_dim3A_1130 = vector.shape_cast %add3A_49 : vector<16xi32> to vector<16x1xi32>
          %gather3A_1131 = vector.shape_cast %broadcast_in_dim3A_1130 : vector<16x1xi32> to vector<16xi32>
          %gather3A_1132 = tpu.dynamic_gather %select_n3A_1050[%gather3A_1131] in [0] : vector<16xi32>, vector<16xi32> -> vector<16xi32>
          %broadcast_in_dim3A_1133 = vector.shape_cast %add3A_49 : vector<16xi32> to vector<16x1xi32>
          %gather3A_1134 = vector.shape_cast %broadcast_in_dim3A_1133 : vector<16x1xi32> to vector<16xi32>
          %gather3A_1135 = tpu.dynamic_gather %select_n3A_1058[%gather3A_1134] in [0] : vector<16xi32>, vector<16xi32> -> vector<16xi32>
          %select_n3A_1136 = arith.select %lt3A_21, %gather3A_1132, %gather3A_1135 : vector<16xi1>, vector<16xi32>
          %mul3A_1137 = arith.constant 16 : i32
          %mul3A_1138 = arith.muli %scan3A_705, %mul3A_1137 : i32
          %add3A_1139 = arith.constant 2 : i32
          %add3A_1140 = arith.addi %mul3A_1138, %add3A_1139 : i32
          %mul3A_1141 = arith.constant 8 : i32
          %mul3A_1142 = arith.muli %add3A_1140, %mul3A_1141 : i32
          %mul3A_1143 = arith.constant 256 : i32
          %mul3A_1144 = vector.broadcast %mul3A_1143 : i32 to vector<16xi32>
          %mul3A_1145 = arith.muli %select_n3A_1129, %mul3A_1144 : vector<16xi32>
          %add3A_1146 = arith.addi %mul3A_1145, %select_n3A_1136 : vector<16xi32>
          %add3A_1147 = arith.addi %add3A_1146, %mul3A_18 : vector<16xi32>
          %swap3A_1148 = arith.index_cast %mul3A_1142 : i32 to index
          %swap3A_1149 = tpu.vector_load %arg8[%swap3A_1148] {strides = array<i32>} : memref<2048xi32, #tpu.memory_space<vmem>>, vector<16xi32>,
          %swap3A_1150 = vector.shape_cast %swap3A_1149 : vector<16xi32> to vector<16xi32>
          %swap3A_1151 = vector.shape_cast %add3A_1147 : vector<16xi32> to vector<16xi32>
          tpu.vector_store %arg8[%swap3A_1148], %swap3A_1151 {strides = array<i32>} : memref<2048xi32, #tpu.memory_space<vmem>>, vector<16xi32>,
          %broadcast_in_dim3A_1152 = vector.shape_cast %mul3A_46 : vector<16xi32> to vector<16x1xi32>
          %gather3A_1153 = vector.shape_cast %broadcast_in_dim3A_1152 : vector<16x1xi32> to vector<16xi32>
          %gather3A_1154 = tpu.dynamic_gather %select_n3A_1066[%gather3A_1153] in [0] : vector<16xi32>, vector<16xi32> -> vector<16xi32>
          %broadcast_in_dim3A_1155 = vector.shape_cast %mul3A_46 : vector<16xi32> to vector<16x1xi32>
          %gather3A_1156 = vector.shape_cast %broadcast_in_dim3A_1155 : vector<16x1xi32> to vector<16xi32>
          %gather3A_1157 = tpu.dynamic_gather %select_n3A_1074[%gather3A_1156] in [0] : vector<16xi32>, vector<16xi32> -> vector<16xi32>
          %select_n3A_1158 = arith.select %lt3A_21, %gather3A_1154, %gather3A_1157 : vector<16xi1>, vector<16xi32>
          %broadcast_in_dim3A_1159 = vector.shape_cast %add3A_49 : vector<16xi32> to vector<16x1xi32>
          %gather3A_1160 = vector.shape_cast %broadcast_in_dim3A_1159 : vector<16x1xi32> to vector<16xi32>
          %gather3A_1161 = tpu.dynamic_gather %select_n3A_1066[%gather3A_1160] in [0] : vector<16xi32>, vector<16xi32> -> vector<16xi32>
          %broadcast_in_dim3A_1162 = vector.shape_cast %add3A_49 : vector<16xi32> to vector<16x1xi32>
          %gather3A_1163 = vector.shape_cast %broadcast_in_dim3A_1162 : vector<16x1xi32> to vector<16xi32>
          %gather3A_1164 = tpu.dynamic_gather %select_n3A_1074[%gather3A_1163] in [0] : vector<16xi32>, vector<16xi32> -> vector<16xi32>
          %select_n3A_1165 = arith.select %lt3A_21, %gather3A_1161, %gather3A_1164 : vector<16xi1>, vector<16xi32>
          %mul3A_1166 = arith.constant 16 : i32
          %mul3A_1167 = arith.muli %scan3A_705, %mul3A_1166 : i32
          %add3A_1168 = arith.constant 4 : i32
          %add3A_1169 = arith.addi %mul3A_1167, %add3A_1168 : i32
          %mul3A_1170 = arith.constant 8 : i32
          %mul3A_1171 = arith.muli %add3A_1169, %mul3A_1170 : i32
          %mul3A_1172 = arith.constant 256 : i32
          %mul3A_1173 = vector.broadcast %mul3A_1172 : i32 to vector<16xi32>
          %mul3A_1174 = arith.muli %select_n3A_1158, %mul3A_1173 : vector<16xi32>
          %add3A_1175 = arith.addi %mul3A_1174, %select_n3A_1165 : vector<16xi32>
          %add3A_1176 = arith.addi %add3A_1175, %mul3A_18 : vector<16xi32>
          %swap3A_1177 = arith.index_cast %mul3A_1171 : i32 to index
          %swap3A_1178 = tpu.vector_load %arg8[%swap3A_1177] {strides = array<i32>} : memref<2048xi32, #tpu.memory_space<vmem>>, vector<16xi32>,
          %swap3A_1179 = vector.shape_cast %swap3A_1178 : vector<16xi32> to vector<16xi32>
          %swap3A_1180 = vector.shape_cast %add3A_1176 : vector<16xi32> to vector<16xi32>
          tpu.vector_store %arg8[%swap3A_1177], %swap3A_1180 {strides = array<i32>} : memref<2048xi32, #tpu.memory_space<vmem>>, vector<16xi32>,
          %broadcast_in_dim3A_1181 = vector.shape_cast %mul3A_46 : vector<16xi32> to vector<16x1xi32>
          %gather3A_1182 = vector.shape_cast %broadcast_in_dim3A_1181 : vector<16x1xi32> to vector<16xi32>
          %gather3A_1183 = tpu.dynamic_gather %select_n3A_1082[%gather3A_1182] in [0] : vector<16xi32>, vector<16xi32> -> vector<16xi32>
          %broadcast_in_dim3A_1184 = vector.shape_cast %mul3A_46 : vector<16xi32> to vector<16x1xi32>
          %gather3A_1185 = vector.shape_cast %broadcast_in_dim3A_1184 : vector<16x1xi32> to vector<16xi32>
          %gather3A_1186 = tpu.dynamic_gather %select_n3A_1090[%gather3A_1185] in [0] : vector<16xi32>, vector<16xi32> -> vector<16xi32>
          %select_n3A_1187 = arith.select %lt3A_21, %gather3A_1183, %gather3A_1186 : vector<16xi1>, vector<16xi32>
          %broadcast_in_dim3A_1188 = vector.shape_cast %add3A_49 : vector<16xi32> to vector<16x1xi32>
          %gather3A_1189 = vector.shape_cast %broadcast_in_dim3A_1188 : vector<16x1xi32> to vector<16xi32>
          %gather3A_1190 = tpu.dynamic_gather %select_n3A_1082[%gather3A_1189] in [0] : vector<16xi32>, vector<16xi32> -> vector<16xi32>
          %broadcast_in_dim3A_1191 = vector.shape_cast %add3A_49 : vector<16xi32> to vector<16x1xi32>
          %gather3A_1192 = vector.shape_cast %broadcast_in_dim3A_1191 : vector<16x1xi32> to vector<16xi32>
          %gather3A_1193 = tpu.dynamic_gather %select_n3A_1090[%gather3A_1192] in [0] : vector<16xi32>, vector<16xi32> -> vector<16xi32>
          %select_n3A_1194 = arith.select %lt3A_21, %gather3A_1190, %gather3A_1193 : vector<16xi1>, vector<16xi32>
          %mul3A_1195 = arith.constant 16 : i32
          %mul3A_1196 = arith.muli %scan3A_705, %mul3A_1195 : i32
          %add3A_1197 = arith.constant 6 : i32
          %add3A_1198 = arith.addi %mul3A_1196, %add3A_1197 : i32
          %mul3A_1199 = arith.constant 8 : i32
          %mul3A_1200 = arith.muli %add3A_1198, %mul3A_1199 : i32
          %mul3A_1201 = arith.constant 256 : i32
          %mul3A_1202 = vector.broadcast %mul3A_1201 : i32 to vector<16xi32>
          %mul3A_1203 = arith.muli %select_n3A_1187, %mul3A_1202 : vector<16xi32>
          %add3A_1204 = arith.addi %mul3A_1203, %select_n3A_1194 : vector<16xi32>
          %add3A_1205 = arith.addi %add3A_1204, %mul3A_18 : vector<16xi32>
          %swap3A_1206 = arith.index_cast %mul3A_1200 : i32 to index
          %swap3A_1207 = tpu.vector_load %arg8[%swap3A_1206] {strides = array<i32>} : memref<2048xi32, #tpu.memory_space<vmem>>, vector<16xi32>,
          %swap3A_1208 = vector.shape_cast %swap3A_1207 : vector<16xi32> to vector<16xi32>
          %swap3A_1209 = vector.shape_cast %add3A_1205 : vector<16xi32> to vector<16xi32>
          tpu.vector_store %arg8[%swap3A_1206], %swap3A_1209 {strides = array<i32>} : memref<2048xi32, #tpu.memory_space<vmem>>, vector<16xi32>,
          %broadcast_in_dim3A_1210 = vector.shape_cast %mul3A_46 : vector<16xi32> to vector<16x1xi32>
          %gather3A_1211 = vector.shape_cast %broadcast_in_dim3A_1210 : vector<16x1xi32> to vector<16xi32>
          %gather3A_1212 = tpu.dynamic_gather %select_n3A_1038[%gather3A_1211] in [0] : vector<16xi32>, vector<16xi32> -> vector<16xi32>
          %broadcast_in_dim3A_1213 = vector.shape_cast %mul3A_46 : vector<16xi32> to vector<16x1xi32>
          %gather3A_1214 = vector.shape_cast %broadcast_in_dim3A_1213 : vector<16x1xi32> to vector<16xi32>
          %gather3A_1215 = tpu.dynamic_gather %select_n3A_1046[%gather3A_1214] in [0] : vector<16xi32>, vector<16xi32> -> vector<16xi32>
          %select_n3A_1216 = arith.select %lt3A_21, %gather3A_1212, %gather3A_1215 : vector<16xi1>, vector<16xi32>
          %broadcast_in_dim3A_1217 = vector.shape_cast %add3A_49 : vector<16xi32> to vector<16x1xi32>
          %gather3A_1218 = vector.shape_cast %broadcast_in_dim3A_1217 : vector<16x1xi32> to vector<16xi32>
          %gather3A_1219 = tpu.dynamic_gather %select_n3A_1038[%gather3A_1218] in [0] : vector<16xi32>, vector<16xi32> -> vector<16xi32>
          %broadcast_in_dim3A_1220 = vector.shape_cast %add3A_49 : vector<16xi32> to vector<16x1xi32>
          %gather3A_1221 = vector.shape_cast %broadcast_in_dim3A_1220 : vector<16x1xi32> to vector<16xi32>
          %gather3A_1222 = tpu.dynamic_gather %select_n3A_1046[%gather3A_1221] in [0] : vector<16xi32>, vector<16xi32> -> vector<16xi32>
          %select_n3A_1223 = arith.select %lt3A_21, %gather3A_1219, %gather3A_1222 : vector<16xi1>, vector<16xi32>
          %mul3A_1224 = arith.constant 16 : i32
          %mul3A_1225 = arith.muli %scan3A_705, %mul3A_1224 : i32
          %add3A_1226 = arith.constant 8 : i32
          %add3A_1227 = arith.addi %mul3A_1225, %add3A_1226 : i32
          %mul3A_1228 = arith.constant 8 : i32
          %mul3A_1229 = arith.muli %add3A_1227, %mul3A_1228 : i32
          %mul3A_1230 = arith.constant 256 : i32
          %mul3A_1231 = vector.broadcast %mul3A_1230 : i32 to vector<16xi32>
          %mul3A_1232 = arith.muli %select_n3A_1216, %mul3A_1231 : vector<16xi32>
          %add3A_1233 = arith.addi %mul3A_1232, %select_n3A_1223 : vector<16xi32>
          %add3A_1234 = arith.addi %add3A_1233, %mul3A_18 : vector<16xi32>
          %swap3A_1235 = arith.index_cast %mul3A_1229 : i32 to index
          %swap3A_1236 = tpu.vector_load %arg8[%swap3A_1235] {strides = array<i32>} : memref<2048xi32, #tpu.memory_space<vmem>>, vector<16xi32>,
          %swap3A_1237 = vector.shape_cast %swap3A_1236 : vector<16xi32> to vector<16xi32>
          %swap3A_1238 = vector.shape_cast %add3A_1234 : vector<16xi32> to vector<16xi32>
          tpu.vector_store %arg8[%swap3A_1235], %swap3A_1238 {strides = array<i32>} : memref<2048xi32, #tpu.memory_space<vmem>>, vector<16xi32>,
          %broadcast_in_dim3A_1239 = vector.shape_cast %mul3A_46 : vector<16xi32> to vector<16x1xi32>
          %gather3A_1240 = vector.shape_cast %broadcast_in_dim3A_1239 : vector<16x1xi32> to vector<16xi32>
          %gather3A_1241 = tpu.dynamic_gather %select_n3A_1054[%gather3A_1240] in [0] : vector<16xi32>, vector<16xi32> -> vector<16xi32>
          %broadcast_in_dim3A_1242 = vector.shape_cast %mul3A_46 : vector<16xi32> to vector<16x1xi32>
          %gather3A_1243 = vector.shape_cast %broadcast_in_dim3A_1242 : vector<16x1xi32> to vector<16xi32>
          %gather3A_1244 = tpu.dynamic_gather %select_n3A_1062[%gather3A_1243] in [0] : vector<16xi32>, vector<16xi32> -> vector<16xi32>
          %select_n3A_1245 = arith.select %lt3A_21, %gather3A_1241, %gather3A_1244 : vector<16xi1>, vector<16xi32>
          %broadcast_in_dim3A_1246 = vector.shape_cast %add3A_49 : vector<16xi32> to vector<16x1xi32>
          %gather3A_1247 = vector.shape_cast %broadcast_in_dim3A_1246 : vector<16x1xi32> to vector<16xi32>
          %gather3A_1248 = tpu.dynamic_gather %select_n3A_1054[%gather3A_1247] in [0] : vector<16xi32>, vector<16xi32> -> vector<16xi32>
          %broadcast_in_dim3A_1249 = vector.shape_cast %add3A_49 : vector<16xi32> to vector<16x1xi32>
          %gather3A_1250 = vector.shape_cast %broadcast_in_dim3A_1249 : vector<16x1xi32> to vector<16xi32>
          %gather3A_1251 = tpu.dynamic_gather %select_n3A_1062[%gather3A_1250] in [0] : vector<16xi32>, vector<16xi32> -> vector<16xi32>
          %select_n3A_1252 = arith.select %lt3A_21, %gather3A_1248, %gather3A_1251 : vector<16xi1>, vector<16xi32>
          %mul3A_1253 = arith.constant 16 : i32
          %mul3A_1254 = arith.muli %scan3A_705, %mul3A_1253 : i32
          %add3A_1255 = arith.constant 10 : i32
          %add3A_1256 = arith.addi %mul3A_1254, %add3A_1255 : i32
          %mul3A_1257 = arith.constant 8 : i32
          %mul3A_1258 = arith.muli %add3A_1256, %mul3A_1257 : i32
          %mul3A_1259 = arith.constant 256 : i32
          %mul3A_1260 = vector.broadcast %mul3A_1259 : i32 to vector<16xi32>
          %mul3A_1261 = arith.muli %select_n3A_1245, %mul3A_1260 : vector<16xi32>
          %add3A_1262 = arith.addi %mul3A_1261, %select_n3A_1252 : vector<16xi32>
          %add3A_1263 = arith.addi %add3A_1262, %mul3A_18 : vector<16xi32>
          %swap3A_1264 = arith.index_cast %mul3A_1258 : i32 to index
          %swap3A_1265 = tpu.vector_load %arg8[%swap3A_1264] {strides = array<i32>} : memref<2048xi32, #tpu.memory_space<vmem>>, vector<16xi32>,
          %swap3A_1266 = vector.shape_cast %swap3A_1265 : vector<16xi32> to vector<16xi32>
          %swap3A_1267 = vector.shape_cast %add3A_1263 : vector<16xi32> to vector<16xi32>
          tpu.vector_store %arg8[%swap3A_1264], %swap3A_1267 {strides = array<i32>} : memref<2048xi32, #tpu.memory_space<vmem>>, vector<16xi32>,
          %broadcast_in_dim3A_1268 = vector.shape_cast %mul3A_46 : vector<16xi32> to vector<16x1xi32>
          %gather3A_1269 = vector.shape_cast %broadcast_in_dim3A_1268 : vector<16x1xi32> to vector<16xi32>
          %gather3A_1270 = tpu.dynamic_gather %select_n3A_1070[%gather3A_1269] in [0] : vector<16xi32>, vector<16xi32> -> vector<16xi32>
          %broadcast_in_dim3A_1271 = vector.shape_cast %mul3A_46 : vector<16xi32> to vector<16x1xi32>
          %gather3A_1272 = vector.shape_cast %broadcast_in_dim3A_1271 : vector<16x1xi32> to vector<16xi32>
          %gather3A_1273 = tpu.dynamic_gather %select_n3A_1078[%gather3A_1272] in [0] : vector<16xi32>, vector<16xi32> -> vector<16xi32>
          %select_n3A_1274 = arith.select %lt3A_21, %gather3A_1270, %gather3A_1273 : vector<16xi1>, vector<16xi32>
          %broadcast_in_dim3A_1275 = vector.shape_cast %add3A_49 : vector<16xi32> to vector<16x1xi32>
          %gather3A_1276 = vector.shape_cast %broadcast_in_dim3A_1275 : vector<16x1xi32> to vector<16xi32>
          %gather3A_1277 = tpu.dynamic_gather %select_n3A_1070[%gather3A_1276] in [0] : vector<16xi32>, vector<16xi32> -> vector<16xi32>
          %broadcast_in_dim3A_1278 = vector.shape_cast %add3A_49 : vector<16xi32> to vector<16x1xi32>
          %gather3A_1279 = vector.shape_cast %broadcast_in_dim3A_1278 : vector<16x1xi32> to vector<16xi32>
          %gather3A_1280 = tpu.dynamic_gather %select_n3A_1078[%gather3A_1279] in [0] : vector<16xi32>, vector<16xi32> -> vector<16xi32>
          %select_n3A_1281 = arith.select %lt3A_21, %gather3A_1277, %gather3A_1280 : vector<16xi1>, vector<16xi32>
          %mul3A_1282 = arith.constant 16 : i32
          %mul3A_1283 = arith.muli %scan3A_705, %mul3A_1282 : i32
          %add3A_1284 = arith.constant 12 : i32
          %add3A_1285 = arith.addi %mul3A_1283, %add3A_1284 : i32
          %mul3A_1286 = arith.constant 8 : i32
          %mul3A_1287 = arith.muli %add3A_1285, %mul3A_1286 : i32
          %mul3A_1288 = arith.constant 256 : i32
          %mul3A_1289 = vector.broadcast %mul3A_1288 : i32 to vector<16xi32>
          %mul3A_1290 = arith.muli %select_n3A_1274, %mul3A_1289 : vector<16xi32>
          %add3A_1291 = arith.addi %mul3A_1290, %select_n3A_1281 : vector<16xi32>
          %add3A_1292 = arith.addi %add3A_1291, %mul3A_18 : vector<16xi32>
          %swap3A_1293 = arith.index_cast %mul3A_1287 : i32 to index
          %swap3A_1294 = tpu.vector_load %arg8[%swap3A_1293] {strides = array<i32>} : memref<2048xi32, #tpu.memory_space<vmem>>, vector<16xi32>,
          %swap3A_1295 = vector.shape_cast %swap3A_1294 : vector<16xi32> to vector<16xi32>
          %swap3A_1296 = vector.shape_cast %add3A_1292 : vector<16xi32> to vector<16xi32>
          tpu.vector_store %arg8[%swap3A_1293], %swap3A_1296 {strides = array<i32>} : memref<2048xi32, #tpu.memory_space<vmem>>, vector<16xi32>,
          %broadcast_in_dim3A_1297 = vector.shape_cast %mul3A_46 : vector<16xi32> to vector<16x1xi32>
          %gather3A_1298 = vector.shape_cast %broadcast_in_dim3A_1297 : vector<16x1xi32> to vector<16xi32>
          %gather3A_1299 = tpu.dynamic_gather %select_n3A_1086[%gather3A_1298] in [0] : vector<16xi32>, vector<16xi32> -> vector<16xi32>
          %broadcast_in_dim3A_1300 = vector.shape_cast %mul3A_46 : vector<16xi32> to vector<16x1xi32>
          %gather3A_1301 = vector.shape_cast %broadcast_in_dim3A_1300 : vector<16x1xi32> to vector<16xi32>
          %gather3A_1302 = tpu.dynamic_gather %select_n3A_1094[%gather3A_1301] in [0] : vector<16xi32>, vector<16xi32> -> vector<16xi32>
          %select_n3A_1303 = arith.select %lt3A_21, %gather3A_1299, %gather3A_1302 : vector<16xi1>, vector<16xi32>
          %broadcast_in_dim3A_1304 = vector.shape_cast %add3A_49 : vector<16xi32> to vector<16x1xi32>
          %gather3A_1305 = vector.shape_cast %broadcast_in_dim3A_1304 : vector<16x1xi32> to vector<16xi32>
          %gather3A_1306 = tpu.dynamic_gather %select_n3A_1086[%gather3A_1305] in [0] : vector<16xi32>, vector<16xi32> -> vector<16xi32>
          %broadcast_in_dim3A_1307 = vector.shape_cast %add3A_49 : vector<16xi32> to vector<16x1xi32>
          %gather3A_1308 = vector.shape_cast %broadcast_in_dim3A_1307 : vector<16x1xi32> to vector<16xi32>
          %gather3A_1309 = tpu.dynamic_gather %select_n3A_1094[%gather3A_1308] in [0] : vector<16xi32>, vector<16xi32> -> vector<16xi32>
          %select_n3A_1310 = arith.select %lt3A_21, %gather3A_1306, %gather3A_1309 : vector<16xi1>, vector<16xi32>
          %mul3A_1311 = arith.constant 16 : i32
          %mul3A_1312 = arith.muli %scan3A_705, %mul3A_1311 : i32
          %add3A_1313 = arith.constant 14 : i32
          %add3A_1314 = arith.addi %mul3A_1312, %add3A_1313 : i32
          %mul3A_1315 = arith.constant 8 : i32
          %mul3A_1316 = arith.muli %add3A_1314, %mul3A_1315 : i32
          %mul3A_1317 = arith.constant 256 : i32
          %mul3A_1318 = vector.broadcast %mul3A_1317 : i32 to vector<16xi32>
          %mul3A_1319 = arith.muli %select_n3A_1303, %mul3A_1318 : vector<16xi32>
          %add3A_1320 = arith.addi %mul3A_1319, %select_n3A_1310 : vector<16xi32>
          %add3A_1321 = arith.addi %add3A_1320, %mul3A_18 : vector<16xi32>
          %swap3A_1322 = arith.index_cast %mul3A_1316 : i32 to index
          %swap3A_1323 = tpu.vector_load %arg8[%swap3A_1322] {strides = array<i32>} : memref<2048xi32, #tpu.memory_space<vmem>>, vector<16xi32>,
          %swap3A_1324 = vector.shape_cast %swap3A_1323 : vector<16xi32> to vector<16xi32>
          %swap3A_1325 = vector.shape_cast %add3A_1321 : vector<16xi32> to vector<16xi32>
          tpu.vector_store %arg8[%swap3A_1322], %swap3A_1325 {strides = array<i32>} : memref<2048xi32, #tpu.memory_space<vmem>>, vector<16xi32>,
        }
        %scan3A_704 = arith.constant 16 : i32
      } else {
      }
      %dma_wait3A_510 = arith.constant 0 : i32
      %dma_wait3A_511 = arith.constant 0 : i32
      %dma_wait3A_512 = tpu.memref_slice %arg3[%dma_wait3A_510, %dma_wait3A_511] : memref<524288x16xf32, #tpu.memory_space<hbm>> -> memref<524288x16xf32, #tpu.memory_space<hbm>>
      tpu.wait_indirect_dma semaphore(%arg13 : memref<!tpu.dma_semaphore, #tpu.memory_space<semaphore_mem>>) src(%dma_wait3A_512 : memref<524288x16xf32, #tpu.memory_space<hbm>>) dst(%arg9 : memref<2048x16xf32, #tpu.memory_space<vmem>>)
      %mul3A_513 = arith.constant 8192 : i32
      %mul3A_514 = arith.muli %add3A, %mul3A_513 : i32
      %mul3A_515 = arith.constant 256 : i32
      %mul3A_516 = arith.muli %add3A_490, %mul3A_515 : i32
      %add3A_517 = arith.addi %mul3A_514, %mul3A_516 : i32
      %mul3A_518 = arith.constant 8 : i32
      %mul3A_519 = arith.muli %add3A_517, %mul3A_518 : i32
      %dma_start3A_520 = arith.constant 0 : i32
      %dma_start3A_521 = tpu.memref_slice %arg4[%mul3A_519, %dma_start3A_520] : memref<2097152x16xf32, #tpu.memory_space<hbm>> -> memref<2048x16xf32, #tpu.memory_space<hbm>>
      %dma_start3A_522 = arith.constant 0 : i32
      %dma_start3A_523 = tpu.memref_slice %arg4[%mul3A_519, %dma_start3A_522] : memref<2097152x16xf32, #tpu.memory_space<hbm>> -> memref<2048x16xf32, #tpu.memory_space<hbm>>
      tpu.enqueue_dma source(%arg9 : memref<2048x16xf32, #tpu.memory_space<vmem>>) target(%dma_start3A_523 : memref<2048x16xf32, #tpu.memory_space<hbm>>) target_semaphore(%arg15 : memref<!tpu.dma_semaphore, #tpu.memory_space<semaphore_mem>>)
      %mul3A_524 = arith.constant 2 : i32
      %mul3A_525 = arith.muli %scan3A_486, %mul3A_524 : i32
      %add3A_526 = arith.constant 1 : i32
      %add3A_527 = arith.addi %mul3A_525, %add3A_526 : i32
      %ge3A_528 = arith.constant 1 : i32
      %ge3A_529 = arith.cmpi sge, %scan3A_486, %ge3A_528 : i32
      %convert_element_type3A_530 = arith.extui %ge3A_529 : i1 to i32
      %cond3A_531 = arith.constant 0 : i32
      %cond3A_532 = arith.cmpi ne, %convert_element_type3A_530, %cond3A_531 : i32
      scf.if %cond3A_532 {
        %sub3A = arith.constant 2 : i32
        %sub3A_564 = arith.subi %add3A_527, %sub3A : i32
        %mul3A_565 = arith.constant 8192 : i32
        %mul3A_566 = arith.muli %add3A, %mul3A_565 : i32
        %mul3A_567 = arith.constant 256 : i32
        %mul3A_568 = arith.muli %sub3A_564, %mul3A_567 : i32
        %add3A_569 = arith.addi %mul3A_566, %mul3A_568 : i32
        %mul3A_570 = arith.constant 8 : i32
        %mul3A_571 = arith.muli %add3A_569, %mul3A_570 : i32
        %dma_wait3A_572 = arith.constant 0 : i32
        %dma_wait3A_573 = tpu.memref_slice %arg4[%mul3A_571, %dma_wait3A_572] : memref<2097152x16xf32, #tpu.memory_space<hbm>> -> memref<2048x16xf32, #tpu.memory_space<hbm>>
        %dma_wait3A_574 = arith.constant 0 : i32
        %dma_wait3A_575 = tpu.memref_slice %arg4[%mul3A_571, %dma_wait3A_574] : memref<2097152x16xf32, #tpu.memory_space<hbm>> -> memref<2048x16xf32, #tpu.memory_space<hbm>>
        tpu.wait_dma2 semaphore(%arg16 : memref<!tpu.dma_semaphore, #tpu.memory_space<semaphore_mem>>) src(%arg10 : memref<2048x16xf32, #tpu.memory_space<vmem>>) dst(%dma_wait3A_575 : memref<2048x16xf32, #tpu.memory_space<hbm>>)
      } else {
      }
      %dma_start3A_533 = arith.constant 0 : i32
      %dma_start3A_534 = arith.constant 0 : i32
      %dma_start3A_535 = tpu.memref_slice %arg3[%dma_start3A_533, %dma_start3A_534] : memref<524288x16xf32, #tpu.memory_space<hbm>> -> memref<524288x16xf32, #tpu.memory_space<hbm>>
      tpu.enqueue_indirect_dma source(%dma_start3A_535 : memref<524288x16xf32, #tpu.memory_space<hbm>>) target(%arg10 : memref<2048x16xf32, #tpu.memory_space<vmem>>) offsets(%arg8 : memref<2048xi32, #tpu.memory_space<vmem>>) semaphore(%arg14 : memref<!tpu.dma_semaphore, #tpu.memory_space<semaphore_mem>>)
      %add3A_536 = arith.constant 2 : i32
      %add3A_537 = arith.addi %add3A_527, %add3A_536 : i32
      %lt3A_538 = arith.constant 32 : i32
      %lt3A_539 = arith.cmpi slt, %add3A_537, %lt3A_538 : i32
      %convert_element_type3A_540 = arith.extui %lt3A_539 : i1 to i32
      %cond3A_541 = arith.constant 0 : i32
      %cond3A_542 = arith.cmpi ne, %convert_element_type3A_540, %cond3A_541 : i32
      scf.if %cond3A_542 {
        %add3A_564 = arith.constant 2 : i32
        %add3A_565 = arith.addi %add3A_527, %add3A_564 : i32
        %mul3A_566 = arith.constant 8192 : i32
        %mul3A_567 = arith.muli %add3A, %mul3A_566 : i32
        %mul3A_568 = arith.constant 256 : i32
        %mul3A_569 = arith.muli %add3A_565, %mul3A_568 : i32
        %add3A_570 = arith.addi %mul3A_567, %mul3A_569 : i32
        %add3A_571 = arith.constant 0 : i32
        %add3A_572 = arith.addi %add3A_571, %add3A_570 : i32
        %add3A_573 = arith.constant 262144 : i32
        %add3A_574 = arith.addi %add3A_573, %add3A_570 : i32
        %add3A_575 = arith.constant 524288 : i32
        %add3A_576 = arith.addi %add3A_575, %add3A_570 : i32
        %add3A_577 = arith.constant 786432 : i32
        %add3A_578 = arith.addi %add3A_577, %add3A_570 : i32
        %add3A_579 = arith.constant 1048576 : i32
        %add3A_580 = arith.addi %add3A_579, %add3A_570 : i32
        %add3A_581 = arith.constant 1310720 : i32
        %add3A_582 = arith.addi %add3A_581, %add3A_570 : i32
        %add3A_583 = arith.constant 1572864 : i32
        %add3A_584 = arith.addi %add3A_583, %add3A_570 : i32
        %add3A_585 = arith.constant 1835008 : i32
        %add3A_586 = arith.addi %add3A_585, %add3A_570 : i32
        %add3A_587 = arith.constant 2097152 : i32
        %add3A_588 = arith.addi %add3A_587, %add3A_570 : i32
        %add3A_589 = arith.constant 2359296 : i32
        %add3A_590 = arith.addi %add3A_589, %add3A_570 : i32
        %add3A_591 = arith.constant 2621440 : i32
        %add3A_592 = arith.addi %add3A_591, %add3A_570 : i32
        %add3A_593 = arith.constant 2883584 : i32
        %add3A_594 = arith.addi %add3A_593, %add3A_570 : i32
        %add3A_595 = arith.constant 3145728 : i32
        %add3A_596 = arith.addi %add3A_595, %add3A_570 : i32
        %add3A_597 = arith.constant 3407872 : i32
        %add3A_598 = arith.addi %add3A_597, %add3A_570 : i32
        %add3A_599 = arith.constant 3670016 : i32
        %add3A_600 = arith.addi %add3A_599, %add3A_570 : i32
        %add3A_601 = arith.constant 3932160 : i32
        %add3A_602 = arith.addi %add3A_601, %add3A_570 : i32
        %dma_start3A_603 = arith.constant 0 : i32
        %dma_start3A_604 = tpu.memref_slice %arg6[%dma_start3A_603] : memref<4096xi32, #tpu.memory_space<vmem>> -> memref<256xi32, #tpu.memory_space<vmem>>
        %dma_start3A_605 = tpu.memref_slice %arg2[%add3A_572] : memref<4194304xi32, #tpu.memory_space<hbm>> -> memref<256xi32, #tpu.memory_space<hbm>>
        %dma_start3A_606 = arith.constant 0 : i32
        %dma_start3A_607 = tpu.memref_slice %arg6[%dma_start3A_606] : memref<4096xi32, #tpu.memory_space<vmem>> -> memref<256xi32, #tpu.memory_space<vmem>>
        %dma_start3A_608 = tpu.memref_slice %arg2[%add3A_572] : memref<4194304xi32, #tpu.memory_space<hbm>> -> memref<256xi32, #tpu.memory_space<hbm>>
        tpu.enqueue_dma source(%dma_start3A_608 : memref<256xi32, #tpu.memory_space<hbm>>) target(%dma_start3A_607 : memref<256xi32, #tpu.memory_space<vmem>>) target_semaphore(%arg12 : memref<!tpu.dma_semaphore, #tpu.memory_space<semaphore_mem>>)
        %dma_start3A_609 = arith.constant 256 : i32
        %dma_start3A_610 = tpu.memref_slice %arg6[%dma_start3A_609] : memref<4096xi32, #tpu.memory_space<vmem>> -> memref<256xi32, #tpu.memory_space<vmem>>
        %dma_start3A_611 = tpu.memref_slice %arg2[%add3A_574] : memref<4194304xi32, #tpu.memory_space<hbm>> -> memref<256xi32, #tpu.memory_space<hbm>>
        %dma_start3A_612 = arith.constant 256 : i32
        %dma_start3A_613 = tpu.memref_slice %arg6[%dma_start3A_612] : memref<4096xi32, #tpu.memory_space<vmem>> -> memref<256xi32, #tpu.memory_space<vmem>>
        %dma_start3A_614 = tpu.memref_slice %arg2[%add3A_574] : memref<4194304xi32, #tpu.memory_space<hbm>> -> memref<256xi32, #tpu.memory_space<hbm>>
        tpu.enqueue_dma source(%dma_start3A_614 : memref<256xi32, #tpu.memory_space<hbm>>) target(%dma_start3A_613 : memref<256xi32, #tpu.memory_space<vmem>>) target_semaphore(%arg12 : memref<!tpu.dma_semaphore, #tpu.memory_space<semaphore_mem>>)
        %dma_start3A_615 = arith.constant 512 : i32
        %dma_start3A_616 = tpu.memref_slice %arg6[%dma_start3A_615] : memref<4096xi32, #tpu.memory_space<vmem>> -> memref<256xi32, #tpu.memory_space<vmem>>
        %dma_start3A_617 = tpu.memref_slice %arg2[%add3A_576] : memref<4194304xi32, #tpu.memory_space<hbm>> -> memref<256xi32, #tpu.memory_space<hbm>>
        %dma_start3A_618 = arith.constant 512 : i32
        %dma_start3A_619 = tpu.memref_slice %arg6[%dma_start3A_618] : memref<4096xi32, #tpu.memory_space<vmem>> -> memref<256xi32, #tpu.memory_space<vmem>>
        %dma_start3A_620 = tpu.memref_slice %arg2[%add3A_576] : memref<4194304xi32, #tpu.memory_space<hbm>> -> memref<256xi32, #tpu.memory_space<hbm>>
        tpu.enqueue_dma source(%dma_start3A_620 : memref<256xi32, #tpu.memory_space<hbm>>) target(%dma_start3A_619 : memref<256xi32, #tpu.memory_space<vmem>>) target_semaphore(%arg12 : memref<!tpu.dma_semaphore, #tpu.memory_space<semaphore_mem>>)
        %dma_start3A_621 = arith.constant 768 : i32
        %dma_start3A_622 = tpu.memref_slice %arg6[%dma_start3A_621] : memref<4096xi32, #tpu.memory_space<vmem>> -> memref<256xi32, #tpu.memory_space<vmem>>
        %dma_start3A_623 = tpu.memref_slice %arg2[%add3A_578] : memref<4194304xi32, #tpu.memory_space<hbm>> -> memref<256xi32, #tpu.memory_space<hbm>>
        %dma_start3A_624 = arith.constant 768 : i32
        %dma_start3A_625 = tpu.memref_slice %arg6[%dma_start3A_624] : memref<4096xi32, #tpu.memory_space<vmem>> -> memref<256xi32, #tpu.memory_space<vmem>>
        %dma_start3A_626 = tpu.memref_slice %arg2[%add3A_578] : memref<4194304xi32, #tpu.memory_space<hbm>> -> memref<256xi32, #tpu.memory_space<hbm>>
        tpu.enqueue_dma source(%dma_start3A_626 : memref<256xi32, #tpu.memory_space<hbm>>) target(%dma_start3A_625 : memref<256xi32, #tpu.memory_space<vmem>>) target_semaphore(%arg12 : memref<!tpu.dma_semaphore, #tpu.memory_space<semaphore_mem>>)
        %dma_start3A_627 = arith.constant 1024 : i32
        %dma_start3A_628 = tpu.memref_slice %arg6[%dma_start3A_627] : memref<4096xi32, #tpu.memory_space<vmem>> -> memref<256xi32, #tpu.memory_space<vmem>>
        %dma_start3A_629 = tpu.memref_slice %arg2[%add3A_580] : memref<4194304xi32, #tpu.memory_space<hbm>> -> memref<256xi32, #tpu.memory_space<hbm>>
        %dma_start3A_630 = arith.constant 1024 : i32
        %dma_start3A_631 = tpu.memref_slice %arg6[%dma_start3A_630] : memref<4096xi32, #tpu.memory_space<vmem>> -> memref<256xi32, #tpu.memory_space<vmem>>
        %dma_start3A_632 = tpu.memref_slice %arg2[%add3A_580] : memref<4194304xi32, #tpu.memory_space<hbm>> -> memref<256xi32, #tpu.memory_space<hbm>>
        tpu.enqueue_dma source(%dma_start3A_632 : memref<256xi32, #tpu.memory_space<hbm>>) target(%dma_start3A_631 : memref<256xi32, #tpu.memory_space<vmem>>) target_semaphore(%arg12 : memref<!tpu.dma_semaphore, #tpu.memory_space<semaphore_mem>>)
        %dma_start3A_633 = arith.constant 1280 : i32
        %dma_start3A_634 = tpu.memref_slice %arg6[%dma_start3A_633] : memref<4096xi32, #tpu.memory_space<vmem>> -> memref<256xi32, #tpu.memory_space<vmem>>
        %dma_start3A_635 = tpu.memref_slice %arg2[%add3A_582] : memref<4194304xi32, #tpu.memory_space<hbm>> -> memref<256xi32, #tpu.memory_space<hbm>>
        %dma_start3A_636 = arith.constant 1280 : i32
        %dma_start3A_637 = tpu.memref_slice %arg6[%dma_start3A_636] : memref<4096xi32, #tpu.memory_space<vmem>> -> memref<256xi32, #tpu.memory_space<vmem>>
        %dma_start3A_638 = tpu.memref_slice %arg2[%add3A_582] : memref<4194304xi32, #tpu.memory_space<hbm>> -> memref<256xi32, #tpu.memory_space<hbm>>
        tpu.enqueue_dma source(%dma_start3A_638 : memref<256xi32, #tpu.memory_space<hbm>>) target(%dma_start3A_637 : memref<256xi32, #tpu.memory_space<vmem>>) target_semaphore(%arg12 : memref<!tpu.dma_semaphore, #tpu.memory_space<semaphore_mem>>)
        %dma_start3A_639 = arith.constant 1536 : i32
        %dma_start3A_640 = tpu.memref_slice %arg6[%dma_start3A_639] : memref<4096xi32, #tpu.memory_space<vmem>> -> memref<256xi32, #tpu.memory_space<vmem>>
        %dma_start3A_641 = tpu.memref_slice %arg2[%add3A_584] : memref<4194304xi32, #tpu.memory_space<hbm>> -> memref<256xi32, #tpu.memory_space<hbm>>
        %dma_start3A_642 = arith.constant 1536 : i32
        %dma_start3A_643 = tpu.memref_slice %arg6[%dma_start3A_642] : memref<4096xi32, #tpu.memory_space<vmem>> -> memref<256xi32, #tpu.memory_space<vmem>>
        %dma_start3A_644 = tpu.memref_slice %arg2[%add3A_584] : memref<4194304xi32, #tpu.memory_space<hbm>> -> memref<256xi32, #tpu.memory_space<hbm>>
        tpu.enqueue_dma source(%dma_start3A_644 : memref<256xi32, #tpu.memory_space<hbm>>) target(%dma_start3A_643 : memref<256xi32, #tpu.memory_space<vmem>>) target_semaphore(%arg12 : memref<!tpu.dma_semaphore, #tpu.memory_space<semaphore_mem>>)
        %dma_start3A_645 = arith.constant 1792 : i32
        %dma_start3A_646 = tpu.memref_slice %arg6[%dma_start3A_645] : memref<4096xi32, #tpu.memory_space<vmem>> -> memref<256xi32, #tpu.memory_space<vmem>>
        %dma_start3A_647 = tpu.memref_slice %arg2[%add3A_586] : memref<4194304xi32, #tpu.memory_space<hbm>> -> memref<256xi32, #tpu.memory_space<hbm>>
        %dma_start3A_648 = arith.constant 1792 : i32
        %dma_start3A_649 = tpu.memref_slice %arg6[%dma_start3A_648] : memref<4096xi32, #tpu.memory_space<vmem>> -> memref<256xi32, #tpu.memory_space<vmem>>
        %dma_start3A_650 = tpu.memref_slice %arg2[%add3A_586] : memref<4194304xi32, #tpu.memory_space<hbm>> -> memref<256xi32, #tpu.memory_space<hbm>>
        tpu.enqueue_dma source(%dma_start3A_650 : memref<256xi32, #tpu.memory_space<hbm>>) target(%dma_start3A_649 : memref<256xi32, #tpu.memory_space<vmem>>) target_semaphore(%arg12 : memref<!tpu.dma_semaphore, #tpu.memory_space<semaphore_mem>>)
        %dma_start3A_651 = arith.constant 2048 : i32
        %dma_start3A_652 = tpu.memref_slice %arg6[%dma_start3A_651] : memref<4096xi32, #tpu.memory_space<vmem>> -> memref<256xi32, #tpu.memory_space<vmem>>
        %dma_start3A_653 = tpu.memref_slice %arg2[%add3A_588] : memref<4194304xi32, #tpu.memory_space<hbm>> -> memref<256xi32, #tpu.memory_space<hbm>>
        %dma_start3A_654 = arith.constant 2048 : i32
        %dma_start3A_655 = tpu.memref_slice %arg6[%dma_start3A_654] : memref<4096xi32, #tpu.memory_space<vmem>> -> memref<256xi32, #tpu.memory_space<vmem>>
        %dma_start3A_656 = tpu.memref_slice %arg2[%add3A_588] : memref<4194304xi32, #tpu.memory_space<hbm>> -> memref<256xi32, #tpu.memory_space<hbm>>
        tpu.enqueue_dma source(%dma_start3A_656 : memref<256xi32, #tpu.memory_space<hbm>>) target(%dma_start3A_655 : memref<256xi32, #tpu.memory_space<vmem>>) target_semaphore(%arg12 : memref<!tpu.dma_semaphore, #tpu.memory_space<semaphore_mem>>)
        %dma_start3A_657 = arith.constant 2304 : i32
        %dma_start3A_658 = tpu.memref_slice %arg6[%dma_start3A_657] : memref<4096xi32, #tpu.memory_space<vmem>> -> memref<256xi32, #tpu.memory_space<vmem>>
        %dma_start3A_659 = tpu.memref_slice %arg2[%add3A_590] : memref<4194304xi32, #tpu.memory_space<hbm>> -> memref<256xi32, #tpu.memory_space<hbm>>
        %dma_start3A_660 = arith.constant 2304 : i32
        %dma_start3A_661 = tpu.memref_slice %arg6[%dma_start3A_660] : memref<4096xi32, #tpu.memory_space<vmem>> -> memref<256xi32, #tpu.memory_space<vmem>>
        %dma_start3A_662 = tpu.memref_slice %arg2[%add3A_590] : memref<4194304xi32, #tpu.memory_space<hbm>> -> memref<256xi32, #tpu.memory_space<hbm>>
        tpu.enqueue_dma source(%dma_start3A_662 : memref<256xi32, #tpu.memory_space<hbm>>) target(%dma_start3A_661 : memref<256xi32, #tpu.memory_space<vmem>>) target_semaphore(%arg12 : memref<!tpu.dma_semaphore, #tpu.memory_space<semaphore_mem>>)
        %dma_start3A_663 = arith.constant 2560 : i32
        %dma_start3A_664 = tpu.memref_slice %arg6[%dma_start3A_663] : memref<4096xi32, #tpu.memory_space<vmem>> -> memref<256xi32, #tpu.memory_space<vmem>>
        %dma_start3A_665 = tpu.memref_slice %arg2[%add3A_592] : memref<4194304xi32, #tpu.memory_space<hbm>> -> memref<256xi32, #tpu.memory_space<hbm>>
        %dma_start3A_666 = arith.constant 2560 : i32
        %dma_start3A_667 = tpu.memref_slice %arg6[%dma_start3A_666] : memref<4096xi32, #tpu.memory_space<vmem>> -> memref<256xi32, #tpu.memory_space<vmem>>
        %dma_start3A_668 = tpu.memref_slice %arg2[%add3A_592] : memref<4194304xi32, #tpu.memory_space<hbm>> -> memref<256xi32, #tpu.memory_space<hbm>>
        tpu.enqueue_dma source(%dma_start3A_668 : memref<256xi32, #tpu.memory_space<hbm>>) target(%dma_start3A_667 : memref<256xi32, #tpu.memory_space<vmem>>) target_semaphore(%arg12 : memref<!tpu.dma_semaphore, #tpu.memory_space<semaphore_mem>>)
        %dma_start3A_669 = arith.constant 2816 : i32
        %dma_start3A_670 = tpu.memref_slice %arg6[%dma_start3A_669] : memref<4096xi32, #tpu.memory_space<vmem>> -> memref<256xi32, #tpu.memory_space<vmem>>
        %dma_start3A_671 = tpu.memref_slice %arg2[%add3A_594] : memref<4194304xi32, #tpu.memory_space<hbm>> -> memref<256xi32, #tpu.memory_space<hbm>>
        %dma_start3A_672 = arith.constant 2816 : i32
        %dma_start3A_673 = tpu.memref_slice %arg6[%dma_start3A_672] : memref<4096xi32, #tpu.memory_space<vmem>> -> memref<256xi32, #tpu.memory_space<vmem>>
        %dma_start3A_674 = tpu.memref_slice %arg2[%add3A_594] : memref<4194304xi32, #tpu.memory_space<hbm>> -> memref<256xi32, #tpu.memory_space<hbm>>
        tpu.enqueue_dma source(%dma_start3A_674 : memref<256xi32, #tpu.memory_space<hbm>>) target(%dma_start3A_673 : memref<256xi32, #tpu.memory_space<vmem>>) target_semaphore(%arg12 : memref<!tpu.dma_semaphore, #tpu.memory_space<semaphore_mem>>)
        %dma_start3A_675 = arith.constant 3072 : i32
        %dma_start3A_676 = tpu.memref_slice %arg6[%dma_start3A_675] : memref<4096xi32, #tpu.memory_space<vmem>> -> memref<256xi32, #tpu.memory_space<vmem>>
        %dma_start3A_677 = tpu.memref_slice %arg2[%add3A_596] : memref<4194304xi32, #tpu.memory_space<hbm>> -> memref<256xi32, #tpu.memory_space<hbm>>
        %dma_start3A_678 = arith.constant 3072 : i32
        %dma_start3A_679 = tpu.memref_slice %arg6[%dma_start3A_678] : memref<4096xi32, #tpu.memory_space<vmem>> -> memref<256xi32, #tpu.memory_space<vmem>>
        %dma_start3A_680 = tpu.memref_slice %arg2[%add3A_596] : memref<4194304xi32, #tpu.memory_space<hbm>> -> memref<256xi32, #tpu.memory_space<hbm>>
        tpu.enqueue_dma source(%dma_start3A_680 : memref<256xi32, #tpu.memory_space<hbm>>) target(%dma_start3A_679 : memref<256xi32, #tpu.memory_space<vmem>>) target_semaphore(%arg12 : memref<!tpu.dma_semaphore, #tpu.memory_space<semaphore_mem>>)
        %dma_start3A_681 = arith.constant 3328 : i32
        %dma_start3A_682 = tpu.memref_slice %arg6[%dma_start3A_681] : memref<4096xi32, #tpu.memory_space<vmem>> -> memref<256xi32, #tpu.memory_space<vmem>>
        %dma_start3A_683 = tpu.memref_slice %arg2[%add3A_598] : memref<4194304xi32, #tpu.memory_space<hbm>> -> memref<256xi32, #tpu.memory_space<hbm>>
        %dma_start3A_684 = arith.constant 3328 : i32
        %dma_start3A_685 = tpu.memref_slice %arg6[%dma_start3A_684] : memref<4096xi32, #tpu.memory_space<vmem>> -> memref<256xi32, #tpu.memory_space<vmem>>
        %dma_start3A_686 = tpu.memref_slice %arg2[%add3A_598] : memref<4194304xi32, #tpu.memory_space<hbm>> -> memref<256xi32, #tpu.memory_space<hbm>>
        tpu.enqueue_dma source(%dma_start3A_686 : memref<256xi32, #tpu.memory_space<hbm>>) target(%dma_start3A_685 : memref<256xi32, #tpu.memory_space<vmem>>) target_semaphore(%arg12 : memref<!tpu.dma_semaphore, #tpu.memory_space<semaphore_mem>>)
        %dma_start3A_687 = arith.constant 3584 : i32
        %dma_start3A_688 = tpu.memref_slice %arg6[%dma_start3A_687] : memref<4096xi32, #tpu.memory_space<vmem>> -> memref<256xi32, #tpu.memory_space<vmem>>
        %dma_start3A_689 = tpu.memref_slice %arg2[%add3A_600] : memref<4194304xi32, #tpu.memory_space<hbm>> -> memref<256xi32, #tpu.memory_space<hbm>>
        %dma_start3A_690 = arith.constant 3584 : i32
        %dma_start3A_691 = tpu.memref_slice %arg6[%dma_start3A_690] : memref<4096xi32, #tpu.memory_space<vmem>> -> memref<256xi32, #tpu.memory_space<vmem>>
        %dma_start3A_692 = tpu.memref_slice %arg2[%add3A_600] : memref<4194304xi32, #tpu.memory_space<hbm>> -> memref<256xi32, #tpu.memory_space<hbm>>
        tpu.enqueue_dma source(%dma_start3A_692 : memref<256xi32, #tpu.memory_space<hbm>>) target(%dma_start3A_691 : memref<256xi32, #tpu.memory_space<vmem>>) target_semaphore(%arg12 : memref<!tpu.dma_semaphore, #tpu.memory_space<semaphore_mem>>)
        %dma_start3A_693 = arith.constant 3840 : i32
        %dma_start3A_694 = tpu.memref_slice %arg6[%dma_start3A_693] : memref<4096xi32, #tpu.memory_space<vmem>> -> memref<256xi32, #tpu.memory_space<vmem>>
        %dma_start3A_695 = tpu.memref_slice %arg2[%add3A_602] : memref<4194304xi32, #tpu.memory_space<hbm>> -> memref<256xi32, #tpu.memory_space<hbm>>
        %dma_start3A_696 = arith.constant 3840 : i32
        %dma_start3A_697 = tpu.memref_slice %arg6[%dma_start3A_696] : memref<4096xi32, #tpu.memory_space<vmem>> -> memref<256xi32, #tpu.memory_space<vmem>>
        %dma_start3A_698 = tpu.memref_slice %arg2[%add3A_602] : memref<4194304xi32, #tpu.memory_space<hbm>> -> memref<256xi32, #tpu.memory_space<hbm>>
        tpu.enqueue_dma source(%dma_start3A_698 : memref<256xi32, #tpu.memory_space<hbm>>) target(%dma_start3A_697 : memref<256xi32, #tpu.memory_space<vmem>>) target_semaphore(%arg12 : memref<!tpu.dma_semaphore, #tpu.memory_space<semaphore_mem>>)
      } else {
      }
      %add3A_543 = arith.constant 1 : i32
      %add3A_544 = arith.addi %add3A_527, %add3A_543 : i32
      %lt3A_545 = arith.constant 32 : i32
      %lt3A_546 = arith.cmpi slt, %add3A_544, %lt3A_545 : i32
      %convert_element_type3A_547 = arith.extui %lt3A_546 : i1 to i32
      %cond3A_548 = arith.constant 0 : i32
      %cond3A_549 = arith.cmpi ne, %convert_element_type3A_547, %cond3A_548 : i32
      scf.if %cond3A_549 {
        %add3A_564 = arith.constant 1 : i32
        %add3A_565 = arith.addi %add3A_527, %add3A_564 : i32
        %mul3A_566 = arith.constant 8192 : i32
        %mul3A_567 = arith.muli %add3A, %mul3A_566 : i32
        %mul3A_568 = arith.constant 256 : i32
        %mul3A_569 = arith.muli %add3A_565, %mul3A_568 : i32
        %add3A_570 = arith.addi %mul3A_567, %mul3A_569 : i32
        %add3A_571 = arith.constant 0 : i32
        %add3A_572 = arith.addi %add3A_571, %add3A_570 : i32
        %add3A_573 = arith.constant 262144 : i32
        %add3A_574 = arith.addi %add3A_573, %add3A_570 : i32
        %add3A_575 = arith.constant 524288 : i32
        %add3A_576 = arith.addi %add3A_575, %add3A_570 : i32
        %add3A_577 = arith.constant 786432 : i32
        %add3A_578 = arith.addi %add3A_577, %add3A_570 : i32
        %add3A_579 = arith.constant 1048576 : i32
        %add3A_580 = arith.addi %add3A_579, %add3A_570 : i32
        %add3A_581 = arith.constant 1310720 : i32
        %add3A_582 = arith.addi %add3A_581, %add3A_570 : i32
        %add3A_583 = arith.constant 1572864 : i32
        %add3A_584 = arith.addi %add3A_583, %add3A_570 : i32
        %add3A_585 = arith.constant 1835008 : i32
        %add3A_586 = arith.addi %add3A_585, %add3A_570 : i32
        %add3A_587 = arith.constant 2097152 : i32
        %add3A_588 = arith.addi %add3A_587, %add3A_570 : i32
        %add3A_589 = arith.constant 2359296 : i32
        %add3A_590 = arith.addi %add3A_589, %add3A_570 : i32
        %add3A_591 = arith.constant 2621440 : i32
        %add3A_592 = arith.addi %add3A_591, %add3A_570 : i32
        %add3A_593 = arith.constant 2883584 : i32
        %add3A_594 = arith.addi %add3A_593, %add3A_570 : i32
        %add3A_595 = arith.constant 3145728 : i32
        %add3A_596 = arith.addi %add3A_595, %add3A_570 : i32
        %add3A_597 = arith.constant 3407872 : i32
        %add3A_598 = arith.addi %add3A_597, %add3A_570 : i32
        %add3A_599 = arith.constant 3670016 : i32
        %add3A_600 = arith.addi %add3A_599, %add3A_570 : i32
        %add3A_601 = arith.constant 3932160 : i32
        %add3A_602 = arith.addi %add3A_601, %add3A_570 : i32
        %dma_wait3A_603 = arith.constant 0 : i32
        %dma_wait3A_604 = tpu.memref_slice %arg5[%dma_wait3A_603] : memref<4096xi32, #tpu.memory_space<vmem>> -> memref<256xi32, #tpu.memory_space<vmem>>
        %dma_wait3A_605 = tpu.memref_slice %arg2[%add3A_572] : memref<4194304xi32, #tpu.memory_space<hbm>> -> memref<256xi32, #tpu.memory_space<hbm>>
        %dma_wait3A_606 = arith.constant 0 : i32
        %dma_wait3A_607 = tpu.memref_slice %arg5[%dma_wait3A_606] : memref<4096xi32, #tpu.memory_space<vmem>> -> memref<256xi32, #tpu.memory_space<vmem>>
        %dma_wait3A_608 = tpu.memref_slice %arg2[%add3A_572] : memref<4194304xi32, #tpu.memory_space<hbm>> -> memref<256xi32, #tpu.memory_space<hbm>>
        tpu.wait_dma2 semaphore(%arg11 : memref<!tpu.dma_semaphore, #tpu.memory_space<semaphore_mem>>) src(%dma_wait3A_608 : memref<256xi32, #tpu.memory_space<hbm>>) dst(%dma_wait3A_607 : memref<256xi32, #tpu.memory_space<vmem>>)
        %dma_wait3A_609 = arith.constant 256 : i32
        %dma_wait3A_610 = tpu.memref_slice %arg5[%dma_wait3A_609] : memref<4096xi32, #tpu.memory_space<vmem>> -> memref<256xi32, #tpu.memory_space<vmem>>
        %dma_wait3A_611 = tpu.memref_slice %arg2[%add3A_574] : memref<4194304xi32, #tpu.memory_space<hbm>> -> memref<256xi32, #tpu.memory_space<hbm>>
        %dma_wait3A_612 = arith.constant 256 : i32
        %dma_wait3A_613 = tpu.memref_slice %arg5[%dma_wait3A_612] : memref<4096xi32, #tpu.memory_space<vmem>> -> memref<256xi32, #tpu.memory_space<vmem>>
        %dma_wait3A_614 = tpu.memref_slice %arg2[%add3A_574] : memref<4194304xi32, #tpu.memory_space<hbm>> -> memref<256xi32, #tpu.memory_space<hbm>>
        tpu.wait_dma2 semaphore(%arg11 : memref<!tpu.dma_semaphore, #tpu.memory_space<semaphore_mem>>) src(%dma_wait3A_614 : memref<256xi32, #tpu.memory_space<hbm>>) dst(%dma_wait3A_613 : memref<256xi32, #tpu.memory_space<vmem>>)
        %dma_wait3A_615 = arith.constant 512 : i32
        %dma_wait3A_616 = tpu.memref_slice %arg5[%dma_wait3A_615] : memref<4096xi32, #tpu.memory_space<vmem>> -> memref<256xi32, #tpu.memory_space<vmem>>
        %dma_wait3A_617 = tpu.memref_slice %arg2[%add3A_576] : memref<4194304xi32, #tpu.memory_space<hbm>> -> memref<256xi32, #tpu.memory_space<hbm>>
        %dma_wait3A_618 = arith.constant 512 : i32
        %dma_wait3A_619 = tpu.memref_slice %arg5[%dma_wait3A_618] : memref<4096xi32, #tpu.memory_space<vmem>> -> memref<256xi32, #tpu.memory_space<vmem>>
        %dma_wait3A_620 = tpu.memref_slice %arg2[%add3A_576] : memref<4194304xi32, #tpu.memory_space<hbm>> -> memref<256xi32, #tpu.memory_space<hbm>>
        tpu.wait_dma2 semaphore(%arg11 : memref<!tpu.dma_semaphore, #tpu.memory_space<semaphore_mem>>) src(%dma_wait3A_620 : memref<256xi32, #tpu.memory_space<hbm>>) dst(%dma_wait3A_619 : memref<256xi32, #tpu.memory_space<vmem>>)
        %dma_wait3A_621 = arith.constant 768 : i32
        %dma_wait3A_622 = tpu.memref_slice %arg5[%dma_wait3A_621] : memref<4096xi32, #tpu.memory_space<vmem>> -> memref<256xi32, #tpu.memory_space<vmem>>
        %dma_wait3A_623 = tpu.memref_slice %arg2[%add3A_578] : memref<4194304xi32, #tpu.memory_space<hbm>> -> memref<256xi32, #tpu.memory_space<hbm>>
        %dma_wait3A_624 = arith.constant 768 : i32
        %dma_wait3A_625 = tpu.memref_slice %arg5[%dma_wait3A_624] : memref<4096xi32, #tpu.memory_space<vmem>> -> memref<256xi32, #tpu.memory_space<vmem>>
        %dma_wait3A_626 = tpu.memref_slice %arg2[%add3A_578] : memref<4194304xi32, #tpu.memory_space<hbm>> -> memref<256xi32, #tpu.memory_space<hbm>>
        tpu.wait_dma2 semaphore(%arg11 : memref<!tpu.dma_semaphore, #tpu.memory_space<semaphore_mem>>) src(%dma_wait3A_626 : memref<256xi32, #tpu.memory_space<hbm>>) dst(%dma_wait3A_625 : memref<256xi32, #tpu.memory_space<vmem>>)
        %dma_wait3A_627 = arith.constant 1024 : i32
        %dma_wait3A_628 = tpu.memref_slice %arg5[%dma_wait3A_627] : memref<4096xi32, #tpu.memory_space<vmem>> -> memref<256xi32, #tpu.memory_space<vmem>>
        %dma_wait3A_629 = tpu.memref_slice %arg2[%add3A_580] : memref<4194304xi32, #tpu.memory_space<hbm>> -> memref<256xi32, #tpu.memory_space<hbm>>
        %dma_wait3A_630 = arith.constant 1024 : i32
        %dma_wait3A_631 = tpu.memref_slice %arg5[%dma_wait3A_630] : memref<4096xi32, #tpu.memory_space<vmem>> -> memref<256xi32, #tpu.memory_space<vmem>>
        %dma_wait3A_632 = tpu.memref_slice %arg2[%add3A_580] : memref<4194304xi32, #tpu.memory_space<hbm>> -> memref<256xi32, #tpu.memory_space<hbm>>
        tpu.wait_dma2 semaphore(%arg11 : memref<!tpu.dma_semaphore, #tpu.memory_space<semaphore_mem>>) src(%dma_wait3A_632 : memref<256xi32, #tpu.memory_space<hbm>>) dst(%dma_wait3A_631 : memref<256xi32, #tpu.memory_space<vmem>>)
        %dma_wait3A_633 = arith.constant 1280 : i32
        %dma_wait3A_634 = tpu.memref_slice %arg5[%dma_wait3A_633] : memref<4096xi32, #tpu.memory_space<vmem>> -> memref<256xi32, #tpu.memory_space<vmem>>
        %dma_wait3A_635 = tpu.memref_slice %arg2[%add3A_582] : memref<4194304xi32, #tpu.memory_space<hbm>> -> memref<256xi32, #tpu.memory_space<hbm>>
        %dma_wait3A_636 = arith.constant 1280 : i32
        %dma_wait3A_637 = tpu.memref_slice %arg5[%dma_wait3A_636] : memref<4096xi32, #tpu.memory_space<vmem>> -> memref<256xi32, #tpu.memory_space<vmem>>
        %dma_wait3A_638 = tpu.memref_slice %arg2[%add3A_582] : memref<4194304xi32, #tpu.memory_space<hbm>> -> memref<256xi32, #tpu.memory_space<hbm>>
        tpu.wait_dma2 semaphore(%arg11 : memref<!tpu.dma_semaphore, #tpu.memory_space<semaphore_mem>>) src(%dma_wait3A_638 : memref<256xi32, #tpu.memory_space<hbm>>) dst(%dma_wait3A_637 : memref<256xi32, #tpu.memory_space<vmem>>)
        %dma_wait3A_639 = arith.constant 1536 : i32
        %dma_wait3A_640 = tpu.memref_slice %arg5[%dma_wait3A_639] : memref<4096xi32, #tpu.memory_space<vmem>> -> memref<256xi32, #tpu.memory_space<vmem>>
        %dma_wait3A_641 = tpu.memref_slice %arg2[%add3A_584] : memref<4194304xi32, #tpu.memory_space<hbm>> -> memref<256xi32, #tpu.memory_space<hbm>>
        %dma_wait3A_642 = arith.constant 1536 : i32
        %dma_wait3A_643 = tpu.memref_slice %arg5[%dma_wait3A_642] : memref<4096xi32, #tpu.memory_space<vmem>> -> memref<256xi32, #tpu.memory_space<vmem>>
        %dma_wait3A_644 = tpu.memref_slice %arg2[%add3A_584] : memref<4194304xi32, #tpu.memory_space<hbm>> -> memref<256xi32, #tpu.memory_space<hbm>>
        tpu.wait_dma2 semaphore(%arg11 : memref<!tpu.dma_semaphore, #tpu.memory_space<semaphore_mem>>) src(%dma_wait3A_644 : memref<256xi32, #tpu.memory_space<hbm>>) dst(%dma_wait3A_643 : memref<256xi32, #tpu.memory_space<vmem>>)
        %dma_wait3A_645 = arith.constant 1792 : i32
        %dma_wait3A_646 = tpu.memref_slice %arg5[%dma_wait3A_645] : memref<4096xi32, #tpu.memory_space<vmem>> -> memref<256xi32, #tpu.memory_space<vmem>>
        %dma_wait3A_647 = tpu.memref_slice %arg2[%add3A_586] : memref<4194304xi32, #tpu.memory_space<hbm>> -> memref<256xi32, #tpu.memory_space<hbm>>
        %dma_wait3A_648 = arith.constant 1792 : i32
        %dma_wait3A_649 = tpu.memref_slice %arg5[%dma_wait3A_648] : memref<4096xi32, #tpu.memory_space<vmem>> -> memref<256xi32, #tpu.memory_space<vmem>>
        %dma_wait3A_650 = tpu.memref_slice %arg2[%add3A_586] : memref<4194304xi32, #tpu.memory_space<hbm>> -> memref<256xi32, #tpu.memory_space<hbm>>
        tpu.wait_dma2 semaphore(%arg11 : memref<!tpu.dma_semaphore, #tpu.memory_space<semaphore_mem>>) src(%dma_wait3A_650 : memref<256xi32, #tpu.memory_space<hbm>>) dst(%dma_wait3A_649 : memref<256xi32, #tpu.memory_space<vmem>>)
        %dma_wait3A_651 = arith.constant 2048 : i32
        %dma_wait3A_652 = tpu.memref_slice %arg5[%dma_wait3A_651] : memref<4096xi32, #tpu.memory_space<vmem>> -> memref<256xi32, #tpu.memory_space<vmem>>
        %dma_wait3A_653 = tpu.memref_slice %arg2[%add3A_588] : memref<4194304xi32, #tpu.memory_space<hbm>> -> memref<256xi32, #tpu.memory_space<hbm>>
        %dma_wait3A_654 = arith.constant 2048 : i32
        %dma_wait3A_655 = tpu.memref_slice %arg5[%dma_wait3A_654] : memref<4096xi32, #tpu.memory_space<vmem>> -> memref<256xi32, #tpu.memory_space<vmem>>
        %dma_wait3A_656 = tpu.memref_slice %arg2[%add3A_588] : memref<4194304xi32, #tpu.memory_space<hbm>> -> memref<256xi32, #tpu.memory_space<hbm>>
        tpu.wait_dma2 semaphore(%arg11 : memref<!tpu.dma_semaphore, #tpu.memory_space<semaphore_mem>>) src(%dma_wait3A_656 : memref<256xi32, #tpu.memory_space<hbm>>) dst(%dma_wait3A_655 : memref<256xi32, #tpu.memory_space<vmem>>)
        %dma_wait3A_657 = arith.constant 2304 : i32
        %dma_wait3A_658 = tpu.memref_slice %arg5[%dma_wait3A_657] : memref<4096xi32, #tpu.memory_space<vmem>> -> memref<256xi32, #tpu.memory_space<vmem>>
        %dma_wait3A_659 = tpu.memref_slice %arg2[%add3A_590] : memref<4194304xi32, #tpu.memory_space<hbm>> -> memref<256xi32, #tpu.memory_space<hbm>>
        %dma_wait3A_660 = arith.constant 2304 : i32
        %dma_wait3A_661 = tpu.memref_slice %arg5[%dma_wait3A_660] : memref<4096xi32, #tpu.memory_space<vmem>> -> memref<256xi32, #tpu.memory_space<vmem>>
        %dma_wait3A_662 = tpu.memref_slice %arg2[%add3A_590] : memref<4194304xi32, #tpu.memory_space<hbm>> -> memref<256xi32, #tpu.memory_space<hbm>>
        tpu.wait_dma2 semaphore(%arg11 : memref<!tpu.dma_semaphore, #tpu.memory_space<semaphore_mem>>) src(%dma_wait3A_662 : memref<256xi32, #tpu.memory_space<hbm>>) dst(%dma_wait3A_661 : memref<256xi32, #tpu.memory_space<vmem>>)
        %dma_wait3A_663 = arith.constant 2560 : i32
        %dma_wait3A_664 = tpu.memref_slice %arg5[%dma_wait3A_663] : memref<4096xi32, #tpu.memory_space<vmem>> -> memref<256xi32, #tpu.memory_space<vmem>>
        %dma_wait3A_665 = tpu.memref_slice %arg2[%add3A_592] : memref<4194304xi32, #tpu.memory_space<hbm>> -> memref<256xi32, #tpu.memory_space<hbm>>
        %dma_wait3A_666 = arith.constant 2560 : i32
        %dma_wait3A_667 = tpu.memref_slice %arg5[%dma_wait3A_666] : memref<4096xi32, #tpu.memory_space<vmem>> -> memref<256xi32, #tpu.memory_space<vmem>>
        %dma_wait3A_668 = tpu.memref_slice %arg2[%add3A_592] : memref<4194304xi32, #tpu.memory_space<hbm>> -> memref<256xi32, #tpu.memory_space<hbm>>
        tpu.wait_dma2 semaphore(%arg11 : memref<!tpu.dma_semaphore, #tpu.memory_space<semaphore_mem>>) src(%dma_wait3A_668 : memref<256xi32, #tpu.memory_space<hbm>>) dst(%dma_wait3A_667 : memref<256xi32, #tpu.memory_space<vmem>>)
        %dma_wait3A_669 = arith.constant 2816 : i32
        %dma_wait3A_670 = tpu.memref_slice %arg5[%dma_wait3A_669] : memref<4096xi32, #tpu.memory_space<vmem>> -> memref<256xi32, #tpu.memory_space<vmem>>
        %dma_wait3A_671 = tpu.memref_slice %arg2[%add3A_594] : memref<4194304xi32, #tpu.memory_space<hbm>> -> memref<256xi32, #tpu.memory_space<hbm>>
        %dma_wait3A_672 = arith.constant 2816 : i32
        %dma_wait3A_673 = tpu.memref_slice %arg5[%dma_wait3A_672] : memref<4096xi32, #tpu.memory_space<vmem>> -> memref<256xi32, #tpu.memory_space<vmem>>
        %dma_wait3A_674 = tpu.memref_slice %arg2[%add3A_594] : memref<4194304xi32, #tpu.memory_space<hbm>> -> memref<256xi32, #tpu.memory_space<hbm>>
        tpu.wait_dma2 semaphore(%arg11 : memref<!tpu.dma_semaphore, #tpu.memory_space<semaphore_mem>>) src(%dma_wait3A_674 : memref<256xi32, #tpu.memory_space<hbm>>) dst(%dma_wait3A_673 : memref<256xi32, #tpu.memory_space<vmem>>)
        %dma_wait3A_675 = arith.constant 3072 : i32
        %dma_wait3A_676 = tpu.memref_slice %arg5[%dma_wait3A_675] : memref<4096xi32, #tpu.memory_space<vmem>> -> memref<256xi32, #tpu.memory_space<vmem>>
        %dma_wait3A_677 = tpu.memref_slice %arg2[%add3A_596] : memref<4194304xi32, #tpu.memory_space<hbm>> -> memref<256xi32, #tpu.memory_space<hbm>>
        %dma_wait3A_678 = arith.constant 3072 : i32
        %dma_wait3A_679 = tpu.memref_slice %arg5[%dma_wait3A_678] : memref<4096xi32, #tpu.memory_space<vmem>> -> memref<256xi32, #tpu.memory_space<vmem>>
        %dma_wait3A_680 = tpu.memref_slice %arg2[%add3A_596] : memref<4194304xi32, #tpu.memory_space<hbm>> -> memref<256xi32, #tpu.memory_space<hbm>>
        tpu.wait_dma2 semaphore(%arg11 : memref<!tpu.dma_semaphore, #tpu.memory_space<semaphore_mem>>) src(%dma_wait3A_680 : memref<256xi32, #tpu.memory_space<hbm>>) dst(%dma_wait3A_679 : memref<256xi32, #tpu.memory_space<vmem>>)
        %dma_wait3A_681 = arith.constant 3328 : i32
        %dma_wait3A_682 = tpu.memref_slice %arg5[%dma_wait3A_681] : memref<4096xi32, #tpu.memory_space<vmem>> -> memref<256xi32, #tpu.memory_space<vmem>>
        %dma_wait3A_683 = tpu.memref_slice %arg2[%add3A_598] : memref<4194304xi32, #tpu.memory_space<hbm>> -> memref<256xi32, #tpu.memory_space<hbm>>
        %dma_wait3A_684 = arith.constant 3328 : i32
        %dma_wait3A_685 = tpu.memref_slice %arg5[%dma_wait3A_684] : memref<4096xi32, #tpu.memory_space<vmem>> -> memref<256xi32, #tpu.memory_space<vmem>>
        %dma_wait3A_686 = tpu.memref_slice %arg2[%add3A_598] : memref<4194304xi32, #tpu.memory_space<hbm>> -> memref<256xi32, #tpu.memory_space<hbm>>
        tpu.wait_dma2 semaphore(%arg11 : memref<!tpu.dma_semaphore, #tpu.memory_space<semaphore_mem>>) src(%dma_wait3A_686 : memref<256xi32, #tpu.memory_space<hbm>>) dst(%dma_wait3A_685 : memref<256xi32, #tpu.memory_space<vmem>>)
        %dma_wait3A_687 = arith.constant 3584 : i32
        %dma_wait3A_688 = tpu.memref_slice %arg5[%dma_wait3A_687] : memref<4096xi32, #tpu.memory_space<vmem>> -> memref<256xi32, #tpu.memory_space<vmem>>
        %dma_wait3A_689 = tpu.memref_slice %arg2[%add3A_600] : memref<4194304xi32, #tpu.memory_space<hbm>> -> memref<256xi32, #tpu.memory_space<hbm>>
        %dma_wait3A_690 = arith.constant 3584 : i32
        %dma_wait3A_691 = tpu.memref_slice %arg5[%dma_wait3A_690] : memref<4096xi32, #tpu.memory_space<vmem>> -> memref<256xi32, #tpu.memory_space<vmem>>
        %dma_wait3A_692 = tpu.memref_slice %arg2[%add3A_600] : memref<4194304xi32, #tpu.memory_space<hbm>> -> memref<256xi32, #tpu.memory_space<hbm>>
        tpu.wait_dma2 semaphore(%arg11 : memref<!tpu.dma_semaphore, #tpu.memory_space<semaphore_mem>>) src(%dma_wait3A_692 : memref<256xi32, #tpu.memory_space<hbm>>) dst(%dma_wait3A_691 : memref<256xi32, #tpu.memory_space<vmem>>)
        %dma_wait3A_693 = arith.constant 3840 : i32
        %dma_wait3A_694 = tpu.memref_slice %arg5[%dma_wait3A_693] : memref<4096xi32, #tpu.memory_space<vmem>> -> memref<256xi32, #tpu.memory_space<vmem>>
        %dma_wait3A_695 = tpu.memref_slice %arg2[%add3A_602] : memref<4194304xi32, #tpu.memory_space<hbm>> -> memref<256xi32, #tpu.memory_space<hbm>>
        %dma_wait3A_696 = arith.constant 3840 : i32
        %dma_wait3A_697 = tpu.memref_slice %arg5[%dma_wait3A_696] : memref<4096xi32, #tpu.memory_space<vmem>> -> memref<256xi32, #tpu.memory_space<vmem>>
        %dma_wait3A_698 = tpu.memref_slice %arg2[%add3A_602] : memref<4194304xi32, #tpu.memory_space<hbm>> -> memref<256xi32, #tpu.memory_space<hbm>>
        tpu.wait_dma2 semaphore(%arg11 : memref<!tpu.dma_semaphore, #tpu.memory_space<semaphore_mem>>) src(%dma_wait3A_698 : memref<256xi32, #tpu.memory_space<hbm>>) dst(%dma_wait3A_697 : memref<256xi32, #tpu.memory_space<vmem>>)
        %scan3A_699 = arith.constant 0 : i32
        %scan3A_700 = arith.constant 0 : i32
        %scan3A_701 = arith.constant 16 : i32
        %scan3A_702 = arith.addi %scan3A_700, %scan3A_701 : i32
        %scan3A_703 = arith.constant 1 : i32
        scf.for %scan3A_705 = %scan3A_700 to %scan3A_702 step %scan3A_703  : i32 {
          %mul3A_706 = arith.constant 16 : i32
          %mul3A_707 = arith.muli %scan3A_705, %mul3A_706 : i32
          %add3A_708 = arith.constant 0 : i32
          %add3A_709 = arith.addi %add3A_708, %mul3A_707 : i32
          %get3A = arith.index_cast %add3A_709 : i32 to index
          %get3A_710 = tpu.vector_load %arg5[%get3A] {strides = array<i32>} : memref<4096xi32, #tpu.memory_space<vmem>>, vector<16xi32>,
          %get3A_711 = vector.shape_cast %get3A_710 : vector<16xi32> to vector<16xi32>
          %mul3A_712 = arith.constant 16 : i32
          %mul3A_713 = arith.muli %scan3A_705, %mul3A_712 : i32
          %add3A_714 = arith.constant 256 : i32
          %add3A_715 = arith.addi %add3A_714, %mul3A_713 : i32
          %get3A_716 = arith.index_cast %add3A_715 : i32 to index
          %get3A_717 = tpu.vector_load %arg5[%get3A_716] {strides = array<i32>} : memref<4096xi32, #tpu.memory_space<vmem>>, vector<16xi32>,
          %get3A_718 = vector.shape_cast %get3A_717 : vector<16xi32> to vector<16xi32>
          %mul3A_719 = arith.constant 16 : i32
          %mul3A_720 = arith.muli %scan3A_705, %mul3A_719 : i32
          %add3A_721 = arith.constant 512 : i32
          %add3A_722 = arith.addi %add3A_721, %mul3A_720 : i32
          %get3A_723 = arith.index_cast %add3A_722 : i32 to index
          %get3A_724 = tpu.vector_load %arg5[%get3A_723] {strides = array<i32>} : memref<4096xi32, #tpu.memory_space<vmem>>, vector<16xi32>,
          %get3A_725 = vector.shape_cast %get3A_724 : vector<16xi32> to vector<16xi32>
          %mul3A_726 = arith.constant 16 : i32
          %mul3A_727 = arith.muli %scan3A_705, %mul3A_726 : i32
          %add3A_728 = arith.constant 768 : i32
          %add3A_729 = arith.addi %add3A_728, %mul3A_727 : i32
          %get3A_730 = arith.index_cast %add3A_729 : i32 to index
          %get3A_731 = tpu.vector_load %arg5[%get3A_730] {strides = array<i32>} : memref<4096xi32, #tpu.memory_space<vmem>>, vector<16xi32>,
          %get3A_732 = vector.shape_cast %get3A_731 : vector<16xi32> to vector<16xi32>
          %mul3A_733 = arith.constant 16 : i32
          %mul3A_734 = arith.muli %scan3A_705, %mul3A_733 : i32
          %add3A_735 = arith.constant 1024 : i32
          %add3A_736 = arith.addi %add3A_735, %mul3A_734 : i32
          %get3A_737 = arith.index_cast %add3A_736 : i32 to index
          %get3A_738 = tpu.vector_load %arg5[%get3A_737] {strides = array<i32>} : memref<4096xi32, #tpu.memory_space<vmem>>, vector<16xi32>,
          %get3A_739 = vector.shape_cast %get3A_738 : vector<16xi32> to vector<16xi32>
          %mul3A_740 = arith.constant 16 : i32
          %mul3A_741 = arith.muli %scan3A_705, %mul3A_740 : i32
          %add3A_742 = arith.constant 1280 : i32
          %add3A_743 = arith.addi %add3A_742, %mul3A_741 : i32
          %get3A_744 = arith.index_cast %add3A_743 : i32 to index
          %get3A_745 = tpu.vector_load %arg5[%get3A_744] {strides = array<i32>} : memref<4096xi32, #tpu.memory_space<vmem>>, vector<16xi32>,
          %get3A_746 = vector.shape_cast %get3A_745 : vector<16xi32> to vector<16xi32>
          %mul3A_747 = arith.constant 16 : i32
          %mul3A_748 = arith.muli %scan3A_705, %mul3A_747 : i32
          %add3A_749 = arith.constant 1536 : i32
          %add3A_750 = arith.addi %add3A_749, %mul3A_748 : i32
          %get3A_751 = arith.index_cast %add3A_750 : i32 to index
          %get3A_752 = tpu.vector_load %arg5[%get3A_751] {strides = array<i32>} : memref<4096xi32, #tpu.memory_space<vmem>>, vector<16xi32>,
          %get3A_753 = vector.shape_cast %get3A_752 : vector<16xi32> to vector<16xi32>
          %mul3A_754 = arith.constant 16 : i32
          %mul3A_755 = arith.muli %scan3A_705, %mul3A_754 : i32
          %add3A_756 = arith.constant 1792 : i32
          %add3A_757 = arith.addi %add3A_756, %mul3A_755 : i32
          %get3A_758 = arith.index_cast %add3A_757 : i32 to index
          %get3A_759 = tpu.vector_load %arg5[%get3A_758] {strides = array<i32>} : memref<4096xi32, #tpu.memory_space<vmem>>, vector<16xi32>,
          %get3A_760 = vector.shape_cast %get3A_759 : vector<16xi32> to vector<16xi32>
          %mul3A_761 = arith.constant 16 : i32
          %mul3A_762 = arith.muli %scan3A_705, %mul3A_761 : i32
          %add3A_763 = arith.constant 2048 : i32
          %add3A_764 = arith.addi %add3A_763, %mul3A_762 : i32
          %get3A_765 = arith.index_cast %add3A_764 : i32 to index
          %get3A_766 = tpu.vector_load %arg5[%get3A_765] {strides = array<i32>} : memref<4096xi32, #tpu.memory_space<vmem>>, vector<16xi32>,
          %get3A_767 = vector.shape_cast %get3A_766 : vector<16xi32> to vector<16xi32>
          %mul3A_768 = arith.constant 16 : i32
          %mul3A_769 = arith.muli %scan3A_705, %mul3A_768 : i32
          %add3A_770 = arith.constant 2304 : i32
          %add3A_771 = arith.addi %add3A_770, %mul3A_769 : i32
          %get3A_772 = arith.index_cast %add3A_771 : i32 to index
          %get3A_773 = tpu.vector_load %arg5[%get3A_772] {strides = array<i32>} : memref<4096xi32, #tpu.memory_space<vmem>>, vector<16xi32>,
          %get3A_774 = vector.shape_cast %get3A_773 : vector<16xi32> to vector<16xi32>
          %mul3A_775 = arith.constant 16 : i32
          %mul3A_776 = arith.muli %scan3A_705, %mul3A_775 : i32
          %add3A_777 = arith.constant 2560 : i32
          %add3A_778 = arith.addi %add3A_777, %mul3A_776 : i32
          %get3A_779 = arith.index_cast %add3A_778 : i32 to index
          %get3A_780 = tpu.vector_load %arg5[%get3A_779] {strides = array<i32>} : memref<4096xi32, #tpu.memory_space<vmem>>, vector<16xi32>,
          %get3A_781 = vector.shape_cast %get3A_780 : vector<16xi32> to vector<16xi32>
          %mul3A_782 = arith.constant 16 : i32
          %mul3A_783 = arith.muli %scan3A_705, %mul3A_782 : i32
          %add3A_784 = arith.constant 2816 : i32
          %add3A_785 = arith.addi %add3A_784, %mul3A_783 : i32
          %get3A_786 = arith.index_cast %add3A_785 : i32 to index
          %get3A_787 = tpu.vector_load %arg5[%get3A_786] {strides = array<i32>} : memref<4096xi32, #tpu.memory_space<vmem>>, vector<16xi32>,
          %get3A_788 = vector.shape_cast %get3A_787 : vector<16xi32> to vector<16xi32>
          %mul3A_789 = arith.constant 16 : i32
          %mul3A_790 = arith.muli %scan3A_705, %mul3A_789 : i32
          %add3A_791 = arith.constant 3072 : i32
          %add3A_792 = arith.addi %add3A_791, %mul3A_790 : i32
          %get3A_793 = arith.index_cast %add3A_792 : i32 to index
          %get3A_794 = tpu.vector_load %arg5[%get3A_793] {strides = array<i32>} : memref<4096xi32, #tpu.memory_space<vmem>>, vector<16xi32>,
          %get3A_795 = vector.shape_cast %get3A_794 : vector<16xi32> to vector<16xi32>
          %mul3A_796 = arith.constant 16 : i32
          %mul3A_797 = arith.muli %scan3A_705, %mul3A_796 : i32
          %add3A_798 = arith.constant 3328 : i32
          %add3A_799 = arith.addi %add3A_798, %mul3A_797 : i32
          %get3A_800 = arith.index_cast %add3A_799 : i32 to index
          %get3A_801 = tpu.vector_load %arg5[%get3A_800] {strides = array<i32>} : memref<4096xi32, #tpu.memory_space<vmem>>, vector<16xi32>,
          %get3A_802 = vector.shape_cast %get3A_801 : vector<16xi32> to vector<16xi32>
          %mul3A_803 = arith.constant 16 : i32
          %mul3A_804 = arith.muli %scan3A_705, %mul3A_803 : i32
          %add3A_805 = arith.constant 3584 : i32
          %add3A_806 = arith.addi %add3A_805, %mul3A_804 : i32
          %get3A_807 = arith.index_cast %add3A_806 : i32 to index
          %get3A_808 = tpu.vector_load %arg5[%get3A_807] {strides = array<i32>} : memref<4096xi32, #tpu.memory_space<vmem>>, vector<16xi32>,
          %get3A_809 = vector.shape_cast %get3A_808 : vector<16xi32> to vector<16xi32>
          %mul3A_810 = arith.constant 16 : i32
          %mul3A_811 = arith.muli %scan3A_705, %mul3A_810 : i32
          %add3A_812 = arith.constant 3840 : i32
          %add3A_813 = arith.addi %add3A_812, %mul3A_811 : i32
          %get3A_814 = arith.index_cast %add3A_813 : i32 to index
          %get3A_815 = tpu.vector_load %arg5[%get3A_814] {strides = array<i32>} : memref<4096xi32, #tpu.memory_space<vmem>>, vector<16xi32>,
          %get3A_816 = vector.shape_cast %get3A_815 : vector<16xi32> to vector<16xi32>
          %and3A_817 = arith.constant 1 : i32
          %and3A_818 = vector.broadcast %and3A_817 : i32 to vector<16xi32>
          %and3A_819 = arith.andi %iota3A, %and3A_818 : vector<16xi32>
          %eq3A_820 = arith.constant 0 : i32
          %eq3A_821 = vector.broadcast %eq3A_820 : i32 to vector<16xi32>
          %eq3A_822 = arith.cmpi eq, %and3A_819, %eq3A_821 : vector<16xi32>
          %broadcast_in_dim3A = vector.shape_cast %xor3A_51 : vector<16xi32> to vector<16x1xi32>
          %gather3A = vector.shape_cast %broadcast_in_dim3A : vector<16x1xi32> to vector<16xi32>
          %gather3A_823 = tpu.dynamic_gather %get3A_718[%gather3A] in [0] : vector<16xi32>, vector<16xi32> -> vector<16xi32>
          %select_n3A_824 = arith.select %eq3A_822, %get3A_711, %gather3A_823 : vector<16xi1>, vector<16xi32>
          %broadcast_in_dim3A_825 = vector.shape_cast %xor3A_51 : vector<16xi32> to vector<16x1xi32>
          %gather3A_826 = vector.shape_cast %broadcast_in_dim3A_825 : vector<16x1xi32> to vector<16xi32>
          %gather3A_827 = tpu.dynamic_gather %get3A_711[%gather3A_826] in [0] : vector<16xi32>, vector<16xi32> -> vector<16xi32>
          %select_n3A_828 = arith.select %eq3A_822, %gather3A_827, %get3A_718 : vector<16xi1>, vector<16xi32>
          %broadcast_in_dim3A_829 = vector.shape_cast %xor3A_51 : vector<16xi32> to vector<16x1xi32>
          %gather3A_830 = vector.shape_cast %broadcast_in_dim3A_829 : vector<16x1xi32> to vector<16xi32>
          %gather3A_831 = tpu.dynamic_gather %get3A_732[%gather3A_830] in [0] : vector<16xi32>, vector<16xi32> -> vector<16xi32>
          %select_n3A_832 = arith.select %eq3A_822, %get3A_725, %gather3A_831 : vector<16xi1>, vector<16xi32>
          %broadcast_in_dim3A_833 = vector.shape_cast %xor3A_51 : vector<16xi32> to vector<16x1xi32>
          %gather3A_834 = vector.shape_cast %broadcast_in_dim3A_833 : vector<16x1xi32> to vector<16xi32>
          %gather3A_835 = tpu.dynamic_gather %get3A_725[%gather3A_834] in [0] : vector<16xi32>, vector<16xi32> -> vector<16xi32>
          %select_n3A_836 = arith.select %eq3A_822, %gather3A_835, %get3A_732 : vector<16xi1>, vector<16xi32>
          %broadcast_in_dim3A_837 = vector.shape_cast %xor3A_51 : vector<16xi32> to vector<16x1xi32>
          %gather3A_838 = vector.shape_cast %broadcast_in_dim3A_837 : vector<16x1xi32> to vector<16xi32>
          %gather3A_839 = tpu.dynamic_gather %get3A_746[%gather3A_838] in [0] : vector<16xi32>, vector<16xi32> -> vector<16xi32>
          %select_n3A_840 = arith.select %eq3A_822, %get3A_739, %gather3A_839 : vector<16xi1>, vector<16xi32>
          %broadcast_in_dim3A_841 = vector.shape_cast %xor3A_51 : vector<16xi32> to vector<16x1xi32>
          %gather3A_842 = vector.shape_cast %broadcast_in_dim3A_841 : vector<16x1xi32> to vector<16xi32>
          %gather3A_843 = tpu.dynamic_gather %get3A_739[%gather3A_842] in [0] : vector<16xi32>, vector<16xi32> -> vector<16xi32>
          %select_n3A_844 = arith.select %eq3A_822, %gather3A_843, %get3A_746 : vector<16xi1>, vector<16xi32>
          %broadcast_in_dim3A_845 = vector.shape_cast %xor3A_51 : vector<16xi32> to vector<16x1xi32>
          %gather3A_846 = vector.shape_cast %broadcast_in_dim3A_845 : vector<16x1xi32> to vector<16xi32>
          %gather3A_847 = tpu.dynamic_gather %get3A_760[%gather3A_846] in [0] : vector<16xi32>, vector<16xi32> -> vector<16xi32>
          %select_n3A_848 = arith.select %eq3A_822, %get3A_753, %gather3A_847 : vector<16xi1>, vector<16xi32>
          %broadcast_in_dim3A_849 = vector.shape_cast %xor3A_51 : vector<16xi32> to vector<16x1xi32>
          %gather3A_850 = vector.shape_cast %broadcast_in_dim3A_849 : vector<16x1xi32> to vector<16xi32>
          %gather3A_851 = tpu.dynamic_gather %get3A_753[%gather3A_850] in [0] : vector<16xi32>, vector<16xi32> -> vector<16xi32>
          %select_n3A_852 = arith.select %eq3A_822, %gather3A_851, %get3A_760 : vector<16xi1>, vector<16xi32>
          %broadcast_in_dim3A_853 = vector.shape_cast %xor3A_51 : vector<16xi32> to vector<16x1xi32>
          %gather3A_854 = vector.shape_cast %broadcast_in_dim3A_853 : vector<16x1xi32> to vector<16xi32>
          %gather3A_855 = tpu.dynamic_gather %get3A_774[%gather3A_854] in [0] : vector<16xi32>, vector<16xi32> -> vector<16xi32>
          %select_n3A_856 = arith.select %eq3A_822, %get3A_767, %gather3A_855 : vector<16xi1>, vector<16xi32>
          %broadcast_in_dim3A_857 = vector.shape_cast %xor3A_51 : vector<16xi32> to vector<16x1xi32>
          %gather3A_858 = vector.shape_cast %broadcast_in_dim3A_857 : vector<16x1xi32> to vector<16xi32>
          %gather3A_859 = tpu.dynamic_gather %get3A_767[%gather3A_858] in [0] : vector<16xi32>, vector<16xi32> -> vector<16xi32>
          %select_n3A_860 = arith.select %eq3A_822, %gather3A_859, %get3A_774 : vector<16xi1>, vector<16xi32>
          %broadcast_in_dim3A_861 = vector.shape_cast %xor3A_51 : vector<16xi32> to vector<16x1xi32>
          %gather3A_862 = vector.shape_cast %broadcast_in_dim3A_861 : vector<16x1xi32> to vector<16xi32>
          %gather3A_863 = tpu.dynamic_gather %get3A_788[%gather3A_862] in [0] : vector<16xi32>, vector<16xi32> -> vector<16xi32>
          %select_n3A_864 = arith.select %eq3A_822, %get3A_781, %gather3A_863 : vector<16xi1>, vector<16xi32>
          %broadcast_in_dim3A_865 = vector.shape_cast %xor3A_51 : vector<16xi32> to vector<16x1xi32>
          %gather3A_866 = vector.shape_cast %broadcast_in_dim3A_865 : vector<16x1xi32> to vector<16xi32>
          %gather3A_867 = tpu.dynamic_gather %get3A_781[%gather3A_866] in [0] : vector<16xi32>, vector<16xi32> -> vector<16xi32>
          %select_n3A_868 = arith.select %eq3A_822, %gather3A_867, %get3A_788 : vector<16xi1>, vector<16xi32>
          %broadcast_in_dim3A_869 = vector.shape_cast %xor3A_51 : vector<16xi32> to vector<16x1xi32>
          %gather3A_870 = vector.shape_cast %broadcast_in_dim3A_869 : vector<16x1xi32> to vector<16xi32>
          %gather3A_871 = tpu.dynamic_gather %get3A_802[%gather3A_870] in [0] : vector<16xi32>, vector<16xi32> -> vector<16xi32>
          %select_n3A_872 = arith.select %eq3A_822, %get3A_795, %gather3A_871 : vector<16xi1>, vector<16xi32>
          %broadcast_in_dim3A_873 = vector.shape_cast %xor3A_51 : vector<16xi32> to vector<16x1xi32>
          %gather3A_874 = vector.shape_cast %broadcast_in_dim3A_873 : vector<16x1xi32> to vector<16xi32>
          %gather3A_875 = tpu.dynamic_gather %get3A_795[%gather3A_874] in [0] : vector<16xi32>, vector<16xi32> -> vector<16xi32>
          %select_n3A_876 = arith.select %eq3A_822, %gather3A_875, %get3A_802 : vector<16xi1>, vector<16xi32>
          %broadcast_in_dim3A_877 = vector.shape_cast %xor3A_51 : vector<16xi32> to vector<16x1xi32>
          %gather3A_878 = vector.shape_cast %broadcast_in_dim3A_877 : vector<16x1xi32> to vector<16xi32>
          %gather3A_879 = tpu.dynamic_gather %get3A_816[%gather3A_878] in [0] : vector<16xi32>, vector<16xi32> -> vector<16xi32>
          %select_n3A_880 = arith.select %eq3A_822, %get3A_809, %gather3A_879 : vector<16xi1>, vector<16xi32>
          %broadcast_in_dim3A_881 = vector.shape_cast %xor3A_51 : vector<16xi32> to vector<16x1xi32>
          %gather3A_882 = vector.shape_cast %broadcast_in_dim3A_881 : vector<16x1xi32> to vector<16xi32>
          %gather3A_883 = tpu.dynamic_gather %get3A_809[%gather3A_882] in [0] : vector<16xi32>, vector<16xi32> -> vector<16xi32>
          %select_n3A_884 = arith.select %eq3A_822, %gather3A_883, %get3A_816 : vector<16xi1>, vector<16xi32>
          %and3A_885 = arith.constant 2 : i32
          %and3A_886 = vector.broadcast %and3A_885 : i32 to vector<16xi32>
          %and3A_887 = arith.andi %iota3A, %and3A_886 : vector<16xi32>
          %eq3A_888 = arith.constant 0 : i32
          %eq3A_889 = vector.broadcast %eq3A_888 : i32 to vector<16xi32>
          %eq3A_890 = arith.cmpi eq, %and3A_887, %eq3A_889 : vector<16xi32>
          %broadcast_in_dim3A_891 = vector.shape_cast %xor3A_54 : vector<16xi32> to vector<16x1xi32>
          %gather3A_892 = vector.shape_cast %broadcast_in_dim3A_891 : vector<16x1xi32> to vector<16xi32>
          %gather3A_893 = tpu.dynamic_gather %select_n3A_832[%gather3A_892] in [0] : vector<16xi32>, vector<16xi32> -> vector<16xi32>
          %select_n3A_894 = arith.select %eq3A_890, %select_n3A_824, %gather3A_893 : vector<16xi1>, vector<16xi32>
          %broadcast_in_dim3A_895 = vector.shape_cast %xor3A_54 : vector<16xi32> to vector<16x1xi32>
          %gather3A_896 = vector.shape_cast %broadcast_in_dim3A_895 : vector<16x1xi32> to vector<16xi32>
          %gather3A_897 = tpu.dynamic_gather %select_n3A_824[%gather3A_896] in [0] : vector<16xi32>, vector<16xi32> -> vector<16xi32>
          %select_n3A_898 = arith.select %eq3A_890, %gather3A_897, %select_n3A_832 : vector<16xi1>, vector<16xi32>
          %broadcast_in_dim3A_899 = vector.shape_cast %xor3A_54 : vector<16xi32> to vector<16x1xi32>
          %gather3A_900 = vector.shape_cast %broadcast_in_dim3A_899 : vector<16x1xi32> to vector<16xi32>
          %gather3A_901 = tpu.dynamic_gather %select_n3A_836[%gather3A_900] in [0] : vector<16xi32>, vector<16xi32> -> vector<16xi32>
          %select_n3A_902 = arith.select %eq3A_890, %select_n3A_828, %gather3A_901 : vector<16xi1>, vector<16xi32>
          %broadcast_in_dim3A_903 = vector.shape_cast %xor3A_54 : vector<16xi32> to vector<16x1xi32>
          %gather3A_904 = vector.shape_cast %broadcast_in_dim3A_903 : vector<16x1xi32> to vector<16xi32>
          %gather3A_905 = tpu.dynamic_gather %select_n3A_828[%gather3A_904] in [0] : vector<16xi32>, vector<16xi32> -> vector<16xi32>
          %select_n3A_906 = arith.select %eq3A_890, %gather3A_905, %select_n3A_836 : vector<16xi1>, vector<16xi32>
          %broadcast_in_dim3A_907 = vector.shape_cast %xor3A_54 : vector<16xi32> to vector<16x1xi32>
          %gather3A_908 = vector.shape_cast %broadcast_in_dim3A_907 : vector<16x1xi32> to vector<16xi32>
          %gather3A_909 = tpu.dynamic_gather %select_n3A_848[%gather3A_908] in [0] : vector<16xi32>, vector<16xi32> -> vector<16xi32>
          %select_n3A_910 = arith.select %eq3A_890, %select_n3A_840, %gather3A_909 : vector<16xi1>, vector<16xi32>
          %broadcast_in_dim3A_911 = vector.shape_cast %xor3A_54 : vector<16xi32> to vector<16x1xi32>
          %gather3A_912 = vector.shape_cast %broadcast_in_dim3A_911 : vector<16x1xi32> to vector<16xi32>
          %gather3A_913 = tpu.dynamic_gather %select_n3A_840[%gather3A_912] in [0] : vector<16xi32>, vector<16xi32> -> vector<16xi32>
          %select_n3A_914 = arith.select %eq3A_890, %gather3A_913, %select_n3A_848 : vector<16xi1>, vector<16xi32>
          %broadcast_in_dim3A_915 = vector.shape_cast %xor3A_54 : vector<16xi32> to vector<16x1xi32>
          %gather3A_916 = vector.shape_cast %broadcast_in_dim3A_915 : vector<16x1xi32> to vector<16xi32>
          %gather3A_917 = tpu.dynamic_gather %select_n3A_852[%gather3A_916] in [0] : vector<16xi32>, vector<16xi32> -> vector<16xi32>
          %select_n3A_918 = arith.select %eq3A_890, %select_n3A_844, %gather3A_917 : vector<16xi1>, vector<16xi32>
          %broadcast_in_dim3A_919 = vector.shape_cast %xor3A_54 : vector<16xi32> to vector<16x1xi32>
          %gather3A_920 = vector.shape_cast %broadcast_in_dim3A_919 : vector<16x1xi32> to vector<16xi32>
          %gather3A_921 = tpu.dynamic_gather %select_n3A_844[%gather3A_920] in [0] : vector<16xi32>, vector<16xi32> -> vector<16xi32>
          %select_n3A_922 = arith.select %eq3A_890, %gather3A_921, %select_n3A_852 : vector<16xi1>, vector<16xi32>
          %broadcast_in_dim3A_923 = vector.shape_cast %xor3A_54 : vector<16xi32> to vector<16x1xi32>
          %gather3A_924 = vector.shape_cast %broadcast_in_dim3A_923 : vector<16x1xi32> to vector<16xi32>
          %gather3A_925 = tpu.dynamic_gather %select_n3A_864[%gather3A_924] in [0] : vector<16xi32>, vector<16xi32> -> vector<16xi32>
          %select_n3A_926 = arith.select %eq3A_890, %select_n3A_856, %gather3A_925 : vector<16xi1>, vector<16xi32>
          %broadcast_in_dim3A_927 = vector.shape_cast %xor3A_54 : vector<16xi32> to vector<16x1xi32>
          %gather3A_928 = vector.shape_cast %broadcast_in_dim3A_927 : vector<16x1xi32> to vector<16xi32>
          %gather3A_929 = tpu.dynamic_gather %select_n3A_856[%gather3A_928] in [0] : vector<16xi32>, vector<16xi32> -> vector<16xi32>
          %select_n3A_930 = arith.select %eq3A_890, %gather3A_929, %select_n3A_864 : vector<16xi1>, vector<16xi32>
          %broadcast_in_dim3A_931 = vector.shape_cast %xor3A_54 : vector<16xi32> to vector<16x1xi32>
          %gather3A_932 = vector.shape_cast %broadcast_in_dim3A_931 : vector<16x1xi32> to vector<16xi32>
          %gather3A_933 = tpu.dynamic_gather %select_n3A_868[%gather3A_932] in [0] : vector<16xi32>, vector<16xi32> -> vector<16xi32>
          %select_n3A_934 = arith.select %eq3A_890, %select_n3A_860, %gather3A_933 : vector<16xi1>, vector<16xi32>
          %broadcast_in_dim3A_935 = vector.shape_cast %xor3A_54 : vector<16xi32> to vector<16x1xi32>
          %gather3A_936 = vector.shape_cast %broadcast_in_dim3A_935 : vector<16x1xi32> to vector<16xi32>
          %gather3A_937 = tpu.dynamic_gather %select_n3A_860[%gather3A_936] in [0] : vector<16xi32>, vector<16xi32> -> vector<16xi32>
          %select_n3A_938 = arith.select %eq3A_890, %gather3A_937, %select_n3A_868 : vector<16xi1>, vector<16xi32>
          %broadcast_in_dim3A_939 = vector.shape_cast %xor3A_54 : vector<16xi32> to vector<16x1xi32>
          %gather3A_940 = vector.shape_cast %broadcast_in_dim3A_939 : vector<16x1xi32> to vector<16xi32>
          %gather3A_941 = tpu.dynamic_gather %select_n3A_880[%gather3A_940] in [0] : vector<16xi32>, vector<16xi32> -> vector<16xi32>
          %select_n3A_942 = arith.select %eq3A_890, %select_n3A_872, %gather3A_941 : vector<16xi1>, vector<16xi32>
          %broadcast_in_dim3A_943 = vector.shape_cast %xor3A_54 : vector<16xi32> to vector<16x1xi32>
          %gather3A_944 = vector.shape_cast %broadcast_in_dim3A_943 : vector<16x1xi32> to vector<16xi32>
          %gather3A_945 = tpu.dynamic_gather %select_n3A_872[%gather3A_944] in [0] : vector<16xi32>, vector<16xi32> -> vector<16xi32>
          %select_n3A_946 = arith.select %eq3A_890, %gather3A_945, %select_n3A_880 : vector<16xi1>, vector<16xi32>
          %broadcast_in_dim3A_947 = vector.shape_cast %xor3A_54 : vector<16xi32> to vector<16x1xi32>
          %gather3A_948 = vector.shape_cast %broadcast_in_dim3A_947 : vector<16x1xi32> to vector<16xi32>
          %gather3A_949 = tpu.dynamic_gather %select_n3A_884[%gather3A_948] in [0] : vector<16xi32>, vector<16xi32> -> vector<16xi32>
          %select_n3A_950 = arith.select %eq3A_890, %select_n3A_876, %gather3A_949 : vector<16xi1>, vector<16xi32>
          %broadcast_in_dim3A_951 = vector.shape_cast %xor3A_54 : vector<16xi32> to vector<16x1xi32>
          %gather3A_952 = vector.shape_cast %broadcast_in_dim3A_951 : vector<16x1xi32> to vector<16xi32>
          %gather3A_953 = tpu.dynamic_gather %select_n3A_876[%gather3A_952] in [0] : vector<16xi32>, vector<16xi32> -> vector<16xi32>
          %select_n3A_954 = arith.select %eq3A_890, %gather3A_953, %select_n3A_884 : vector<16xi1>, vector<16xi32>
          %and3A_955 = arith.constant 4 : i32
          %and3A_956 = vector.broadcast %and3A_955 : i32 to vector<16xi32>
          %and3A_957 = arith.andi %iota3A, %and3A_956 : vector<16xi32>
          %eq3A_958 = arith.constant 0 : i32
          %eq3A_959 = vector.broadcast %eq3A_958 : i32 to vector<16xi32>
          %eq3A_960 = arith.cmpi eq, %and3A_957, %eq3A_959 : vector<16xi32>
          %broadcast_in_dim3A_961 = vector.shape_cast %xor3A_57 : vector<16xi32> to vector<16x1xi32>
          %gather3A_962 = vector.shape_cast %broadcast_in_dim3A_961 : vector<16x1xi32> to vector<16xi32>
          %gather3A_963 = tpu.dynamic_gather %select_n3A_910[%gather3A_962] in [0] : vector<16xi32>, vector<16xi32> -> vector<16xi32>
          %select_n3A_964 = arith.select %eq3A_960, %select_n3A_894, %gather3A_963 : vector<16xi1>, vector<16xi32>
          %broadcast_in_dim3A_965 = vector.shape_cast %xor3A_57 : vector<16xi32> to vector<16x1xi32>
          %gather3A_966 = vector.shape_cast %broadcast_in_dim3A_965 : vector<16x1xi32> to vector<16xi32>
          %gather3A_967 = tpu.dynamic_gather %select_n3A_894[%gather3A_966] in [0] : vector<16xi32>, vector<16xi32> -> vector<16xi32>
          %select_n3A_968 = arith.select %eq3A_960, %gather3A_967, %select_n3A_910 : vector<16xi1>, vector<16xi32>
          %broadcast_in_dim3A_969 = vector.shape_cast %xor3A_57 : vector<16xi32> to vector<16x1xi32>
          %gather3A_970 = vector.shape_cast %broadcast_in_dim3A_969 : vector<16x1xi32> to vector<16xi32>
          %gather3A_971 = tpu.dynamic_gather %select_n3A_918[%gather3A_970] in [0] : vector<16xi32>, vector<16xi32> -> vector<16xi32>
          %select_n3A_972 = arith.select %eq3A_960, %select_n3A_902, %gather3A_971 : vector<16xi1>, vector<16xi32>
          %broadcast_in_dim3A_973 = vector.shape_cast %xor3A_57 : vector<16xi32> to vector<16x1xi32>
          %gather3A_974 = vector.shape_cast %broadcast_in_dim3A_973 : vector<16x1xi32> to vector<16xi32>
          %gather3A_975 = tpu.dynamic_gather %select_n3A_902[%gather3A_974] in [0] : vector<16xi32>, vector<16xi32> -> vector<16xi32>
          %select_n3A_976 = arith.select %eq3A_960, %gather3A_975, %select_n3A_918 : vector<16xi1>, vector<16xi32>
          %broadcast_in_dim3A_977 = vector.shape_cast %xor3A_57 : vector<16xi32> to vector<16x1xi32>
          %gather3A_978 = vector.shape_cast %broadcast_in_dim3A_977 : vector<16x1xi32> to vector<16xi32>
          %gather3A_979 = tpu.dynamic_gather %select_n3A_914[%gather3A_978] in [0] : vector<16xi32>, vector<16xi32> -> vector<16xi32>
          %select_n3A_980 = arith.select %eq3A_960, %select_n3A_898, %gather3A_979 : vector<16xi1>, vector<16xi32>
          %broadcast_in_dim3A_981 = vector.shape_cast %xor3A_57 : vector<16xi32> to vector<16x1xi32>
          %gather3A_982 = vector.shape_cast %broadcast_in_dim3A_981 : vector<16x1xi32> to vector<16xi32>
          %gather3A_983 = tpu.dynamic_gather %select_n3A_898[%gather3A_982] in [0] : vector<16xi32>, vector<16xi32> -> vector<16xi32>
          %select_n3A_984 = arith.select %eq3A_960, %gather3A_983, %select_n3A_914 : vector<16xi1>, vector<16xi32>
          %broadcast_in_dim3A_985 = vector.shape_cast %xor3A_57 : vector<16xi32> to vector<16x1xi32>
          %gather3A_986 = vector.shape_cast %broadcast_in_dim3A_985 : vector<16x1xi32> to vector<16xi32>
          %gather3A_987 = tpu.dynamic_gather %select_n3A_922[%gather3A_986] in [0] : vector<16xi32>, vector<16xi32> -> vector<16xi32>
          %select_n3A_988 = arith.select %eq3A_960, %select_n3A_906, %gather3A_987 : vector<16xi1>, vector<16xi32>
          %broadcast_in_dim3A_989 = vector.shape_cast %xor3A_57 : vector<16xi32> to vector<16x1xi32>
          %gather3A_990 = vector.shape_cast %broadcast_in_dim3A_989 : vector<16x1xi32> to vector<16xi32>
          %gather3A_991 = tpu.dynamic_gather %select_n3A_906[%gather3A_990] in [0] : vector<16xi32>, vector<16xi32> -> vector<16xi32>
          %select_n3A_992 = arith.select %eq3A_960, %gather3A_991, %select_n3A_922 : vector<16xi1>, vector<16xi32>
          %broadcast_in_dim3A_993 = vector.shape_cast %xor3A_57 : vector<16xi32> to vector<16x1xi32>
          %gather3A_994 = vector.shape_cast %broadcast_in_dim3A_993 : vector<16x1xi32> to vector<16xi32>
          %gather3A_995 = tpu.dynamic_gather %select_n3A_942[%gather3A_994] in [0] : vector<16xi32>, vector<16xi32> -> vector<16xi32>
          %select_n3A_996 = arith.select %eq3A_960, %select_n3A_926, %gather3A_995 : vector<16xi1>, vector<16xi32>
          %broadcast_in_dim3A_997 = vector.shape_cast %xor3A_57 : vector<16xi32> to vector<16x1xi32>
          %gather3A_998 = vector.shape_cast %broadcast_in_dim3A_997 : vector<16x1xi32> to vector<16xi32>
          %gather3A_999 = tpu.dynamic_gather %select_n3A_926[%gather3A_998] in [0] : vector<16xi32>, vector<16xi32> -> vector<16xi32>
          %select_n3A_1000 = arith.select %eq3A_960, %gather3A_999, %select_n3A_942 : vector<16xi1>, vector<16xi32>
          %broadcast_in_dim3A_1001 = vector.shape_cast %xor3A_57 : vector<16xi32> to vector<16x1xi32>
          %gather3A_1002 = vector.shape_cast %broadcast_in_dim3A_1001 : vector<16x1xi32> to vector<16xi32>
          %gather3A_1003 = tpu.dynamic_gather %select_n3A_950[%gather3A_1002] in [0] : vector<16xi32>, vector<16xi32> -> vector<16xi32>
          %select_n3A_1004 = arith.select %eq3A_960, %select_n3A_934, %gather3A_1003 : vector<16xi1>, vector<16xi32>
          %broadcast_in_dim3A_1005 = vector.shape_cast %xor3A_57 : vector<16xi32> to vector<16x1xi32>
          %gather3A_1006 = vector.shape_cast %broadcast_in_dim3A_1005 : vector<16x1xi32> to vector<16xi32>
          %gather3A_1007 = tpu.dynamic_gather %select_n3A_934[%gather3A_1006] in [0] : vector<16xi32>, vector<16xi32> -> vector<16xi32>
          %select_n3A_1008 = arith.select %eq3A_960, %gather3A_1007, %select_n3A_950 : vector<16xi1>, vector<16xi32>
          %broadcast_in_dim3A_1009 = vector.shape_cast %xor3A_57 : vector<16xi32> to vector<16x1xi32>
          %gather3A_1010 = vector.shape_cast %broadcast_in_dim3A_1009 : vector<16x1xi32> to vector<16xi32>
          %gather3A_1011 = tpu.dynamic_gather %select_n3A_946[%gather3A_1010] in [0] : vector<16xi32>, vector<16xi32> -> vector<16xi32>
          %select_n3A_1012 = arith.select %eq3A_960, %select_n3A_930, %gather3A_1011 : vector<16xi1>, vector<16xi32>
          %broadcast_in_dim3A_1013 = vector.shape_cast %xor3A_57 : vector<16xi32> to vector<16x1xi32>
          %gather3A_1014 = vector.shape_cast %broadcast_in_dim3A_1013 : vector<16x1xi32> to vector<16xi32>
          %gather3A_1015 = tpu.dynamic_gather %select_n3A_930[%gather3A_1014] in [0] : vector<16xi32>, vector<16xi32> -> vector<16xi32>
          %select_n3A_1016 = arith.select %eq3A_960, %gather3A_1015, %select_n3A_946 : vector<16xi1>, vector<16xi32>
          %broadcast_in_dim3A_1017 = vector.shape_cast %xor3A_57 : vector<16xi32> to vector<16x1xi32>
          %gather3A_1018 = vector.shape_cast %broadcast_in_dim3A_1017 : vector<16x1xi32> to vector<16xi32>
          %gather3A_1019 = tpu.dynamic_gather %select_n3A_954[%gather3A_1018] in [0] : vector<16xi32>, vector<16xi32> -> vector<16xi32>
          %select_n3A_1020 = arith.select %eq3A_960, %select_n3A_938, %gather3A_1019 : vector<16xi1>, vector<16xi32>
          %broadcast_in_dim3A_1021 = vector.shape_cast %xor3A_57 : vector<16xi32> to vector<16x1xi32>
          %gather3A_1022 = vector.shape_cast %broadcast_in_dim3A_1021 : vector<16x1xi32> to vector<16xi32>
          %gather3A_1023 = tpu.dynamic_gather %select_n3A_938[%gather3A_1022] in [0] : vector<16xi32>, vector<16xi32> -> vector<16xi32>
          %select_n3A_1024 = arith.select %eq3A_960, %gather3A_1023, %select_n3A_954 : vector<16xi1>, vector<16xi32>
          %and3A_1025 = arith.constant 8 : i32
          %and3A_1026 = vector.broadcast %and3A_1025 : i32 to vector<16xi32>
          %and3A_1027 = arith.andi %iota3A, %and3A_1026 : vector<16xi32>
          %eq3A_1028 = arith.constant 0 : i32
          %eq3A_1029 = vector.broadcast %eq3A_1028 : i32 to vector<16xi32>
          %eq3A_1030 = arith.cmpi eq, %and3A_1027, %eq3A_1029 : vector<16xi32>
          %broadcast_in_dim3A_1031 = vector.shape_cast %xor3A_60 : vector<16xi32> to vector<16x1xi32>
          %gather3A_1032 = vector.shape_cast %broadcast_in_dim3A_1031 : vector<16x1xi32> to vector<16xi32>
          %gather3A_1033 = tpu.dynamic_gather %select_n3A_996[%gather3A_1032] in [0] : vector<16xi32>, vector<16xi32> -> vector<16xi32>
          %select_n3A_1034 = arith.select %eq3A_1030, %select_n3A_964, %gather3A_1033 : vector<16xi1>, vector<16xi32>
          %broadcast_in_dim3A_1035 = vector.shape_cast %xor3A_60 : vector<16xi32> to vector<16x1xi32>
          %gather3A_1036 = vector.shape_cast %broadcast_in_dim3A_1035 : vector<16x1xi32> to vector<16xi32>
          %gather3A_1037 = tpu.dynamic_gather %select_n3A_964[%gather3A_1036] in [0] : vector<16xi32>, vector<16xi32> -> vector<16xi32>
          %select_n3A_1038 = arith.select %eq3A_1030, %gather3A_1037, %select_n3A_996 : vector<16xi1>, vector<16xi32>
          %broadcast_in_dim3A_1039 = vector.shape_cast %xor3A_60 : vector<16xi32> to vector<16x1xi32>
          %gather3A_1040 = vector.shape_cast %broadcast_in_dim3A_1039 : vector<16x1xi32> to vector<16xi32>
          %gather3A_1041 = tpu.dynamic_gather %select_n3A_1004[%gather3A_1040] in [0] : vector<16xi32>, vector<16xi32> -> vector<16xi32>
          %select_n3A_1042 = arith.select %eq3A_1030, %select_n3A_972, %gather3A_1041 : vector<16xi1>, vector<16xi32>
          %broadcast_in_dim3A_1043 = vector.shape_cast %xor3A_60 : vector<16xi32> to vector<16x1xi32>
          %gather3A_1044 = vector.shape_cast %broadcast_in_dim3A_1043 : vector<16x1xi32> to vector<16xi32>
          %gather3A_1045 = tpu.dynamic_gather %select_n3A_972[%gather3A_1044] in [0] : vector<16xi32>, vector<16xi32> -> vector<16xi32>
          %select_n3A_1046 = arith.select %eq3A_1030, %gather3A_1045, %select_n3A_1004 : vector<16xi1>, vector<16xi32>
          %broadcast_in_dim3A_1047 = vector.shape_cast %xor3A_60 : vector<16xi32> to vector<16x1xi32>
          %gather3A_1048 = vector.shape_cast %broadcast_in_dim3A_1047 : vector<16x1xi32> to vector<16xi32>
          %gather3A_1049 = tpu.dynamic_gather %select_n3A_1012[%gather3A_1048] in [0] : vector<16xi32>, vector<16xi32> -> vector<16xi32>
          %select_n3A_1050 = arith.select %eq3A_1030, %select_n3A_980, %gather3A_1049 : vector<16xi1>, vector<16xi32>
          %broadcast_in_dim3A_1051 = vector.shape_cast %xor3A_60 : vector<16xi32> to vector<16x1xi32>
          %gather3A_1052 = vector.shape_cast %broadcast_in_dim3A_1051 : vector<16x1xi32> to vector<16xi32>
          %gather3A_1053 = tpu.dynamic_gather %select_n3A_980[%gather3A_1052] in [0] : vector<16xi32>, vector<16xi32> -> vector<16xi32>
          %select_n3A_1054 = arith.select %eq3A_1030, %gather3A_1053, %select_n3A_1012 : vector<16xi1>, vector<16xi32>
          %broadcast_in_dim3A_1055 = vector.shape_cast %xor3A_60 : vector<16xi32> to vector<16x1xi32>
          %gather3A_1056 = vector.shape_cast %broadcast_in_dim3A_1055 : vector<16x1xi32> to vector<16xi32>
          %gather3A_1057 = tpu.dynamic_gather %select_n3A_1020[%gather3A_1056] in [0] : vector<16xi32>, vector<16xi32> -> vector<16xi32>
          %select_n3A_1058 = arith.select %eq3A_1030, %select_n3A_988, %gather3A_1057 : vector<16xi1>, vector<16xi32>
          %broadcast_in_dim3A_1059 = vector.shape_cast %xor3A_60 : vector<16xi32> to vector<16x1xi32>
          %gather3A_1060 = vector.shape_cast %broadcast_in_dim3A_1059 : vector<16x1xi32> to vector<16xi32>
          %gather3A_1061 = tpu.dynamic_gather %select_n3A_988[%gather3A_1060] in [0] : vector<16xi32>, vector<16xi32> -> vector<16xi32>
          %select_n3A_1062 = arith.select %eq3A_1030, %gather3A_1061, %select_n3A_1020 : vector<16xi1>, vector<16xi32>
          %broadcast_in_dim3A_1063 = vector.shape_cast %xor3A_60 : vector<16xi32> to vector<16x1xi32>
          %gather3A_1064 = vector.shape_cast %broadcast_in_dim3A_1063 : vector<16x1xi32> to vector<16xi32>
          %gather3A_1065 = tpu.dynamic_gather %select_n3A_1000[%gather3A_1064] in [0] : vector<16xi32>, vector<16xi32> -> vector<16xi32>
          %select_n3A_1066 = arith.select %eq3A_1030, %select_n3A_968, %gather3A_1065 : vector<16xi1>, vector<16xi32>
          %broadcast_in_dim3A_1067 = vector.shape_cast %xor3A_60 : vector<16xi32> to vector<16x1xi32>
          %gather3A_1068 = vector.shape_cast %broadcast_in_dim3A_1067 : vector<16x1xi32> to vector<16xi32>
          %gather3A_1069 = tpu.dynamic_gather %select_n3A_968[%gather3A_1068] in [0] : vector<16xi32>, vector<16xi32> -> vector<16xi32>
          %select_n3A_1070 = arith.select %eq3A_1030, %gather3A_1069, %select_n3A_1000 : vector<16xi1>, vector<16xi32>
          %broadcast_in_dim3A_1071 = vector.shape_cast %xor3A_60 : vector<16xi32> to vector<16x1xi32>
          %gather3A_1072 = vector.shape_cast %broadcast_in_dim3A_1071 : vector<16x1xi32> to vector<16xi32>
          %gather3A_1073 = tpu.dynamic_gather %select_n3A_1008[%gather3A_1072] in [0] : vector<16xi32>, vector<16xi32> -> vector<16xi32>
          %select_n3A_1074 = arith.select %eq3A_1030, %select_n3A_976, %gather3A_1073 : vector<16xi1>, vector<16xi32>
          %broadcast_in_dim3A_1075 = vector.shape_cast %xor3A_60 : vector<16xi32> to vector<16x1xi32>
          %gather3A_1076 = vector.shape_cast %broadcast_in_dim3A_1075 : vector<16x1xi32> to vector<16xi32>
          %gather3A_1077 = tpu.dynamic_gather %select_n3A_976[%gather3A_1076] in [0] : vector<16xi32>, vector<16xi32> -> vector<16xi32>
          %select_n3A_1078 = arith.select %eq3A_1030, %gather3A_1077, %select_n3A_1008 : vector<16xi1>, vector<16xi32>
          %broadcast_in_dim3A_1079 = vector.shape_cast %xor3A_60 : vector<16xi32> to vector<16x1xi32>
          %gather3A_1080 = vector.shape_cast %broadcast_in_dim3A_1079 : vector<16x1xi32> to vector<16xi32>
          %gather3A_1081 = tpu.dynamic_gather %select_n3A_1016[%gather3A_1080] in [0] : vector<16xi32>, vector<16xi32> -> vector<16xi32>
          %select_n3A_1082 = arith.select %eq3A_1030, %select_n3A_984, %gather3A_1081 : vector<16xi1>, vector<16xi32>
          %broadcast_in_dim3A_1083 = vector.shape_cast %xor3A_60 : vector<16xi32> to vector<16x1xi32>
          %gather3A_1084 = vector.shape_cast %broadcast_in_dim3A_1083 : vector<16x1xi32> to vector<16xi32>
          %gather3A_1085 = tpu.dynamic_gather %select_n3A_984[%gather3A_1084] in [0] : vector<16xi32>, vector<16xi32> -> vector<16xi32>
          %select_n3A_1086 = arith.select %eq3A_1030, %gather3A_1085, %select_n3A_1016 : vector<16xi1>, vector<16xi32>
          %broadcast_in_dim3A_1087 = vector.shape_cast %xor3A_60 : vector<16xi32> to vector<16x1xi32>
          %gather3A_1088 = vector.shape_cast %broadcast_in_dim3A_1087 : vector<16x1xi32> to vector<16xi32>
          %gather3A_1089 = tpu.dynamic_gather %select_n3A_1024[%gather3A_1088] in [0] : vector<16xi32>, vector<16xi32> -> vector<16xi32>
          %select_n3A_1090 = arith.select %eq3A_1030, %select_n3A_992, %gather3A_1089 : vector<16xi1>, vector<16xi32>
          %broadcast_in_dim3A_1091 = vector.shape_cast %xor3A_60 : vector<16xi32> to vector<16x1xi32>
          %gather3A_1092 = vector.shape_cast %broadcast_in_dim3A_1091 : vector<16x1xi32> to vector<16xi32>
          %gather3A_1093 = tpu.dynamic_gather %select_n3A_992[%gather3A_1092] in [0] : vector<16xi32>, vector<16xi32> -> vector<16xi32>
          %select_n3A_1094 = arith.select %eq3A_1030, %gather3A_1093, %select_n3A_1024 : vector<16xi1>, vector<16xi32>
          %broadcast_in_dim3A_1095 = vector.shape_cast %mul3A_46 : vector<16xi32> to vector<16x1xi32>
          %gather3A_1096 = vector.shape_cast %broadcast_in_dim3A_1095 : vector<16x1xi32> to vector<16xi32>
          %gather3A_1097 = tpu.dynamic_gather %select_n3A_1034[%gather3A_1096] in [0] : vector<16xi32>, vector<16xi32> -> vector<16xi32>
          %broadcast_in_dim3A_1098 = vector.shape_cast %mul3A_46 : vector<16xi32> to vector<16x1xi32>
          %gather3A_1099 = vector.shape_cast %broadcast_in_dim3A_1098 : vector<16x1xi32> to vector<16xi32>
          %gather3A_1100 = tpu.dynamic_gather %select_n3A_1042[%gather3A_1099] in [0] : vector<16xi32>, vector<16xi32> -> vector<16xi32>
          %select_n3A_1101 = arith.select %lt3A_21, %gather3A_1097, %gather3A_1100 : vector<16xi1>, vector<16xi32>
          %broadcast_in_dim3A_1102 = vector.shape_cast %add3A_49 : vector<16xi32> to vector<16x1xi32>
          %gather3A_1103 = vector.shape_cast %broadcast_in_dim3A_1102 : vector<16x1xi32> to vector<16xi32>
          %gather3A_1104 = tpu.dynamic_gather %select_n3A_1034[%gather3A_1103] in [0] : vector<16xi32>, vector<16xi32> -> vector<16xi32>
          %broadcast_in_dim3A_1105 = vector.shape_cast %add3A_49 : vector<16xi32> to vector<16x1xi32>
          %gather3A_1106 = vector.shape_cast %broadcast_in_dim3A_1105 : vector<16x1xi32> to vector<16xi32>
          %gather3A_1107 = tpu.dynamic_gather %select_n3A_1042[%gather3A_1106] in [0] : vector<16xi32>, vector<16xi32> -> vector<16xi32>
          %select_n3A_1108 = arith.select %lt3A_21, %gather3A_1104, %gather3A_1107 : vector<16xi1>, vector<16xi32>
          %mul3A_1109 = arith.constant 16 : i32
          %mul3A_1110 = arith.muli %scan3A_705, %mul3A_1109 : i32
          %add3A_1111 = arith.constant 0 : i32
          %add3A_1112 = arith.addi %mul3A_1110, %add3A_1111 : i32
          %mul3A_1113 = arith.constant 8 : i32
          %mul3A_1114 = arith.muli %add3A_1112, %mul3A_1113 : i32
          %mul3A_1115 = arith.constant 256 : i32
          %mul3A_1116 = vector.broadcast %mul3A_1115 : i32 to vector<16xi32>
          %mul3A_1117 = arith.muli %select_n3A_1101, %mul3A_1116 : vector<16xi32>
          %add3A_1118 = arith.addi %mul3A_1117, %select_n3A_1108 : vector<16xi32>
          %add3A_1119 = arith.addi %add3A_1118, %mul3A_18 : vector<16xi32>
          %swap3A = arith.index_cast %mul3A_1114 : i32 to index
          %swap3A_1120 = tpu.vector_load %arg7[%swap3A] {strides = array<i32>} : memref<2048xi32, #tpu.memory_space<vmem>>, vector<16xi32>,
          %swap3A_1121 = vector.shape_cast %swap3A_1120 : vector<16xi32> to vector<16xi32>
          %swap3A_1122 = vector.shape_cast %add3A_1119 : vector<16xi32> to vector<16xi32>
          tpu.vector_store %arg7[%swap3A], %swap3A_1122 {strides = array<i32>} : memref<2048xi32, #tpu.memory_space<vmem>>, vector<16xi32>,
          %broadcast_in_dim3A_1123 = vector.shape_cast %mul3A_46 : vector<16xi32> to vector<16x1xi32>
          %gather3A_1124 = vector.shape_cast %broadcast_in_dim3A_1123 : vector<16x1xi32> to vector<16xi32>
          %gather3A_1125 = tpu.dynamic_gather %select_n3A_1050[%gather3A_1124] in [0] : vector<16xi32>, vector<16xi32> -> vector<16xi32>
          %broadcast_in_dim3A_1126 = vector.shape_cast %mul3A_46 : vector<16xi32> to vector<16x1xi32>
          %gather3A_1127 = vector.shape_cast %broadcast_in_dim3A_1126 : vector<16x1xi32> to vector<16xi32>
          %gather3A_1128 = tpu.dynamic_gather %select_n3A_1058[%gather3A_1127] in [0] : vector<16xi32>, vector<16xi32> -> vector<16xi32>
          %select_n3A_1129 = arith.select %lt3A_21, %gather3A_1125, %gather3A_1128 : vector<16xi1>, vector<16xi32>
          %broadcast_in_dim3A_1130 = vector.shape_cast %add3A_49 : vector<16xi32> to vector<16x1xi32>
          %gather3A_1131 = vector.shape_cast %broadcast_in_dim3A_1130 : vector<16x1xi32> to vector<16xi32>
          %gather3A_1132 = tpu.dynamic_gather %select_n3A_1050[%gather3A_1131] in [0] : vector<16xi32>, vector<16xi32> -> vector<16xi32>
          %broadcast_in_dim3A_1133 = vector.shape_cast %add3A_49 : vector<16xi32> to vector<16x1xi32>
          %gather3A_1134 = vector.shape_cast %broadcast_in_dim3A_1133 : vector<16x1xi32> to vector<16xi32>
          %gather3A_1135 = tpu.dynamic_gather %select_n3A_1058[%gather3A_1134] in [0] : vector<16xi32>, vector<16xi32> -> vector<16xi32>
          %select_n3A_1136 = arith.select %lt3A_21, %gather3A_1132, %gather3A_1135 : vector<16xi1>, vector<16xi32>
          %mul3A_1137 = arith.constant 16 : i32
          %mul3A_1138 = arith.muli %scan3A_705, %mul3A_1137 : i32
          %add3A_1139 = arith.constant 2 : i32
          %add3A_1140 = arith.addi %mul3A_1138, %add3A_1139 : i32
          %mul3A_1141 = arith.constant 8 : i32
          %mul3A_1142 = arith.muli %add3A_1140, %mul3A_1141 : i32
          %mul3A_1143 = arith.constant 256 : i32
          %mul3A_1144 = vector.broadcast %mul3A_1143 : i32 to vector<16xi32>
          %mul3A_1145 = arith.muli %select_n3A_1129, %mul3A_1144 : vector<16xi32>
          %add3A_1146 = arith.addi %mul3A_1145, %select_n3A_1136 : vector<16xi32>
          %add3A_1147 = arith.addi %add3A_1146, %mul3A_18 : vector<16xi32>
          %swap3A_1148 = arith.index_cast %mul3A_1142 : i32 to index
          %swap3A_1149 = tpu.vector_load %arg7[%swap3A_1148] {strides = array<i32>} : memref<2048xi32, #tpu.memory_space<vmem>>, vector<16xi32>,
          %swap3A_1150 = vector.shape_cast %swap3A_1149 : vector<16xi32> to vector<16xi32>
          %swap3A_1151 = vector.shape_cast %add3A_1147 : vector<16xi32> to vector<16xi32>
          tpu.vector_store %arg7[%swap3A_1148], %swap3A_1151 {strides = array<i32>} : memref<2048xi32, #tpu.memory_space<vmem>>, vector<16xi32>,
          %broadcast_in_dim3A_1152 = vector.shape_cast %mul3A_46 : vector<16xi32> to vector<16x1xi32>
          %gather3A_1153 = vector.shape_cast %broadcast_in_dim3A_1152 : vector<16x1xi32> to vector<16xi32>
          %gather3A_1154 = tpu.dynamic_gather %select_n3A_1066[%gather3A_1153] in [0] : vector<16xi32>, vector<16xi32> -> vector<16xi32>
          %broadcast_in_dim3A_1155 = vector.shape_cast %mul3A_46 : vector<16xi32> to vector<16x1xi32>
          %gather3A_1156 = vector.shape_cast %broadcast_in_dim3A_1155 : vector<16x1xi32> to vector<16xi32>
          %gather3A_1157 = tpu.dynamic_gather %select_n3A_1074[%gather3A_1156] in [0] : vector<16xi32>, vector<16xi32> -> vector<16xi32>
          %select_n3A_1158 = arith.select %lt3A_21, %gather3A_1154, %gather3A_1157 : vector<16xi1>, vector<16xi32>
          %broadcast_in_dim3A_1159 = vector.shape_cast %add3A_49 : vector<16xi32> to vector<16x1xi32>
          %gather3A_1160 = vector.shape_cast %broadcast_in_dim3A_1159 : vector<16x1xi32> to vector<16xi32>
          %gather3A_1161 = tpu.dynamic_gather %select_n3A_1066[%gather3A_1160] in [0] : vector<16xi32>, vector<16xi32> -> vector<16xi32>
          %broadcast_in_dim3A_1162 = vector.shape_cast %add3A_49 : vector<16xi32> to vector<16x1xi32>
          %gather3A_1163 = vector.shape_cast %broadcast_in_dim3A_1162 : vector<16x1xi32> to vector<16xi32>
          %gather3A_1164 = tpu.dynamic_gather %select_n3A_1074[%gather3A_1163] in [0] : vector<16xi32>, vector<16xi32> -> vector<16xi32>
          %select_n3A_1165 = arith.select %lt3A_21, %gather3A_1161, %gather3A_1164 : vector<16xi1>, vector<16xi32>
          %mul3A_1166 = arith.constant 16 : i32
          %mul3A_1167 = arith.muli %scan3A_705, %mul3A_1166 : i32
          %add3A_1168 = arith.constant 4 : i32
          %add3A_1169 = arith.addi %mul3A_1167, %add3A_1168 : i32
          %mul3A_1170 = arith.constant 8 : i32
          %mul3A_1171 = arith.muli %add3A_1169, %mul3A_1170 : i32
          %mul3A_1172 = arith.constant 256 : i32
          %mul3A_1173 = vector.broadcast %mul3A_1172 : i32 to vector<16xi32>
          %mul3A_1174 = arith.muli %select_n3A_1158, %mul3A_1173 : vector<16xi32>
          %add3A_1175 = arith.addi %mul3A_1174, %select_n3A_1165 : vector<16xi32>
          %add3A_1176 = arith.addi %add3A_1175, %mul3A_18 : vector<16xi32>
          %swap3A_1177 = arith.index_cast %mul3A_1171 : i32 to index
          %swap3A_1178 = tpu.vector_load %arg7[%swap3A_1177] {strides = array<i32>} : memref<2048xi32, #tpu.memory_space<vmem>>, vector<16xi32>,
          %swap3A_1179 = vector.shape_cast %swap3A_1178 : vector<16xi32> to vector<16xi32>
          %swap3A_1180 = vector.shape_cast %add3A_1176 : vector<16xi32> to vector<16xi32>
          tpu.vector_store %arg7[%swap3A_1177], %swap3A_1180 {strides = array<i32>} : memref<2048xi32, #tpu.memory_space<vmem>>, vector<16xi32>,
          %broadcast_in_dim3A_1181 = vector.shape_cast %mul3A_46 : vector<16xi32> to vector<16x1xi32>
          %gather3A_1182 = vector.shape_cast %broadcast_in_dim3A_1181 : vector<16x1xi32> to vector<16xi32>
          %gather3A_1183 = tpu.dynamic_gather %select_n3A_1082[%gather3A_1182] in [0] : vector<16xi32>, vector<16xi32> -> vector<16xi32>
          %broadcast_in_dim3A_1184 = vector.shape_cast %mul3A_46 : vector<16xi32> to vector<16x1xi32>
          %gather3A_1185 = vector.shape_cast %broadcast_in_dim3A_1184 : vector<16x1xi32> to vector<16xi32>
          %gather3A_1186 = tpu.dynamic_gather %select_n3A_1090[%gather3A_1185] in [0] : vector<16xi32>, vector<16xi32> -> vector<16xi32>
          %select_n3A_1187 = arith.select %lt3A_21, %gather3A_1183, %gather3A_1186 : vector<16xi1>, vector<16xi32>
          %broadcast_in_dim3A_1188 = vector.shape_cast %add3A_49 : vector<16xi32> to vector<16x1xi32>
          %gather3A_1189 = vector.shape_cast %broadcast_in_dim3A_1188 : vector<16x1xi32> to vector<16xi32>
          %gather3A_1190 = tpu.dynamic_gather %select_n3A_1082[%gather3A_1189] in [0] : vector<16xi32>, vector<16xi32> -> vector<16xi32>
          %broadcast_in_dim3A_1191 = vector.shape_cast %add3A_49 : vector<16xi32> to vector<16x1xi32>
          %gather3A_1192 = vector.shape_cast %broadcast_in_dim3A_1191 : vector<16x1xi32> to vector<16xi32>
          %gather3A_1193 = tpu.dynamic_gather %select_n3A_1090[%gather3A_1192] in [0] : vector<16xi32>, vector<16xi32> -> vector<16xi32>
          %select_n3A_1194 = arith.select %lt3A_21, %gather3A_1190, %gather3A_1193 : vector<16xi1>, vector<16xi32>
          %mul3A_1195 = arith.constant 16 : i32
          %mul3A_1196 = arith.muli %scan3A_705, %mul3A_1195 : i32
          %add3A_1197 = arith.constant 6 : i32
          %add3A_1198 = arith.addi %mul3A_1196, %add3A_1197 : i32
          %mul3A_1199 = arith.constant 8 : i32
          %mul3A_1200 = arith.muli %add3A_1198, %mul3A_1199 : i32
          %mul3A_1201 = arith.constant 256 : i32
          %mul3A_1202 = vector.broadcast %mul3A_1201 : i32 to vector<16xi32>
          %mul3A_1203 = arith.muli %select_n3A_1187, %mul3A_1202 : vector<16xi32>
          %add3A_1204 = arith.addi %mul3A_1203, %select_n3A_1194 : vector<16xi32>
          %add3A_1205 = arith.addi %add3A_1204, %mul3A_18 : vector<16xi32>
          %swap3A_1206 = arith.index_cast %mul3A_1200 : i32 to index
          %swap3A_1207 = tpu.vector_load %arg7[%swap3A_1206] {strides = array<i32>} : memref<2048xi32, #tpu.memory_space<vmem>>, vector<16xi32>,
          %swap3A_1208 = vector.shape_cast %swap3A_1207 : vector<16xi32> to vector<16xi32>
          %swap3A_1209 = vector.shape_cast %add3A_1205 : vector<16xi32> to vector<16xi32>
          tpu.vector_store %arg7[%swap3A_1206], %swap3A_1209 {strides = array<i32>} : memref<2048xi32, #tpu.memory_space<vmem>>, vector<16xi32>,
          %broadcast_in_dim3A_1210 = vector.shape_cast %mul3A_46 : vector<16xi32> to vector<16x1xi32>
          %gather3A_1211 = vector.shape_cast %broadcast_in_dim3A_1210 : vector<16x1xi32> to vector<16xi32>
          %gather3A_1212 = tpu.dynamic_gather %select_n3A_1038[%gather3A_1211] in [0] : vector<16xi32>, vector<16xi32> -> vector<16xi32>
          %broadcast_in_dim3A_1213 = vector.shape_cast %mul3A_46 : vector<16xi32> to vector<16x1xi32>
          %gather3A_1214 = vector.shape_cast %broadcast_in_dim3A_1213 : vector<16x1xi32> to vector<16xi32>
          %gather3A_1215 = tpu.dynamic_gather %select_n3A_1046[%gather3A_1214] in [0] : vector<16xi32>, vector<16xi32> -> vector<16xi32>
          %select_n3A_1216 = arith.select %lt3A_21, %gather3A_1212, %gather3A_1215 : vector<16xi1>, vector<16xi32>
          %broadcast_in_dim3A_1217 = vector.shape_cast %add3A_49 : vector<16xi32> to vector<16x1xi32>
          %gather3A_1218 = vector.shape_cast %broadcast_in_dim3A_1217 : vector<16x1xi32> to vector<16xi32>
          %gather3A_1219 = tpu.dynamic_gather %select_n3A_1038[%gather3A_1218] in [0] : vector<16xi32>, vector<16xi32> -> vector<16xi32>
          %broadcast_in_dim3A_1220 = vector.shape_cast %add3A_49 : vector<16xi32> to vector<16x1xi32>
          %gather3A_1221 = vector.shape_cast %broadcast_in_dim3A_1220 : vector<16x1xi32> to vector<16xi32>
          %gather3A_1222 = tpu.dynamic_gather %select_n3A_1046[%gather3A_1221] in [0] : vector<16xi32>, vector<16xi32> -> vector<16xi32>
          %select_n3A_1223 = arith.select %lt3A_21, %gather3A_1219, %gather3A_1222 : vector<16xi1>, vector<16xi32>
          %mul3A_1224 = arith.constant 16 : i32
          %mul3A_1225 = arith.muli %scan3A_705, %mul3A_1224 : i32
          %add3A_1226 = arith.constant 8 : i32
          %add3A_1227 = arith.addi %mul3A_1225, %add3A_1226 : i32
          %mul3A_1228 = arith.constant 8 : i32
          %mul3A_1229 = arith.muli %add3A_1227, %mul3A_1228 : i32
          %mul3A_1230 = arith.constant 256 : i32
          %mul3A_1231 = vector.broadcast %mul3A_1230 : i32 to vector<16xi32>
          %mul3A_1232 = arith.muli %select_n3A_1216, %mul3A_1231 : vector<16xi32>
          %add3A_1233 = arith.addi %mul3A_1232, %select_n3A_1223 : vector<16xi32>
          %add3A_1234 = arith.addi %add3A_1233, %mul3A_18 : vector<16xi32>
          %swap3A_1235 = arith.index_cast %mul3A_1229 : i32 to index
          %swap3A_1236 = tpu.vector_load %arg7[%swap3A_1235] {strides = array<i32>} : memref<2048xi32, #tpu.memory_space<vmem>>, vector<16xi32>,
          %swap3A_1237 = vector.shape_cast %swap3A_1236 : vector<16xi32> to vector<16xi32>
          %swap3A_1238 = vector.shape_cast %add3A_1234 : vector<16xi32> to vector<16xi32>
          tpu.vector_store %arg7[%swap3A_1235], %swap3A_1238 {strides = array<i32>} : memref<2048xi32, #tpu.memory_space<vmem>>, vector<16xi32>,
          %broadcast_in_dim3A_1239 = vector.shape_cast %mul3A_46 : vector<16xi32> to vector<16x1xi32>
          %gather3A_1240 = vector.shape_cast %broadcast_in_dim3A_1239 : vector<16x1xi32> to vector<16xi32>
          %gather3A_1241 = tpu.dynamic_gather %select_n3A_1054[%gather3A_1240] in [0] : vector<16xi32>, vector<16xi32> -> vector<16xi32>
          %broadcast_in_dim3A_1242 = vector.shape_cast %mul3A_46 : vector<16xi32> to vector<16x1xi32>
          %gather3A_1243 = vector.shape_cast %broadcast_in_dim3A_1242 : vector<16x1xi32> to vector<16xi32>
          %gather3A_1244 = tpu.dynamic_gather %select_n3A_1062[%gather3A_1243] in [0] : vector<16xi32>, vector<16xi32> -> vector<16xi32>
          %select_n3A_1245 = arith.select %lt3A_21, %gather3A_1241, %gather3A_1244 : vector<16xi1>, vector<16xi32>
          %broadcast_in_dim3A_1246 = vector.shape_cast %add3A_49 : vector<16xi32> to vector<16x1xi32>
          %gather3A_1247 = vector.shape_cast %broadcast_in_dim3A_1246 : vector<16x1xi32> to vector<16xi32>
          %gather3A_1248 = tpu.dynamic_gather %select_n3A_1054[%gather3A_1247] in [0] : vector<16xi32>, vector<16xi32> -> vector<16xi32>
          %broadcast_in_dim3A_1249 = vector.shape_cast %add3A_49 : vector<16xi32> to vector<16x1xi32>
          %gather3A_1250 = vector.shape_cast %broadcast_in_dim3A_1249 : vector<16x1xi32> to vector<16xi32>
          %gather3A_1251 = tpu.dynamic_gather %select_n3A_1062[%gather3A_1250] in [0] : vector<16xi32>, vector<16xi32> -> vector<16xi32>
          %select_n3A_1252 = arith.select %lt3A_21, %gather3A_1248, %gather3A_1251 : vector<16xi1>, vector<16xi32>
          %mul3A_1253 = arith.constant 16 : i32
          %mul3A_1254 = arith.muli %scan3A_705, %mul3A_1253 : i32
          %add3A_1255 = arith.constant 10 : i32
          %add3A_1256 = arith.addi %mul3A_1254, %add3A_1255 : i32
          %mul3A_1257 = arith.constant 8 : i32
          %mul3A_1258 = arith.muli %add3A_1256, %mul3A_1257 : i32
          %mul3A_1259 = arith.constant 256 : i32
          %mul3A_1260 = vector.broadcast %mul3A_1259 : i32 to vector<16xi32>
          %mul3A_1261 = arith.muli %select_n3A_1245, %mul3A_1260 : vector<16xi32>
          %add3A_1262 = arith.addi %mul3A_1261, %select_n3A_1252 : vector<16xi32>
          %add3A_1263 = arith.addi %add3A_1262, %mul3A_18 : vector<16xi32>
          %swap3A_1264 = arith.index_cast %mul3A_1258 : i32 to index
          %swap3A_1265 = tpu.vector_load %arg7[%swap3A_1264] {strides = array<i32>} : memref<2048xi32, #tpu.memory_space<vmem>>, vector<16xi32>,
          %swap3A_1266 = vector.shape_cast %swap3A_1265 : vector<16xi32> to vector<16xi32>
          %swap3A_1267 = vector.shape_cast %add3A_1263 : vector<16xi32> to vector<16xi32>
          tpu.vector_store %arg7[%swap3A_1264], %swap3A_1267 {strides = array<i32>} : memref<2048xi32, #tpu.memory_space<vmem>>, vector<16xi32>,
          %broadcast_in_dim3A_1268 = vector.shape_cast %mul3A_46 : vector<16xi32> to vector<16x1xi32>
          %gather3A_1269 = vector.shape_cast %broadcast_in_dim3A_1268 : vector<16x1xi32> to vector<16xi32>
          %gather3A_1270 = tpu.dynamic_gather %select_n3A_1070[%gather3A_1269] in [0] : vector<16xi32>, vector<16xi32> -> vector<16xi32>
          %broadcast_in_dim3A_1271 = vector.shape_cast %mul3A_46 : vector<16xi32> to vector<16x1xi32>
          %gather3A_1272 = vector.shape_cast %broadcast_in_dim3A_1271 : vector<16x1xi32> to vector<16xi32>
          %gather3A_1273 = tpu.dynamic_gather %select_n3A_1078[%gather3A_1272] in [0] : vector<16xi32>, vector<16xi32> -> vector<16xi32>
          %select_n3A_1274 = arith.select %lt3A_21, %gather3A_1270, %gather3A_1273 : vector<16xi1>, vector<16xi32>
          %broadcast_in_dim3A_1275 = vector.shape_cast %add3A_49 : vector<16xi32> to vector<16x1xi32>
          %gather3A_1276 = vector.shape_cast %broadcast_in_dim3A_1275 : vector<16x1xi32> to vector<16xi32>
          %gather3A_1277 = tpu.dynamic_gather %select_n3A_1070[%gather3A_1276] in [0] : vector<16xi32>, vector<16xi32> -> vector<16xi32>
          %broadcast_in_dim3A_1278 = vector.shape_cast %add3A_49 : vector<16xi32> to vector<16x1xi32>
          %gather3A_1279 = vector.shape_cast %broadcast_in_dim3A_1278 : vector<16x1xi32> to vector<16xi32>
          %gather3A_1280 = tpu.dynamic_gather %select_n3A_1078[%gather3A_1279] in [0] : vector<16xi32>, vector<16xi32> -> vector<16xi32>
          %select_n3A_1281 = arith.select %lt3A_21, %gather3A_1277, %gather3A_1280 : vector<16xi1>, vector<16xi32>
          %mul3A_1282 = arith.constant 16 : i32
          %mul3A_1283 = arith.muli %scan3A_705, %mul3A_1282 : i32
          %add3A_1284 = arith.constant 12 : i32
          %add3A_1285 = arith.addi %mul3A_1283, %add3A_1284 : i32
          %mul3A_1286 = arith.constant 8 : i32
          %mul3A_1287 = arith.muli %add3A_1285, %mul3A_1286 : i32
          %mul3A_1288 = arith.constant 256 : i32
          %mul3A_1289 = vector.broadcast %mul3A_1288 : i32 to vector<16xi32>
          %mul3A_1290 = arith.muli %select_n3A_1274, %mul3A_1289 : vector<16xi32>
          %add3A_1291 = arith.addi %mul3A_1290, %select_n3A_1281 : vector<16xi32>
          %add3A_1292 = arith.addi %add3A_1291, %mul3A_18 : vector<16xi32>
          %swap3A_1293 = arith.index_cast %mul3A_1287 : i32 to index
          %swap3A_1294 = tpu.vector_load %arg7[%swap3A_1293] {strides = array<i32>} : memref<2048xi32, #tpu.memory_space<vmem>>, vector<16xi32>,
          %swap3A_1295 = vector.shape_cast %swap3A_1294 : vector<16xi32> to vector<16xi32>
          %swap3A_1296 = vector.shape_cast %add3A_1292 : vector<16xi32> to vector<16xi32>
          tpu.vector_store %arg7[%swap3A_1293], %swap3A_1296 {strides = array<i32>} : memref<2048xi32, #tpu.memory_space<vmem>>, vector<16xi32>,
          %broadcast_in_dim3A_1297 = vector.shape_cast %mul3A_46 : vector<16xi32> to vector<16x1xi32>
          %gather3A_1298 = vector.shape_cast %broadcast_in_dim3A_1297 : vector<16x1xi32> to vector<16xi32>
          %gather3A_1299 = tpu.dynamic_gather %select_n3A_1086[%gather3A_1298] in [0] : vector<16xi32>, vector<16xi32> -> vector<16xi32>
          %broadcast_in_dim3A_1300 = vector.shape_cast %mul3A_46 : vector<16xi32> to vector<16x1xi32>
          %gather3A_1301 = vector.shape_cast %broadcast_in_dim3A_1300 : vector<16x1xi32> to vector<16xi32>
          %gather3A_1302 = tpu.dynamic_gather %select_n3A_1094[%gather3A_1301] in [0] : vector<16xi32>, vector<16xi32> -> vector<16xi32>
          %select_n3A_1303 = arith.select %lt3A_21, %gather3A_1299, %gather3A_1302 : vector<16xi1>, vector<16xi32>
          %broadcast_in_dim3A_1304 = vector.shape_cast %add3A_49 : vector<16xi32> to vector<16x1xi32>
          %gather3A_1305 = vector.shape_cast %broadcast_in_dim3A_1304 : vector<16x1xi32> to vector<16xi32>
          %gather3A_1306 = tpu.dynamic_gather %select_n3A_1086[%gather3A_1305] in [0] : vector<16xi32>, vector<16xi32> -> vector<16xi32>
          %broadcast_in_dim3A_1307 = vector.shape_cast %add3A_49 : vector<16xi32> to vector<16x1xi32>
          %gather3A_1308 = vector.shape_cast %broadcast_in_dim3A_1307 : vector<16x1xi32> to vector<16xi32>
          %gather3A_1309 = tpu.dynamic_gather %select_n3A_1094[%gather3A_1308] in [0] : vector<16xi32>, vector<16xi32> -> vector<16xi32>
          %select_n3A_1310 = arith.select %lt3A_21, %gather3A_1306, %gather3A_1309 : vector<16xi1>, vector<16xi32>
          %mul3A_1311 = arith.constant 16 : i32
          %mul3A_1312 = arith.muli %scan3A_705, %mul3A_1311 : i32
          %add3A_1313 = arith.constant 14 : i32
          %add3A_1314 = arith.addi %mul3A_1312, %add3A_1313 : i32
          %mul3A_1315 = arith.constant 8 : i32
          %mul3A_1316 = arith.muli %add3A_1314, %mul3A_1315 : i32
          %mul3A_1317 = arith.constant 256 : i32
          %mul3A_1318 = vector.broadcast %mul3A_1317 : i32 to vector<16xi32>
          %mul3A_1319 = arith.muli %select_n3A_1303, %mul3A_1318 : vector<16xi32>
          %add3A_1320 = arith.addi %mul3A_1319, %select_n3A_1310 : vector<16xi32>
          %add3A_1321 = arith.addi %add3A_1320, %mul3A_18 : vector<16xi32>
          %swap3A_1322 = arith.index_cast %mul3A_1316 : i32 to index
          %swap3A_1323 = tpu.vector_load %arg7[%swap3A_1322] {strides = array<i32>} : memref<2048xi32, #tpu.memory_space<vmem>>, vector<16xi32>,
          %swap3A_1324 = vector.shape_cast %swap3A_1323 : vector<16xi32> to vector<16xi32>
          %swap3A_1325 = vector.shape_cast %add3A_1321 : vector<16xi32> to vector<16xi32>
          tpu.vector_store %arg7[%swap3A_1322], %swap3A_1325 {strides = array<i32>} : memref<2048xi32, #tpu.memory_space<vmem>>, vector<16xi32>,
        }
        %scan3A_704 = arith.constant 16 : i32
      } else {
      }
      %dma_wait3A_550 = arith.constant 0 : i32
      %dma_wait3A_551 = arith.constant 0 : i32
      %dma_wait3A_552 = tpu.memref_slice %arg3[%dma_wait3A_550, %dma_wait3A_551] : memref<524288x16xf32, #tpu.memory_space<hbm>> -> memref<524288x16xf32, #tpu.memory_space<hbm>>
      tpu.wait_indirect_dma semaphore(%arg14 : memref<!tpu.dma_semaphore, #tpu.memory_space<semaphore_mem>>) src(%dma_wait3A_552 : memref<524288x16xf32, #tpu.memory_space<hbm>>) dst(%arg10 : memref<2048x16xf32, #tpu.memory_space<vmem>>)
      %mul3A_553 = arith.constant 8192 : i32
      %mul3A_554 = arith.muli %add3A, %mul3A_553 : i32
      %mul3A_555 = arith.constant 256 : i32
      %mul3A_556 = arith.muli %add3A_527, %mul3A_555 : i32
      %add3A_557 = arith.addi %mul3A_554, %mul3A_556 : i32
      %mul3A_558 = arith.constant 8 : i32
      %mul3A_559 = arith.muli %add3A_557, %mul3A_558 : i32
      %dma_start3A_560 = arith.constant 0 : i32
      %dma_start3A_561 = tpu.memref_slice %arg4[%mul3A_559, %dma_start3A_560] : memref<2097152x16xf32, #tpu.memory_space<hbm>> -> memref<2048x16xf32, #tpu.memory_space<hbm>>
      %dma_start3A_562 = arith.constant 0 : i32
      %dma_start3A_563 = tpu.memref_slice %arg4[%mul3A_559, %dma_start3A_562] : memref<2097152x16xf32, #tpu.memory_space<hbm>> -> memref<2048x16xf32, #tpu.memory_space<hbm>>
      tpu.enqueue_dma source(%arg10 : memref<2048x16xf32, #tpu.memory_space<vmem>>) target(%dma_start3A_563 : memref<2048x16xf32, #tpu.memory_space<hbm>>) target_semaphore(%arg16 : memref<!tpu.dma_semaphore, #tpu.memory_space<semaphore_mem>>)
    }
    %scan3A_465 = arith.constant 16 : i32
    %mul3A_466 = arith.constant 8192 : i32
    %mul3A_467 = arith.muli %add3A, %mul3A_466 : i32
    %add3A_468 = arith.constant 7680 : i32
    %add3A_469 = arith.addi %mul3A_467, %add3A_468 : i32
    %mul3A_470 = arith.constant 8 : i32
    %mul3A_471 = arith.muli %add3A_469, %mul3A_470 : i32
    %dma_wait3A_472 = arith.constant 0 : i32
    %dma_wait3A_473 = tpu.memref_slice %arg4[%mul3A_471, %dma_wait3A_472] : memref<2097152x16xf32, #tpu.memory_space<hbm>> -> memref<2048x16xf32, #tpu.memory_space<hbm>>
    %dma_wait3A_474 = arith.constant 0 : i32
    %dma_wait3A_475 = tpu.memref_slice %arg4[%mul3A_471, %dma_wait3A_474] : memref<2097152x16xf32, #tpu.memory_space<hbm>> -> memref<2048x16xf32, #tpu.memory_space<hbm>>
    tpu.wait_dma2 semaphore(%arg15 : memref<!tpu.dma_semaphore, #tpu.memory_space<semaphore_mem>>) src(%arg9 : memref<2048x16xf32, #tpu.memory_space<vmem>>) dst(%dma_wait3A_475 : memref<2048x16xf32, #tpu.memory_space<hbm>>)
    %mul3A_476 = arith.constant 8192 : i32
    %mul3A_477 = arith.muli %add3A, %mul3A_476 : i32
    %add3A_478 = arith.constant 7936 : i32
    %add3A_479 = arith.addi %mul3A_477, %add3A_478 : i32
    %mul3A_480 = arith.constant 8 : i32
    %mul3A_481 = arith.muli %add3A_479, %mul3A_480 : i32
    %dma_wait3A_482 = arith.constant 0 : i32
    %dma_wait3A_483 = tpu.memref_slice %arg4[%mul3A_481, %dma_wait3A_482] : memref<2097152x16xf32, #tpu.memory_space<hbm>> -> memref<2048x16xf32, #tpu.memory_space<hbm>>
    %dma_wait3A_484 = arith.constant 0 : i32
    %dma_wait3A_485 = tpu.memref_slice %arg4[%mul3A_481, %dma_wait3A_484] : memref<2097152x16xf32, #tpu.memory_space<hbm>> -> memref<2048x16xf32, #tpu.memory_space<hbm>>
    tpu.wait_dma2 semaphore(%arg16 : memref<!tpu.dma_semaphore, #tpu.memory_space<semaphore_mem>>) src(%arg10 : memref<2048x16xf32, #tpu.memory_space<vmem>>) dst(%dma_wait3A_485 : memref<2048x16xf32, #tpu.memory_space<hbm>>)
    return
  }
}

#map = affine_map<(d0, d1) -> (0)>
#map1 = affine_map<(d0, d1) -> (0, 0)>
module attributes {stable_mosaic.version = 14 : i64} {
  func.func @build(%arg0: i32, %arg1: i32, %arg2: memref<32768xf32, #tpu.memory_space<hbm>>, %arg3: memref<524288x16xf32, #tpu.memory_space<hbm>>, %arg4: memref<528xf32, #tpu.memory_space<vmem>>, %arg5: memref<2072xf32, #tpu.memory_space<vmem>>, %arg6: memref<256x16xf32, #tpu.memory_space<vmem>>, %arg7: memref<256x16xf32, #tpu.memory_space<vmem>>, %arg8: memref<!tpu.dma_semaphore, #tpu.memory_space<semaphore_mem>>, %arg9: memref<!tpu.dma_semaphore, #tpu.memory_space<semaphore_mem>>) attributes {dimension_semantics = [#tpu.dimension_semantics<core_parallel>, #tpu.dimension_semantics<subcore_parallel>], iteration_bounds = array<i64: 2, 16>, scalar_prefetch = 0 : i64, scratch_operands = 6 : i64, tpu.core_type = #tpu.core_type<sc_vector_subcore>, window_params = [{transform_indices = #map}, {transform_indices = #map1}]} {
    %mul3A = arith.constant 2 : i32
    %mul3A_0 = arith.muli %arg1, %mul3A : i32
    %add3A = arith.addi %mul3A_0, %arg0 : i32
    %iota3A = tpu.iota {dimensions = array<i32: 0>} : vector<16xi32>
    %lt3A = arith.constant 8 : i32
    %lt3A_1 = vector.broadcast %lt3A : i32 to vector<16xi32>
    %lt3A_2 = arith.cmpi slt, %iota3A, %lt3A_1 : vector<16xi32>
    %jit3A = arith.constant 4 : i32
    %div3A = arith.divsi %add3A, %jit3A : i32
    %sign3A = arith.constant 0 : i32
    %sign3A_3 = arith.cmpi sgt, %add3A, %sign3A : i32
    %sign3A_4 = arith.extui %sign3A_3 : i1 to i32
    %sign3A_5 = arith.constant 0 : i32
    %sign3A_6 = arith.cmpi slt, %add3A, %sign3A_5 : i32
    %sign3A_7 = arith.extui %sign3A_6 : i1 to i32
    %sign3A_8 = arith.subi %sign3A_4, %sign3A_7 : i32
    %sign3A_9 = arith.constant 0 : i32
    %sign3A_10 = arith.cmpi sgt, %jit3A, %sign3A_9 : i32
    %sign3A_11 = arith.extui %sign3A_10 : i1 to i32
    %sign3A_12 = arith.constant 0 : i32
    %sign3A_13 = arith.cmpi slt, %jit3A, %sign3A_12 : i32
    %sign3A_14 = arith.extui %sign3A_13 : i1 to i32
    %sign3A_15 = arith.subi %sign3A_11, %sign3A_14 : i32
    %ne3A = arith.cmpi ne, %sign3A_8, %sign3A_15 : i32
    %rem3A = arith.remsi %add3A, %jit3A : i32
    %ne3A_16 = arith.constant 0 : i32
    %ne3A_17 = arith.cmpi ne, %rem3A, %ne3A_16 : i32
    %and3A = arith.andi %ne3A, %ne3A_17 : i1
    %sub3A = arith.constant 1 : i32
    %sub3A_18 = arith.subi %div3A, %sub3A : i32
    %select_n3A = arith.select %and3A, %sub3A_18, %div3A : i32
    %jit3A_19 = arith.constant 4 : i32
    %eq3A = arith.constant 0 : i32
    %eq3A_20 = arith.cmpi eq, %jit3A_19, %eq3A : i32
    %jit3A_21 = arith.constant 1 : i32
    %select_n3A_22 = arith.select %eq3A_20, %jit3A_21, %jit3A_19 : i32
    %rem3A_23 = arith.remsi %add3A, %select_n3A_22 : i32
    %ne3A_24 = arith.constant 0 : i32
    %ne3A_25 = arith.cmpi ne, %rem3A_23, %ne3A_24 : i32
    %lt3A_26 = arith.constant 0 : i32
    %lt3A_27 = arith.cmpi slt, %rem3A_23, %lt3A_26 : i32
    %lt3A_28 = arith.constant 0 : i32
    %lt3A_29 = arith.cmpi slt, %select_n3A_22, %lt3A_28 : i32
    %ne3A_30 = arith.xori %lt3A_27, %lt3A_29 : i1
    %and3A_31 = arith.andi %ne3A_30, %ne3A_25 : i1
    %add3A_32 = arith.addi %rem3A_23, %select_n3A_22 : i32
    %select_n3A_33 = arith.select %and3A_31, %add3A_32, %rem3A_23 : i32
    %mul3A_34 = arith.constant 64 : i32
    %mul3A_35 = arith.muli %select_n3A_33, %mul3A_34 : i32
    %mul3A_36 = arith.constant 2 : i32
    %mul3A_37 = arith.muli %mul3A_36, %select_n3A : i32
    %mul3A_38 = arith.constant 256 : i32
    %mul3A_39 = arith.muli %mul3A_37, %mul3A_38 : i32
    %add3A_40 = arith.addi %mul3A_39, %mul3A_35 : i32
    %mul3A_41 = arith.constant 8 : i32
    %mul3A_42 = arith.muli %add3A_40, %mul3A_41 : i32
    "tpu.region"() ({
      %run_scoped3A = tpu.sem_alloc : memref<!tpu.dma_semaphore, #tpu.memory_space<semaphore_mem>>
      %dma_start3A = arith.constant 0 : i32
      %dma_start3A_75 = tpu.memref_slice %arg4[%dma_start3A] : memref<528xf32, #tpu.memory_space<vmem>> -> memref<512xf32, #tpu.memory_space<vmem>>
      %dma_start3A_76 = tpu.memref_slice %arg2[%mul3A_42] : memref<32768xf32, #tpu.memory_space<hbm>> -> memref<512xf32, #tpu.memory_space<hbm>>
      %dma_start3A_77 = arith.constant 0 : i32
      %dma_start3A_78 = tpu.memref_slice %arg4[%dma_start3A_77] : memref<528xf32, #tpu.memory_space<vmem>> -> memref<512xf32, #tpu.memory_space<vmem>>
      %dma_start3A_79 = tpu.memref_slice %arg2[%mul3A_42] : memref<32768xf32, #tpu.memory_space<hbm>> -> memref<512xf32, #tpu.memory_space<hbm>>
      tpu.enqueue_dma source(%dma_start3A_79 : memref<512xf32, #tpu.memory_space<hbm>>) target(%dma_start3A_78 : memref<512xf32, #tpu.memory_space<vmem>>) target_semaphore(%run_scoped3A : memref<!tpu.dma_semaphore, #tpu.memory_space<semaphore_mem>>)
      %dma_wait3A_80 = arith.constant 0 : i32
      %dma_wait3A_81 = tpu.memref_slice %arg4[%dma_wait3A_80] : memref<528xf32, #tpu.memory_space<vmem>> -> memref<512xf32, #tpu.memory_space<vmem>>
      %dma_wait3A_82 = tpu.memref_slice %arg2[%mul3A_42] : memref<32768xf32, #tpu.memory_space<hbm>> -> memref<512xf32, #tpu.memory_space<hbm>>
      %dma_wait3A_83 = arith.constant 0 : i32
      %dma_wait3A_84 = tpu.memref_slice %arg4[%dma_wait3A_83] : memref<528xf32, #tpu.memory_space<vmem>> -> memref<512xf32, #tpu.memory_space<vmem>>
      %dma_wait3A_85 = tpu.memref_slice %arg2[%mul3A_42] : memref<32768xf32, #tpu.memory_space<hbm>> -> memref<512xf32, #tpu.memory_space<hbm>>
      tpu.wait_dma2 semaphore(%run_scoped3A : memref<!tpu.dma_semaphore, #tpu.memory_space<semaphore_mem>>) src(%dma_wait3A_85 : memref<512xf32, #tpu.memory_space<hbm>>) dst(%dma_wait3A_84 : memref<512xf32, #tpu.memory_space<vmem>>)
      tpu.yield
    }) : () -> ()
    %mul3A_43 = arith.constant 2 : i32
    %mul3A_44 = arith.muli %mul3A_43, %select_n3A : i32
    %add3A_45 = arith.constant 1 : i32
    %add3A_46 = arith.addi %mul3A_44, %add3A_45 : i32
    %mul3A_47 = arith.constant 256 : i32
    %mul3A_48 = arith.muli %add3A_46, %mul3A_47 : i32
    %mul3A_49 = arith.constant 8 : i32
    %mul3A_50 = arith.muli %mul3A_48, %mul3A_49 : i32
    "tpu.region"() ({
      %run_scoped3A = tpu.sem_alloc : memref<!tpu.dma_semaphore, #tpu.memory_space<semaphore_mem>>
      %dma_start3A = arith.constant 8 : i32
      %dma_start3A_75 = tpu.memref_slice %arg5[%dma_start3A] : memref<2072xf32, #tpu.memory_space<vmem>> -> memref<2048xf32, #tpu.memory_space<vmem>>
      %dma_start3A_76 = tpu.memref_slice %arg2[%mul3A_50] : memref<32768xf32, #tpu.memory_space<hbm>> -> memref<2048xf32, #tpu.memory_space<hbm>>
      %dma_start3A_77 = arith.constant 8 : i32
      %dma_start3A_78 = tpu.memref_slice %arg5[%dma_start3A_77] : memref<2072xf32, #tpu.memory_space<vmem>> -> memref<2048xf32, #tpu.memory_space<vmem>>
      %dma_start3A_79 = tpu.memref_slice %arg2[%mul3A_50] : memref<32768xf32, #tpu.memory_space<hbm>> -> memref<2048xf32, #tpu.memory_space<hbm>>
      tpu.enqueue_dma source(%dma_start3A_79 : memref<2048xf32, #tpu.memory_space<hbm>>) target(%dma_start3A_78 : memref<2048xf32, #tpu.memory_space<vmem>>) target_semaphore(%run_scoped3A : memref<!tpu.dma_semaphore, #tpu.memory_space<semaphore_mem>>)
      %dma_wait3A_80 = arith.constant 8 : i32
      %dma_wait3A_81 = tpu.memref_slice %arg5[%dma_wait3A_80] : memref<2072xf32, #tpu.memory_space<vmem>> -> memref<2048xf32, #tpu.memory_space<vmem>>
      %dma_wait3A_82 = tpu.memref_slice %arg2[%mul3A_50] : memref<32768xf32, #tpu.memory_space<hbm>> -> memref<2048xf32, #tpu.memory_space<hbm>>
      %dma_wait3A_83 = arith.constant 8 : i32
      %dma_wait3A_84 = tpu.memref_slice %arg5[%dma_wait3A_83] : memref<2072xf32, #tpu.memory_space<vmem>> -> memref<2048xf32, #tpu.memory_space<vmem>>
      %dma_wait3A_85 = tpu.memref_slice %arg2[%mul3A_50] : memref<32768xf32, #tpu.memory_space<hbm>> -> memref<2048xf32, #tpu.memory_space<hbm>>
      tpu.wait_dma2 semaphore(%run_scoped3A : memref<!tpu.dma_semaphore, #tpu.memory_space<semaphore_mem>>) src(%dma_wait3A_85 : memref<2048xf32, #tpu.memory_space<hbm>>) dst(%dma_wait3A_84 : memref<2048xf32, #tpu.memory_space<vmem>>)
      tpu.yield
    }) : () -> ()
    %scan3A = arith.constant 0 : i32
    %scan3A_51 = arith.constant 0 : i32
    %scan3A_52 = arith.constant 32 : i32
    %scan3A_53 = arith.addi %scan3A_51, %scan3A_52 : i32
    %scan3A_54 = arith.constant 1 : i32
    scf.for %scan3A_75 = %scan3A_51 to %scan3A_53 step %scan3A_54  : i32 {
      %mul3A_76 = arith.constant 2 : i32
      %mul3A_77 = arith.muli %scan3A_75, %mul3A_76 : i32
      %add3A_78 = arith.constant 0 : i32
      %add3A_79 = arith.addi %mul3A_77, %add3A_78 : i32
      %ge3A = arith.constant 1 : i32
      %ge3A_80 = arith.cmpi sge, %scan3A_75, %ge3A : i32
      %convert_element_type3A = arith.extui %ge3A_80 : i1 to i32
      %cond3A = arith.constant 0 : i32
      %cond3A_81 = arith.cmpi ne, %convert_element_type3A, %cond3A : i32
      scf.if %cond3A_81 {
        %sub3A_129 = arith.constant 2 : i32
        %sub3A_130 = arith.subi %add3A_79, %sub3A_129 : i32
        %mul3A_131 = arith.constant 64 : i32
        %mul3A_132 = arith.muli %add3A, %mul3A_131 : i32
        %add3A_133 = arith.addi %mul3A_132, %sub3A_130 : i32
        %mul3A_134 = arith.constant 256 : i32
        %mul3A_135 = arith.muli %add3A_133, %mul3A_134 : i32
        %dma_wait3A_136 = arith.constant 0 : i32
        %dma_wait3A_137 = tpu.memref_slice %arg3[%mul3A_135, %dma_wait3A_136] : memref<524288x16xf32, #tpu.memory_space<hbm>> -> memref<256x16xf32, #tpu.memory_space<hbm>>
        %dma_wait3A_138 = arith.constant 0 : i32
        %dma_wait3A_139 = tpu.memref_slice %arg3[%mul3A_135, %dma_wait3A_138] : memref<524288x16xf32, #tpu.memory_space<hbm>> -> memref<256x16xf32, #tpu.memory_space<hbm>>
        tpu.wait_dma2 semaphore(%arg8 : memref<!tpu.dma_semaphore, #tpu.memory_space<semaphore_mem>>) src(%arg6 : memref<256x16xf32, #tpu.memory_space<vmem>>) dst(%dma_wait3A_139 : memref<256x16xf32, #tpu.memory_space<hbm>>)
      } else {
      }
      %mul3A_82 = arith.constant 8 : i32
      %mul3A_83 = arith.muli %add3A_79, %mul3A_82 : i32
      %get3A = arith.index_cast %mul3A_83 : i32 to index
      %get3A_84 = tpu.vector_load %arg4[%get3A] {strides = array<i32>} : memref<528xf32, #tpu.memory_space<vmem>>, vector<16xf32>,
      %get3A_85 = vector.shape_cast %get3A_84 : vector<16xf32> to vector<16xf32>
      %scan3A_86 = arith.constant 0 : i32
      %scan3A_87 = arith.constant 0 : i32
      %scan3A_88 = arith.constant 16 : i32
      %scan3A_89 = arith.addi %scan3A_87, %scan3A_88 : i32
      %scan3A_90 = arith.constant 1 : i32
      scf.for %scan3A_129 = %scan3A_87 to %scan3A_89 step %scan3A_90  : i32 {
        %mul3A_130 = arith.constant 16 : i32
        %mul3A_131 = arith.muli %scan3A_129, %mul3A_130 : i32
        %add3A_132 = arith.constant 0 : i32
        %add3A_133 = arith.addi %mul3A_131, %add3A_132 : i32
        %mul3A_134 = arith.constant 8 : i32
        %mul3A_135 = arith.muli %add3A_133, %mul3A_134 : i32
        %get3A_136 = arith.index_cast %mul3A_135 : i32 to index
        %get3A_137 = tpu.vector_load %arg5[%get3A_136] {strides = array<i32>} : memref<2072xf32, #tpu.memory_space<vmem>>, vector<16xf32>,
        %get3A_138 = vector.shape_cast %get3A_137 : vector<16xf32> to vector<16xf32>
        %select_n3A_139 = arith.select %lt3A_2, %get3A_85, %get3A_138 : vector<16xi1>, vector<16xf32>
        %swap3A = arith.index_cast %add3A_133 : i32 to index
        %swap3A_140 = arith.constant 0 : index
        %swap3A_141 = tpu.vector_load %arg6[%swap3A, %swap3A_140] {strides = array<i32>} : memref<256x16xf32, #tpu.memory_space<vmem>>, vector<1x16xf32>,
        %swap3A_142 = vector.shape_cast %swap3A_141 : vector<1x16xf32> to vector<16xf32>
        %swap3A_143 = vector.shape_cast %select_n3A_139 : vector<16xf32> to vector<1x16xf32>
        tpu.vector_store %arg6[%swap3A, %swap3A_140], %swap3A_143 {strides = array<i32>} : memref<256x16xf32, #tpu.memory_space<vmem>>, vector<1x16xf32>,
        %mul3A_144 = arith.constant 16 : i32
        %mul3A_145 = arith.muli %scan3A_129, %mul3A_144 : i32
        %add3A_146 = arith.constant 1 : i32
        %add3A_147 = arith.addi %mul3A_145, %add3A_146 : i32
        %mul3A_148 = arith.constant 8 : i32
        %mul3A_149 = arith.muli %add3A_147, %mul3A_148 : i32
        %get3A_150 = arith.index_cast %mul3A_149 : i32 to index
        %get3A_151 = tpu.vector_load %arg5[%get3A_150] {strides = array<i32>} : memref<2072xf32, #tpu.memory_space<vmem>>, vector<16xf32>,
        %get3A_152 = vector.shape_cast %get3A_151 : vector<16xf32> to vector<16xf32>
        %select_n3A_153 = arith.select %lt3A_2, %get3A_85, %get3A_152 : vector<16xi1>, vector<16xf32>
        %swap3A_154 = arith.index_cast %add3A_147 : i32 to index
        %swap3A_155 = arith.constant 0 : index
        %swap3A_156 = tpu.vector_load %arg6[%swap3A_154, %swap3A_155] {strides = array<i32>} : memref<256x16xf32, #tpu.memory_space<vmem>>, vector<1x16xf32>,
        %swap3A_157 = vector.shape_cast %swap3A_156 : vector<1x16xf32> to vector<16xf32>
        %swap3A_158 = vector.shape_cast %select_n3A_153 : vector<16xf32> to vector<1x16xf32>
        tpu.vector_store %arg6[%swap3A_154, %swap3A_155], %swap3A_158 {strides = array<i32>} : memref<256x16xf32, #tpu.memory_space<vmem>>, vector<1x16xf32>,
        %mul3A_159 = arith.constant 16 : i32
        %mul3A_160 = arith.muli %scan3A_129, %mul3A_159 : i32
        %add3A_161 = arith.constant 2 : i32
        %add3A_162 = arith.addi %mul3A_160, %add3A_161 : i32
        %mul3A_163 = arith.constant 8 : i32
        %mul3A_164 = arith.muli %add3A_162, %mul3A_163 : i32
        %get3A_165 = arith.index_cast %mul3A_164 : i32 to index
        %get3A_166 = tpu.vector_load %arg5[%get3A_165] {strides = array<i32>} : memref<2072xf32, #tpu.memory_space<vmem>>, vector<16xf32>,
        %get3A_167 = vector.shape_cast %get3A_166 : vector<16xf32> to vector<16xf32>
        %select_n3A_168 = arith.select %lt3A_2, %get3A_85, %get3A_167 : vector<16xi1>, vector<16xf32>
        %swap3A_169 = arith.index_cast %add3A_162 : i32 to index
        %swap3A_170 = arith.constant 0 : index
        %swap3A_171 = tpu.vector_load %arg6[%swap3A_169, %swap3A_170] {strides = array<i32>} : memref<256x16xf32, #tpu.memory_space<vmem>>, vector<1x16xf32>,
        %swap3A_172 = vector.shape_cast %swap3A_171 : vector<1x16xf32> to vector<16xf32>
        %swap3A_173 = vector.shape_cast %select_n3A_168 : vector<16xf32> to vector<1x16xf32>
        tpu.vector_store %arg6[%swap3A_169, %swap3A_170], %swap3A_173 {strides = array<i32>} : memref<256x16xf32, #tpu.memory_space<vmem>>, vector<1x16xf32>,
        %mul3A_174 = arith.constant 16 : i32
        %mul3A_175 = arith.muli %scan3A_129, %mul3A_174 : i32
        %add3A_176 = arith.constant 3 : i32
        %add3A_177 = arith.addi %mul3A_175, %add3A_176 : i32
        %mul3A_178 = arith.constant 8 : i32
        %mul3A_179 = arith.muli %add3A_177, %mul3A_178 : i32
        %get3A_180 = arith.index_cast %mul3A_179 : i32 to index
        %get3A_181 = tpu.vector_load %arg5[%get3A_180] {strides = array<i32>} : memref<2072xf32, #tpu.memory_space<vmem>>, vector<16xf32>,
        %get3A_182 = vector.shape_cast %get3A_181 : vector<16xf32> to vector<16xf32>
        %select_n3A_183 = arith.select %lt3A_2, %get3A_85, %get3A_182 : vector<16xi1>, vector<16xf32>
        %swap3A_184 = arith.index_cast %add3A_177 : i32 to index
        %swap3A_185 = arith.constant 0 : index
        %swap3A_186 = tpu.vector_load %arg6[%swap3A_184, %swap3A_185] {strides = array<i32>} : memref<256x16xf32, #tpu.memory_space<vmem>>, vector<1x16xf32>,
        %swap3A_187 = vector.shape_cast %swap3A_186 : vector<1x16xf32> to vector<16xf32>
        %swap3A_188 = vector.shape_cast %select_n3A_183 : vector<16xf32> to vector<1x16xf32>
        tpu.vector_store %arg6[%swap3A_184, %swap3A_185], %swap3A_188 {strides = array<i32>} : memref<256x16xf32, #tpu.memory_space<vmem>>, vector<1x16xf32>,
        %mul3A_189 = arith.constant 16 : i32
        %mul3A_190 = arith.muli %scan3A_129, %mul3A_189 : i32
        %add3A_191 = arith.constant 4 : i32
        %add3A_192 = arith.addi %mul3A_190, %add3A_191 : i32
        %mul3A_193 = arith.constant 8 : i32
        %mul3A_194 = arith.muli %add3A_192, %mul3A_193 : i32
        %get3A_195 = arith.index_cast %mul3A_194 : i32 to index
        %get3A_196 = tpu.vector_load %arg5[%get3A_195] {strides = array<i32>} : memref<2072xf32, #tpu.memory_space<vmem>>, vector<16xf32>,
        %get3A_197 = vector.shape_cast %get3A_196 : vector<16xf32> to vector<16xf32>
        %select_n3A_198 = arith.select %lt3A_2, %get3A_85, %get3A_197 : vector<16xi1>, vector<16xf32>
        %swap3A_199 = arith.index_cast %add3A_192 : i32 to index
        %swap3A_200 = arith.constant 0 : index
        %swap3A_201 = tpu.vector_load %arg6[%swap3A_199, %swap3A_200] {strides = array<i32>} : memref<256x16xf32, #tpu.memory_space<vmem>>, vector<1x16xf32>,
        %swap3A_202 = vector.shape_cast %swap3A_201 : vector<1x16xf32> to vector<16xf32>
        %swap3A_203 = vector.shape_cast %select_n3A_198 : vector<16xf32> to vector<1x16xf32>
        tpu.vector_store %arg6[%swap3A_199, %swap3A_200], %swap3A_203 {strides = array<i32>} : memref<256x16xf32, #tpu.memory_space<vmem>>, vector<1x16xf32>,
        %mul3A_204 = arith.constant 16 : i32
        %mul3A_205 = arith.muli %scan3A_129, %mul3A_204 : i32
        %add3A_206 = arith.constant 5 : i32
        %add3A_207 = arith.addi %mul3A_205, %add3A_206 : i32
        %mul3A_208 = arith.constant 8 : i32
        %mul3A_209 = arith.muli %add3A_207, %mul3A_208 : i32
        %get3A_210 = arith.index_cast %mul3A_209 : i32 to index
        %get3A_211 = tpu.vector_load %arg5[%get3A_210] {strides = array<i32>} : memref<2072xf32, #tpu.memory_space<vmem>>, vector<16xf32>,
        %get3A_212 = vector.shape_cast %get3A_211 : vector<16xf32> to vector<16xf32>
        %select_n3A_213 = arith.select %lt3A_2, %get3A_85, %get3A_212 : vector<16xi1>, vector<16xf32>
        %swap3A_214 = arith.index_cast %add3A_207 : i32 to index
        %swap3A_215 = arith.constant 0 : index
        %swap3A_216 = tpu.vector_load %arg6[%swap3A_214, %swap3A_215] {strides = array<i32>} : memref<256x16xf32, #tpu.memory_space<vmem>>, vector<1x16xf32>,
        %swap3A_217 = vector.shape_cast %swap3A_216 : vector<1x16xf32> to vector<16xf32>
        %swap3A_218 = vector.shape_cast %select_n3A_213 : vector<16xf32> to vector<1x16xf32>
        tpu.vector_store %arg6[%swap3A_214, %swap3A_215], %swap3A_218 {strides = array<i32>} : memref<256x16xf32, #tpu.memory_space<vmem>>, vector<1x16xf32>,
        %mul3A_219 = arith.constant 16 : i32
        %mul3A_220 = arith.muli %scan3A_129, %mul3A_219 : i32
        %add3A_221 = arith.constant 6 : i32
        %add3A_222 = arith.addi %mul3A_220, %add3A_221 : i32
        %mul3A_223 = arith.constant 8 : i32
        %mul3A_224 = arith.muli %add3A_222, %mul3A_223 : i32
        %get3A_225 = arith.index_cast %mul3A_224 : i32 to index
        %get3A_226 = tpu.vector_load %arg5[%get3A_225] {strides = array<i32>} : memref<2072xf32, #tpu.memory_space<vmem>>, vector<16xf32>,
        %get3A_227 = vector.shape_cast %get3A_226 : vector<16xf32> to vector<16xf32>
        %select_n3A_228 = arith.select %lt3A_2, %get3A_85, %get3A_227 : vector<16xi1>, vector<16xf32>
        %swap3A_229 = arith.index_cast %add3A_222 : i32 to index
        %swap3A_230 = arith.constant 0 : index
        %swap3A_231 = tpu.vector_load %arg6[%swap3A_229, %swap3A_230] {strides = array<i32>} : memref<256x16xf32, #tpu.memory_space<vmem>>, vector<1x16xf32>,
        %swap3A_232 = vector.shape_cast %swap3A_231 : vector<1x16xf32> to vector<16xf32>
        %swap3A_233 = vector.shape_cast %select_n3A_228 : vector<16xf32> to vector<1x16xf32>
        tpu.vector_store %arg6[%swap3A_229, %swap3A_230], %swap3A_233 {strides = array<i32>} : memref<256x16xf32, #tpu.memory_space<vmem>>, vector<1x16xf32>,
        %mul3A_234 = arith.constant 16 : i32
        %mul3A_235 = arith.muli %scan3A_129, %mul3A_234 : i32
        %add3A_236 = arith.constant 7 : i32
        %add3A_237 = arith.addi %mul3A_235, %add3A_236 : i32
        %mul3A_238 = arith.constant 8 : i32
        %mul3A_239 = arith.muli %add3A_237, %mul3A_238 : i32
        %get3A_240 = arith.index_cast %mul3A_239 : i32 to index
        %get3A_241 = tpu.vector_load %arg5[%get3A_240] {strides = array<i32>} : memref<2072xf32, #tpu.memory_space<vmem>>, vector<16xf32>,
        %get3A_242 = vector.shape_cast %get3A_241 : vector<16xf32> to vector<16xf32>
        %select_n3A_243 = arith.select %lt3A_2, %get3A_85, %get3A_242 : vector<16xi1>, vector<16xf32>
        %swap3A_244 = arith.index_cast %add3A_237 : i32 to index
        %swap3A_245 = arith.constant 0 : index
        %swap3A_246 = tpu.vector_load %arg6[%swap3A_244, %swap3A_245] {strides = array<i32>} : memref<256x16xf32, #tpu.memory_space<vmem>>, vector<1x16xf32>,
        %swap3A_247 = vector.shape_cast %swap3A_246 : vector<1x16xf32> to vector<16xf32>
        %swap3A_248 = vector.shape_cast %select_n3A_243 : vector<16xf32> to vector<1x16xf32>
        tpu.vector_store %arg6[%swap3A_244, %swap3A_245], %swap3A_248 {strides = array<i32>} : memref<256x16xf32, #tpu.memory_space<vmem>>, vector<1x16xf32>,
        %mul3A_249 = arith.constant 16 : i32
        %mul3A_250 = arith.muli %scan3A_129, %mul3A_249 : i32
        %add3A_251 = arith.constant 8 : i32
        %add3A_252 = arith.addi %mul3A_250, %add3A_251 : i32
        %mul3A_253 = arith.constant 8 : i32
        %mul3A_254 = arith.muli %add3A_252, %mul3A_253 : i32
        %get3A_255 = arith.index_cast %mul3A_254 : i32 to index
        %get3A_256 = tpu.vector_load %arg5[%get3A_255] {strides = array<i32>} : memref<2072xf32, #tpu.memory_space<vmem>>, vector<16xf32>,
        %get3A_257 = vector.shape_cast %get3A_256 : vector<16xf32> to vector<16xf32>
        %select_n3A_258 = arith.select %lt3A_2, %get3A_85, %get3A_257 : vector<16xi1>, vector<16xf32>
        %swap3A_259 = arith.index_cast %add3A_252 : i32 to index
        %swap3A_260 = arith.constant 0 : index
        %swap3A_261 = tpu.vector_load %arg6[%swap3A_259, %swap3A_260] {strides = array<i32>} : memref<256x16xf32, #tpu.memory_space<vmem>>, vector<1x16xf32>,
        %swap3A_262 = vector.shape_cast %swap3A_261 : vector<1x16xf32> to vector<16xf32>
        %swap3A_263 = vector.shape_cast %select_n3A_258 : vector<16xf32> to vector<1x16xf32>
        tpu.vector_store %arg6[%swap3A_259, %swap3A_260], %swap3A_263 {strides = array<i32>} : memref<256x16xf32, #tpu.memory_space<vmem>>, vector<1x16xf32>,
        %mul3A_264 = arith.constant 16 : i32
        %mul3A_265 = arith.muli %scan3A_129, %mul3A_264 : i32
        %add3A_266 = arith.constant 9 : i32
        %add3A_267 = arith.addi %mul3A_265, %add3A_266 : i32
        %mul3A_268 = arith.constant 8 : i32
        %mul3A_269 = arith.muli %add3A_267, %mul3A_268 : i32
        %get3A_270 = arith.index_cast %mul3A_269 : i32 to index
        %get3A_271 = tpu.vector_load %arg5[%get3A_270] {strides = array<i32>} : memref<2072xf32, #tpu.memory_space<vmem>>, vector<16xf32>,
        %get3A_272 = vector.shape_cast %get3A_271 : vector<16xf32> to vector<16xf32>
        %select_n3A_273 = arith.select %lt3A_2, %get3A_85, %get3A_272 : vector<16xi1>, vector<16xf32>
        %swap3A_274 = arith.index_cast %add3A_267 : i32 to index
        %swap3A_275 = arith.constant 0 : index
        %swap3A_276 = tpu.vector_load %arg6[%swap3A_274, %swap3A_275] {strides = array<i32>} : memref<256x16xf32, #tpu.memory_space<vmem>>, vector<1x16xf32>,
        %swap3A_277 = vector.shape_cast %swap3A_276 : vector<1x16xf32> to vector<16xf32>
        %swap3A_278 = vector.shape_cast %select_n3A_273 : vector<16xf32> to vector<1x16xf32>
        tpu.vector_store %arg6[%swap3A_274, %swap3A_275], %swap3A_278 {strides = array<i32>} : memref<256x16xf32, #tpu.memory_space<vmem>>, vector<1x16xf32>,
        %mul3A_279 = arith.constant 16 : i32
        %mul3A_280 = arith.muli %scan3A_129, %mul3A_279 : i32
        %add3A_281 = arith.constant 10 : i32
        %add3A_282 = arith.addi %mul3A_280, %add3A_281 : i32
        %mul3A_283 = arith.constant 8 : i32
        %mul3A_284 = arith.muli %add3A_282, %mul3A_283 : i32
        %get3A_285 = arith.index_cast %mul3A_284 : i32 to index
        %get3A_286 = tpu.vector_load %arg5[%get3A_285] {strides = array<i32>} : memref<2072xf32, #tpu.memory_space<vmem>>, vector<16xf32>,
        %get3A_287 = vector.shape_cast %get3A_286 : vector<16xf32> to vector<16xf32>
        %select_n3A_288 = arith.select %lt3A_2, %get3A_85, %get3A_287 : vector<16xi1>, vector<16xf32>
        %swap3A_289 = arith.index_cast %add3A_282 : i32 to index
        %swap3A_290 = arith.constant 0 : index
        %swap3A_291 = tpu.vector_load %arg6[%swap3A_289, %swap3A_290] {strides = array<i32>} : memref<256x16xf32, #tpu.memory_space<vmem>>, vector<1x16xf32>,
        %swap3A_292 = vector.shape_cast %swap3A_291 : vector<1x16xf32> to vector<16xf32>
        %swap3A_293 = vector.shape_cast %select_n3A_288 : vector<16xf32> to vector<1x16xf32>
        tpu.vector_store %arg6[%swap3A_289, %swap3A_290], %swap3A_293 {strides = array<i32>} : memref<256x16xf32, #tpu.memory_space<vmem>>, vector<1x16xf32>,
        %mul3A_294 = arith.constant 16 : i32
        %mul3A_295 = arith.muli %scan3A_129, %mul3A_294 : i32
        %add3A_296 = arith.constant 11 : i32
        %add3A_297 = arith.addi %mul3A_295, %add3A_296 : i32
        %mul3A_298 = arith.constant 8 : i32
        %mul3A_299 = arith.muli %add3A_297, %mul3A_298 : i32
        %get3A_300 = arith.index_cast %mul3A_299 : i32 to index
        %get3A_301 = tpu.vector_load %arg5[%get3A_300] {strides = array<i32>} : memref<2072xf32, #tpu.memory_space<vmem>>, vector<16xf32>,
        %get3A_302 = vector.shape_cast %get3A_301 : vector<16xf32> to vector<16xf32>
        %select_n3A_303 = arith.select %lt3A_2, %get3A_85, %get3A_302 : vector<16xi1>, vector<16xf32>
        %swap3A_304 = arith.index_cast %add3A_297 : i32 to index
        %swap3A_305 = arith.constant 0 : index
        %swap3A_306 = tpu.vector_load %arg6[%swap3A_304, %swap3A_305] {strides = array<i32>} : memref<256x16xf32, #tpu.memory_space<vmem>>, vector<1x16xf32>,
        %swap3A_307 = vector.shape_cast %swap3A_306 : vector<1x16xf32> to vector<16xf32>
        %swap3A_308 = vector.shape_cast %select_n3A_303 : vector<16xf32> to vector<1x16xf32>
        tpu.vector_store %arg6[%swap3A_304, %swap3A_305], %swap3A_308 {strides = array<i32>} : memref<256x16xf32, #tpu.memory_space<vmem>>, vector<1x16xf32>,
        %mul3A_309 = arith.constant 16 : i32
        %mul3A_310 = arith.muli %scan3A_129, %mul3A_309 : i32
        %add3A_311 = arith.constant 12 : i32
        %add3A_312 = arith.addi %mul3A_310, %add3A_311 : i32
        %mul3A_313 = arith.constant 8 : i32
        %mul3A_314 = arith.muli %add3A_312, %mul3A_313 : i32
        %get3A_315 = arith.index_cast %mul3A_314 : i32 to index
        %get3A_316 = tpu.vector_load %arg5[%get3A_315] {strides = array<i32>} : memref<2072xf32, #tpu.memory_space<vmem>>, vector<16xf32>,
        %get3A_317 = vector.shape_cast %get3A_316 : vector<16xf32> to vector<16xf32>
        %select_n3A_318 = arith.select %lt3A_2, %get3A_85, %get3A_317 : vector<16xi1>, vector<16xf32>
        %swap3A_319 = arith.index_cast %add3A_312 : i32 to index
        %swap3A_320 = arith.constant 0 : index
        %swap3A_321 = tpu.vector_load %arg6[%swap3A_319, %swap3A_320] {strides = array<i32>} : memref<256x16xf32, #tpu.memory_space<vmem>>, vector<1x16xf32>,
        %swap3A_322 = vector.shape_cast %swap3A_321 : vector<1x16xf32> to vector<16xf32>
        %swap3A_323 = vector.shape_cast %select_n3A_318 : vector<16xf32> to vector<1x16xf32>
        tpu.vector_store %arg6[%swap3A_319, %swap3A_320], %swap3A_323 {strides = array<i32>} : memref<256x16xf32, #tpu.memory_space<vmem>>, vector<1x16xf32>,
        %mul3A_324 = arith.constant 16 : i32
        %mul3A_325 = arith.muli %scan3A_129, %mul3A_324 : i32
        %add3A_326 = arith.constant 13 : i32
        %add3A_327 = arith.addi %mul3A_325, %add3A_326 : i32
        %mul3A_328 = arith.constant 8 : i32
        %mul3A_329 = arith.muli %add3A_327, %mul3A_328 : i32
        %get3A_330 = arith.index_cast %mul3A_329 : i32 to index
        %get3A_331 = tpu.vector_load %arg5[%get3A_330] {strides = array<i32>} : memref<2072xf32, #tpu.memory_space<vmem>>, vector<16xf32>,
        %get3A_332 = vector.shape_cast %get3A_331 : vector<16xf32> to vector<16xf32>
        %select_n3A_333 = arith.select %lt3A_2, %get3A_85, %get3A_332 : vector<16xi1>, vector<16xf32>
        %swap3A_334 = arith.index_cast %add3A_327 : i32 to index
        %swap3A_335 = arith.constant 0 : index
        %swap3A_336 = tpu.vector_load %arg6[%swap3A_334, %swap3A_335] {strides = array<i32>} : memref<256x16xf32, #tpu.memory_space<vmem>>, vector<1x16xf32>,
        %swap3A_337 = vector.shape_cast %swap3A_336 : vector<1x16xf32> to vector<16xf32>
        %swap3A_338 = vector.shape_cast %select_n3A_333 : vector<16xf32> to vector<1x16xf32>
        tpu.vector_store %arg6[%swap3A_334, %swap3A_335], %swap3A_338 {strides = array<i32>} : memref<256x16xf32, #tpu.memory_space<vmem>>, vector<1x16xf32>,
        %mul3A_339 = arith.constant 16 : i32
        %mul3A_340 = arith.muli %scan3A_129, %mul3A_339 : i32
        %add3A_341 = arith.constant 14 : i32
        %add3A_342 = arith.addi %mul3A_340, %add3A_341 : i32
        %mul3A_343 = arith.constant 8 : i32
        %mul3A_344 = arith.muli %add3A_342, %mul3A_343 : i32
        %get3A_345 = arith.index_cast %mul3A_344 : i32 to index
        %get3A_346 = tpu.vector_load %arg5[%get3A_345] {strides = array<i32>} : memref<2072xf32, #tpu.memory_space<vmem>>, vector<16xf32>,
        %get3A_347 = vector.shape_cast %get3A_346 : vector<16xf32> to vector<16xf32>
        %select_n3A_348 = arith.select %lt3A_2, %get3A_85, %get3A_347 : vector<16xi1>, vector<16xf32>
        %swap3A_349 = arith.index_cast %add3A_342 : i32 to index
        %swap3A_350 = arith.constant 0 : index
        %swap3A_351 = tpu.vector_load %arg6[%swap3A_349, %swap3A_350] {strides = array<i32>} : memref<256x16xf32, #tpu.memory_space<vmem>>, vector<1x16xf32>,
        %swap3A_352 = vector.shape_cast %swap3A_351 : vector<1x16xf32> to vector<16xf32>
        %swap3A_353 = vector.shape_cast %select_n3A_348 : vector<16xf32> to vector<1x16xf32>
        tpu.vector_store %arg6[%swap3A_349, %swap3A_350], %swap3A_353 {strides = array<i32>} : memref<256x16xf32, #tpu.memory_space<vmem>>, vector<1x16xf32>,
        %mul3A_354 = arith.constant 16 : i32
        %mul3A_355 = arith.muli %scan3A_129, %mul3A_354 : i32
        %add3A_356 = arith.constant 15 : i32
        %add3A_357 = arith.addi %mul3A_355, %add3A_356 : i32
        %mul3A_358 = arith.constant 8 : i32
        %mul3A_359 = arith.muli %add3A_357, %mul3A_358 : i32
        %get3A_360 = arith.index_cast %mul3A_359 : i32 to index
        %get3A_361 = tpu.vector_load %arg5[%get3A_360] {strides = array<i32>} : memref<2072xf32, #tpu.memory_space<vmem>>, vector<16xf32>,
        %get3A_362 = vector.shape_cast %get3A_361 : vector<16xf32> to vector<16xf32>
        %select_n3A_363 = arith.select %lt3A_2, %get3A_85, %get3A_362 : vector<16xi1>, vector<16xf32>
        %swap3A_364 = arith.index_cast %add3A_357 : i32 to index
        %swap3A_365 = arith.constant 0 : index
        %swap3A_366 = tpu.vector_load %arg6[%swap3A_364, %swap3A_365] {strides = array<i32>} : memref<256x16xf32, #tpu.memory_space<vmem>>, vector<1x16xf32>,
        %swap3A_367 = vector.shape_cast %swap3A_366 : vector<1x16xf32> to vector<16xf32>
        %swap3A_368 = vector.shape_cast %select_n3A_363 : vector<16xf32> to vector<1x16xf32>
        tpu.vector_store %arg6[%swap3A_364, %swap3A_365], %swap3A_368 {strides = array<i32>} : memref<256x16xf32, #tpu.memory_space<vmem>>, vector<1x16xf32>,
      }
      %scan3A_91 = arith.constant 16 : i32
      %mul3A_92 = arith.constant 64 : i32
      %mul3A_93 = arith.muli %add3A, %mul3A_92 : i32
      %add3A_94 = arith.addi %mul3A_93, %add3A_79 : i32
      %mul3A_95 = arith.constant 256 : i32
      %mul3A_96 = arith.muli %add3A_94, %mul3A_95 : i32
      %dma_start3A = arith.constant 0 : i32
      %dma_start3A_97 = tpu.memref_slice %arg3[%mul3A_96, %dma_start3A] : memref<524288x16xf32, #tpu.memory_space<hbm>> -> memref<256x16xf32, #tpu.memory_space<hbm>>
      %dma_start3A_98 = arith.constant 0 : i32
      %dma_start3A_99 = tpu.memref_slice %arg3[%mul3A_96, %dma_start3A_98] : memref<524288x16xf32, #tpu.memory_space<hbm>> -> memref<256x16xf32, #tpu.memory_space<hbm>>
      tpu.enqueue_dma source(%arg6 : memref<256x16xf32, #tpu.memory_space<vmem>>) target(%dma_start3A_99 : memref<256x16xf32, #tpu.memory_space<hbm>>) target_semaphore(%arg8 : memref<!tpu.dma_semaphore, #tpu.memory_space<semaphore_mem>>)
      %mul3A_100 = arith.constant 2 : i32
      %mul3A_101 = arith.muli %scan3A_75, %mul3A_100 : i32
      %add3A_102 = arith.constant 1 : i32
      %add3A_103 = arith.addi %mul3A_101, %add3A_102 : i32
      %ge3A_104 = arith.constant 1 : i32
      %ge3A_105 = arith.cmpi sge, %scan3A_75, %ge3A_104 : i32
      %convert_element_type3A_106 = arith.extui %ge3A_105 : i1 to i32
      %cond3A_107 = arith.constant 0 : i32
      %cond3A_108 = arith.cmpi ne, %convert_element_type3A_106, %cond3A_107 : i32
      scf.if %cond3A_108 {
        %sub3A_129 = arith.constant 2 : i32
        %sub3A_130 = arith.subi %add3A_103, %sub3A_129 : i32
        %mul3A_131 = arith.constant 64 : i32
        %mul3A_132 = arith.muli %add3A, %mul3A_131 : i32
        %add3A_133 = arith.addi %mul3A_132, %sub3A_130 : i32
        %mul3A_134 = arith.constant 256 : i32
        %mul3A_135 = arith.muli %add3A_133, %mul3A_134 : i32
        %dma_wait3A_136 = arith.constant 0 : i32
        %dma_wait3A_137 = tpu.memref_slice %arg3[%mul3A_135, %dma_wait3A_136] : memref<524288x16xf32, #tpu.memory_space<hbm>> -> memref<256x16xf32, #tpu.memory_space<hbm>>
        %dma_wait3A_138 = arith.constant 0 : i32
        %dma_wait3A_139 = tpu.memref_slice %arg3[%mul3A_135, %dma_wait3A_138] : memref<524288x16xf32, #tpu.memory_space<hbm>> -> memref<256x16xf32, #tpu.memory_space<hbm>>
        tpu.wait_dma2 semaphore(%arg9 : memref<!tpu.dma_semaphore, #tpu.memory_space<semaphore_mem>>) src(%arg7 : memref<256x16xf32, #tpu.memory_space<vmem>>) dst(%dma_wait3A_139 : memref<256x16xf32, #tpu.memory_space<hbm>>)
      } else {
      }
      %mul3A_109 = arith.constant 8 : i32
      %mul3A_110 = arith.muli %add3A_103, %mul3A_109 : i32
      %get3A_111 = arith.index_cast %mul3A_110 : i32 to index
      %get3A_112 = tpu.vector_load %arg4[%get3A_111] {strides = array<i32>} : memref<528xf32, #tpu.memory_space<vmem>>, vector<16xf32>,
      %get3A_113 = vector.shape_cast %get3A_112 : vector<16xf32> to vector<16xf32>
      %scan3A_114 = arith.constant 0 : i32
      %scan3A_115 = arith.constant 0 : i32
      %scan3A_116 = arith.constant 16 : i32
      %scan3A_117 = arith.addi %scan3A_115, %scan3A_116 : i32
      %scan3A_118 = arith.constant 1 : i32
      scf.for %scan3A_129 = %scan3A_115 to %scan3A_117 step %scan3A_118  : i32 {
        %mul3A_130 = arith.constant 16 : i32
        %mul3A_131 = arith.muli %scan3A_129, %mul3A_130 : i32
        %add3A_132 = arith.constant 0 : i32
        %add3A_133 = arith.addi %mul3A_131, %add3A_132 : i32
        %mul3A_134 = arith.constant 8 : i32
        %mul3A_135 = arith.muli %add3A_133, %mul3A_134 : i32
        %get3A_136 = arith.index_cast %mul3A_135 : i32 to index
        %get3A_137 = tpu.vector_load %arg5[%get3A_136] {strides = array<i32>} : memref<2072xf32, #tpu.memory_space<vmem>>, vector<16xf32>,
        %get3A_138 = vector.shape_cast %get3A_137 : vector<16xf32> to vector<16xf32>
        %select_n3A_139 = arith.select %lt3A_2, %get3A_113, %get3A_138 : vector<16xi1>, vector<16xf32>
        %swap3A = arith.index_cast %add3A_133 : i32 to index
        %swap3A_140 = arith.constant 0 : index
        %swap3A_141 = tpu.vector_load %arg7[%swap3A, %swap3A_140] {strides = array<i32>} : memref<256x16xf32, #tpu.memory_space<vmem>>, vector<1x16xf32>,
        %swap3A_142 = vector.shape_cast %swap3A_141 : vector<1x16xf32> to vector<16xf32>
        %swap3A_143 = vector.shape_cast %select_n3A_139 : vector<16xf32> to vector<1x16xf32>
        tpu.vector_store %arg7[%swap3A, %swap3A_140], %swap3A_143 {strides = array<i32>} : memref<256x16xf32, #tpu.memory_space<vmem>>, vector<1x16xf32>,
        %mul3A_144 = arith.constant 16 : i32
        %mul3A_145 = arith.muli %scan3A_129, %mul3A_144 : i32
        %add3A_146 = arith.constant 1 : i32
        %add3A_147 = arith.addi %mul3A_145, %add3A_146 : i32
        %mul3A_148 = arith.constant 8 : i32
        %mul3A_149 = arith.muli %add3A_147, %mul3A_148 : i32
        %get3A_150 = arith.index_cast %mul3A_149 : i32 to index
        %get3A_151 = tpu.vector_load %arg5[%get3A_150] {strides = array<i32>} : memref<2072xf32, #tpu.memory_space<vmem>>, vector<16xf32>,
        %get3A_152 = vector.shape_cast %get3A_151 : vector<16xf32> to vector<16xf32>
        %select_n3A_153 = arith.select %lt3A_2, %get3A_113, %get3A_152 : vector<16xi1>, vector<16xf32>
        %swap3A_154 = arith.index_cast %add3A_147 : i32 to index
        %swap3A_155 = arith.constant 0 : index
        %swap3A_156 = tpu.vector_load %arg7[%swap3A_154, %swap3A_155] {strides = array<i32>} : memref<256x16xf32, #tpu.memory_space<vmem>>, vector<1x16xf32>,
        %swap3A_157 = vector.shape_cast %swap3A_156 : vector<1x16xf32> to vector<16xf32>
        %swap3A_158 = vector.shape_cast %select_n3A_153 : vector<16xf32> to vector<1x16xf32>
        tpu.vector_store %arg7[%swap3A_154, %swap3A_155], %swap3A_158 {strides = array<i32>} : memref<256x16xf32, #tpu.memory_space<vmem>>, vector<1x16xf32>,
        %mul3A_159 = arith.constant 16 : i32
        %mul3A_160 = arith.muli %scan3A_129, %mul3A_159 : i32
        %add3A_161 = arith.constant 2 : i32
        %add3A_162 = arith.addi %mul3A_160, %add3A_161 : i32
        %mul3A_163 = arith.constant 8 : i32
        %mul3A_164 = arith.muli %add3A_162, %mul3A_163 : i32
        %get3A_165 = arith.index_cast %mul3A_164 : i32 to index
        %get3A_166 = tpu.vector_load %arg5[%get3A_165] {strides = array<i32>} : memref<2072xf32, #tpu.memory_space<vmem>>, vector<16xf32>,
        %get3A_167 = vector.shape_cast %get3A_166 : vector<16xf32> to vector<16xf32>
        %select_n3A_168 = arith.select %lt3A_2, %get3A_113, %get3A_167 : vector<16xi1>, vector<16xf32>
        %swap3A_169 = arith.index_cast %add3A_162 : i32 to index
        %swap3A_170 = arith.constant 0 : index
        %swap3A_171 = tpu.vector_load %arg7[%swap3A_169, %swap3A_170] {strides = array<i32>} : memref<256x16xf32, #tpu.memory_space<vmem>>, vector<1x16xf32>,
        %swap3A_172 = vector.shape_cast %swap3A_171 : vector<1x16xf32> to vector<16xf32>
        %swap3A_173 = vector.shape_cast %select_n3A_168 : vector<16xf32> to vector<1x16xf32>
        tpu.vector_store %arg7[%swap3A_169, %swap3A_170], %swap3A_173 {strides = array<i32>} : memref<256x16xf32, #tpu.memory_space<vmem>>, vector<1x16xf32>,
        %mul3A_174 = arith.constant 16 : i32
        %mul3A_175 = arith.muli %scan3A_129, %mul3A_174 : i32
        %add3A_176 = arith.constant 3 : i32
        %add3A_177 = arith.addi %mul3A_175, %add3A_176 : i32
        %mul3A_178 = arith.constant 8 : i32
        %mul3A_179 = arith.muli %add3A_177, %mul3A_178 : i32
        %get3A_180 = arith.index_cast %mul3A_179 : i32 to index
        %get3A_181 = tpu.vector_load %arg5[%get3A_180] {strides = array<i32>} : memref<2072xf32, #tpu.memory_space<vmem>>, vector<16xf32>,
        %get3A_182 = vector.shape_cast %get3A_181 : vector<16xf32> to vector<16xf32>
        %select_n3A_183 = arith.select %lt3A_2, %get3A_113, %get3A_182 : vector<16xi1>, vector<16xf32>
        %swap3A_184 = arith.index_cast %add3A_177 : i32 to index
        %swap3A_185 = arith.constant 0 : index
        %swap3A_186 = tpu.vector_load %arg7[%swap3A_184, %swap3A_185] {strides = array<i32>} : memref<256x16xf32, #tpu.memory_space<vmem>>, vector<1x16xf32>,
        %swap3A_187 = vector.shape_cast %swap3A_186 : vector<1x16xf32> to vector<16xf32>
        %swap3A_188 = vector.shape_cast %select_n3A_183 : vector<16xf32> to vector<1x16xf32>
        tpu.vector_store %arg7[%swap3A_184, %swap3A_185], %swap3A_188 {strides = array<i32>} : memref<256x16xf32, #tpu.memory_space<vmem>>, vector<1x16xf32>,
        %mul3A_189 = arith.constant 16 : i32
        %mul3A_190 = arith.muli %scan3A_129, %mul3A_189 : i32
        %add3A_191 = arith.constant 4 : i32
        %add3A_192 = arith.addi %mul3A_190, %add3A_191 : i32
        %mul3A_193 = arith.constant 8 : i32
        %mul3A_194 = arith.muli %add3A_192, %mul3A_193 : i32
        %get3A_195 = arith.index_cast %mul3A_194 : i32 to index
        %get3A_196 = tpu.vector_load %arg5[%get3A_195] {strides = array<i32>} : memref<2072xf32, #tpu.memory_space<vmem>>, vector<16xf32>,
        %get3A_197 = vector.shape_cast %get3A_196 : vector<16xf32> to vector<16xf32>
        %select_n3A_198 = arith.select %lt3A_2, %get3A_113, %get3A_197 : vector<16xi1>, vector<16xf32>
        %swap3A_199 = arith.index_cast %add3A_192 : i32 to index
        %swap3A_200 = arith.constant 0 : index
        %swap3A_201 = tpu.vector_load %arg7[%swap3A_199, %swap3A_200] {strides = array<i32>} : memref<256x16xf32, #tpu.memory_space<vmem>>, vector<1x16xf32>,
        %swap3A_202 = vector.shape_cast %swap3A_201 : vector<1x16xf32> to vector<16xf32>
        %swap3A_203 = vector.shape_cast %select_n3A_198 : vector<16xf32> to vector<1x16xf32>
        tpu.vector_store %arg7[%swap3A_199, %swap3A_200], %swap3A_203 {strides = array<i32>} : memref<256x16xf32, #tpu.memory_space<vmem>>, vector<1x16xf32>,
        %mul3A_204 = arith.constant 16 : i32
        %mul3A_205 = arith.muli %scan3A_129, %mul3A_204 : i32
        %add3A_206 = arith.constant 5 : i32
        %add3A_207 = arith.addi %mul3A_205, %add3A_206 : i32
        %mul3A_208 = arith.constant 8 : i32
        %mul3A_209 = arith.muli %add3A_207, %mul3A_208 : i32
        %get3A_210 = arith.index_cast %mul3A_209 : i32 to index
        %get3A_211 = tpu.vector_load %arg5[%get3A_210] {strides = array<i32>} : memref<2072xf32, #tpu.memory_space<vmem>>, vector<16xf32>,
        %get3A_212 = vector.shape_cast %get3A_211 : vector<16xf32> to vector<16xf32>
        %select_n3A_213 = arith.select %lt3A_2, %get3A_113, %get3A_212 : vector<16xi1>, vector<16xf32>
        %swap3A_214 = arith.index_cast %add3A_207 : i32 to index
        %swap3A_215 = arith.constant 0 : index
        %swap3A_216 = tpu.vector_load %arg7[%swap3A_214, %swap3A_215] {strides = array<i32>} : memref<256x16xf32, #tpu.memory_space<vmem>>, vector<1x16xf32>,
        %swap3A_217 = vector.shape_cast %swap3A_216 : vector<1x16xf32> to vector<16xf32>
        %swap3A_218 = vector.shape_cast %select_n3A_213 : vector<16xf32> to vector<1x16xf32>
        tpu.vector_store %arg7[%swap3A_214, %swap3A_215], %swap3A_218 {strides = array<i32>} : memref<256x16xf32, #tpu.memory_space<vmem>>, vector<1x16xf32>,
        %mul3A_219 = arith.constant 16 : i32
        %mul3A_220 = arith.muli %scan3A_129, %mul3A_219 : i32
        %add3A_221 = arith.constant 6 : i32
        %add3A_222 = arith.addi %mul3A_220, %add3A_221 : i32
        %mul3A_223 = arith.constant 8 : i32
        %mul3A_224 = arith.muli %add3A_222, %mul3A_223 : i32
        %get3A_225 = arith.index_cast %mul3A_224 : i32 to index
        %get3A_226 = tpu.vector_load %arg5[%get3A_225] {strides = array<i32>} : memref<2072xf32, #tpu.memory_space<vmem>>, vector<16xf32>,
        %get3A_227 = vector.shape_cast %get3A_226 : vector<16xf32> to vector<16xf32>
        %select_n3A_228 = arith.select %lt3A_2, %get3A_113, %get3A_227 : vector<16xi1>, vector<16xf32>
        %swap3A_229 = arith.index_cast %add3A_222 : i32 to index
        %swap3A_230 = arith.constant 0 : index
        %swap3A_231 = tpu.vector_load %arg7[%swap3A_229, %swap3A_230] {strides = array<i32>} : memref<256x16xf32, #tpu.memory_space<vmem>>, vector<1x16xf32>,
        %swap3A_232 = vector.shape_cast %swap3A_231 : vector<1x16xf32> to vector<16xf32>
        %swap3A_233 = vector.shape_cast %select_n3A_228 : vector<16xf32> to vector<1x16xf32>
        tpu.vector_store %arg7[%swap3A_229, %swap3A_230], %swap3A_233 {strides = array<i32>} : memref<256x16xf32, #tpu.memory_space<vmem>>, vector<1x16xf32>,
        %mul3A_234 = arith.constant 16 : i32
        %mul3A_235 = arith.muli %scan3A_129, %mul3A_234 : i32
        %add3A_236 = arith.constant 7 : i32
        %add3A_237 = arith.addi %mul3A_235, %add3A_236 : i32
        %mul3A_238 = arith.constant 8 : i32
        %mul3A_239 = arith.muli %add3A_237, %mul3A_238 : i32
        %get3A_240 = arith.index_cast %mul3A_239 : i32 to index
        %get3A_241 = tpu.vector_load %arg5[%get3A_240] {strides = array<i32>} : memref<2072xf32, #tpu.memory_space<vmem>>, vector<16xf32>,
        %get3A_242 = vector.shape_cast %get3A_241 : vector<16xf32> to vector<16xf32>
        %select_n3A_243 = arith.select %lt3A_2, %get3A_113, %get3A_242 : vector<16xi1>, vector<16xf32>
        %swap3A_244 = arith.index_cast %add3A_237 : i32 to index
        %swap3A_245 = arith.constant 0 : index
        %swap3A_246 = tpu.vector_load %arg7[%swap3A_244, %swap3A_245] {strides = array<i32>} : memref<256x16xf32, #tpu.memory_space<vmem>>, vector<1x16xf32>,
        %swap3A_247 = vector.shape_cast %swap3A_246 : vector<1x16xf32> to vector<16xf32>
        %swap3A_248 = vector.shape_cast %select_n3A_243 : vector<16xf32> to vector<1x16xf32>
        tpu.vector_store %arg7[%swap3A_244, %swap3A_245], %swap3A_248 {strides = array<i32>} : memref<256x16xf32, #tpu.memory_space<vmem>>, vector<1x16xf32>,
        %mul3A_249 = arith.constant 16 : i32
        %mul3A_250 = arith.muli %scan3A_129, %mul3A_249 : i32
        %add3A_251 = arith.constant 8 : i32
        %add3A_252 = arith.addi %mul3A_250, %add3A_251 : i32
        %mul3A_253 = arith.constant 8 : i32
        %mul3A_254 = arith.muli %add3A_252, %mul3A_253 : i32
        %get3A_255 = arith.index_cast %mul3A_254 : i32 to index
        %get3A_256 = tpu.vector_load %arg5[%get3A_255] {strides = array<i32>} : memref<2072xf32, #tpu.memory_space<vmem>>, vector<16xf32>,
        %get3A_257 = vector.shape_cast %get3A_256 : vector<16xf32> to vector<16xf32>
        %select_n3A_258 = arith.select %lt3A_2, %get3A_113, %get3A_257 : vector<16xi1>, vector<16xf32>
        %swap3A_259 = arith.index_cast %add3A_252 : i32 to index
        %swap3A_260 = arith.constant 0 : index
        %swap3A_261 = tpu.vector_load %arg7[%swap3A_259, %swap3A_260] {strides = array<i32>} : memref<256x16xf32, #tpu.memory_space<vmem>>, vector<1x16xf32>,
        %swap3A_262 = vector.shape_cast %swap3A_261 : vector<1x16xf32> to vector<16xf32>
        %swap3A_263 = vector.shape_cast %select_n3A_258 : vector<16xf32> to vector<1x16xf32>
        tpu.vector_store %arg7[%swap3A_259, %swap3A_260], %swap3A_263 {strides = array<i32>} : memref<256x16xf32, #tpu.memory_space<vmem>>, vector<1x16xf32>,
        %mul3A_264 = arith.constant 16 : i32
        %mul3A_265 = arith.muli %scan3A_129, %mul3A_264 : i32
        %add3A_266 = arith.constant 9 : i32
        %add3A_267 = arith.addi %mul3A_265, %add3A_266 : i32
        %mul3A_268 = arith.constant 8 : i32
        %mul3A_269 = arith.muli %add3A_267, %mul3A_268 : i32
        %get3A_270 = arith.index_cast %mul3A_269 : i32 to index
        %get3A_271 = tpu.vector_load %arg5[%get3A_270] {strides = array<i32>} : memref<2072xf32, #tpu.memory_space<vmem>>, vector<16xf32>,
        %get3A_272 = vector.shape_cast %get3A_271 : vector<16xf32> to vector<16xf32>
        %select_n3A_273 = arith.select %lt3A_2, %get3A_113, %get3A_272 : vector<16xi1>, vector<16xf32>
        %swap3A_274 = arith.index_cast %add3A_267 : i32 to index
        %swap3A_275 = arith.constant 0 : index
        %swap3A_276 = tpu.vector_load %arg7[%swap3A_274, %swap3A_275] {strides = array<i32>} : memref<256x16xf32, #tpu.memory_space<vmem>>, vector<1x16xf32>,
        %swap3A_277 = vector.shape_cast %swap3A_276 : vector<1x16xf32> to vector<16xf32>
        %swap3A_278 = vector.shape_cast %select_n3A_273 : vector<16xf32> to vector<1x16xf32>
        tpu.vector_store %arg7[%swap3A_274, %swap3A_275], %swap3A_278 {strides = array<i32>} : memref<256x16xf32, #tpu.memory_space<vmem>>, vector<1x16xf32>,
        %mul3A_279 = arith.constant 16 : i32
        %mul3A_280 = arith.muli %scan3A_129, %mul3A_279 : i32
        %add3A_281 = arith.constant 10 : i32
        %add3A_282 = arith.addi %mul3A_280, %add3A_281 : i32
        %mul3A_283 = arith.constant 8 : i32
        %mul3A_284 = arith.muli %add3A_282, %mul3A_283 : i32
        %get3A_285 = arith.index_cast %mul3A_284 : i32 to index
        %get3A_286 = tpu.vector_load %arg5[%get3A_285] {strides = array<i32>} : memref<2072xf32, #tpu.memory_space<vmem>>, vector<16xf32>,
        %get3A_287 = vector.shape_cast %get3A_286 : vector<16xf32> to vector<16xf32>
        %select_n3A_288 = arith.select %lt3A_2, %get3A_113, %get3A_287 : vector<16xi1>, vector<16xf32>
        %swap3A_289 = arith.index_cast %add3A_282 : i32 to index
        %swap3A_290 = arith.constant 0 : index
        %swap3A_291 = tpu.vector_load %arg7[%swap3A_289, %swap3A_290] {strides = array<i32>} : memref<256x16xf32, #tpu.memory_space<vmem>>, vector<1x16xf32>,
        %swap3A_292 = vector.shape_cast %swap3A_291 : vector<1x16xf32> to vector<16xf32>
        %swap3A_293 = vector.shape_cast %select_n3A_288 : vector<16xf32> to vector<1x16xf32>
        tpu.vector_store %arg7[%swap3A_289, %swap3A_290], %swap3A_293 {strides = array<i32>} : memref<256x16xf32, #tpu.memory_space<vmem>>, vector<1x16xf32>,
        %mul3A_294 = arith.constant 16 : i32
        %mul3A_295 = arith.muli %scan3A_129, %mul3A_294 : i32
        %add3A_296 = arith.constant 11 : i32
        %add3A_297 = arith.addi %mul3A_295, %add3A_296 : i32
        %mul3A_298 = arith.constant 8 : i32
        %mul3A_299 = arith.muli %add3A_297, %mul3A_298 : i32
        %get3A_300 = arith.index_cast %mul3A_299 : i32 to index
        %get3A_301 = tpu.vector_load %arg5[%get3A_300] {strides = array<i32>} : memref<2072xf32, #tpu.memory_space<vmem>>, vector<16xf32>,
        %get3A_302 = vector.shape_cast %get3A_301 : vector<16xf32> to vector<16xf32>
        %select_n3A_303 = arith.select %lt3A_2, %get3A_113, %get3A_302 : vector<16xi1>, vector<16xf32>
        %swap3A_304 = arith.index_cast %add3A_297 : i32 to index
        %swap3A_305 = arith.constant 0 : index
        %swap3A_306 = tpu.vector_load %arg7[%swap3A_304, %swap3A_305] {strides = array<i32>} : memref<256x16xf32, #tpu.memory_space<vmem>>, vector<1x16xf32>,
        %swap3A_307 = vector.shape_cast %swap3A_306 : vector<1x16xf32> to vector<16xf32>
        %swap3A_308 = vector.shape_cast %select_n3A_303 : vector<16xf32> to vector<1x16xf32>
        tpu.vector_store %arg7[%swap3A_304, %swap3A_305], %swap3A_308 {strides = array<i32>} : memref<256x16xf32, #tpu.memory_space<vmem>>, vector<1x16xf32>,
        %mul3A_309 = arith.constant 16 : i32
        %mul3A_310 = arith.muli %scan3A_129, %mul3A_309 : i32
        %add3A_311 = arith.constant 12 : i32
        %add3A_312 = arith.addi %mul3A_310, %add3A_311 : i32
        %mul3A_313 = arith.constant 8 : i32
        %mul3A_314 = arith.muli %add3A_312, %mul3A_313 : i32
        %get3A_315 = arith.index_cast %mul3A_314 : i32 to index
        %get3A_316 = tpu.vector_load %arg5[%get3A_315] {strides = array<i32>} : memref<2072xf32, #tpu.memory_space<vmem>>, vector<16xf32>,
        %get3A_317 = vector.shape_cast %get3A_316 : vector<16xf32> to vector<16xf32>
        %select_n3A_318 = arith.select %lt3A_2, %get3A_113, %get3A_317 : vector<16xi1>, vector<16xf32>
        %swap3A_319 = arith.index_cast %add3A_312 : i32 to index
        %swap3A_320 = arith.constant 0 : index
        %swap3A_321 = tpu.vector_load %arg7[%swap3A_319, %swap3A_320] {strides = array<i32>} : memref<256x16xf32, #tpu.memory_space<vmem>>, vector<1x16xf32>,
        %swap3A_322 = vector.shape_cast %swap3A_321 : vector<1x16xf32> to vector<16xf32>
        %swap3A_323 = vector.shape_cast %select_n3A_318 : vector<16xf32> to vector<1x16xf32>
        tpu.vector_store %arg7[%swap3A_319, %swap3A_320], %swap3A_323 {strides = array<i32>} : memref<256x16xf32, #tpu.memory_space<vmem>>, vector<1x16xf32>,
        %mul3A_324 = arith.constant 16 : i32
        %mul3A_325 = arith.muli %scan3A_129, %mul3A_324 : i32
        %add3A_326 = arith.constant 13 : i32
        %add3A_327 = arith.addi %mul3A_325, %add3A_326 : i32
        %mul3A_328 = arith.constant 8 : i32
        %mul3A_329 = arith.muli %add3A_327, %mul3A_328 : i32
        %get3A_330 = arith.index_cast %mul3A_329 : i32 to index
        %get3A_331 = tpu.vector_load %arg5[%get3A_330] {strides = array<i32>} : memref<2072xf32, #tpu.memory_space<vmem>>, vector<16xf32>,
        %get3A_332 = vector.shape_cast %get3A_331 : vector<16xf32> to vector<16xf32>
        %select_n3A_333 = arith.select %lt3A_2, %get3A_113, %get3A_332 : vector<16xi1>, vector<16xf32>
        %swap3A_334 = arith.index_cast %add3A_327 : i32 to index
        %swap3A_335 = arith.constant 0 : index
        %swap3A_336 = tpu.vector_load %arg7[%swap3A_334, %swap3A_335] {strides = array<i32>} : memref<256x16xf32, #tpu.memory_space<vmem>>, vector<1x16xf32>,
        %swap3A_337 = vector.shape_cast %swap3A_336 : vector<1x16xf32> to vector<16xf32>
        %swap3A_338 = vector.shape_cast %select_n3A_333 : vector<16xf32> to vector<1x16xf32>
        tpu.vector_store %arg7[%swap3A_334, %swap3A_335], %swap3A_338 {strides = array<i32>} : memref<256x16xf32, #tpu.memory_space<vmem>>, vector<1x16xf32>,
        %mul3A_339 = arith.constant 16 : i32
        %mul3A_340 = arith.muli %scan3A_129, %mul3A_339 : i32
        %add3A_341 = arith.constant 14 : i32
        %add3A_342 = arith.addi %mul3A_340, %add3A_341 : i32
        %mul3A_343 = arith.constant 8 : i32
        %mul3A_344 = arith.muli %add3A_342, %mul3A_343 : i32
        %get3A_345 = arith.index_cast %mul3A_344 : i32 to index
        %get3A_346 = tpu.vector_load %arg5[%get3A_345] {strides = array<i32>} : memref<2072xf32, #tpu.memory_space<vmem>>, vector<16xf32>,
        %get3A_347 = vector.shape_cast %get3A_346 : vector<16xf32> to vector<16xf32>
        %select_n3A_348 = arith.select %lt3A_2, %get3A_113, %get3A_347 : vector<16xi1>, vector<16xf32>
        %swap3A_349 = arith.index_cast %add3A_342 : i32 to index
        %swap3A_350 = arith.constant 0 : index
        %swap3A_351 = tpu.vector_load %arg7[%swap3A_349, %swap3A_350] {strides = array<i32>} : memref<256x16xf32, #tpu.memory_space<vmem>>, vector<1x16xf32>,
        %swap3A_352 = vector.shape_cast %swap3A_351 : vector<1x16xf32> to vector<16xf32>
        %swap3A_353 = vector.shape_cast %select_n3A_348 : vector<16xf32> to vector<1x16xf32>
        tpu.vector_store %arg7[%swap3A_349, %swap3A_350], %swap3A_353 {strides = array<i32>} : memref<256x16xf32, #tpu.memory_space<vmem>>, vector<1x16xf32>,
        %mul3A_354 = arith.constant 16 : i32
        %mul3A_355 = arith.muli %scan3A_129, %mul3A_354 : i32
        %add3A_356 = arith.constant 15 : i32
        %add3A_357 = arith.addi %mul3A_355, %add3A_356 : i32
        %mul3A_358 = arith.constant 8 : i32
        %mul3A_359 = arith.muli %add3A_357, %mul3A_358 : i32
        %get3A_360 = arith.index_cast %mul3A_359 : i32 to index
        %get3A_361 = tpu.vector_load %arg5[%get3A_360] {strides = array<i32>} : memref<2072xf32, #tpu.memory_space<vmem>>, vector<16xf32>,
        %get3A_362 = vector.shape_cast %get3A_361 : vector<16xf32> to vector<16xf32>
        %select_n3A_363 = arith.select %lt3A_2, %get3A_113, %get3A_362 : vector<16xi1>, vector<16xf32>
        %swap3A_364 = arith.index_cast %add3A_357 : i32 to index
        %swap3A_365 = arith.constant 0 : index
        %swap3A_366 = tpu.vector_load %arg7[%swap3A_364, %swap3A_365] {strides = array<i32>} : memref<256x16xf32, #tpu.memory_space<vmem>>, vector<1x16xf32>,
        %swap3A_367 = vector.shape_cast %swap3A_366 : vector<1x16xf32> to vector<16xf32>
        %swap3A_368 = vector.shape_cast %select_n3A_363 : vector<16xf32> to vector<1x16xf32>
        tpu.vector_store %arg7[%swap3A_364, %swap3A_365], %swap3A_368 {strides = array<i32>} : memref<256x16xf32, #tpu.memory_space<vmem>>, vector<1x16xf32>,
      }
      %scan3A_119 = arith.constant 16 : i32
      %mul3A_120 = arith.constant 64 : i32
      %mul3A_121 = arith.muli %add3A, %mul3A_120 : i32
      %add3A_122 = arith.addi %mul3A_121, %add3A_103 : i32
      %mul3A_123 = arith.constant 256 : i32
      %mul3A_124 = arith.muli %add3A_122, %mul3A_123 : i32
      %dma_start3A_125 = arith.constant 0 : i32
      %dma_start3A_126 = tpu.memref_slice %arg3[%mul3A_124, %dma_start3A_125] : memref<524288x16xf32, #tpu.memory_space<hbm>> -> memref<256x16xf32, #tpu.memory_space<hbm>>
      %dma_start3A_127 = arith.constant 0 : i32
      %dma_start3A_128 = tpu.memref_slice %arg3[%mul3A_124, %dma_start3A_127] : memref<524288x16xf32, #tpu.memory_space<hbm>> -> memref<256x16xf32, #tpu.memory_space<hbm>>
      tpu.enqueue_dma source(%arg7 : memref<256x16xf32, #tpu.memory_space<vmem>>) target(%dma_start3A_128 : memref<256x16xf32, #tpu.memory_space<hbm>>) target_semaphore(%arg9 : memref<!tpu.dma_semaphore, #tpu.memory_space<semaphore_mem>>)
    }
    %scan3A_55 = arith.constant 32 : i32
    %mul3A_56 = arith.constant 64 : i32
    %mul3A_57 = arith.muli %add3A, %mul3A_56 : i32
    %add3A_58 = arith.constant 62 : i32
    %add3A_59 = arith.addi %mul3A_57, %add3A_58 : i32
    %mul3A_60 = arith.constant 256 : i32
    %mul3A_61 = arith.muli %add3A_59, %mul3A_60 : i32
    %dma_wait3A = arith.constant 0 : i32
    %dma_wait3A_62 = tpu.memref_slice %arg3[%mul3A_61, %dma_wait3A] : memref<524288x16xf32, #tpu.memory_space<hbm>> -> memref<256x16xf32, #tpu.memory_space<hbm>>
    %dma_wait3A_63 = arith.constant 0 : i32
    %dma_wait3A_64 = tpu.memref_slice %arg3[%mul3A_61, %dma_wait3A_63] : memref<524288x16xf32, #tpu.memory_space<hbm>> -> memref<256x16xf32, #tpu.memory_space<hbm>>
    tpu.wait_dma2 semaphore(%arg8 : memref<!tpu.dma_semaphore, #tpu.memory_space<semaphore_mem>>) src(%arg6 : memref<256x16xf32, #tpu.memory_space<vmem>>) dst(%dma_wait3A_64 : memref<256x16xf32, #tpu.memory_space<hbm>>)
    %mul3A_65 = arith.constant 64 : i32
    %mul3A_66 = arith.muli %add3A, %mul3A_65 : i32
    %add3A_67 = arith.constant 63 : i32
    %add3A_68 = arith.addi %mul3A_66, %add3A_67 : i32
    %mul3A_69 = arith.constant 256 : i32
    %mul3A_70 = arith.muli %add3A_68, %mul3A_69 : i32
    %dma_wait3A_71 = arith.constant 0 : i32
    %dma_wait3A_72 = tpu.memref_slice %arg3[%mul3A_70, %dma_wait3A_71] : memref<524288x16xf32, #tpu.memory_space<hbm>> -> memref<256x16xf32, #tpu.memory_space<hbm>>
    %dma_wait3A_73 = arith.constant 0 : i32
    %dma_wait3A_74 = tpu.memref_slice %arg3[%mul3A_70, %dma_wait3A_73] : memref<524288x16xf32, #tpu.memory_space<hbm>> -> memref<256x16xf32, #tpu.memory_space<hbm>>
    tpu.wait_dma2 semaphore(%arg9 : memref<!tpu.dma_semaphore, #tpu.memory_space<semaphore_mem>>) src(%arg7 : memref<256x16xf32, #tpu.memory_space<vmem>>) dst(%dma_wait3A_74 : memref<256x16xf32, #tpu.memory_space<hbm>>)
    return
  }
}

</mosaic_0001>

<sc_bundles>
// kernel: kernel.4.cloned.1.call-start
scs
__scs_entry_jumppad:
0x0: {  	(pc) =	sbr.rel $0x88, $3  }
0x1: {  	(tag) =	ssettag $0x0;
	lr =	simm.s32 $0x1  }
0x2: {  	[smem:$0x3F9F] =	sst lr;
	_ =	strace $0xD0000000  }
0x3: {  	_ = 	snop  }
0x4: {  	_ = 	snop  }
0x5: {  	_ = 	snop  }
0x6: {  	_ = 	snop  }
0x7: {  	_ = 	snop  }
__scs_overlays_trampoline_lowered:
0x8: {  	[smem:$0x3FAE] =	sst s0  }
0x9: {  	[smem:$0x3FAF] =	sst s1  }
0xa: {  	[smem:$0x3FB0] =	sst s2  }
0xb: {  	[smem:$0x3FB1] =	sst s3  }
0xc: {  	[smem:$0x3FB2] =	sst s4  }
0xd: {  	[smem:$0x3FB3] =	sst s5  }
0xe: {  	[smem:$0x3FB4] =	sst s6  }
0xf: {  	[smem:$0x3FB5] =	sst s7  }
0x10: {  	[smem:$0x3FB6] =	sst s8  }
0x11: {  	[smem:$0x3FB7] =	sst s9;
	s0 =	simm.s32 @!p0 $0x0  }
0x12: {  	s1 =	sld [smem:$0x3F9D];
	s0 =	simm.s32 @p0 $0x1  }
0x13: {  	[smem:$0x3FB8] =	sst s0;
	s0 =	simm.s32 @!p1 $0x0  }
0x14: {  	s2 =	sld [smem:$0x3F9C];
	s0 =	simm.s32 @p1 $0x1  }
0x15: {  	[smem:$0x3FB9] =	sst s0;
	s0 =	simm.s32 @!p2 $0x0  }
0x16: {  	s3 =	sld [smem:$0x3FDB];
	s0 =	simm.s32 @p2 $0x1  }
0x17: {  	s4 =	simm.s32 $0x1BF5;
	[smem:$0x3FBB] =	sst s0  }
0x18: {  	s0 =	sld [smem:$0x3F9E];
	_ =	swait.ge [sflag:s4], $0x0  }
0x19: {  	s7 =	sld [smem:$0x3F9F]  }
0x1a: {  	s8 =	sadd.s32 $0xFFFFE003, lr  }
0x1b: {  	s9 =	sadd.s32 $0xFFFFFEF7, lr;
	s5 =	simm.s32 $0xFFFFFFFF;
	p2 =	slt.u32 s8, $0xFFFFF086  }
0x1c: {  	p1 =	slt.u32 s9, $0xF7A;
	s5 =	simm.s32 @!p2 $0x0  }
0x1d: {  	s5 =	simm.s32 @p1 $0x1;
	p0 =	seq.s32 s7, s2  }
0x1e: {  	s7 =	smul.u32 @!p0 $0xF7A, s2;
	p2 =	seq.s32 @!p0 s5, $0x0  }
0x1f: {  	s9 =	smul.u32 $0xF7A, s1;
	s8 =	simm.s32 @!p0 $0x1BF5;
	p2 =	por !p2, p0  }
0x20: {  	[sflag:s8] =	ssyncset.s32 @!p0 $0xFFFFF086;
	s6 =	sadd.s32 @!p0 s3, s7;
	s7 =	simm.s32 @!p0 $0x108  }
0x21: {  	s3 =	sadd.s32 s3, s9;
	s6 =	sadd.s32 @!p0 $0x88, s6;
	s7 =	simm.s32 @p2 $0x1082  }
0x22: {  	[simem:s7], [sflag:s8] =	dma.local @!p0 [hbm:s6], $0xF7A  }
0x23: {  	s9 =	sor.u32 $0xD0000000, s2;
	s6 =	simm.s32 $0x108;
	_ =	swait.ge @!p0 [sflag:s8], $0x0  }
0x24: {  	s3 =	sadd.s32 $0x88, s3;
	s6 =	simm.s32 @!p1 $0x1082;
	[sflag:s4] =	ssyncset.s32 $0xFFFFF086  }
0x25: {  	[simem:s6], [sflag:s4] =	dma.local [hbm:s3], $0xF7A  }
0x26: {  	[smem:$0x3F9F] =	sst s1;
	(tag) =	ssettag s2;
	_ =	strace s9  }
0x27: {  	s1 =	sld [smem:$0x3FAF]  }
0x28: {  	s2 =	sld [smem:$0x3FB0]  }
0x29: {  	s4 =	sld [smem:$0x3FB2]  }
0x2a: {  	p0 =	seq.s32 s5, $0x0;
	s5 =	sld [smem:$0x3FB3]  }
0x2b: {  	s6 =	sld [smem:$0x3FB4]  }
0x2c: {  	s7 =	sld [smem:$0x3FB5]  }
0x2d: {  	s3 =	simm.s32 $0x108;
	s8 =	sld [smem:$0x3FB6]  }
0x2e: {  	s3 =	simm.s32 @!p0 $0x1082;
	s9 =	sld [smem:$0x3FB7]  }
0x2f: {  	lr =	sadd.s32 s0, s3;
	s0 =	sld [smem:$0x3FAE]  }
0x30: {  	s3 =	sld [smem:$0x3FB1]  }
0x31: {  	[smem:$0x3FBA] =	sst s10  }
0x32: {  	s10 =	sld [smem:$0x3FB8];
	_ =	sdelay $0x3  }
0x33: {  	p0 =	seq.s32 s10, $0x1;
	s10 =	sld [smem:$0x3FBA];
	_ =	sdelay $0x3  }
0x34: {  	[smem:$0x3FBA] =	sst s10  }
0x35: {  	s10 =	sld [smem:$0x3FB9];
	_ =	sdelay $0x3  }
0x36: {  	p1 =	seq.s32 s10, $0x1;
	s10 =	sld [smem:$0x3FBA];
	_ =	sdelay $0x3  }
0x37: {  	[smem:$0x3FBA] =	sst s10  }
0x38: {  	s10 =	sld [smem:$0x3FBB]  }
0x39: {  	_ = 	snop;
	(pc) =	sbr.ind lr, $3  }
0x3a: {  	_ = 	snop  }
0x3b: {  	_ = 	snop  }
0x3c: {  	p2 =	seq.s32 s10, $0x1;
	s10 =	sld [smem:$0x3FBA]  }
0x3d: {  	_ =	shalt  }
0x3e: {  	_ =	shalt  }
0x3f: {  	_ =	shalt  }
0x40: {  	_ =	shalt  }
0x41: {  	_ =	shalt  }
0x42: {  	_ =	shalt  }
0x43: {  	_ =	shalt  }
0x44: {  	_ =	shalt  }
0x45: {  	_ =	shalt  }
0x46: {  	_ =	shalt  }
0x47: {  	_ =	shalt  }
0x48: {  	_ =	shalt  }
0x49: {  	_ =	shalt  }
0x4a: {  	_ =	shalt  }
0x4b: {  	_ =	shalt  }
0x4c: {  	_ =	shalt  }
0x4d: {  	_ =	shalt  }
0x4e: {  	_ =	shalt  }
0x4f: {  	_ =	shalt  }
0x50: {  	_ =	shalt  }
0x51: {  	_ =	shalt  }
0x52: {  	_ =	shalt  }
0x53: {  	_ =	shalt  }
0x54: {  	_ =	shalt  }
0x55: {  	_ =	shalt  }
0x56: {  	_ =	shalt  }
0x57: {  	_ =	shalt  }
0x58: {  	_ =	shalt  }
0x59: {  	_ =	shalt  }
0x5a: {  	_ =	shalt  }
0x5b: {  	_ =	shalt  }
0x5c: {  	_ =	shalt  }
0x5d: {  	_ =	shalt  }
0x5e: {  	_ =	shalt  }
0x5f: {  	_ =	shalt  }
0x60: {  	_ =	shalt  }
0x61: {  	_ =	shalt  }
0x62: {  	_ =	shalt  }
0x63: {  	_ =	shalt  }
0x64: {  	_ =	shalt  }
0x65: {  	_ =	shalt  }
0x66: {  	_ =	shalt  }
0x67: {  	_ =	shalt  }
0x68: {  	_ =	shalt  }
0x69: {  	_ =	shalt  }
0x6a: {  	_ =	shalt  }
0x6b: {  	_ =	shalt  }
0x6c: {  	_ =	shalt  }
0x6d: {  	_ =	shalt  }
0x6e: {  	_ =	shalt  }
0x6f: {  	_ =	shalt  }
0x70: {  	_ =	shalt  }
0x71: {  	_ =	shalt  }
0x72: {  	_ =	shalt  }
0x73: {  	_ =	shalt  }
0x74: {  	_ =	shalt  }
0x75: {  	_ =	shalt  }
0x76: {  	_ =	shalt  }
0x77: {  	_ =	shalt  }
0x78: {  	_ =	shalt  }
0x79: {  	_ =	shalt  }
0x7a: {  	_ =	shalt  }
0x7b: {  	_ =	shalt  }
0x7c: {  	_ =	shalt  }
0x7d: {  	_ =	shalt  }
0x7e: {  	_ =	shalt  }
0x7f: {  	_ =	shalt  }
0x80: {  	_ =	shalt  }
0x81: {  	_ =	shalt  }
0x82: {  	_ =	shalt  }
0x83: {  	_ =	shalt  }
0x84: {  	_ =	shalt  }
0x85: {  	_ =	shalt  }
0x86: {  	_ =	shalt  }
0x87: {  	_ =	shalt  }
.Lfunc_end0:
.L_simem_size_0:
called_computation_lowered:
.L_overlay_start_0:
0x88: {  	s2 =	sld [smem:$0x3FD9]  }
0x89: {  	s3 =	sld [smem:$0x3FFE];
	_ =	sdelay $0x1  }
0x8a: {  	s1 =	srdreg.scid  }
0x8b: {  	s0 =	sand.u32 $0x1, s1  }
0x8c: {  	s17 =	sshll.u32 s0, $0xA;
	s2 =	sadd.s32 s3, s2  }
0x8d: {  	s2 =	sadd.s32 s2, s17  }
0x8e: {  	[smem:$0x3FC6] =	sst s2  }
0x8f: {  	_ = 	snop  }
0x90: {  	s2 =	sld [smem:$0x3FD0];
	(tm) =	ssettm $0x1  }
0x91: {  	s18 =	sld [smem:$0x3FFB];
	_ =	sdelay $0x3  }
0x92: {  	_ =	strace s18  }
0x93: {  	s3 =	sld [smem:$0x3FFC];
	_ =	sdelay $0x3  }
0x94: {  	_ =	strace s3  }
0x95: {  	s3 =	sld [smem:$0x3FFD];
	_ =	sdelay $0x3  }
0x96: {  	_ =	strace s3  }
0x97: {  	_ =	strace $0x8FFFFFFF  }
0x98: {  	s19 =	sld [smem:$0x3FDB];
	_ =	sdelay $0x1  }
0x99: {  	s4 =	simm.s32 $_scs_section_size  }
0x9a: {  	s5 =	simm.s32 $_size__tile_overlayer_lowered;
	s6 =	simm.s32 $_tile_overlayer_lowered  }
0x9b: {  	s22 =	simm.s32 $0x1BFF;
	s21 =	sshll.u32 s6, $0x1;
	s3 =	sadd.s32 s4, s19  }
0x9c: {  	s7 =	simm.s32 $0x0;
	s20 =	sshll.u32 s5, $0x1;
	s5 =	sadd.s32 s21, s3  }
0x9d: {  	[timem:s7], [sflag:s22] =	dma.local [hbm:s5], s20  }
0x9e: {  	_ =	swait.ge [sflag:s22], s20  }
0x9f: {  	s4 =	ssub.s32 $0x0, s20;
	[sflag:s22] =	ssyncset.done $0x0  }
0xa0: {  	[sflag:s22] =	ssyncadd.s32 s4;
	_ =	sdelay $0x1  }
0xa1: {  	s23 =	simm.s32 $0x1B8B  }
0xa2: {  	_ =	swait.ge [sflag:s23], $0x1  }
0xa3: {  	[sflag:s23] =	ssyncset.done $0x0  }
0xa4: {  	s25 =	simm.s32 $0x1B8E;
	s24 =	sld [smem:$0x3FFE];
	[sflag:s23] =	ssyncadd.s32 $0xFFFFFFFF  }
0xa5: {  	s26 =	simm.s32 $execute0_lowered;
	[smem:$0x3FD2] =	sst s25  }
0xa6: {  	s5 =	sshll.u32 s26, $0x1;
	_ =	strace $0x80000046;
	[dreg:$0x1] =	wrdreg $0xFFFFFFFF  }
0xa7: {  	s28 =	simm.s32 $_size_execute0_lowered;
	s3 =	sadd.s32 s3, s5;
	[dreg:$0x0] =	wrdreg $0x0  }
0xa8: {  	s5 =	sshll.u32 s28, $0x1;
	[dreg:$0x2] =	wrdreg s3  }
0xa9: {  	[dreg:$0x3] =	wrdreg s5  }
0xaa: {  	[dreg:$0x4] =	wrdreg $0xC0  }
0xab: {  	_ =	task [dreg:s7], $0x5FFFF  }
0xac: {  	[dreg:$0x1] =	wrdreg $0xFFFFFFFF  }
0xad: {  	[dreg:$0x0] =	wrdreg $0x60  }
0xae: {  	[dreg:$0x2] =	wrdreg s2  }
0xaf: {  	[dreg:$0x3] =	wrdreg s24  }
0xb0: {  	[dreg:$0x4] =	wrdreg $0x9  }
0xb1: {  	_ =	task.clear_ibuf [dreg:s7], $0x5FFFF;
	_ =	strace $0x90000046  }
0xb2: {  	s29 =	simm.s32 $0x9;
	_ =	strace $0x80000048  }
0xb3: {  	_ =	swait.ge [sflag:s29], $0x1  }
0xb4: {  	[sflag:s29] =	ssyncadd.s32 $0xFFFFFFFF  }
0xb5: {  	_ =	strace $0x90000048  }
0xb6: {  	_ =	sfence  }
0xb7: {  	s30 =	sld [smem:$0x0];
	_ =	sdelay $0x2  }
0xb8: {  	s31 =	sshll.u32 s1, $0xD;
	s1 =	sshrl.u32 s1, $0x2  }
0xb9: {  	s3 =	sand.u32 $0x4000, s31;
	s1 =	sadd.s32 s1, s30  }
0xba: {  	s0 =	sor.u32 s3, s0;
	s1 =	sshll.u32 s1, $0x11  }
0xbb: {  	s0 =	sor.u32 s1, s0  }
0xbc: {  	s0 =	sadd.s32 $0x8F2B, s0  }
0xbd: {  	[sflag:s0] =	ssyncadd.remote.s32 $0x1  }
0xbe: {  	_ =	sfence.sel $0xFFFF  }
0xbf: {  	[dreg:$0x0] =	wrdreg $0xFFFFFFFF;
	(pc) =	sbr.abs _section_cstart, $3  }
0xc0: {  	[dreg:$0x1] =	wrdreg $0xFFFFFFFF  }
0xc1: {  	_ =	task.clear_ibuf [dreg:s7], $0x2FFFF;
	_ =	strace $0x9FFFFFFF  }
0xc2: {  	(tm) =	ssettm $0x7FFFFFFF  }
0xc3: {  	_ =	shalt  }
tec
execute0_lowered:
.L_overlay_start_1:
0x0: {  	(tag) =	ssettag $0x1  }
0x1: {  	s6 =	rddreg [dreg:$0x0]  }
0x2: {  	s2 =	rddreg [dreg:$0x1]  }
0x3: {  	s0 =	rddreg [dreg:$0x2];
	s1 =	simm.s32 $0x0  }
0x4: {  	s4 =	srdreg.scid;
	s11 =	simm.s32 $0x1A28;
	s12 =	simm.s32 $0x1  }
0x5: {  	s13 =	simm.s32 $0x2;
	s14 =	simm.s32 $0x0;
	[smem:$0x7FF] =	sst s1  }
0x6: {  	s3 =	sadd.s32 $0x1800, s2;
	s2 =	stileid.u32;
	s4 =	sand.u32 $0x1, s4  }
0x7: {  	_ =	strace $0x80000047;
	s7 =	sshll.u32 s2, $0x8;
	s5 =	sshll.u32 s2, $0x7  }
0x8: {  	s8 =	sshll.u32 s4, $0x6;
	s9 =	ssub.s32 $0x2, s4;
	s10 =	sand.u32 $0xE00, s7  }
0x9: {  	s4 =	sor.u32 s8, s5;
	s31 =	sshrl.u32 s9, $0x1;
	s7 =	sor.u32 $0x100, s7  }
0xa: {  	s8 =	sand.u32 $0xC0, s4;
	s10 =	sadd.s32 s6, s10;
	s9 =	ssub.s32 s9, s31  }
0xb: {  	s6 =	sadd.s32 s6, s7;
	s5 =	sadd.s32 s8, s10;
	s7 =	smax.u32 s9, $0x1  }
0xc: {  	vm0 =	vmmov $0xff;
	s8 =	simm.s32 $0x3;
	s9 =	simm.s32 $0x218;
	s10 =	simm.s32 $0xA28  }
.LBB2_1:
0xd: {  	[tilespmem:s1], [sflag:$0x3] =	stream.linear.gather [hbm4b:s5+s1], $0x200, $0x38;
	[tilespmem:$0x2A28] =	vst v63  }
0xe: {  	_ =	swait.ge [sflag:s8], $0x200  }
0xf: {  	[sflag:s8] =	ssyncset.done $0x0  }
0x10: {  	[sflag:s8] =	ssyncadd.s32 $0xFFFFFE00  }
0x11: {  	[tilespmem:s9], [sflag:$0x3] =	stream.linear.gather [hbm4b:s6+s1], $0x800, $0x38;
	[tilespmem:$0x2A28] =	vst v63  }
0x12: {  	_ =	swait.ge [sflag:s8], $0x800  }
0x13: {  	[sflag:s8] =	ssyncset.done $0x0  }
0x14: {  	s15 =	simm.s32 $0x0;
	[sflag:s8] =	ssyncadd.s32 $0xFFFFF800  }
.LBB2_2:
0x15: {  	p0 =	seq.s32 s15, $0x0  }
0x16: {  	s16 =	simm.s32 @!p0 $0x1  }
0x17: {  	_ =	swait.ge @!p0 [sflag:s16], $0x1000  }
0x18: {  	s17 =	sshll.u32 s15, $0x4;
	[sflag:s16] =	ssyncset.done @!p0 $0x0  }
0x19: {  	s31 =	sand.u32 $0x3FFFFFF0, s17;
	[sflag:s16] =	ssyncadd.s32 @!p0 $0xFFFFF000  }
0x1a: {  	s17 =	simm.s32 $0x250;
	v0 =	vld [tilespmem:s31+$0x0]  }
0x1b: {  	s18 =	simm.s32 $0x0;
	s19 =	simm.s32 $0x400;
	s16 =	sshll.u32 s15, $0x1;
	v1 =	vld [tilespmem:s17+$0xFFFFFFC0]  }
.LBB2_3:
0x1c: {  	p1 =	sne.s32 s19, $0x3C00;
	_ =	sdelay $0x3  }
0x1d: {  	s20 =	sshra.s32 s18, $0x2;
	s18 =	smov.u32 s19;
	v1 =	vsel vm0, v0, v1  }
0x1e: {  	[tilespmem:s20+$0xA28] =	vst v1  }
0x1f: {  	v1 =	vld [tilespmem:s17+$0xFFFFFFC8];
	_ =	sdelay $0x4  }
0x20: {  	v1 =	vsel vm0, v0, v1  }
0x21: {  	[tilespmem:s20+$0xA38] =	vst v1  }
0x22: {  	v1 =	vld [tilespmem:s17+$0xFFFFFFD0];
	_ =	sdelay $0x4  }
0x23: {  	v1 =	vsel vm0, v0, v1  }
0x24: {  	[tilespmem:s20+$0xA48] =	vst v1  }
0x25: {  	v1 =	vld [tilespmem:s17+$0xFFFFFFD8];
	_ =	sdelay $0x4  }
0x26: {  	v1 =	vsel vm0, v0, v1  }
0x27: {  	[tilespmem:s20+$0xA58] =	vst v1  }
0x28: {  	v1 =	vld [tilespmem:s17+$0xFFFFFFE0];
	_ =	sdelay $0x4  }
0x29: {  	v1 =	vsel vm0, v0, v1  }
0x2a: {  	[tilespmem:s20+$0xA68] =	vst v1  }
0x2b: {  	v1 =	vld [tilespmem:s17+$0xFFFFFFE8];
	_ =	sdelay $0x4  }
0x2c: {  	v1 =	vsel vm0, v0, v1  }
0x2d: {  	[tilespmem:s20+$0xA78] =	vst v1  }
0x2e: {  	v1 =	vld [tilespmem:s17+$0xFFFFFFF0];
	_ =	sdelay $0x4  }
0x2f: {  	v1 =	vsel vm0, v0, v1  }
0x30: {  	[tilespmem:s20+$0xA88] =	vst v1  }
0x31: {  	v1 =	vld [tilespmem:s17+$0xFFFFFFF8];
	_ =	sdelay $0x4  }
0x32: {  	v1 =	vsel vm0, v0, v1  }
0x33: {  	[tilespmem:s20+$0xA98] =	vst v1  }
0x34: {  	v1 =	vld [tilespmem:s17+$0x0];
	_ =	sdelay $0x4  }
0x35: {  	v1 =	vsel vm0, v0, v1  }
0x36: {  	[tilespmem:s20+$0xAA8] =	vst v1  }
0x37: {  	v1 =	vld [tilespmem:s17+$0x8];
	_ =	sdelay $0x4  }
0x38: {  	v1 =	vsel vm0, v0, v1  }
0x39: {  	[tilespmem:s20+$0xAB8] =	vst v1  }
0x3a: {  	v1 =	vld [tilespmem:s17+$0x10];
	_ =	sdelay $0x4  }
0x3b: {  	v1 =	vsel vm0, v0, v1  }
0x3c: {  	[tilespmem:s20+$0xAC8] =	vst v1  }
0x3d: {  	v1 =	vld [tilespmem:s17+$0x18];
	_ =	sdelay $0x4  }
0x3e: {  	v1 =	vsel vm0, v0, v1  }
0x3f: {  	[tilespmem:s20+$0xAD8] =	vst v1  }
0x40: {  	v1 =	vld [tilespmem:s17+$0x20];
	_ =	sdelay $0x4  }
0x41: {  	v1 =	vsel vm0, v0, v1  }
0x42: {  	[tilespmem:s20+$0xAE8] =	vst v1  }
0x43: {  	v1 =	vld [tilespmem:s17+$0x28];
	_ =	sdelay $0x4  }
0x44: {  	v1 =	vsel vm0, v0, v1  }
0x45: {  	[tilespmem:s20+$0xAF8] =	vst v1  }
0x46: {  	v1 =	vld [tilespmem:s17+$0x30];
	_ =	sdelay $0x4  }
0x47: {  	v1 =	vsel vm0, v0, v1  }
0x48: {  	[tilespmem:s20+$0xB08] =	vst v1  }
0x49: {  	v1 =	vld [tilespmem:s17+$0x38];
	_ =	sdelay $0x2  }
.Ltmp0:
0x4a: {  	(pc) =	sbr.rel @p1 .LBB2_3-.Ltmp0, $4  }
0x4b: {  	_ = 	snop  }
0x4c: {  	v1 =	vsel vm0, v0, v1  }
0x4d: {  	s17 =	sadd.s32 $0x80, s17;
	[tilespmem:s20+$0xB18] =	vst v1  }
0x4e: {  	s19 =	sadd.s32 $0x400, s19;
	v1 =	vld [tilespmem:s17+$0xFFFFFFC0]  }
0x4f: {  	_ =	sdelay $0x3  }
0x50: {  	s18 =	sshra.s32 s18, $0x2;
	v1 =	vsel vm0, v0, v1  }
0x51: {  	[tilespmem:s18+$0xA28] =	vst v1  }
0x52: {  	v1 =	vld [tilespmem:s17+$0xFFFFFFC8];
	_ =	sdelay $0x4  }
0x53: {  	v1 =	vsel vm0, v0, v1  }
0x54: {  	[tilespmem:s18+$0xA38] =	vst v1  }
0x55: {  	v1 =	vld [tilespmem:s17+$0xFFFFFFD0];
	_ =	sdelay $0x4  }
0x56: {  	v1 =	vsel vm0, v0, v1  }
0x57: {  	[tilespmem:s18+$0xA48] =	vst v1  }
0x58: {  	v1 =	vld [tilespmem:s17+$0xFFFFFFD8];
	_ =	sdelay $0x4  }
0x59: {  	v1 =	vsel vm0, v0, v1  }
0x5a: {  	[tilespmem:s18+$0xA58] =	vst v1  }
0x5b: {  	v1 =	vld [tilespmem:s17+$0xFFFFFFE0];
	_ =	sdelay $0x4  }
0x5c: {  	v1 =	vsel vm0, v0, v1  }
0x5d: {  	[tilespmem:s18+$0xA68] =	vst v1  }
0x5e: {  	v1 =	vld [tilespmem:s17+$0xFFFFFFE8];
	_ =	sdelay $0x4  }
0x5f: {  	v1 =	vsel vm0, v0, v1  }
0x60: {  	[tilespmem:s18+$0xA78] =	vst v1  }
0x61: {  	v1 =	vld [tilespmem:s17+$0xFFFFFFF0];
	_ =	sdelay $0x4  }
0x62: {  	v1 =	vsel vm0, v0, v1  }
0x63: {  	[tilespmem:s18+$0xA88] =	vst v1  }
0x64: {  	v1 =	vld [tilespmem:s17+$0xFFFFFFF8];
	_ =	sdelay $0x4  }
0x65: {  	v1 =	vsel vm0, v0, v1  }
0x66: {  	[tilespmem:s18+$0xA98] =	vst v1  }
0x67: {  	v1 =	vld [tilespmem:s17+$0x0];
	_ =	sdelay $0x4  }
0x68: {  	v1 =	vsel vm0, v0, v1  }
0x69: {  	[tilespmem:s18+$0xAA8] =	vst v1  }
0x6a: {  	v1 =	vld [tilespmem:s17+$0x8];
	_ =	sdelay $0x4  }
0x6b: {  	v1 =	vsel vm0, v0, v1  }
0x6c: {  	[tilespmem:s18+$0xAB8] =	vst v1  }
0x6d: {  	v1 =	vld [tilespmem:s17+$0x10];
	_ =	sdelay $0x4  }
0x6e: {  	v1 =	vsel vm0, v0, v1  }
0x6f: {  	[tilespmem:s18+$0xAC8] =	vst v1  }
0x70: {  	v1 =	vld [tilespmem:s17+$0x18];
	_ =	sdelay $0x4  }
0x71: {  	v1 =	vsel vm0, v0, v1  }
0x72: {  	[tilespmem:s18+$0xAD8] =	vst v1  }
0x73: {  	v1 =	vld [tilespmem:s17+$0x20];
	_ =	sdelay $0x4  }
0x74: {  	v1 =	vsel vm0, v0, v1  }
0x75: {  	[tilespmem:s18+$0xAE8] =	vst v1  }
0x76: {  	v1 =	vld [tilespmem:s17+$0x28];
	_ =	sdelay $0x4  }
0x77: {  	v1 =	vsel vm0, v0, v1  }
0x78: {  	[tilespmem:s18+$0xAF8] =	vst v1  }
0x79: {  	v1 =	vld [tilespmem:s17+$0x30];
	_ =	sdelay $0x4  }
0x7a: {  	v1 =	vsel vm0, v0, v1  }
0x7b: {  	[tilespmem:s18+$0xB08] =	vst v1  }
0x7c: {  	v1 =	vld [tilespmem:s17+$0x38];
	_ =	sdelay $0x3  }
0x7d: {  	s29 =	sadd.s32 s4, s16  }
0x7e: {  	s17 =	sshll.u32 s29, $0x9;
	v0 =	vsel vm0, v0, v1  }
0x7f: {  	s17 =	sadd.s32 s3, s17;
	[tilespmem:s18+$0xB18] =	vst v0  }
0x80: {  	[hbm4b:s17+s1] =	stream.linear.scatter [tilespmem:s10], [sflag:$0x1], $0x1000, $0x38;
	[tilespmem:$0x2A28] =	vst v63  }
0x81: {  	s17 =	simm.s32 @!p0 $0x2  }
0x82: {  	s16 =	sor.u32 $0x1, s16;
	_ =	swait.ge @!p0 [sflag:s17], $0x1000  }
0x83: {  	s30 =	sshll.u32 s16, $0x3;
	[sflag:s17] =	ssyncset.done @!p0 $0x0  }
0x84: {  	s31 =	sand.u32 $0x3FFFFFF8, s30;
	[sflag:s17] =	ssyncadd.s32 @!p0 $0xFFFFF000  }
0x85: {  	s17 =	simm.s32 $0x250;
	v0 =	vld [tilespmem:s31+$0x0]  }
0x86: {  	s19 =	simm.s32 $0x400;
	s18 =	simm.s32 $0x0;
	v1 =	vld [tilespmem:s17+$0xFFFFFFC0]  }
.LBB2_5:
0x87: {  	p0 =	sne.s32 s19, $0x3C00;
	_ =	sdelay $0x3  }
0x88: {  	s20 =	sshra.s32 s18, $0x2;
	s18 =	smov.u32 s19;
	v1 =	vsel vm0, v0, v1  }
0x89: {  	[tilespmem:s20+$0x1A28] =	vst v1  }
0x8a: {  	v1 =	vld [tilespmem:s17+$0xFFFFFFC8];
	_ =	sdelay $0x4  }
0x8b: {  	v1 =	vsel vm0, v0, v1  }
0x8c: {  	[tilespmem:s20+$0x1A38] =	vst v1  }
0x8d: {  	v1 =	vld [tilespmem:s17+$0xFFFFFFD0];
	_ =	sdelay $0x4  }
0x8e: {  	v1 =	vsel vm0, v0, v1  }
0x8f: {  	[tilespmem:s20+$0x1A48] =	vst v1  }
0x90: {  	v1 =	vld [tilespmem:s17+$0xFFFFFFD8];
	_ =	sdelay $0x4  }
0x91: {  	v1 =	vsel vm0, v0, v1  }
0x92: {  	[tilespmem:s20+$0x1A58] =	vst v1  }
0x93: {  	v1 =	vld [tilespmem:s17+$0xFFFFFFE0];
	_ =	sdelay $0x4  }
0x94: {  	v1 =	vsel vm0, v0, v1  }
0x95: {  	[tilespmem:s20+$0x1A68] =	vst v1  }
0x96: {  	v1 =	vld [tilespmem:s17+$0xFFFFFFE8];
	_ =	sdelay $0x4  }
0x97: {  	v1 =	vsel vm0, v0, v1  }
0x98: {  	[tilespmem:s20+$0x1A78] =	vst v1  }
0x99: {  	v1 =	vld [tilespmem:s17+$0xFFFFFFF0];
	_ =	sdelay $0x4  }
0x9a: {  	v1 =	vsel vm0, v0, v1  }
0x9b: {  	[tilespmem:s20+$0x1A88] =	vst v1  }
0x9c: {  	v1 =	vld [tilespmem:s17+$0xFFFFFFF8];
	_ =	sdelay $0x4  }
0x9d: {  	v1 =	vsel vm0, v0, v1  }
0x9e: {  	[tilespmem:s20+$0x1A98] =	vst v1  }
0x9f: {  	v1 =	vld [tilespmem:s17+$0x0];
	_ =	sdelay $0x4  }
0xa0: {  	v1 =	vsel vm0, v0, v1  }
0xa1: {  	[tilespmem:s20+$0x1AA8] =	vst v1  }
0xa2: {  	v1 =	vld [tilespmem:s17+$0x8];
	_ =	sdelay $0x4  }
0xa3: {  	v1 =	vsel vm0, v0, v1  }
0xa4: {  	[tilespmem:s20+$0x1AB8] =	vst v1  }
0xa5: {  	v1 =	vld [tilespmem:s17+$0x10];
	_ =	sdelay $0x4  }
0xa6: {  	v1 =	vsel vm0, v0, v1  }
0xa7: {  	[tilespmem:s20+$0x1AC8] =	vst v1  }
0xa8: {  	v1 =	vld [tilespmem:s17+$0x18];
	_ =	sdelay $0x4  }
0xa9: {  	v1 =	vsel vm0, v0, v1  }
0xaa: {  	[tilespmem:s20+$0x1AD8] =	vst v1  }
0xab: {  	v1 =	vld [tilespmem:s17+$0x20];
	_ =	sdelay $0x4  }
0xac: {  	v1 =	vsel vm0, v0, v1  }
0xad: {  	[tilespmem:s20+$0x1AE8] =	vst v1  }
0xae: {  	v1 =	vld [tilespmem:s17+$0x28];
	_ =	sdelay $0x4  }
0xaf: {  	v1 =	vsel vm0, v0, v1  }
0xb0: {  	[tilespmem:s20+$0x1AF8] =	vst v1  }
0xb1: {  	v1 =	vld [tilespmem:s17+$0x30];
	_ =	sdelay $0x4  }
0xb2: {  	v1 =	vsel vm0, v0, v1  }
0xb3: {  	[tilespmem:s20+$0x1B08] =	vst v1  }
0xb4: {  	v1 =	vld [tilespmem:s17+$0x38];
	_ =	sdelay $0x2  }
.Ltmp1:
0xb5: {  	(pc) =	sbr.rel @p0 .LBB2_5-.Ltmp1, $4  }
0xb6: {  	_ = 	snop  }
0xb7: {  	v1 =	vsel vm0, v0, v1  }
0xb8: {  	s17 =	sadd.s32 $0x80, s17;
	[tilespmem:s20+$0x1B18] =	vst v1  }
0xb9: {  	s19 =	sadd.s32 $0x400, s19;
	v1 =	vld [tilespmem:s17+$0xFFFFFFC0]  }
0xba: {  	_ =	sdelay $0x3  }
0xbb: {  	s18 =	sshra.s32 s18, $0x2;
	v1 =	vsel vm0, v0, v1  }
0xbc: {  	[tilespmem:s18+$0x1A28] =	vst v1  }
0xbd: {  	v1 =	vld [tilespmem:s17+$0xFFFFFFC8];
	_ =	sdelay $0x4  }
0xbe: {  	v1 =	vsel vm0, v0, v1  }
0xbf: {  	[tilespmem:s18+$0x1A38] =	vst v1  }
0xc0: {  	v1 =	vld [tilespmem:s17+$0xFFFFFFD0];
	_ =	sdelay $0x4  }
0xc1: {  	v1 =	vsel vm0, v0, v1  }
0xc2: {  	[tilespmem:s18+$0x1A48] =	vst v1  }
0xc3: {  	v1 =	vld [tilespmem:s17+$0xFFFFFFD8];
	_ =	sdelay $0x4  }
0xc4: {  	v1 =	vsel vm0, v0, v1  }
0xc5: {  	[tilespmem:s18+$0x1A58] =	vst v1  }
0xc6: {  	v1 =	vld [tilespmem:s17+$0xFFFFFFE0];
	_ =	sdelay $0x4  }
0xc7: {  	v1 =	vsel vm0, v0, v1  }
0xc8: {  	[tilespmem:s18+$0x1A68] =	vst v1  }
0xc9: {  	v1 =	vld [tilespmem:s17+$0xFFFFFFE8];
	_ =	sdelay $0x4  }
0xca: {  	v1 =	vsel vm0, v0, v1  }
0xcb: {  	[tilespmem:s18+$0x1A78] =	vst v1  }
0xcc: {  	v1 =	vld [tilespmem:s17+$0xFFFFFFF0];
	_ =	sdelay $0x4  }
0xcd: {  	v1 =	vsel vm0, v0, v1  }
0xce: {  	[tilespmem:s18+$0x1A88] =	vst v1  }
0xcf: {  	v1 =	vld [tilespmem:s17+$0xFFFFFFF8];
	_ =	sdelay $0x4  }
0xd0: {  	v1 =	vsel vm0, v0, v1  }
0xd1: {  	[tilespmem:s18+$0x1A98] =	vst v1  }
0xd2: {  	v1 =	vld [tilespmem:s17+$0x0];
	_ =	sdelay $0x4  }
0xd3: {  	v1 =	vsel vm0, v0, v1  }
0xd4: {  	[tilespmem:s18+$0x1AA8] =	vst v1  }
0xd5: {  	v1 =	vld [tilespmem:s17+$0x8];
	_ =	sdelay $0x4  }
0xd6: {  	v1 =	vsel vm0, v0, v1  }
0xd7: {  	[tilespmem:s18+$0x1AB8] =	vst v1  }
0xd8: {  	v1 =	vld [tilespmem:s17+$0x10];
	_ =	sdelay $0x4  }
0xd9: {  	v1 =	vsel vm0, v0, v1  }
0xda: {  	[tilespmem:s18+$0x1AC8] =	vst v1  }
0xdb: {  	v1 =	vld [tilespmem:s17+$0x18];
	_ =	sdelay $0x4  }
0xdc: {  	v1 =	vsel vm0, v0, v1  }
0xdd: {  	[tilespmem:s18+$0x1AD8] =	vst v1  }
0xde: {  	v1 =	vld [tilespmem:s17+$0x20];
	_ =	sdelay $0x4  }
0xdf: {  	v1 =	vsel vm0, v0, v1  }
0xe0: {  	[tilespmem:s18+$0x1AE8] =	vst v1  }
0xe1: {  	v1 =	vld [tilespmem:s17+$0x28];
	_ =	sdelay $0x4  }
0xe2: {  	v1 =	vsel vm0, v0, v1  }
0xe3: {  	[tilespmem:s18+$0x1AF8] =	vst v1  }
0xe4: {  	v1 =	vld [tilespmem:s17+$0x30];
	_ =	sdelay $0x4  }
0xe5: {  	v1 =	vsel vm0, v0, v1  }
0xe6: {  	[tilespmem:s18+$0x1B08] =	vst v1  }
0xe7: {  	v1 =	vld [tilespmem:s17+$0x38]  }
0xe8: {  	s15 =	sadd.s32 $0x1, s15  }
0xe9: {  	p0 =	sne.s32 s15, $0x20  }
.Ltmp2:
0xea: {  	_ = 	snop;
	(pc) =	sbr.rel @p0 .LBB2_2-.Ltmp2, $4  }
0xeb: {  	s16 =	sadd.s32 s4, s16  }
0xec: {  	s16 =	sshll.u32 s16, $0x9;
	v63 =	vsel vm0, v0, v1  }
0xed: {  	s16 =	sadd.s32 s3, s16;
	[tilespmem:s18+$0x1B18] =	vst v63  }
0xee: {  	[hbm4b:s16+s1] =	stream.linear.scatter [tilespmem:s11], [sflag:$0x2], $0x1000, $0x38;
	[tilespmem:$0x2A28] =	vst v63  }
0xef: {  	s14 =	sadd.s32 $0x1, s14  }
0xf0: {  	_ =	swait.ge [sflag:s12], $0x1000;
	p0 =	sne.s32 s14, s7  }
.Ltmp3:
0xf1: {  	[sflag:s12] =	ssyncset.done $0x0;
	(pc) =	sbr.rel @p0 .LBB2_1-.Ltmp3, $4  }
0xf2: {  	[sflag:s12] =	ssyncadd.s32 $0xFFFFF000  }
0xf3: {  	_ =	swait.ge [sflag:s13], $0x1000  }
0xf4: {  	[sflag:s13] =	ssyncset.done $0x0  }
0xf5: {  	[sflag:s13] =	ssyncadd.s32 $0xFFFFF000  }
0xf6: {  	_ =	sfence.sel $0x180000  }
0xf7: {  	[bflag:$0x0] =	sbarrier.arrive $0xFFFF  }
0xf8: {  	p0 =	sne.s32 s2, $0x0;
	_ =	strace $0x90000047  }
0xf9: {  	s0 =	sadd.s32 @!p0 $0x100000, s0;
	[bflag:$0x2] =	sbarrier.arrive $0xFFFF  }
0xfa: {  	[sflag:s0] =	ssyncadd.tile.s32 @!p0 $0x1;
	_ =	shalt  }
.Lfunc_end2:
_tile_overlayer_lowered:
.L_overlay_start_2:
0xfb: {  	(tag) =	ssettag $0x2  }
0xfc: {  	s0 =	rddreg [dreg:$0x0];
	s2 =	stileid.u32  }
0xfd: {  	s1 =	rddreg [dreg:$0x1];
	p0 =	sne.s32 s2, $0x0  }
0xfe: {  	s3 =	rddreg [dreg:$0x2];
	[bflag:$0x3] =	sbarrier.arrive $0xFFFF;
	s2 =	simm.s32 @!p0 $0x1C03  }
0xff: {  	[timem:s3], [sflag:s2] =	dma.local @!p0 [hbm:s0], s1  }
0x100: {  	s0 =	simm.s32 @!p0 $0x3  }
0x101: {  	_ =	swait.ge @!p0 [sflag:s0], s1  }
0x102: {  	s1 =	ssub.s32 @!p0 $0x0, s1;
	[sflag:s0] =	ssyncset.done @!p0 $0x0  }
0x103: {  	[sflag:s0] =	ssyncadd.s32 @!p0 s1  }
0x104: {  	[bflag:$0x3] =	sbarrier.arrive $0xFFFF  }
0x105: {  	_ =	shalt  }

// kernel: kernel.7.cloned.1.call-start
scs
__scs_entry_jumppad:
0x0: {  	(pc) =	sbr.rel $0x88, $3  }
0x1: {  	(tag) =	ssettag $0x0;
	lr =	simm.s32 $0x1  }
0x2: {  	[smem:$0x3F9F] =	sst lr;
	_ =	strace $0xD0000000  }
0x3: {  	_ = 	snop  }
0x4: {  	_ = 	snop  }
0x5: {  	_ = 	snop  }
0x6: {  	_ = 	snop  }
0x7: {  	_ = 	snop  }
__scs_overlays_trampoline_lowered:
0x8: {  	[smem:$0x3FAE] =	sst s0  }
0x9: {  	[smem:$0x3FAF] =	sst s1  }
0xa: {  	[smem:$0x3FB0] =	sst s2  }
0xb: {  	[smem:$0x3FB1] =	sst s3  }
0xc: {  	[smem:$0x3FB2] =	sst s4  }
0xd: {  	[smem:$0x3FB3] =	sst s5  }
0xe: {  	[smem:$0x3FB4] =	sst s6  }
0xf: {  	[smem:$0x3FB5] =	sst s7  }
0x10: {  	[smem:$0x3FB6] =	sst s8  }
0x11: {  	[smem:$0x3FB7] =	sst s9;
	s0 =	simm.s32 @!p0 $0x0  }
0x12: {  	s1 =	sld [smem:$0x3F9D];
	s0 =	simm.s32 @p0 $0x1  }
0x13: {  	[smem:$0x3FB8] =	sst s0;
	s0 =	simm.s32 @!p1 $0x0  }
0x14: {  	s2 =	sld [smem:$0x3F9C];
	s0 =	simm.s32 @p1 $0x1  }
0x15: {  	[smem:$0x3FB9] =	sst s0;
	s0 =	simm.s32 @!p2 $0x0  }
0x16: {  	s3 =	sld [smem:$0x3FDB];
	s0 =	simm.s32 @p2 $0x1  }
0x17: {  	s4 =	simm.s32 $0x1BF5;
	[smem:$0x3FBB] =	sst s0  }
0x18: {  	s0 =	sld [smem:$0x3F9E];
	_ =	swait.ge [sflag:s4], $0x0  }
0x19: {  	s7 =	sld [smem:$0x3F9F]  }
0x1a: {  	s8 =	sadd.s32 $0xFFFFE003, lr  }
0x1b: {  	s9 =	sadd.s32 $0xFFFFFEF7, lr;
	s5 =	simm.s32 $0xFFFFFFFF;
	p2 =	slt.u32 s8, $0xFFFFF086  }
0x1c: {  	p1 =	slt.u32 s9, $0xF7A;
	s5 =	simm.s32 @!p2 $0x0  }
0x1d: {  	s5 =	simm.s32 @p1 $0x1;
	p0 =	seq.s32 s7, s2  }
0x1e: {  	s7 =	smul.u32 @!p0 $0xF7A, s2;
	p2 =	seq.s32 @!p0 s5, $0x0  }
0x1f: {  	s9 =	smul.u32 $0xF7A, s1;
	s8 =	simm.s32 @!p0 $0x1BF5;
	p2 =	por !p2, p0  }
0x20: {  	[sflag:s8] =	ssyncset.s32 @!p0 $0xFFFFF086;
	s6 =	sadd.s32 @!p0 s3, s7;
	s7 =	simm.s32 @!p0 $0x108  }
0x21: {  	s3 =	sadd.s32 s3, s9;
	s6 =	sadd.s32 @!p0 $0x88, s6;
	s7 =	simm.s32 @p2 $0x1082  }
0x22: {  	[simem:s7], [sflag:s8] =	dma.local @!p0 [hbm:s6], $0xF7A  }
0x23: {  	s9 =	sor.u32 $0xD0000000, s2;
	s6 =	simm.s32 $0x108;
	_ =	swait.ge @!p0 [sflag:s8], $0x0  }
0x24: {  	s3 =	sadd.s32 $0x88, s3;
	s6 =	simm.s32 @!p1 $0x1082;
	[sflag:s4] =	ssyncset.s32 $0xFFFFF086  }
0x25: {  	[simem:s6], [sflag:s4] =	dma.local [hbm:s3], $0xF7A  }
0x26: {  	[smem:$0x3F9F] =	sst s1;
	(tag) =	ssettag s2;
	_ =	strace s9  }
0x27: {  	s1 =	sld [smem:$0x3FAF]  }
0x28: {  	s2 =	sld [smem:$0x3FB0]  }
0x29: {  	s4 =	sld [smem:$0x3FB2]  }
0x2a: {  	p0 =	seq.s32 s5, $0x0;
	s5 =	sld [smem:$0x3FB3]  }
0x2b: {  	s6 =	sld [smem:$0x3FB4]  }
0x2c: {  	s7 =	sld [smem:$0x3FB5]  }
0x2d: {  	s3 =	simm.s32 $0x108;
	s8 =	sld [smem:$0x3FB6]  }
0x2e: {  	s3 =	simm.s32 @!p0 $0x1082;
	s9 =	sld [smem:$0x3FB7]  }
0x2f: {  	lr =	sadd.s32 s0, s3;
	s0 =	sld [smem:$0x3FAE]  }
0x30: {  	s3 =	sld [smem:$0x3FB1]  }
0x31: {  	[smem:$0x3FBA] =	sst s10  }
0x32: {  	s10 =	sld [smem:$0x3FB8];
	_ =	sdelay $0x3  }
0x33: {  	p0 =	seq.s32 s10, $0x1;
	s10 =	sld [smem:$0x3FBA];
	_ =	sdelay $0x3  }
0x34: {  	[smem:$0x3FBA] =	sst s10  }
0x35: {  	s10 =	sld [smem:$0x3FB9];
	_ =	sdelay $0x3  }
0x36: {  	p1 =	seq.s32 s10, $0x1;
	s10 =	sld [smem:$0x3FBA];
	_ =	sdelay $0x3  }
0x37: {  	[smem:$0x3FBA] =	sst s10  }
0x38: {  	s10 =	sld [smem:$0x3FBB]  }
0x39: {  	_ = 	snop;
	(pc) =	sbr.ind lr, $3  }
0x3a: {  	_ = 	snop  }
0x3b: {  	_ = 	snop  }
0x3c: {  	p2 =	seq.s32 s10, $0x1;
	s10 =	sld [smem:$0x3FBA]  }
0x3d: {  	_ =	shalt  }
0x3e: {  	_ =	shalt  }
0x3f: {  	_ =	shalt  }
0x40: {  	_ =	shalt  }
0x41: {  	_ =	shalt  }
0x42: {  	_ =	shalt  }
0x43: {  	_ =	shalt  }
0x44: {  	_ =	shalt  }
0x45: {  	_ =	shalt  }
0x46: {  	_ =	shalt  }
0x47: {  	_ =	shalt  }
0x48: {  	_ =	shalt  }
0x49: {  	_ =	shalt  }
0x4a: {  	_ =	shalt  }
0x4b: {  	_ =	shalt  }
0x4c: {  	_ =	shalt  }
0x4d: {  	_ =	shalt  }
0x4e: {  	_ =	shalt  }
0x4f: {  	_ =	shalt  }
0x50: {  	_ =	shalt  }
0x51: {  	_ =	shalt  }
0x52: {  	_ =	shalt  }
0x53: {  	_ =	shalt  }
0x54: {  	_ =	shalt  }
0x55: {  	_ =	shalt  }
0x56: {  	_ =	shalt  }
0x57: {  	_ =	shalt  }
0x58: {  	_ =	shalt  }
0x59: {  	_ =	shalt  }
0x5a: {  	_ =	shalt  }
0x5b: {  	_ =	shalt  }
0x5c: {  	_ =	shalt  }
0x5d: {  	_ =	shalt  }
0x5e: {  	_ =	shalt  }
0x5f: {  	_ =	shalt  }
0x60: {  	_ =	shalt  }
0x61: {  	_ =	shalt  }
0x62: {  	_ =	shalt  }
0x63: {  	_ =	shalt  }
0x64: {  	_ =	shalt  }
0x65: {  	_ =	shalt  }
0x66: {  	_ =	shalt  }
0x67: {  	_ =	shalt  }
0x68: {  	_ =	shalt  }
0x69: {  	_ =	shalt  }
0x6a: {  	_ =	shalt  }
0x6b: {  	_ =	shalt  }
0x6c: {  	_ =	shalt  }
0x6d: {  	_ =	shalt  }
0x6e: {  	_ =	shalt  }
0x6f: {  	_ =	shalt  }
0x70: {  	_ =	shalt  }
0x71: {  	_ =	shalt  }
0x72: {  	_ =	shalt  }
0x73: {  	_ =	shalt  }
0x74: {  	_ =	shalt  }
0x75: {  	_ =	shalt  }
0x76: {  	_ =	shalt  }
0x77: {  	_ =	shalt  }
0x78: {  	_ =	shalt  }
0x79: {  	_ =	shalt  }
0x7a: {  	_ =	shalt  }
0x7b: {  	_ =	shalt  }
0x7c: {  	_ =	shalt  }
0x7d: {  	_ =	shalt  }
0x7e: {  	_ =	shalt  }
0x7f: {  	_ =	shalt  }
0x80: {  	_ =	shalt  }
0x81: {  	_ =	shalt  }
0x82: {  	_ =	shalt  }
0x83: {  	_ =	shalt  }
0x84: {  	_ =	shalt  }
0x85: {  	_ =	shalt  }
0x86: {  	_ =	shalt  }
0x87: {  	_ =	shalt  }
.Lfunc_end0:
.L_simem_size_0:
called_computation.1_lowered:
.L_overlay_start_0:
0x88: {  	s2 =	sld [smem:$0x3FD9]  }
0x89: {  	s3 =	sld [smem:$0x3FFE];
	_ =	sdelay $0x1  }
0x8a: {  	s1 =	srdreg.scid  }
0x8b: {  	s0 =	sand.u32 $0x1, s1  }
0x8c: {  	s17 =	sshll.u32 s0, $0xA;
	s2 =	sadd.s32 s3, s2  }
0x8d: {  	s2 =	sadd.s32 s2, s17  }
0x8e: {  	[smem:$0x3FC6] =	sst s2  }
0x8f: {  	_ = 	snop  }
0x90: {  	s2 =	sld [smem:$0x3FD0];
	(tm) =	ssettm $0x1  }
0x91: {  	s18 =	sld [smem:$0x3FFB];
	_ =	sdelay $0x3  }
0x92: {  	_ =	strace s18  }
0x93: {  	s3 =	sld [smem:$0x3FFC];
	_ =	sdelay $0x3  }
0x94: {  	_ =	strace s3  }
0x95: {  	s3 =	sld [smem:$0x3FFD];
	_ =	sdelay $0x3  }
0x96: {  	_ =	strace s3  }
0x97: {  	_ =	strace $0x8FFFFFFF  }
0x98: {  	s19 =	sld [smem:$0x3FDB];
	_ =	sdelay $0x1  }
0x99: {  	s4 =	simm.s32 $_scs_section_size  }
0x9a: {  	s5 =	simm.s32 $_size__tile_overlayer_lowered;
	s6 =	simm.s32 $_tile_overlayer_lowered  }
0x9b: {  	s22 =	simm.s32 $0x1BFF;
	s21 =	sshll.u32 s6, $0x1;
	s3 =	sadd.s32 s4, s19  }
0x9c: {  	s7 =	simm.s32 $0x0;
	s20 =	sshll.u32 s5, $0x1;
	s5 =	sadd.s32 s21, s3  }
0x9d: {  	[timem:s7], [sflag:s22] =	dma.local [hbm:s5], s20  }
0x9e: {  	_ =	swait.ge [sflag:s22], s20  }
0x9f: {  	s4 =	ssub.s32 $0x0, s20;
	[sflag:s22] =	ssyncset.done $0x0  }
0xa0: {  	[sflag:s22] =	ssyncadd.s32 s4;
	_ =	sdelay $0x1  }
0xa1: {  	s23 =	simm.s32 $0x1B8B  }
0xa2: {  	_ =	swait.ge [sflag:s23], $0x1  }
0xa3: {  	[sflag:s23] =	ssyncset.done $0x0  }
0xa4: {  	s25 =	simm.s32 $0x1B8E;
	s24 =	sld [smem:$0x3FFE];
	[sflag:s23] =	ssyncadd.s32 $0xFFFFFFFF  }
0xa5: {  	s26 =	simm.s32 $execute0_lowered;
	[smem:$0x3FD2] =	sst s25  }
0xa6: {  	s5 =	sshll.u32 s26, $0x1;
	_ =	strace $0x80000049;
	[dreg:$0x1] =	wrdreg $0xFFFFFFFF  }
0xa7: {  	s28 =	simm.s32 $_size_execute0_lowered;
	s3 =	sadd.s32 s3, s5;
	[dreg:$0x0] =	wrdreg $0x0  }
0xa8: {  	s5 =	sshll.u32 s28, $0x1;
	[dreg:$0x2] =	wrdreg s3  }
0xa9: {  	[dreg:$0x3] =	wrdreg s5  }
0xaa: {  	[dreg:$0x4] =	wrdreg $0xC0  }
0xab: {  	_ =	task [dreg:s7], $0x5FFFF  }
0xac: {  	[dreg:$0x1] =	wrdreg $0xFFFFFFFF  }
0xad: {  	[dreg:$0x0] =	wrdreg $0x60  }
0xae: {  	[dreg:$0x2] =	wrdreg s24  }
0xaf: {  	[dreg:$0x3] =	wrdreg s2  }
0xb0: {  	[dreg:$0x4] =	wrdreg $0x9  }
0xb1: {  	_ =	task.clear_ibuf [dreg:s7], $0x5FFFF;
	_ =	strace $0x90000049  }
0xb2: {  	s29 =	simm.s32 $0x9;
	_ =	strace $0x8000004B  }
0xb3: {  	_ =	swait.ge [sflag:s29], $0x1  }
0xb4: {  	[sflag:s29] =	ssyncadd.s32 $0xFFFFFFFF  }
0xb5: {  	_ =	strace $0x9000004B  }
0xb6: {  	_ =	sfence  }
0xb7: {  	s30 =	sld [smem:$0x0];
	_ =	sdelay $0x2  }
0xb8: {  	s31 =	sshll.u32 s1, $0xD;
	s1 =	sshrl.u32 s1, $0x2  }
0xb9: {  	s3 =	sand.u32 $0x4000, s31;
	s1 =	sadd.s32 s1, s30  }
0xba: {  	s0 =	sor.u32 s3, s0;
	s1 =	sshll.u32 s1, $0x11  }
0xbb: {  	s0 =	sor.u32 s1, s0  }
0xbc: {  	s0 =	sadd.s32 $0x8F2B, s0  }
0xbd: {  	[sflag:s0] =	ssyncadd.remote.s32 $0x1  }
0xbe: {  	_ =	sfence.sel $0xFFFF  }
0xbf: {  	[dreg:$0x0] =	wrdreg $0xFFFFFFFF;
	(pc) =	sbr.abs _section_cstart, $3  }
0xc0: {  	[dreg:$0x1] =	wrdreg $0xFFFFFFFF  }
0xc1: {  	_ =	task.clear_ibuf [dreg:s7], $0x2FFFF;
	_ =	strace $0x9FFFFFFF  }
0xc2: {  	(tm) =	ssettm $0x7FFFFFFF  }
0xc3: {  	_ =	shalt  }
tec
execute0_lowered:
.L_overlay_start_1:
0x0: {  	(tag) =	ssettag $0x1  }
0x1: {  	s0 =	rddreg [dreg:$0x0];
	s2 =	srdreg.scid  }
0x2: {  	s1 =	rddreg [dreg:$0x1];
	s4 =	stileid.u32;
	s2 =	sand.u32 $0x1, s2  }
0x3: {  	s3 =	simm.s32 $0x0;
	s5 =	sshll.u32 s4, $0xE;
	s6 =	sshll.u32 s2, $0xD  }
0x4: {  	[smem:$0x7FF] =	sst s3;
	s2 =	ssub.s32 $0x2, s2;
	s6 =	sor.u32 s6, s5  }
0x5: {  	s12 =	sadd.s32 $0x131800, s0;
	s7 =	sshrl.u32 s2, $0x1;
	s8 =	sshrl.u32 s6, $0x3  }
0x6: {  	s2 =	ssub.s32 s2, s7;
	s7 =	sadd.s32 $0x111800, s0;
	s20 =	sor.u32 $0x300, s6  }
0x7: {  	_ =	strace $0x8000004A;
	s29 =	sadd.s32 s8, s7;
	[dreg:$0xc] =	wrdreg s20  }
0x8: {  	s13 =	sadd.s32 $0x141800, s0;
	s30 =	sadd.s32 s8, s12;
	[dreg:$0x5] =	wrdreg s29  }
0x9: {  	s16 =	sadd.s32 $0x151800, s0;
	s31 =	sadd.s32 s8, s13;
	[dreg:$0x7] =	wrdreg s30  }
0xa: {  	s18 =	sadd.s32 $0x161800, s0;
	s14 =	sadd.s32 s8, s16;
	[dreg:$0x8] =	wrdreg s31  }
0xb: {  	s19 =	sadd.s32 $0x171800, s0;
	s15 =	sadd.s32 s8, s18;
	[dreg:$0x9] =	wrdreg s14  }
0xc: {  	s17 =	sadd.s32 s8, s19;
	[dreg:$0xa] =	wrdreg s15  }
0xd: {  	s4 =	sadd.s32 $0x101800, s0;
	s21 =	smax.u32 s2, $0x1;
	[dreg:$0xb] =	wrdreg s17  }
0xe: {  	s9 =	sadd.s32 s4, s8;
	[dreg:$0xd] =	wrdreg s21  }
0xf: {  	s10 =	sadd.s32 $0x8000, s9;
	[dreg:$0x3] =	wrdreg s9  }
0x10: {  	s24 =	sadd.s32 $0x18000, s9;
	[dreg:$0x4] =	wrdreg s10  }
0x11: {  	s25 =	sadd.s32 $0x28000, s9;
	[dreg:$0xe] =	wrdreg s24  }
0x12: {  	s26 =	sadd.s32 $0x38000, s9;
	[dreg:$0xf] =	wrdreg s25  }
0x13: {  	s28 =	sadd.s32 $0x48000, s9;
	[dreg:$0x10] =	wrdreg s26  }
0x14: {  	s29 =	sadd.s32 $0x58000, s9;
	[dreg:$0x11] =	wrdreg s28  }
0x15: {  	v0 =	vimm.s32 $0xEFCDAB89;
	vm0 =	vcmask $0xB08;
	v1 =	vimm.s32 $0x67452301;
	s30 =	sadd.s32 $0x68000, s9;
	[dreg:$0x12] =	wrdreg s29  }
0x16: {  	vm1 =	vcmask $0x300;
	v2 =	vimm.s32 $0x54761032;
	vm2 =	vcmask $0x700;
	s31 =	sadd.s32 $0x78000, s9;
	[dreg:$0x13] =	wrdreg s30  }
0x17: {  	v3 =	vimm.s32 $0xBA98FEDC;
	v4 =	vimm.s32 $0x32107654;
	v0 =	vunpack.c.l.s4.s8 v0;
	s22 =	sor.u32 $0x200, s6;
	s2 =	sadd.s32 $0x20, s9;
	[dreg:$0x14] =	wrdreg s31  }
0x18: {  	vm0 =	vmor vm1, vm0;
	vm1 =	vcmask $0x1310;
	v1 =	vunpack.c.l.s4.s8 v1;
	s23 =	sshll.u32 s6, $0x4;
	s6 =	sadd.s32 $0x8020, s9;
	[dreg:$0x15] =	wrdreg s2  }
0x19: {  	v5 =	vimm.s32 $0x76543210;
	vm3 =	vcmask $0xF00;
	vm0 =	vmor vm0, vm1;
	s14 =	sadd.s32 $0x20020, s9;
	[dreg:$0x16] =	wrdreg s6  }
0x1a: {  	vm1 =	vcmask $0x1B18;
	v0 =	vunpack.c.0.s8.s32 v0;
	v1 =	vunpack.c.0.s8.s32 v1;
	s15 =	sadd.s32 $0x28020, s9;
	[dreg:$0x19] =	wrdreg s14  }
0x1b: {  	v2 =	vunpack.c.l.s4.s8 v2;
	v3 =	vunpack.c.l.s4.s8 v3;
	vm0 =	vmor vm0, vm1;
	s17 =	sadd.s32 $0x30020, s9;
	[dreg:$0x1a] =	wrdreg s15  }
0x1c: {  	vm1 =	vcmask $0x2320;
	v0 =	vcombine.low v1, v0;
	v1 =	vimm.s32 $0xDCFE98BA;
	s20 =	sadd.s32 $0x38020, s9;
	[dreg:$0x1b] =	wrdreg s17  }
0x1d: {  	s5 =	sadd.s32 $0x1800, s0;
	vm0 =	vmor vm0, vm1;
	vm1 =	vcmask $0x2B28;
	s21 =	sadd.s32 $0x40020, s9;
	v1 =	vunpack.c.l.s4.s8 v1;
	[dreg:$0x1c] =	wrdreg s20  }
0x1e: {  	v2 =	vunpack.c.0.s8.s32 v2;
	vm0 =	vmor vm0, vm1;
	vm1 =	vcmask $0x3330;
	s10 =	sadd.s32 $0x121800, s0;
	[dreg:$0x1d] =	wrdreg s21;
	s24 =	sadd.s32 $0x48020, s9  }
0x1f: {  	vm0 =	vmor vm0, vm1;
	vm1 =	vcmask $0x3B38;
	s25 =	sadd.s32 $0x50020, s9;
	s26 =	sadd.s32 $0x58020, s9;
	s28 =	sadd.s32 $0x60020, s9;
	v1 =	vunpack.c.0.s8.s32 v1  }
0x20: {  	v5 =	vunpack.c.l.s4.s8 v5;
	v3 =	vunpack.c.0.s8.s32 v3;
	s29 =	sadd.s32 $0x68020, s9;
	s30 =	sadd.s32 $0x70020, s9;
	vm0 =	vmor vm0, vm1;
	[dreg:$0x1e] =	wrdreg s24  }
0x21: {  	s31 =	sadd.s32 $0x78020, s9;
	vm1 =	vcmask $0x1710;
	s2 =	simm.s32 $0x1;
	[dreg:$0x1f] =	wrdreg s25;
	v1 =	vcombine.low v2, v1;
	v2 =	vunpack.c.l.s4.s8 v4  }
0x22: {  	v5 =	vunpack.c.0.s8.s32 v5;
	s6 =	simm.s32 $0x800;
	s14 =	simm.s32 $0x2;
	[smem:$0x7F9] =	sst s26;
	vm1 =	vmor vm2, vm1;
	v4 =	vimm.s32 $0xFEDCBA98  }
0x23: {  	s15 =	simm.s32 $0x3;
	s17 =	simm.s32 $0x2800;
	[smem:$0x7FA] =	sst s28;
	vm2 =	vcmask $0x2720;
	v4 =	vunpack.c.l.s4.s8 v4;
	v2 =	vunpack.c.0.s8.s32 v2  }
0x24: {  	v0 =	vand.u32 $0xF, v0;
	s20 =	simm.s32 $0xB000;
	s21 =	simm.s32 $0x4;
	[smem:$0x7FB] =	sst s29;
	vm1 =	vmor vm1, vm2;
	vm2 =	vcmask $0x3730  }
.Ltmp0:
0x25: {  	s11 =	sadd.s32 s8, s10;
	[smem:$0x7FC] =	sst s30;
	v3 =	vcombine.low v2, v3;
	v2 =	vunpack.c.0.s8.s32 v4;
	v4 =	vlaneseq.u32;
	(pc) =	sbr.rel .LBB2_1-.Ltmp0, $4  }
0x26: {  	s8 =	sadd.s32 $0x10020, s9;
	[smem:$0x7FD] =	sst s31;
	s24 =	smov.u32 s1;
	vm1 =	vmor vm1, vm2;
	vm2 =	vcmask $0x2F20;
	v6 =	vand.u32 $0x7, v4  }
0x27: {  	s25 =	simm.s32 $0x5;
	s26 =	simm.s32 $0x0;
	[dreg:$0x6] =	wrdreg s11;
	vm2 =	vmor vm3, vm2;
	v4 =	vand.u32 $0xF, v2;
	v2 =	vmul.u32 $0x2, v6  }
0x28: {  	[dreg:$0x17] =	wrdreg s8;
	s11 =	sadd.s32 $0x18020, s9;
	s8 =	sadd.s32 $0x1000, s1;
	vm3 =	vmmov $0xff;
	v1 =	vand.u32 $0xF, v1;
	v3 =	vand.u32 $0xF, v3  }
0x29: {  	s9 =	simm.s32 $0x2000;
	[dreg:$0x18] =	wrdreg s11;
	s11 =	simm.s32 $0x3000;
	v6 =	vmul.u32 $0x10000, v6;
	v4 =	vcombine.low v4, v5;
	v5 =	vor.u32 $0x1, v2  }
.LBB2_15:
0x2a: {  	_ =	swait.ge [sflag:s25], $0x8000  }
0x2b: {  	[sflag:s25] =	ssyncset.done $0x0  }
0x2c: {  	s1 =	simm.s32 $0x6;
	[sflag:s25] =	ssyncadd.s32 $0xFFFF8000  }
0x2d: {  	_ =	swait.ge [sflag:s1], $0x8000  }
0x2e: {  	s26 =	sld [smem:$0x7F8];
	_ =	sdelay $0x2  }
0x2f: {  	s0 =	rddreg [dreg:$0xd];
	s26 =	sadd.s32 $0x1, s26  }
0x30: {  	p0 =	sne.s32 s26, s0  }
.Ltmp1:
0x31: {  	_ = 	snop;
	(pc) =	sbr.rel @!p0 .LBB2_16-.Ltmp1, $3  }
0x32: {  	_ =	sdelay $0x1  }
0x33: {  	[sflag:s1] =	ssyncset.done $0x0  }
0x34: {  	[sflag:s1] =	ssyncadd.s32 $0xFFFF8000  }
.LBB2_1:
0x35: {  	[smem:$0x7F8] =	sst s26  }
0x36: {  	s0 =	rddreg [dreg:$0x3]  }
0x37: {  	s31 =	rddreg [dreg:$0x4]  }
0x38: {  	[tilespmem:s3], [sflag:$0x1] =	stream.linear.gather [hbm4b:s0+s3], $0x100, $0x38;
	[tilespmem:$0x13000] =	vst v63  }
0x39: {  	s1 =	simm.s32 $0x100;
	s30 =	rddreg [dreg:$0xe]  }
0x3a: {  	[tilespmem:s1], [sflag:$0x1] =	stream.linear.gather [hbm4b:s31+s3], $0x100, $0x38;
	[tilespmem:$0x13000] =	vst v63  }
0x3b: {  	s26 =	simm.s32 $0x200;
	s1 =	rddreg [dreg:$0x5]  }
0x3c: {  	[tilespmem:s26], [sflag:$0x1] =	stream.linear.gather [hbm4b:s1+s3], $0x100, $0x38;
	[tilespmem:$0x13000] =	vst v63  }
0x3d: {  	s31 =	simm.s32 $0x300;
	s1 =	rddreg [dreg:$0x6]  }
0x3e: {  	[tilespmem:s31], [sflag:$0x1] =	stream.linear.gather [hbm4b:s30+s3], $0x100, $0x38;
	[tilespmem:$0x13000] =	vst v63  }
0x3f: {  	s26 =	simm.s32 $0x400;
	s30 =	rddreg [dreg:$0xf]  }
0x40: {  	[tilespmem:s26], [sflag:$0x1] =	stream.linear.gather [hbm4b:s1+s3], $0x100, $0x38;
	[tilespmem:$0x13000] =	vst v63  }
0x41: {  	s31 =	simm.s32 $0x500;
	s1 =	rddreg [dreg:$0x7]  }
0x42: {  	[tilespmem:s31], [sflag:$0x1] =	stream.linear.gather [hbm4b:s30+s3], $0x100, $0x38;
	[tilespmem:$0x13000] =	vst v63  }
0x43: {  	s26 =	simm.s32 $0x600;
	s30 =	rddreg [dreg:$0x10]  }
0x44: {  	[tilespmem:s26], [sflag:$0x1] =	stream.linear.gather [hbm4b:s1+s3], $0x100, $0x38;
	[tilespmem:$0x13000] =	vst v63  }
0x45: {  	s31 =	simm.s32 $0x700;
	s26 =	rddreg [dreg:$0x8]  }
0x46: {  	[tilespmem:s31], [sflag:$0x1] =	stream.linear.gather [hbm4b:s30+s3], $0x100, $0x38;
	[tilespmem:$0x13000] =	vst v63  }
0x47: {  	s1 =	rddreg [dreg:$0x9]  }
0x48: {  	[tilespmem:s6], [sflag:$0x1] =	stream.linear.gather [hbm4b:s26+s3], $0x100, $0x38;
	[tilespmem:$0x13000] =	vst v63  }
0x49: {  	s30 =	rddreg [dreg:$0x11];
	s31 =	simm.s32 $0x900  }
0x4a: {  	[tilespmem:s31], [sflag:$0x1] =	stream.linear.gather [hbm4b:s30+s3], $0x100, $0x38;
	[tilespmem:$0x13000] =	vst v63  }
0x4b: {  	s26 =	simm.s32 $0xA00;
	s30 =	rddreg [dreg:$0x12]  }
0x4c: {  	[tilespmem:s26], [sflag:$0x1] =	stream.linear.gather [hbm4b:s1+s3], $0x100, $0x38;
	[tilespmem:$0x13000] =	vst v63  }
0x4d: {  	s31 =	simm.s32 $0xB00;
	s1 =	rddreg [dreg:$0xa]  }
0x4e: {  	[tilespmem:s31], [sflag:$0x1] =	stream.linear.gather [hbm4b:s30+s3], $0x100, $0x38;
	[tilespmem:$0x13000] =	vst v63  }
0x4f: {  	s26 =	simm.s32 $0xC00;
	s30 =	rddreg [dreg:$0x13]  }
0x50: {  	[tilespmem:s26], [sflag:$0x1] =	stream.linear.gather [hbm4b:s1+s3], $0x100, $0x38;
	[tilespmem:$0x13000] =	vst v63  }
0x51: {  	s31 =	simm.s32 $0xD00;
	s1 =	rddreg [dreg:$0xb]  }
0x52: {  	[tilespmem:s31], [sflag:$0x1] =	stream.linear.gather [hbm4b:s30+s3], $0x100, $0x38;
	[tilespmem:$0x13000] =	vst v63  }
0x53: {  	s26 =	simm.s32 $0xE00;
	s30 =	rddreg [dreg:$0x14]  }
0x54: {  	[tilespmem:s26], [sflag:$0x1] =	stream.linear.gather [hbm4b:s1+s3], $0x100, $0x38;
	[tilespmem:$0x13000] =	vst v63  }
0x55: {  	s31 =	simm.s32 $0xF00;
	s1 =	rddreg [dreg:$0x15]  }
0x56: {  	[tilespmem:s31], [sflag:$0x1] =	stream.linear.gather [hbm4b:s30+s3], $0x100, $0x38;
	[tilespmem:$0x13000] =	vst v63  }
0x57: {  	s26 =	simm.s32 $0x1000;
	s30 =	rddreg [dreg:$0x16]  }
0x58: {  	[tilespmem:s26], [sflag:$0x2] =	stream.linear.gather [hbm4b:s1+s3], $0x100, $0x38;
	[tilespmem:$0x13000] =	vst v63  }
0x59: {  	s31 =	simm.s32 $0x1100;
	s1 =	rddreg [dreg:$0x17]  }
0x5a: {  	[tilespmem:s31], [sflag:$0x2] =	stream.linear.gather [hbm4b:s30+s3], $0x100, $0x38;
	[tilespmem:$0x13000] =	vst v63  }
0x5b: {  	s26 =	simm.s32 $0x1200;
	s30 =	rddreg [dreg:$0x18]  }
0x5c: {  	[tilespmem:s26], [sflag:$0x2] =	stream.linear.gather [hbm4b:s1+s3], $0x100, $0x38;
	[tilespmem:$0x13000] =	vst v63  }
0x5d: {  	s31 =	simm.s32 $0x1300;
	s1 =	rddreg [dreg:$0x19]  }
0x5e: {  	[tilespmem:s31], [sflag:$0x2] =	stream.linear.gather [hbm4b:s30+s3], $0x100, $0x38;
	[tilespmem:$0x13000] =	vst v63  }
0x5f: {  	s26 =	simm.s32 $0x1400;
	s30 =	rddreg [dreg:$0x1a]  }
0x60: {  	[tilespmem:s26], [sflag:$0x2] =	stream.linear.gather [hbm4b:s1+s3], $0x100, $0x38;
	[tilespmem:$0x13000] =	vst v63  }
0x61: {  	s31 =	simm.s32 $0x1500;
	s1 =	rddreg [dreg:$0x1b]  }
0x62: {  	[tilespmem:s31], [sflag:$0x2] =	stream.linear.gather [hbm4b:s30+s3], $0x100, $0x38;
	[tilespmem:$0x13000] =	vst v63  }
0x63: {  	s26 =	simm.s32 $0x1600;
	s30 =	rddreg [dreg:$0x1c]  }
0x64: {  	[tilespmem:s26], [sflag:$0x2] =	stream.linear.gather [hbm4b:s1+s3], $0x100, $0x38;
	[tilespmem:$0x13000] =	vst v63  }
0x65: {  	s31 =	simm.s32 $0x1700;
	s1 =	rddreg [dreg:$0x1d]  }
0x66: {  	[tilespmem:s31], [sflag:$0x2] =	stream.linear.gather [hbm4b:s30+s3], $0x100, $0x38;
	[tilespmem:$0x13000] =	vst v63  }
0x67: {  	s26 =	simm.s32 $0x1800;
	s30 =	rddreg [dreg:$0x1e]  }
0x68: {  	[tilespmem:s26], [sflag:$0x2] =	stream.linear.gather [hbm4b:s1+s3], $0x100, $0x38;
	[tilespmem:$0x13000] =	vst v63  }
0x69: {  	s31 =	simm.s32 $0x1900;
	s1 =	rddreg [dreg:$0x1f]  }
0x6a: {  	[tilespmem:s31], [sflag:$0x2] =	stream.linear.gather [hbm4b:s30+s3], $0x100, $0x38;
	[tilespmem:$0x13000] =	vst v63  }
0x6b: {  	s26 =	simm.s32 $0x1A00;
	s30 =	sld [smem:$0x7F9]  }
0x6c: {  	[tilespmem:s26], [sflag:$0x2] =	stream.linear.gather [hbm4b:s1+s3], $0x100, $0x38;
	[tilespmem:$0x13000] =	vst v63  }
0x6d: {  	s31 =	simm.s32 $0x1B00;
	s1 =	sld [smem:$0x7FA]  }
0x6e: {  	[tilespmem:s31], [sflag:$0x2] =	stream.linear.gather [hbm4b:s30+s3], $0x100, $0x38;
	[tilespmem:$0x13000] =	vst v63  }
0x6f: {  	s26 =	simm.s32 $0x1C00;
	s30 =	sld [smem:$0x7FB]  }
0x70: {  	[tilespmem:s26], [sflag:$0x2] =	stream.linear.gather [hbm4b:s1+s3], $0x100, $0x38;
	[tilespmem:$0x13000] =	vst v63  }
0x71: {  	s31 =	simm.s32 $0x1D00;
	s1 =	sld [smem:$0x7FC]  }
0x72: {  	[tilespmem:s31], [sflag:$0x2] =	stream.linear.gather [hbm4b:s30+s3], $0x100, $0x38;
	[tilespmem:$0x13000] =	vst v63  }
0x73: {  	s26 =	simm.s32 $0x1E00;
	s30 =	sld [smem:$0x7FD]  }
0x74: {  	[tilespmem:s26], [sflag:$0x2] =	stream.linear.gather [hbm4b:s1+s3], $0x100, $0x38;
	[tilespmem:$0x13000] =	vst v63  }
0x75: {  	s31 =	simm.s32 $0x1F00  }
0x76: {  	[tilespmem:s31], [sflag:$0x2] =	stream.linear.gather [hbm4b:s30+s3], $0x100, $0x38;
	[tilespmem:$0x13000] =	vst v63  }
0x77: {  	_ =	swait.ge [sflag:s2], $0x100  }
0x78: {  	[sflag:s2] =	ssyncset.done $0x0  }
0x79: {  	[sflag:s2] =	ssyncadd.s32 $0xFFFFFF00  }
0x7a: {  	_ =	swait.ge [sflag:s2], $0x100  }
0x7b: {  	[sflag:s2] =	ssyncset.done $0x0  }
0x7c: {  	[sflag:s2] =	ssyncadd.s32 $0xFFFFFF00  }
0x7d: {  	_ =	swait.ge [sflag:s2], $0x100  }
0x7e: {  	[sflag:s2] =	ssyncset.done $0x0  }
0x7f: {  	[sflag:s2] =	ssyncadd.s32 $0xFFFFFF00  }
0x80: {  	_ =	swait.ge [sflag:s2], $0x100  }
0x81: {  	[sflag:s2] =	ssyncset.done $0x0  }
0x82: {  	[sflag:s2] =	ssyncadd.s32 $0xFFFFFF00  }
0x83: {  	_ =	swait.ge [sflag:s2], $0x100  }
0x84: {  	[sflag:s2] =	ssyncset.done $0x0  }
0x85: {  	[sflag:s2] =	ssyncadd.s32 $0xFFFFFF00  }
0x86: {  	_ =	swait.ge [sflag:s2], $0x100  }
0x87: {  	[sflag:s2] =	ssyncset.done $0x0  }
0x88: {  	[sflag:s2] =	ssyncadd.s32 $0xFFFFFF00  }
0x89: {  	_ =	swait.ge [sflag:s2], $0x100  }
0x8a: {  	[sflag:s2] =	ssyncset.done $0x0  }
0x8b: {  	[sflag:s2] =	ssyncadd.s32 $0xFFFFFF00  }
0x8c: {  	_ =	swait.ge [sflag:s2], $0x100  }
0x8d: {  	[sflag:s2] =	ssyncset.done $0x0  }
0x8e: {  	[sflag:s2] =	ssyncadd.s32 $0xFFFFFF00  }
0x8f: {  	_ =	swait.ge [sflag:s2], $0x100  }
0x90: {  	[sflag:s2] =	ssyncset.done $0x0  }
0x91: {  	[sflag:s2] =	ssyncadd.s32 $0xFFFFFF00  }
0x92: {  	_ =	swait.ge [sflag:s2], $0x100  }
0x93: {  	[sflag:s2] =	ssyncset.done $0x0  }
0x94: {  	[sflag:s2] =	ssyncadd.s32 $0xFFFFFF00  }
0x95: {  	_ =	swait.ge [sflag:s2], $0x100  }
0x96: {  	[sflag:s2] =	ssyncset.done $0x0  }
0x97: {  	[sflag:s2] =	ssyncadd.s32 $0xFFFFFF00  }
0x98: {  	_ =	swait.ge [sflag:s2], $0x100  }
0x99: {  	[sflag:s2] =	ssyncset.done $0x0  }
0x9a: {  	[sflag:s2] =	ssyncadd.s32 $0xFFFFFF00  }
0x9b: {  	_ =	swait.ge [sflag:s2], $0x100  }
0x9c: {  	[sflag:s2] =	ssyncset.done $0x0  }
0x9d: {  	[sflag:s2] =	ssyncadd.s32 $0xFFFFFF00  }
0x9e: {  	_ =	swait.ge [sflag:s2], $0x100  }
0x9f: {  	[sflag:s2] =	ssyncset.done $0x0  }
0xa0: {  	[sflag:s2] =	ssyncadd.s32 $0xFFFFFF00  }
0xa1: {  	_ =	swait.ge [sflag:s2], $0x100  }
0xa2: {  	[sflag:s2] =	ssyncset.done $0x0  }
0xa3: {  	[sflag:s2] =	ssyncadd.s32 $0xFFFFFF00  }
0xa4: {  	_ =	swait.ge [sflag:s2], $0x100  }
0xa5: {  	[sflag:s2] =	ssyncset.done $0x0  }
0xa6: {  	[sflag:s2] =	ssyncadd.s32 $0xFFFFFF00  }
0xa7: {  	v8 =	vld [tilespmem:s6+$0x0]  }
0xa8: {  	v7 =	vld [tilespmem:s6+$0x100]  }
0xa9: {  	v9 =	vld [tilespmem:s6+$0x200]  }
0xaa: {  	v10 =	vld [tilespmem:s6+$0x300]  }
0xab: {  	v12 =	vld [tilespmem:s6+$0xFFFFFB00]  }
0xac: {  	v14 =	vld [tilespmem:s6+$0x600]  }
0xad: {  	v21 =	vld [tilespmem:s6+$0x500]  }
0xae: {  	v26 =	vld [tilespmem:s6+$0xFFFFFA00]  }
0xaf: {  	v11 =	vld [tilespmem:s6+$0xFFFFFD00];
	v13 =	vperm.xlane v8, v0  }
0xb0: {  	v15 =	vld [tilespmem:s6+$0x700];
	v16 =	vperm.xlane v9, v0;
	v18 =	vperm.xlane v10, v0  }
0xb1: {  	v19 =	vperm.xlane v7, v0;
	v22 =	vperm.xlane v14, v0  }
0xb2: {  	v20 =	vld [tilespmem:s6+$0xFFFFFF00];
	v25 =	vperm.xlane v12, v0;
	v29 =	vperm.xlane v21, v0  }
0xb3: {  	v33 =	vperm.xlane v26, v0;
	v17 =	vsel vm0, v13, v7;
	v13 =	vld [tilespmem:s6+$0x400];
	v10 =	vsel vm0, v16, v10  }
0xb4: {  	v16 =	vperm.xlane v11, v0;
	v18 =	vsel vm0, v9, v18;
	v7 =	vperm.xlane v17, v1  }
0xb5: {  	v24 =	vld [tilespmem:s6+$0xFFFFFC00];
	v8 =	vsel vm0, v8, v19;
	v19 =	vperm.xlane v15, v0;
	v23 =	vperm.xlane v18, v1  }
0xb6: {  	v22 =	vsel vm0, v22, v15;
	v9 =	vperm.xlane v10, v1;
	v7 =	vsel vm1, v7, v10;
	v10 =	vld [tilespmem:s6+$0xFFFFFE00]  }
0xb7: {  	v15 =	vperm.xlane v20, v0;
	v31 =	vperm.xlane v8, v1;
	v8 =	vsel vm1, v8, v23  }
0xb8: {  	v23 =	vperm.xlane v22, v1;
	v17 =	vsel vm1, v17, v9;
	v27 =	vperm.xlane v13, v0  }
0xb9: {  	v12 =	vsel vm0, v33, v12;
	v32 =	vperm.xlane v8, v3;
	v37 =	vperm.xlane v17, v3  }
0xba: {  	v28 =	vld [tilespmem:s6+$0xFFFFF800];
	v21 =	vsel vm0, v27, v21;
	v27 =	vsel vm0, v14, v19;
	v19 =	vsel vm0, v13, v29  }
0xbb: {  	v30 =	vsel vm0, v10, v15;
	v10 =	vperm.xlane v10, v0;
	v15 =	vperm.xlane v24, v0  }
0xbc: {  	v29 =	vperm.xlane v27, v1;
	v34 =	vperm.xlane v19, v1;
	v36 =	vsel vm1, v21, v23  }
0xbd: {  	v16 =	vsel vm0, v24, v16;
	v14 =	vld [tilespmem:s6+$0xFFFFF900];
	v21 =	vperm.xlane v21, v1;
	v60 =	vperm.xlane v36, v3  }
0xbe: {  	v13 =	vsel vm0, v10, v20;
	v10 =	vperm.xlane v30, v1;
	v20 =	vsel vm0, v26, v25  }
0xbf: {  	v25 =	vperm.xlane v28, v0;
	v59 =	vsel vm0, v15, v11;
	v11 =	vperm.xlane v12, v1  }
0xc0: {  	v9 =	vsel vm1, v34, v27;
	v21 =	vsel vm1, v21, v22;
	v24 =	vperm.xlane v13, v1  }
0xc1: {  	v62 =	vperm.xlane v9, v3;
	v39 =	vsel vm2, v17, v60;
	v33 =	vperm.xlane v59, v1  }
0xc2: {  	v26 =	vperm.xlane v14, v0;
	v14 =	vsel vm0, v25, v14;
	v35 =	vsel vm1, v16, v10  }
0xc3: {  	v16 =	vperm.xlane v16, v1;
	v15 =	vsel vm1, v59, v24;
	v24 =	vsel vm1, v19, v29  }
0xc4: {  	v29 =	vsel vm1, v14, v11;
	v11 =	vperm.xlane v14, v1;
	v25 =	vperm.xlane v24, v3  }
0xc5: {  	v28 =	vsel vm0, v28, v26;
	v26 =	vperm.xlane v29, v3;
	v10 =	vsel vm2, v32, v24  }
0xc6: {  	v61 =	vsel vm1, v16, v30;
	v24 =	vperm.xlane v7, v3;
	v30 =	vperm.xlane v21, v3  }
0xc7: {  	v19 =	vsel vm1, v11, v12;
	v12 =	vperm.xlane v15, v3;
	v16 =	vperm.xlane v10, v4  }
0xc8: {  	v27 =	vperm.xlane v61, v3;
	v8 =	vsel vm2, v8, v25;
	v25 =	vperm.xlane v28, v1  }
0xc9: {  	v11 =	vsel vm2, v26, v15;
	v26 =	vperm.xlane v35, v3;
	v23 =	vperm.xlane v19, v3  }
0xca: {  	v24 =	vsel vm2, v24, v21;
	v21 =	vsel vm1, v31, v18;
	v18 =	vperm.xlane v39, v4  }
0xcb: {  	v14 =	vperm.xlane v8, v4;
	v15 =	vperm.xlane v11, v4  }
0xcc: {  	v12 =	vsel vm2, v29, v12;
	v25 =	vsel vm1, v25, v20;
	v20 =	vperm.xlane v20, v1  }
0xcd: {  	v29 =	vperm.xlane v24, v4;
	v63 =	vperm.xlane v12, v4  }
0xce: {  	v27 =	vsel vm2, v25, v27;
	v38 =	vperm.xlane v25, v3;
	v28 =	vsel vm1, v28, v20  }
0xcf: {  	v31 =	vperm.xlane v27, v4;
	v22 =	vperm.xlane v28, v3  }
0xd0: {  	v32 =	vsel vm2, v21, v62;
	v20 =	vsel vm2, v37, v36;
	v17 =	vsel vm2, v38, v61  }
0xd1: {  	s28 =	simm.s32 $0x200;
	s29 =	simm.s32 $0x800;
	s26 =	simm.s32 $0x0;
	v31 =	vsel vm3, v31, v32;
	v25 =	vsel vm2, v22, v35;
	v22 =	vsel vm3, v63, v39  }
.LBB2_2:
0xd2: {  	p0 =	sne.s32 s28, $0x1E00  }
0xd3: {  	v33 =	vsel vm1, v33, v13;
	v26 =	vsel vm2, v28, v26;
	v13 =	vperm.xlane v22, v5;
	s29 =	sadd.s32 $0x10, s29;
	s30 =	smov.u32 s28;
	s28 =	sadd.s32 $0x200, s28  }
0xd4: {  	v7 =	vsel vm2, v7, v30;
	v30 =	vperm.xlane v32, v4;
	v28 =	vperm.xlane v33, v3  }
0xd5: {  	v23 =	vsel vm2, v23, v33;
	v32 =	vperm.xlane v7, v4;
	v33 =	vperm.xlane v31, v2  }
0xd6: {  	v19 =	vsel vm2, v19, v28;
	v28 =	vperm.xlane v23, v4  }
0xd7: {  	v23 =	vsel vm3, v23, v29;
	v29 =	vperm.xlane v31, v5;
	v32 =	vsel vm3, v19, v32  }
0xd8: {  	v27 =	vsel vm3, v27, v30;
	v31 =	vperm.xlane v26, v4;
	v19 =	vperm.xlane v19, v4  }
0xd9: {  	v15 =	vsel vm3, v15, v20;
	v14 =	vsel vm3, v26, v14;
	v26 =	vperm.xlane v23, v5  }
0xda: {  	v23 =	vperm.xlane v23, v2;
	v24 =	vsel vm3, v28, v24;
	v28 =	vperm.xlane v27, v5  }
0xdb: {  	v30 =	vperm.xlane v14, v2;
	v8 =	vsel vm3, v31, v8;
	v27 =	vperm.xlane v27, v2  }
0xdc: {  	v14 =	vperm.xlane v14, v5;
	v7 =	vsel vm3, v19, v7;
	v19 =	vperm.xlane v20, v4  }
0xdd: {  	v20 =	vperm.xlane v24, v2;
	v24 =	vperm.xlane v24, v5  }
0xde: {  	v31 =	vperm.xlane v15, v5;
	v11 =	vsel vm3, v11, v19;
	v19 =	vperm.xlane v32, v2  }
0xdf: {  	v16 =	vsel vm3, v25, v16;
	v25 =	vperm.xlane v25, v4;
	v34 =	vperm.xlane v11, v2  }
0xe0: {  	v35 =	vperm.xlane v16, v5;
	v11 =	vperm.xlane v11, v5  }
0xe1: {  	v21 =	vperm.xlane v21, v3;
	v10 =	vsel vm3, v25, v10;
	v25 =	vperm.xlane v32, v5  }
0xe2: {  	v22 =	vperm.xlane v22, v2;
	v16 =	vperm.xlane v16, v2;
	v11 =	vsel vm3, v35, v11  }
0xe3: {  	v9 =	vsel vm2, v21, v9;
	v21 =	vperm.xlane v17, v4;
	v32 =	vperm.xlane v10, v5  }
0xe4: {  	v12 =	vsel vm3, v12, v18;
	v18 =	vperm.xlane v9, v4;
	v16 =	vsel vm3, v16, v34  }
0xe5: {  	v9 =	vsel vm3, v21, v9;
	v21 =	vperm.xlane v12, v5;
	v31 =	vsel vm3, v32, v31  }
0xe6: {  	v17 =	vsel vm3, v17, v18;
	v15 =	vperm.xlane v15, v2;
	v18 =	vperm.xlane v9, v2  }
0xe7: {  	v14 =	vsel vm3, v14, v21;
	v21 =	vperm.xlane v17, v2;
	v32 =	vperm.xlane v7, v2  }
0xe8: {  	v12 =	vperm.xlane v12, v2;
	v19 =	vsel vm3, v27, v19;
	v27 =	vperm.xlane v8, v2  }
0xe9: {  	v17 =	vperm.xlane v17, v5;
	v21 =	vsel vm3, v21, v23;
	v10 =	vperm.xlane v10, v2  }
0xea: {  	v18 =	vsel vm3, v18, v20;
	v21 =	vshll.u32 v21, $0x8;
	v8 =	vperm.xlane v8, v5  }
0xeb: {  	v9 =	vperm.xlane v9, v5;
	v17 =	vsel vm3, v17, v26;
	v20 =	vsel vm3, v33, v32  }
0xec: {  	v7 =	vperm.xlane v7, v5;
	v10 =	vsel vm3, v10, v15;
	v20 =	vshll.u32 v20, $0x8  }
0xed: {  	v12 =	vsel vm3, v30, v12;
	v18 =	vshll.u32 v18, $0x8;
	v15 =	vshll.u32 v19, $0x8  }
0xee: {  	v9 =	vsel vm3, v9, v24;
	v10 =	vshll.u32 v10, $0x8;
	v7 =	vsel vm3, v29, v7  }
0xef: {  	v19 =	vsel vm3, v28, v25;
	v10 =	vadd.s32 v31, v10;
	v7 =	vadd.s32 v7, v20  }
0xf0: {  	s0 =	sshra.s32 s26, $0x2;
	s26 =	smov.u32 s30;
	v15 =	vadd.s32 v19, v15;
	v19 =	vsel vm3, v27, v22;
	v10 =	vadd.s32 v6, v10  }
0xf1: {  	v16 =	vshll.u32 v16, $0x8;
	v15 =	vadd.s32 v6, v15;
	v19 =	vshll.u32 v19, $0x8;
	[tilespmem:s0+$0x2060] =	vst v10  }
0xf2: {  	v9 =	vadd.s32 v9, v18;
	v10 =	vshll.u32 v12, $0x8;
	v12 =	vadd.s32 v17, v21;
	[tilespmem:s0+$0x2010] =	vst v15  }
0xf3: {  	v9 =	vadd.s32 v6, v9;
	v10 =	vadd.s32 v14, v10;
	v12 =	vadd.s32 v6, v12  }
0xf4: {  	v8 =	vsel vm3, v8, v13;
	v11 =	vadd.s32 v11, v16;
	v10 =	vadd.s32 v6, v10;
	[tilespmem:s0+$0x2070] =	vst v9  }
0xf5: {  	v8 =	vadd.s32 v8, v19;
	v7 =	vadd.s32 v6, v7;
	v9 =	vadd.s32 v6, v11;
	[tilespmem:s0+$0x2000] =	vst v10  }
0xf6: {  	v8 =	vadd.s32 v6, v8;
	[tilespmem:s0+$0x2050] =	vst v7  }
0xf7: {  	[tilespmem:s0+$0x2040] =	vst v8  }
0xf8: {  	[tilespmem:s0+$0x2020] =	vst v9  }
0xf9: {  	[tilespmem:s0+$0x2030] =	vst v12  }
0xfa: {  	v8 =	vld [tilespmem:s29+$0x0]  }
0xfb: {  	v7 =	vld [tilespmem:s29+$0x100]  }
0xfc: {  	v9 =	vld [tilespmem:s29+$0x200]  }
0xfd: {  	v10 =	vld [tilespmem:s29+$0x300]  }
0xfe: {  	v11 =	vld [tilespmem:s29+$0xFFFFFD00]  }
0xff: {  	v12 =	vld [tilespmem:s29+$0xFFFFFB00];
	v13 =	vperm.xlane v8, v0  }
0x100: {  	v14 =	vld [tilespmem:s29+$0x600];
	v15 =	vperm.xlane v7, v0  }
0x101: {  	v16 =	vld [tilespmem:s29+$0x700];
	v17 =	vsel vm0, v13, v7;
	v7 =	vperm.xlane v9, v0  }
0x102: {  	v13 =	vld [tilespmem:s29+$0x400];
	v18 =	vperm.xlane v10, v0;
	v19 =	vperm.xlane v17, v1  }
0x103: {  	v20 =	vld [tilespmem:s29+$0xFFFFFF00];
	v21 =	vperm.xlane v11, v0;
	v7 =	vsel vm0, v7, v10  }
0x104: {  	v10 =	vld [tilespmem:s29+$0x500];
	v18 =	vsel vm0, v9, v18;
	v9 =	vperm.xlane v7, v1;
	v7 =	vsel vm1, v19, v7  }
0x105: {  	v19 =	vld [tilespmem:s29+$0xFFFFFE00];
	v22 =	vperm.xlane v14, v0;
	v23 =	vperm.xlane v18, v1  }
0x106: {  	v8 =	vsel vm0, v8, v15;
	v25 =	vperm.xlane v12, v0;
	v24 =	vld [tilespmem:s29+$0xFFFFFC00];
	v15 =	vperm.xlane v16, v0  }
0x107: {  	v31 =	vperm.xlane v8, v1;
	v26 =	vld [tilespmem:s29+$0xFFFFFA00];
	v27 =	vperm.xlane v13, v0;
	v22 =	vsel vm0, v22, v16  }
0x108: {  	v8 =	vsel vm1, v8, v23;
	v16 =	vperm.xlane v20, v0;
	v23 =	vperm.xlane v22, v1  }
0x109: {  	v30 =	vsel vm0, v14, v15;
	v28 =	vld [tilespmem:s29+$0xFFFFF800];
	v29 =	vperm.xlane v10, v0;
	v27 =	vsel vm0, v27, v10  }
0x10a: {  	v32 =	vperm.xlane v8, v3;
	v16 =	vsel vm0, v19, v16;
	v10 =	vperm.xlane v19, v0  }
0x10b: {  	v14 =	vld [tilespmem:s29+$0xFFFFF900];
	v15 =	vperm.xlane v24, v0;
	v19 =	vsel vm0, v13, v29;
	v29 =	vperm.xlane v30, v1  }
0x10c: {  	v33 =	vperm.xlane v26, v0;
	v13 =	vsel vm0, v10, v20;
	v10 =	vperm.xlane v16, v1  }
0x10d: {  	v21 =	vsel vm0, v24, v21;
	v20 =	vsel vm0, v26, v25;
	v24 =	vperm.xlane v13, v1  }
0x10e: {  	v25 =	vperm.xlane v28, v0;
	v12 =	vsel vm0, v33, v12;
	v33 =	vsel vm0, v15, v11  }
0x10f: {  	v11 =	vperm.xlane v12, v1;
	v15 =	vsel vm1, v33, v24;
	v24 =	vsel vm1, v19, v29  }
0x110: {  	v26 =	vperm.xlane v14, v0;
	v14 =	vsel vm0, v25, v14;
	v25 =	vperm.xlane v24, v3  }
0x111: {  	v34 =	vperm.xlane v19, v1;
	v29 =	vsel vm1, v14, v11;
	v11 =	vperm.xlane v14, v1  }
0x112: {  	v28 =	vsel vm0, v28, v26;
	v26 =	vperm.xlane v29, v3;
	v8 =	vsel vm2, v8, v25  }
0x113: {  	v25 =	vperm.xlane v28, v1;
	v19 =	vsel vm1, v11, v12;
	v14 =	vperm.xlane v8, v4  }
0x114: {  	v17 =	vsel vm1, v17, v9;
	v35 =	vsel vm1, v21, v10;
	v11 =	vsel vm2, v26, v15  }
0x115: {  	v12 =	vperm.xlane v15, v3;
	v25 =	vsel vm1, v25, v20;
	v15 =	vperm.xlane v11, v4  }
0x116: {  	v37 =	vperm.xlane v17, v3;
	v36 =	vsel vm1, v27, v23;
	v26 =	vperm.xlane v35, v3  }
0x117: {  	v10 =	vsel vm2, v32, v24;
	v23 =	vperm.xlane v19, v3;
	v20 =	vperm.xlane v20, v1  }
0x118: {  	v21 =	vperm.xlane v21, v1;
	v9 =	vsel vm1, v34, v30;
	v32 =	vperm.xlane v36, v3  }
0x119: {  	v24 =	vperm.xlane v27, v1;
	v28 =	vsel vm1, v28, v20;
	v20 =	vsel vm2, v37, v36  }
0x11a: {  	v34 =	vsel vm1, v21, v16;
	v21 =	vperm.xlane v7, v3;
	v16 =	vperm.xlane v10, v4  }
0x11b: {  	v27 =	vperm.xlane v34, v3;
	v22 =	vsel vm1, v24, v22;
	v36 =	vperm.xlane v28, v3  }
0x11c: {  	v30 =	vperm.xlane v22, v3;
	v24 =	vsel vm2, v21, v22;
	v12 =	vsel vm2, v29, v12  }
.Ltmp2:
0x11d: {  	v22 =	vperm.xlane v9, v3;
	v29 =	vperm.xlane v24, v4;
	v27 =	vsel vm2, v25, v27;
	(pc) =	sbr.rel @p0 .LBB2_2-.Ltmp2, $4  }
0x11e: {  	v21 =	vsel vm1, v31, v18;
	v37 =	vperm.xlane v12, v4;
	v31 =	vperm.xlane v27, v4  }
0x11f: {  	v39 =	vsel vm2, v17, v32;
	v32 =	vsel vm2, v21, v22;
	v38 =	vperm.xlane v25, v3  }
0x120: {  	v33 =	vperm.xlane v33, v1;
	v18 =	vperm.xlane v39, v4;
	v31 =	vsel vm3, v31, v32  }
0x121: {  	v17 =	vsel vm2, v38, v34;
	v22 =	vsel vm3, v37, v39;
	v25 =	vsel vm2, v36, v35  }
0x122: {  	v26 =	vsel vm2, v28, v26;
	v28 =	vperm.xlane v22, v5  }
0x123: {  	v61 =	vperm.xlane v32, v4;
	v63 =	vperm.xlane v31, v2  }
0x124: {  	v13 =	vsel vm1, v33, v13;
	v41 =	vperm.xlane v31, v5;
	v46 =	vperm.xlane v20, v4  }
0x125: {  	v7 =	vsel vm2, v7, v30;
	v49 =	vperm.xlane v25, v4;
	v21 =	vperm.xlane v21, v3  }
0x126: {  	v15 =	vsel vm3, v15, v20;
	v51 =	vperm.xlane v22, v2;
	v52 =	vperm.xlane v17, v4  }
0x127: {  	v16 =	vsel vm3, v25, v16;
	v33 =	vperm.xlane v13, v3;
	v62 =	vperm.xlane v7, v4  }
0x128: {  	v12 =	vsel vm3, v12, v18;
	v42 =	vperm.xlane v26, v4;
	v35 =	vperm.xlane v15, v5  }
0x129: {  	v13 =	vsel vm2, v23, v13;
	v36 =	vperm.xlane v16, v5;
	v16 =	vperm.xlane v16, v2  }
0x12a: {  	v14 =	vsel vm3, v26, v14;
	v18 =	vperm.xlane v12, v5;
	v15 =	vperm.xlane v15, v2  }
0x12b: {  	v12 =	vperm.xlane v12, v2;
	v40 =	vperm.xlane v13, v4;
	v13 =	vsel vm3, v13, v29  }
0x12c: {  	v27 =	vsel vm3, v27, v61;
	v45 =	vperm.xlane v14, v2;
	v14 =	vperm.xlane v14, v5  }
0x12d: {  	v11 =	vsel vm3, v11, v46;
	v10 =	vsel vm3, v49, v10;
	v44 =	vperm.xlane v13, v5  }
0x12e: {  	v9 =	vsel vm2, v21, v9;
	v34 =	vperm.xlane v27, v5;
	v13 =	vperm.xlane v13, v2  }
0x12f: {  	v19 =	vsel vm2, v19, v33;
	v27 =	vperm.xlane v27, v2;
	v50 =	vperm.xlane v11, v2  }
0x130: {  	v8 =	vsel vm3, v42, v8;
	v11 =	vperm.xlane v11, v5;
	v25 =	vperm.xlane v10, v5  }
0x131: {  	v53 =	vperm.xlane v9, v4;
	v9 =	vsel vm3, v52, v9;
	v10 =	vperm.xlane v10, v2  }
0x132: {  	v43 =	vperm.xlane v19, v4;
	v19 =	vsel vm3, v19, v62;
	v56 =	vperm.xlane v9, v2  }
0x133: {  	v24 =	vsel vm3, v40, v24;
	v58 =	vperm.xlane v8, v2;
	v8 =	vperm.xlane v8, v5  }
0x134: {  	v14 =	vsel vm3, v14, v18;
	v9 =	vperm.xlane v9, v5;
	v47 =	vperm.xlane v24, v2  }
0x135: {  	v12 =	vsel vm3, v45, v12;
	v24 =	vperm.xlane v24, v5;
	v48 =	vperm.xlane v19, v2  }
0x136: {  	v19 =	vperm.xlane v19, v5;
	v11 =	vsel vm3, v36, v11;
	v16 =	vsel vm3, v16, v50  }
0x137: {  	v54 =	vsel vm3, v17, v53;
	v55 =	vsel vm3, v25, v35;
	v10 =	vsel vm3, v10, v15  }
0x138: {  	v60 =	vshll.u32 v12, $0x8;
	v7 =	vsel vm3, v43, v7;
	v30 =	vperm.xlane v54, v2  }
0x139: {  	v17 =	vperm.xlane v54, v5;
	v10 =	vshll.u32 v10, $0x8;
	v61 =	vsel vm3, v58, v51  }
0x13a: {  	v8 =	vsel vm3, v8, v28;
	v62 =	vshll.u32 v16, $0x8;
	v57 =	vperm.xlane v7, v2  }
0x13b: {  	v27 =	vsel vm3, v27, v48;
	v20 =	vsel vm3, v56, v47;
	v7 =	vperm.xlane v7, v5  }
0x13c: {  	v9 =	vsel vm3, v9, v24;
	v19 =	vsel vm3, v34, v19;
	v10 =	vadd.s32 v55, v10  }
0x13d: {  	v12 =	vshll.u32 v61, $0x8;
	v13 =	vsel vm3, v30, v13;
	v59 =	vshll.u32 v27, $0x8  }
0x13e: {  	s0 =	sshra.s32 s26, $0x2;
	v20 =	vshll.u32 v20, $0x8;
	v10 =	vadd.s32 v6, v10;
	v8 =	vadd.s32 v8, v12  }
0x13f: {  	v18 =	vsel vm3, v63, v57;
	v15 =	vadd.s32 v19, v59;
	[tilespmem:s0+$0x2060] =	vst v10;
	v8 =	vadd.s32 v6, v8  }
0x140: {  	v7 =	vsel vm3, v41, v7;
	v9 =	vadd.s32 v9, v20;
	v15 =	vadd.s32 v6, v15;
	[tilespmem:s0+$0x2040] =	vst v8  }
0x141: {  	v10 =	vadd.s32 v14, v60;
	v18 =	vshll.u32 v18, $0x8;
	v9 =	vadd.s32 v6, v9;
	[tilespmem:s0+$0x2010] =	vst v15  }
.Ltmp3:
0x142: {  	v13 =	vshll.u32 v13, $0x8;
	v10 =	vadd.s32 v6, v10;
	v7 =	vadd.s32 v7, v18;
	[tilespmem:s0+$0x2070] =	vst v9;
	(pc) =	sbr.rel .LBB2_4-.Ltmp3, $4  }
0x143: {  	v63 =	vsel vm3, v17, v44;
	[tilespmem:s0+$0x2000] =	vst v10;
	v9 =	vadd.s32 v11, v62;
	v7 =	vadd.s32 v6, v7  }
0x144: {  	v9 =	vadd.s32 v6, v9;
	[tilespmem:s0+$0x2050] =	vst v7;
	v7 =	vadd.s32 v63, v13  }
0x145: {  	[tilespmem:s0+$0x2020] =	vst v9;
	v7 =	vadd.s32 v6, v7  }
0x146: {  	s26 =	simm.s32 $0x0;
	[tilespmem:s0+$0x2030] =	vst v7  }
.LBB2_14:
0x147: {  	s26 =	sadd.s32 $0x1, s26  }
0x148: {  	p0 =	sne.s32 s26, $0x10  }
.Ltmp4:
0x149: {  	_ = 	snop;
	(pc) =	sbr.rel @!p0 .LBB2_15-.Ltmp4, $4  }
0x14a: {  	_ =	swait.ge [sflag:s21], $0x8000  }
0x14b: {  	[sflag:s21] =	ssyncset.done $0x0  }
0x14c: {  	s0 =	sadd.s32 s28, s8;
	[sflag:s21] =	ssyncadd.s32 $0xFFFF8000  }
0x14d: {  	[hbm4b:s0+s3] =	stream.linear.scatter [tilespmem:s20], [sflag:$0x6], $0x8000, $0x38;
	[tilespmem:$0x13000] =	vst v63  }
.LBB2_4:
0x14e: {  	p0 =	sne.s32 s26, $0x0  }
.Ltmp5:
0x14f: {  	_ = 	snop;
	(pc) =	sbr.rel @!p0 .LBB2_5-.Ltmp5, $1  }
0x150: {  	_ =	sdelay $0x3  }
0x151: {  	p1 =	seq.s32 s26, $0xF  }
.Ltmp6:
0x152: {  	_ = 	snop;
	(pc) =	sbr.rel @p1 .LBB2_8-.Ltmp6, $4  }
.Ltmp7:
0x153: {  	_ =	swait.ge [sflag:s25], $0x8000;
	(pc) =	sbr.rel @!p1 .LBB2_7-.Ltmp7, $4  }
0x154: {  	[sflag:s25] =	ssyncset.done $0x0  }
0x155: {  	p0 =	por $0x1, $0x1;
	[sflag:s25] =	ssyncadd.s32 $0xFFFF8000  }
0x156: {  	[tilespmem:s11], [sflag:$0x3] =	stream.indirect.gather [hbm4b:s5+s6], $0x10, s9, s6, $0xb8;
	[tilespmem:$0x13000] =	vst v63  }
0x157: {  	_ = 	snop  }
.LBB2_5:
0x158: {  	[tilespmem:s11], [sflag:$0x3] =	stream.indirect.gather [hbm4b:s5+s6], $0x10, s9, s6, $0xb8;
	[tilespmem:$0x13000] =	vst v63  }
.LBB2_7:
0x159: {  	s0 =	sshll.u32 s26, $0x9  }
0x15a: {  	s0 =	sadd.s32 s0, s22  }
0x15b: {  	s0 =	sshrl.u32 s0, $0x3  }
0x15c: {  	s28 =	sadd.s32 s4, s0  }
0x15d: {  	[tilespmem:s3], [sflag:$0x1] =	stream.linear.gather [hbm4b:s28+s3], $0x100, $0x38;
	[tilespmem:$0x13000] =	vst v63  }
0x15e: {  	s1 =	simm.s32 $0x100;
	s29 =	sadd.s32 $0x8000, s28  }
0x15f: {  	[tilespmem:s1], [sflag:$0x1] =	stream.linear.gather [hbm4b:s29+s3], $0x100, $0x38;
	[tilespmem:$0x13000] =	vst v63  }
0x160: {  	s31 =	simm.s32 $0x200;
	s30 =	sadd.s32 s0, s7  }
0x161: {  	[tilespmem:s31], [sflag:$0x1] =	stream.linear.gather [hbm4b:s30+s3], $0x100, $0x38;
	[tilespmem:$0x13000] =	vst v63  }
0x162: {  	s30 =	sadd.s32 $0x18000, s28;
	s31 =	simm.s32 $0x300  }
0x163: {  	[tilespmem:s31], [sflag:$0x1] =	stream.linear.gather [hbm4b:s30+s3], $0x100, $0x38;
	[tilespmem:$0x13000] =	vst v63  }
0x164: {  	s30 =	sadd.s32 s0, s10;
	s31 =	simm.s32 $0x400  }
0x165: {  	[tilespmem:s31], [sflag:$0x1] =	stream.linear.gather [hbm4b:s30+s3], $0x100, $0x38;
	[tilespmem:$0x13000] =	vst v63  }
0x166: {  	s30 =	sadd.s32 $0x28000, s28;
	s31 =	simm.s32 $0x500  }
0x167: {  	[tilespmem:s31], [sflag:$0x1] =	stream.linear.gather [hbm4b:s30+s3], $0x100, $0x38;
	[tilespmem:$0x13000] =	vst v63  }
0x168: {  	s30 =	sadd.s32 s0, s12;
	s31 =	simm.s32 $0x600  }
0x169: {  	[tilespmem:s31], [sflag:$0x1] =	stream.linear.gather [hbm4b:s30+s3], $0x100, $0x38;
	[tilespmem:$0x13000] =	vst v63  }
0x16a: {  	s30 =	sadd.s32 $0x38000, s28;
	s31 =	simm.s32 $0x700  }
0x16b: {  	[tilespmem:s31], [sflag:$0x1] =	stream.linear.gather [hbm4b:s30+s3], $0x100, $0x38;
	[tilespmem:$0x13000] =	vst v63  }
0x16c: {  	s1 =	sadd.s32 s0, s13  }
0x16d: {  	[tilespmem:s6], [sflag:$0x1] =	stream.linear.gather [hbm4b:s1+s3], $0x100, $0x38;
	[tilespmem:$0x13000] =	vst v63  }
0x16e: {  	s30 =	sadd.s32 $0x48000, s28;
	s31 =	simm.s32 $0x900  }
0x16f: {  	[tilespmem:s31], [sflag:$0x1] =	stream.linear.gather [hbm4b:s30+s3], $0x100, $0x38;
	[tilespmem:$0x13000] =	vst v63  }
0x170: {  	s30 =	sadd.s32 s0, s16;
	s31 =	simm.s32 $0xA00  }
0x171: {  	[tilespmem:s31], [sflag:$0x1] =	stream.linear.gather [hbm4b:s30+s3], $0x100, $0x38;
	[tilespmem:$0x13000] =	vst v63  }
0x172: {  	s30 =	sadd.s32 $0x58000, s28;
	s31 =	simm.s32 $0xB00  }
0x173: {  	[tilespmem:s31], [sflag:$0x1] =	stream.linear.gather [hbm4b:s30+s3], $0x100, $0x38;
	[tilespmem:$0x13000] =	vst v63  }
0x174: {  	s30 =	sadd.s32 s0, s18;
	s31 =	simm.s32 $0xC00  }
0x175: {  	[tilespmem:s31], [sflag:$0x1] =	stream.linear.gather [hbm4b:s30+s3], $0x100, $0x38;
	[tilespmem:$0x13000] =	vst v63  }
0x176: {  	s30 =	sadd.s32 $0x68000, s28;
	s31 =	simm.s32 $0xD00  }
0x177: {  	[tilespmem:s31], [sflag:$0x1] =	stream.linear.gather [hbm4b:s30+s3], $0x100, $0x38;
	[tilespmem:$0x13000] =	vst v63  }
0x178: {  	s29 =	simm.s32 $0xE00;
	s0 =	sadd.s32 s0, s19  }
0x179: {  	[tilespmem:s29], [sflag:$0x1] =	stream.linear.gather [hbm4b:s0+s3], $0x100, $0x38;
	[tilespmem:$0x13000] =	vst v63  }
0x17a: {  	p0 =	por $0x0, $0x0;
	s30 =	sadd.s32 $0x78000, s28;
	s31 =	simm.s32 $0xF00  }
0x17b: {  	[tilespmem:s31], [sflag:$0x1] =	stream.linear.gather [hbm4b:s30+s3], $0x100, $0x38;
	[tilespmem:$0x13000] =	vst v63  }
.LBB2_8:
0x17c: {  	_ =	swait.ge [sflag:s14], $0x100  }
0x17d: {  	[sflag:s14] =	ssyncset.done $0x0  }
0x17e: {  	[sflag:s14] =	ssyncadd.s32 $0xFFFFFF00  }
0x17f: {  	_ =	swait.ge [sflag:s14], $0x100  }
0x180: {  	[sflag:s14] =	ssyncset.done $0x0  }
0x181: {  	[sflag:s14] =	ssyncadd.s32 $0xFFFFFF00  }
0x182: {  	_ =	swait.ge [sflag:s14], $0x100  }
0x183: {  	[sflag:s14] =	ssyncset.done $0x0  }
0x184: {  	[sflag:s14] =	ssyncadd.s32 $0xFFFFFF00  }
0x185: {  	_ =	swait.ge [sflag:s14], $0x100  }
0x186: {  	[sflag:s14] =	ssyncset.done $0x0  }
0x187: {  	[sflag:s14] =	ssyncadd.s32 $0xFFFFFF00  }
0x188: {  	_ =	swait.ge [sflag:s14], $0x100  }
0x189: {  	[sflag:s14] =	ssyncset.done $0x0  }
0x18a: {  	[sflag:s14] =	ssyncadd.s32 $0xFFFFFF00  }
0x18b: {  	_ =	swait.ge [sflag:s14], $0x100  }
0x18c: {  	[sflag:s14] =	ssyncset.done $0x0  }
0x18d: {  	[sflag:s14] =	ssyncadd.s32 $0xFFFFFF00  }
0x18e: {  	_ =	swait.ge [sflag:s14], $0x100  }
0x18f: {  	[sflag:s14] =	ssyncset.done $0x0  }
0x190: {  	[sflag:s14] =	ssyncadd.s32 $0xFFFFFF00  }
0x191: {  	_ =	swait.ge [sflag:s14], $0x100  }
0x192: {  	[sflag:s14] =	ssyncset.done $0x0  }
0x193: {  	[sflag:s14] =	ssyncadd.s32 $0xFFFFFF00  }
0x194: {  	_ =	swait.ge [sflag:s14], $0x100  }
0x195: {  	[sflag:s14] =	ssyncset.done $0x0  }
0x196: {  	[sflag:s14] =	ssyncadd.s32 $0xFFFFFF00  }
0x197: {  	_ =	swait.ge [sflag:s14], $0x100  }
0x198: {  	[sflag:s14] =	ssyncset.done $0x0  }
0x199: {  	[sflag:s14] =	ssyncadd.s32 $0xFFFFFF00  }
0x19a: {  	_ =	swait.ge [sflag:s14], $0x100  }
0x19b: {  	[sflag:s14] =	ssyncset.done $0x0  }
0x19c: {  	[sflag:s14] =	ssyncadd.s32 $0xFFFFFF00  }
0x19d: {  	_ =	swait.ge [sflag:s14], $0x100  }
0x19e: {  	[sflag:s14] =	ssyncset.done $0x0  }
0x19f: {  	[sflag:s14] =	ssyncadd.s32 $0xFFFFFF00  }
0x1a0: {  	_ =	swait.ge [sflag:s14], $0x100  }
0x1a1: {  	[sflag:s14] =	ssyncset.done $0x0  }
0x1a2: {  	[sflag:s14] =	ssyncadd.s32 $0xFFFFFF00  }
0x1a3: {  	_ =	swait.ge [sflag:s14], $0x100  }
0x1a4: {  	[sflag:s14] =	ssyncset.done $0x0  }
0x1a5: {  	[sflag:s14] =	ssyncadd.s32 $0xFFFFFF00  }
0x1a6: {  	_ =	swait.ge [sflag:s14], $0x100  }
0x1a7: {  	[sflag:s14] =	ssyncset.done $0x0  }
0x1a8: {  	[sflag:s14] =	ssyncadd.s32 $0xFFFFFF00  }
0x1a9: {  	_ =	swait.ge [sflag:s14], $0x100  }
0x1aa: {  	[sflag:s14] =	ssyncset.done $0x0  }
0x1ab: {  	s29 =	simm.s32 $0x1800;
	[sflag:s14] =	ssyncadd.s32 $0xFFFFFF00  }
0x1ac: {  	v8 =	vld [tilespmem:s29+$0x0]  }
0x1ad: {  	v7 =	vld [tilespmem:s29+$0x100]  }
0x1ae: {  	v9 =	vld [tilespmem:s29+$0x200]  }
0x1af: {  	v10 =	vld [tilespmem:s29+$0x300]  }
0x1b0: {  	v12 =	vld [tilespmem:s29+$0xFFFFFB00]  }
0x1b1: {  	v14 =	vld [tilespmem:s29+$0x600]  }
0x1b2: {  	v21 =	vld [tilespmem:s29+$0x500]  }
0x1b3: {  	v26 =	vld [tilespmem:s29+$0xFFFFFA00]  }
0x1b4: {  	v11 =	vld [tilespmem:s29+$0xFFFFFD00];
	v13 =	vperm.xlane v8, v0  }
0x1b5: {  	v15 =	vld [tilespmem:s29+$0x700];
	v16 =	vperm.xlane v9, v0;
	v18 =	vperm.xlane v10, v0  }
0x1b6: {  	v19 =	vperm.xlane v7, v0;
	v22 =	vperm.xlane v14, v0  }
0x1b7: {  	v20 =	vld [tilespmem:s29+$0xFFFFFF00];
	v25 =	vperm.xlane v12, v0;
	v29 =	vperm.xlane v21, v0  }
0x1b8: {  	v33 =	vperm.xlane v26, v0;
	v17 =	vsel vm0, v13, v7;
	v13 =	vld [tilespmem:s29+$0x400];
	v10 =	vsel vm0, v16, v10  }
0x1b9: {  	v16 =	vperm.xlane v11, v0;
	v18 =	vsel vm0, v9, v18;
	v7 =	vperm.xlane v17, v1  }
0x1ba: {  	v24 =	vld [tilespmem:s29+$0xFFFFFC00];
	v8 =	vsel vm0, v8, v19;
	v19 =	vperm.xlane v15, v0;
	v23 =	vperm.xlane v18, v1  }
0x1bb: {  	v22 =	vsel vm0, v22, v15;
	v9 =	vperm.xlane v10, v1;
	v7 =	vsel vm1, v7, v10;
	v10 =	vld [tilespmem:s29+$0xFFFFFE00]  }
0x1bc: {  	v15 =	vperm.xlane v20, v0;
	v31 =	vperm.xlane v8, v1;
	v8 =	vsel vm1, v8, v23  }
0x1bd: {  	v23 =	vperm.xlane v22, v1;
	v17 =	vsel vm1, v17, v9;
	v27 =	vperm.xlane v13, v0  }
0x1be: {  	v12 =	vsel vm0, v33, v12;
	v32 =	vperm.xlane v8, v3;
	v37 =	vperm.xlane v17, v3  }
0x1bf: {  	v28 =	vld [tilespmem:s29+$0xFFFFF800];
	v21 =	vsel vm0, v27, v21;
	v27 =	vsel vm0, v14, v19;
	v19 =	vsel vm0, v13, v29  }
0x1c0: {  	v30 =	vsel vm0, v10, v15;
	v10 =	vperm.xlane v10, v0;
	v15 =	vperm.xlane v24, v0  }
0x1c1: {  	v29 =	vperm.xlane v27, v1;
	v34 =	vperm.xlane v19, v1;
	v36 =	vsel vm1, v21, v23  }
0x1c2: {  	v16 =	vsel vm0, v24, v16;
	v14 =	vld [tilespmem:s29+$0xFFFFF900];
	v21 =	vperm.xlane v21, v1;
	v60 =	vperm.xlane v36, v3  }
0x1c3: {  	v13 =	vsel vm0, v10, v20;
	v10 =	vperm.xlane v30, v1;
	v20 =	vsel vm0, v26, v25  }
0x1c4: {  	v25 =	vperm.xlane v28, v0;
	v59 =	vsel vm0, v15, v11;
	v11 =	vperm.xlane v12, v1  }
0x1c5: {  	v9 =	vsel vm1, v34, v27;
	v21 =	vsel vm1, v21, v22;
	v24 =	vperm.xlane v13, v1  }
0x1c6: {  	v62 =	vperm.xlane v9, v3;
	v39 =	vsel vm2, v17, v60;
	v33 =	vperm.xlane v59, v1  }
0x1c7: {  	v26 =	vperm.xlane v14, v0;
	v14 =	vsel vm0, v25, v14;
	v35 =	vsel vm1, v16, v10  }
0x1c8: {  	v16 =	vperm.xlane v16, v1;
	v15 =	vsel vm1, v59, v24;
	v24 =	vsel vm1, v19, v29  }
0x1c9: {  	v29 =	vsel vm1, v14, v11;
	v11 =	vperm.xlane v14, v1;
	v25 =	vperm.xlane v24, v3  }
0x1ca: {  	v28 =	vsel vm0, v28, v26;
	v26 =	vperm.xlane v29, v3;
	v10 =	vsel vm2, v32, v24  }
0x1cb: {  	v61 =	vsel vm1, v16, v30;
	v24 =	vperm.xlane v7, v3;
	v30 =	vperm.xlane v21, v3  }
0x1cc: {  	v19 =	vsel vm1, v11, v12;
	v12 =	vperm.xlane v15, v3;
	v16 =	vperm.xlane v10, v4  }
0x1cd: {  	v27 =	vperm.xlane v61, v3;
	v8 =	vsel vm2, v8, v25;
	v25 =	vperm.xlane v28, v1  }
0x1ce: {  	v11 =	vsel vm2, v26, v15;
	v26 =	vperm.xlane v35, v3;
	v23 =	vperm.xlane v19, v3  }
0x1cf: {  	v24 =	vsel vm2, v24, v21;
	v21 =	vsel vm1, v31, v18;
	v18 =	vperm.xlane v39, v4  }
0x1d0: {  	v14 =	vperm.xlane v8, v4;
	v15 =	vperm.xlane v11, v4  }
0x1d1: {  	v12 =	vsel vm2, v29, v12;
	v25 =	vsel vm1, v25, v20;
	v20 =	vperm.xlane v20, v1  }
0x1d2: {  	v29 =	vperm.xlane v24, v4;
	v63 =	vperm.xlane v12, v4  }
0x1d3: {  	v27 =	vsel vm2, v25, v27;
	v38 =	vperm.xlane v25, v3;
	v28 =	vsel vm1, v28, v20  }
0x1d4: {  	v31 =	vperm.xlane v27, v4;
	v22 =	vperm.xlane v28, v3  }
0x1d5: {  	v32 =	vsel vm2, v21, v62;
	v20 =	vsel vm2, v37, v36;
	v17 =	vsel vm2, v38, v61  }
0x1d6: {  	s28 =	sshll.u32 s26, $0xD;
	s30 =	simm.s32 $0x0;
	s31 =	simm.s32 $0x200;
	v31 =	vsel vm3, v31, v32;
	v25 =	vsel vm2, v22, v35;
	v22 =	vsel vm3, v63, v39  }
.LBB2_9:
0x1d7: {  	p1 =	sne.s32 s31, $0x1E00  }
0x1d8: {  	v33 =	vsel vm1, v33, v13;
	v26 =	vsel vm2, v28, v26;
	v13 =	vperm.xlane v22, v5;
	s29 =	sadd.s32 $0x10, s29;
	s0 =	smov.u32 s31;
	s31 =	sadd.s32 $0x200, s31  }
0x1d9: {  	v7 =	vsel vm2, v7, v30;
	v30 =	vperm.xlane v32, v4;
	v28 =	vperm.xlane v33, v3  }
0x1da: {  	v23 =	vsel vm2, v23, v33;
	v32 =	vperm.xlane v7, v4;
	v33 =	vperm.xlane v31, v2  }
0x1db: {  	v19 =	vsel vm2, v19, v28;
	v28 =	vperm.xlane v23, v4  }
0x1dc: {  	v23 =	vsel vm3, v23, v29;
	v29 =	vperm.xlane v31, v5;
	v32 =	vsel vm3, v19, v32  }
0x1dd: {  	v27 =	vsel vm3, v27, v30;
	v31 =	vperm.xlane v26, v4;
	v19 =	vperm.xlane v19, v4  }
0x1de: {  	v15 =	vsel vm3, v15, v20;
	v14 =	vsel vm3, v26, v14;
	v26 =	vperm.xlane v23, v5  }
0x1df: {  	v23 =	vperm.xlane v23, v2;
	v24 =	vsel vm3, v28, v24;
	v28 =	vperm.xlane v27, v5  }
0x1e0: {  	v30 =	vperm.xlane v14, v2;
	v8 =	vsel vm3, v31, v8;
	v27 =	vperm.xlane v27, v2  }
0x1e1: {  	v14 =	vperm.xlane v14, v5;
	v7 =	vsel vm3, v19, v7;
	v19 =	vperm.xlane v20, v4  }
0x1e2: {  	v20 =	vperm.xlane v24, v2;
	v24 =	vperm.xlane v24, v5  }
0x1e3: {  	v31 =	vperm.xlane v15, v5;
	v11 =	vsel vm3, v11, v19;
	v19 =	vperm.xlane v32, v2  }
0x1e4: {  	v16 =	vsel vm3, v25, v16;
	v25 =	vperm.xlane v25, v4;
	v34 =	vperm.xlane v11, v2  }
0x1e5: {  	v35 =	vperm.xlane v16, v5;
	v11 =	vperm.xlane v11, v5  }
0x1e6: {  	v21 =	vperm.xlane v21, v3;
	v10 =	vsel vm3, v25, v10;
	v25 =	vperm.xlane v32, v5  }
0x1e7: {  	v22 =	vperm.xlane v22, v2;
	v16 =	vperm.xlane v16, v2;
	v11 =	vsel vm3, v35, v11  }
0x1e8: {  	v9 =	vsel vm2, v21, v9;
	v21 =	vperm.xlane v17, v4;
	v32 =	vperm.xlane v10, v5  }
0x1e9: {  	v12 =	vsel vm3, v12, v18;
	v18 =	vperm.xlane v9, v4;
	v16 =	vsel vm3, v16, v34  }
0x1ea: {  	v9 =	vsel vm3, v21, v9;
	v21 =	vperm.xlane v12, v5;
	v31 =	vsel vm3, v32, v31  }
0x1eb: {  	v17 =	vsel vm3, v17, v18;
	v15 =	vperm.xlane v15, v2;
	v18 =	vperm.xlane v9, v2  }
0x1ec: {  	v14 =	vsel vm3, v14, v21;
	v21 =	vperm.xlane v17, v2;
	v32 =	vperm.xlane v7, v2  }
0x1ed: {  	v12 =	vperm.xlane v12, v2;
	v19 =	vsel vm3, v27, v19;
	v27 =	vperm.xlane v8, v2  }
0x1ee: {  	v17 =	vperm.xlane v17, v5;
	v21 =	vsel vm3, v21, v23;
	v10 =	vperm.xlane v10, v2  }
0x1ef: {  	v18 =	vsel vm3, v18, v20;
	v21 =	vshll.u32 v21, $0x8;
	v8 =	vperm.xlane v8, v5  }
0x1f0: {  	v9 =	vperm.xlane v9, v5;
	v17 =	vsel vm3, v17, v26;
	v20 =	vsel vm3, v33, v32  }
0x1f1: {  	v7 =	vperm.xlane v7, v5;
	v10 =	vsel vm3, v10, v15;
	v20 =	vshll.u32 v20, $0x8  }
0x1f2: {  	v12 =	vsel vm3, v30, v12;
	v18 =	vshll.u32 v18, $0x8;
	v15 =	vshll.u32 v19, $0x8  }
0x1f3: {  	v9 =	vsel vm3, v9, v24;
	v10 =	vshll.u32 v10, $0x8;
	v7 =	vsel vm3, v29, v7  }
0x1f4: {  	v19 =	vsel vm3, v28, v25;
	v10 =	vadd.s32 v31, v10;
	v7 =	vadd.s32 v7, v20  }
0x1f5: {  	s1 =	sshra.s32 s30, $0x2;
	s30 =	smov.u32 s0;
	v15 =	vadd.s32 v19, v15;
	v19 =	vsel vm3, v27, v22;
	v10 =	vadd.s32 v6, v10  }
0x1f6: {  	v16 =	vshll.u32 v16, $0x8;
	v15 =	vadd.s32 v6, v15;
	v19 =	vshll.u32 v19, $0x8;
	[tilespmem:s1+$0x2860] =	vst v10  }
0x1f7: {  	v9 =	vadd.s32 v9, v18;
	v10 =	vshll.u32 v12, $0x8;
	v12 =	vadd.s32 v17, v21;
	[tilespmem:s1+$0x2810] =	vst v15  }
0x1f8: {  	v9 =	vadd.s32 v6, v9;
	v10 =	vadd.s32 v14, v10;
	v12 =	vadd.s32 v6, v12  }
0x1f9: {  	v8 =	vsel vm3, v8, v13;
	v11 =	vadd.s32 v11, v16;
	v10 =	vadd.s32 v6, v10;
	[tilespmem:s1+$0x2870] =	vst v9  }
0x1fa: {  	v8 =	vadd.s32 v8, v19;
	v7 =	vadd.s32 v6, v7;
	v9 =	vadd.s32 v6, v11;
	[tilespmem:s1+$0x2800] =	vst v10  }
0x1fb: {  	v8 =	vadd.s32 v6, v8;
	[tilespmem:s1+$0x2850] =	vst v7  }
0x1fc: {  	[tilespmem:s1+$0x2840] =	vst v8  }
0x1fd: {  	[tilespmem:s1+$0x2820] =	vst v9  }
0x1fe: {  	[tilespmem:s1+$0x2830] =	vst v12  }
0x1ff: {  	v8 =	vld [tilespmem:s29+$0x0]  }
0x200: {  	v7 =	vld [tilespmem:s29+$0x100]  }
0x201: {  	v9 =	vld [tilespmem:s29+$0x200]  }
0x202: {  	v10 =	vld [tilespmem:s29+$0x300]  }
0x203: {  	v11 =	vld [tilespmem:s29+$0xFFFFFD00]  }
0x204: {  	v12 =	vld [tilespmem:s29+$0xFFFFFB00];
	v13 =	vperm.xlane v8, v0  }
0x205: {  	v14 =	vld [tilespmem:s29+$0x600];
	v15 =	vperm.xlane v7, v0  }
0x206: {  	v16 =	vld [tilespmem:s29+$0x700];
	v17 =	vsel vm0, v13, v7;
	v7 =	vperm.xlane v9, v0  }
0x207: {  	v13 =	vld [tilespmem:s29+$0x400];
	v18 =	vperm.xlane v10, v0;
	v19 =	vperm.xlane v17, v1  }
0x208: {  	v20 =	vld [tilespmem:s29+$0xFFFFFF00];
	v21 =	vperm.xlane v11, v0;
	v7 =	vsel vm0, v7, v10  }
0x209: {  	v10 =	vld [tilespmem:s29+$0x500];
	v18 =	vsel vm0, v9, v18;
	v9 =	vperm.xlane v7, v1;
	v7 =	vsel vm1, v19, v7  }
0x20a: {  	v19 =	vld [tilespmem:s29+$0xFFFFFE00];
	v22 =	vperm.xlane v14, v0;
	v23 =	vperm.xlane v18, v1  }
0x20b: {  	v8 =	vsel vm0, v8, v15;
	v25 =	vperm.xlane v12, v0;
	v24 =	vld [tilespmem:s29+$0xFFFFFC00];
	v15 =	vperm.xlane v16, v0  }
0x20c: {  	v31 =	vperm.xlane v8, v1;
	v26 =	vld [tilespmem:s29+$0xFFFFFA00];
	v27 =	vperm.xlane v13, v0;
	v22 =	vsel vm0, v22, v16  }
0x20d: {  	v8 =	vsel vm1, v8, v23;
	v16 =	vperm.xlane v20, v0;
	v23 =	vperm.xlane v22, v1  }
0x20e: {  	v30 =	vsel vm0, v14, v15;
	v28 =	vld [tilespmem:s29+$0xFFFFF800];
	v29 =	vperm.xlane v10, v0;
	v27 =	vsel vm0, v27, v10  }
0x20f: {  	v32 =	vperm.xlane v8, v3;
	v16 =	vsel vm0, v19, v16;
	v10 =	vperm.xlane v19, v0  }
0x210: {  	v14 =	vld [tilespmem:s29+$0xFFFFF900];
	v15 =	vperm.xlane v24, v0;
	v19 =	vsel vm0, v13, v29;
	v29 =	vperm.xlane v30, v1  }
0x211: {  	v33 =	vperm.xlane v26, v0;
	v13 =	vsel vm0, v10, v20;
	v10 =	vperm.xlane v16, v1  }
0x212: {  	v21 =	vsel vm0, v24, v21;
	v20 =	vsel vm0, v26, v25;
	v24 =	vperm.xlane v13, v1  }
0x213: {  	v25 =	vperm.xlane v28, v0;
	v12 =	vsel vm0, v33, v12;
	v33 =	vsel vm0, v15, v11  }
0x214: {  	v11 =	vperm.xlane v12, v1;
	v15 =	vsel vm1, v33, v24;
	v24 =	vsel vm1, v19, v29  }
0x215: {  	v26 =	vperm.xlane v14, v0;
	v14 =	vsel vm0, v25, v14;
	v25 =	vperm.xlane v24, v3  }
0x216: {  	v34 =	vperm.xlane v19, v1;
	v29 =	vsel vm1, v14, v11;
	v11 =	vperm.xlane v14, v1  }
0x217: {  	v28 =	vsel vm0, v28, v26;
	v26 =	vperm.xlane v29, v3;
	v8 =	vsel vm2, v8, v25  }
0x218: {  	v25 =	vperm.xlane v28, v1;
	v19 =	vsel vm1, v11, v12;
	v14 =	vperm.xlane v8, v4  }
0x219: {  	v17 =	vsel vm1, v17, v9;
	v35 =	vsel vm1, v21, v10;
	v11 =	vsel vm2, v26, v15  }
0x21a: {  	v12 =	vperm.xlane v15, v3;
	v25 =	vsel vm1, v25, v20;
	v15 =	vperm.xlane v11, v4  }
0x21b: {  	v37 =	vperm.xlane v17, v3;
	v36 =	vsel vm1, v27, v23;
	v26 =	vperm.xlane v35, v3  }
0x21c: {  	v10 =	vsel vm2, v32, v24;
	v23 =	vperm.xlane v19, v3;
	v20 =	vperm.xlane v20, v1  }
0x21d: {  	v21 =	vperm.xlane v21, v1;
	v9 =	vsel vm1, v34, v30;
	v32 =	vperm.xlane v36, v3  }
0x21e: {  	v24 =	vperm.xlane v27, v1;
	v28 =	vsel vm1, v28, v20;
	v20 =	vsel vm2, v37, v36  }
0x21f: {  	v34 =	vsel vm1, v21, v16;
	v21 =	vperm.xlane v7, v3;
	v16 =	vperm.xlane v10, v4  }
0x220: {  	v27 =	vperm.xlane v34, v3;
	v22 =	vsel vm1, v24, v22;
	v36 =	vperm.xlane v28, v3  }
0x221: {  	v30 =	vperm.xlane v22, v3;
	v24 =	vsel vm2, v21, v22;
	v12 =	vsel vm2, v29, v12  }
.Ltmp8:
0x222: {  	v22 =	vperm.xlane v9, v3;
	v29 =	vperm.xlane v24, v4;
	v27 =	vsel vm2, v25, v27;
	(pc) =	sbr.rel @p1 .LBB2_9-.Ltmp8, $4  }
0x223: {  	v21 =	vsel vm1, v31, v18;
	v37 =	vperm.xlane v12, v4;
	v31 =	vperm.xlane v27, v4  }
0x224: {  	v39 =	vsel vm2, v17, v32;
	v32 =	vsel vm2, v21, v22;
	v38 =	vperm.xlane v25, v3  }
0x225: {  	v33 =	vperm.xlane v33, v1;
	v18 =	vperm.xlane v39, v4;
	v31 =	vsel vm3, v31, v32  }
0x226: {  	v17 =	vsel vm2, v38, v34;
	v22 =	vsel vm3, v37, v39;
	v25 =	vsel vm2, v36, v35  }
0x227: {  	v26 =	vsel vm2, v28, v26;
	v28 =	vperm.xlane v22, v5  }
0x228: {  	v61 =	vperm.xlane v32, v4;
	v63 =	vperm.xlane v31, v2  }
0x229: {  	v13 =	vsel vm1, v33, v13;
	v41 =	vperm.xlane v31, v5;
	v46 =	vperm.xlane v20, v4  }
0x22a: {  	v7 =	vsel vm2, v7, v30;
	v49 =	vperm.xlane v25, v4;
	v21 =	vperm.xlane v21, v3  }
0x22b: {  	v15 =	vsel vm3, v15, v20;
	v51 =	vperm.xlane v22, v2;
	v52 =	vperm.xlane v17, v4  }
0x22c: {  	v16 =	vsel vm3, v25, v16;
	v33 =	vperm.xlane v13, v3;
	v62 =	vperm.xlane v7, v4  }
0x22d: {  	v12 =	vsel vm3, v12, v18;
	v42 =	vperm.xlane v26, v4;
	v35 =	vperm.xlane v15, v5  }
0x22e: {  	v13 =	vsel vm2, v23, v13;
	v36 =	vperm.xlane v16, v5;
	v16 =	vperm.xlane v16, v2  }
0x22f: {  	v14 =	vsel vm3, v26, v14;
	v18 =	vperm.xlane v12, v5;
	v15 =	vperm.xlane v15, v2  }
0x230: {  	v12 =	vperm.xlane v12, v2;
	v40 =	vperm.xlane v13, v4;
	v13 =	vsel vm3, v13, v29  }
0x231: {  	v27 =	vsel vm3, v27, v61;
	v45 =	vperm.xlane v14, v2;
	v14 =	vperm.xlane v14, v5  }
0x232: {  	v11 =	vsel vm3, v11, v46;
	v10 =	vsel vm3, v49, v10;
	v44 =	vperm.xlane v13, v5  }
0x233: {  	v9 =	vsel vm2, v21, v9;
	v34 =	vperm.xlane v27, v5;
	v13 =	vperm.xlane v13, v2  }
0x234: {  	v19 =	vsel vm2, v19, v33;
	v27 =	vperm.xlane v27, v2;
	v50 =	vperm.xlane v11, v2  }
0x235: {  	v8 =	vsel vm3, v42, v8;
	v11 =	vperm.xlane v11, v5;
	v25 =	vperm.xlane v10, v5  }
0x236: {  	v53 =	vperm.xlane v9, v4;
	v9 =	vsel vm3, v52, v9;
	v10 =	vperm.xlane v10, v2  }
0x237: {  	v43 =	vperm.xlane v19, v4;
	v19 =	vsel vm3, v19, v62;
	v56 =	vperm.xlane v9, v2  }
0x238: {  	v24 =	vsel vm3, v40, v24;
	v58 =	vperm.xlane v8, v2;
	v8 =	vperm.xlane v8, v5  }
0x239: {  	v14 =	vsel vm3, v14, v18;
	v9 =	vperm.xlane v9, v5;
	v47 =	vperm.xlane v24, v2  }
0x23a: {  	v12 =	vsel vm3, v45, v12;
	v24 =	vperm.xlane v24, v5;
	v48 =	vperm.xlane v19, v2  }
0x23b: {  	v19 =	vperm.xlane v19, v5;
	v11 =	vsel vm3, v36, v11;
	v16 =	vsel vm3, v16, v50  }
0x23c: {  	v54 =	vsel vm3, v17, v53;
	v55 =	vsel vm3, v25, v35;
	v10 =	vsel vm3, v10, v15  }
0x23d: {  	v60 =	vshll.u32 v12, $0x8;
	v7 =	vsel vm3, v43, v7;
	v30 =	vperm.xlane v54, v2  }
0x23e: {  	v17 =	vperm.xlane v54, v5;
	v10 =	vshll.u32 v10, $0x8;
	v61 =	vsel vm3, v58, v51  }
0x23f: {  	v8 =	vsel vm3, v8, v28;
	v62 =	vshll.u32 v16, $0x8;
	v57 =	vperm.xlane v7, v2  }
0x240: {  	v27 =	vsel vm3, v27, v48;
	v20 =	vsel vm3, v56, v47;
	v7 =	vperm.xlane v7, v5  }
0x241: {  	v9 =	vsel vm3, v9, v24;
	v19 =	vsel vm3, v34, v19;
	v10 =	vadd.s32 v55, v10  }
0x242: {  	v12 =	vshll.u32 v61, $0x8;
	v13 =	vsel vm3, v30, v13;
	v59 =	vshll.u32 v27, $0x8  }
0x243: {  	s0 =	sshra.s32 s30, $0x2;
	v20 =	vshll.u32 v20, $0x8;
	v10 =	vadd.s32 v6, v10;
	v8 =	vadd.s32 v8, v12  }
0x244: {  	v18 =	vsel vm3, v63, v57;
	v15 =	vadd.s32 v19, v59;
	[tilespmem:s0+$0x2860] =	vst v10;
	v8 =	vadd.s32 v6, v8  }
0x245: {  	v7 =	vsel vm3, v41, v7;
	v9 =	vadd.s32 v9, v20;
	v15 =	vadd.s32 v6, v15;
	[tilespmem:s0+$0x2840] =	vst v8  }
0x246: {  	v10 =	vadd.s32 v14, v60;
	v18 =	vshll.u32 v18, $0x8;
	v9 =	vadd.s32 v6, v9;
	[tilespmem:s0+$0x2810] =	vst v15  }
0x247: {  	v13 =	vshll.u32 v13, $0x8;
	v10 =	vadd.s32 v6, v10;
	v7 =	vadd.s32 v7, v18;
	[tilespmem:s0+$0x2870] =	vst v9  }
0x248: {  	v63 =	vsel vm3, v17, v44;
	[tilespmem:s0+$0x2800] =	vst v10;
	v9 =	vadd.s32 v11, v62;
	v7 =	vadd.s32 v6, v7  }
0x249: {  	v9 =	vadd.s32 v6, v9;
	[tilespmem:s0+$0x2850] =	vst v7;
	v7 =	vadd.s32 v63, v13  }
0x24a: {  	[tilespmem:s0+$0x2820] =	vst v9;
	v7 =	vadd.s32 v6, v7  }
0x24b: {  	[tilespmem:s0+$0x2830] =	vst v7  }
0x24c: {  	_ =	swait.ge [sflag:s15], $0x8000  }
0x24d: {  	s28 =	sadd.s32 s23, s28;
	[sflag:s15] =	ssyncset.done $0x0  }
0x24e: {  	p1 =	seq.s32 s26, $0x0;
	s31 =	sadd.s32 s24, s28;
	[sflag:s15] =	ssyncadd.s32 $0xFFFF8000  }
0x24f: {  	[hbm4b:s31+s3] =	stream.linear.scatter [tilespmem:s11], [sflag:$0x5], $0x8000, $0x38;
	[tilespmem:$0x13000] =	vst v63  }
.Ltmp9:
0x250: {  	s0 =	simm.s32 @!p1 $0x6;
	(pc) =	sbr.rel @p0 .LBB2_14-.Ltmp9, $4  }
0x251: {  	_ =	swait.ge @!p1 [sflag:s0], $0x8000  }
0x252: {  	[sflag:s0] =	ssyncset.done @!p1 $0x0  }
0x253: {  	[sflag:s0] =	ssyncadd.s32 @!p1 $0xFFFF8000  }
0x254: {  	[tilespmem:s20], [sflag:$0x4] =	stream.indirect.gather [hbm4b:s5+s6], $0x10, s17, s6, $0xb8;
	[tilespmem:$0x13000] =	vst v63  }
0x255: {  	s0 =	sshll.u32 s26, $0x9;
	s1 =	rddreg [dreg:$0xc]  }
0x256: {  	s0 =	sadd.s32 s0, s1  }
0x257: {  	s0 =	sshrl.u32 s0, $0x3  }
0x258: {  	s29 =	simm.s32 $0x0;
	s30 =	simm.s32 $0x1000;
	s1 =	sadd.s32 s4, s0  }
0x259: {  	[tilespmem:s30], [sflag:$0x2] =	stream.linear.gather [hbm4b:s1+s29], $0x100, $0x38;
	[tilespmem:$0x13000] =	vst v63  }
0x25a: {  	s31 =	simm.s32 $0x1100;
	s30 =	sadd.s32 $0x8000, s1  }
0x25b: {  	[tilespmem:s31], [sflag:$0x2] =	stream.linear.gather [hbm4b:s30+s29], $0x100, $0x38;
	[tilespmem:$0x13000] =	vst v63  }
0x25c: {  	s30 =	sadd.s32 s0, s7;
	s31 =	simm.s32 $0x1200  }
0x25d: {  	[tilespmem:s31], [sflag:$0x2] =	stream.linear.gather [hbm4b:s30+s29], $0x100, $0x38;
	[tilespmem:$0x13000] =	vst v63  }
0x25e: {  	s30 =	sadd.s32 $0x18000, s1;
	s31 =	simm.s32 $0x1300  }
0x25f: {  	[tilespmem:s31], [sflag:$0x2] =	stream.linear.gather [hbm4b:s30+s29], $0x100, $0x38;
	[tilespmem:$0x13000] =	vst v63  }
0x260: {  	s30 =	sadd.s32 s0, s10;
	s31 =	simm.s32 $0x1400  }
0x261: {  	[tilespmem:s31], [sflag:$0x2] =	stream.linear.gather [hbm4b:s30+s29], $0x100, $0x38;
	[tilespmem:$0x13000] =	vst v63  }
0x262: {  	s30 =	sadd.s32 $0x28000, s1;
	s31 =	simm.s32 $0x1500  }
0x263: {  	[tilespmem:s31], [sflag:$0x2] =	stream.linear.gather [hbm4b:s30+s29], $0x100, $0x38;
	[tilespmem:$0x13000] =	vst v63  }
0x264: {  	s30 =	sadd.s32 s0, s12;
	s31 =	simm.s32 $0x1600  }
0x265: {  	[tilespmem:s31], [sflag:$0x2] =	stream.linear.gather [hbm4b:s30+s29], $0x100, $0x38;
	[tilespmem:$0x13000] =	vst v63  }
0x266: {  	s30 =	sadd.s32 $0x38000, s1;
	s31 =	simm.s32 $0x1700  }
0x267: {  	[tilespmem:s31], [sflag:$0x2] =	stream.linear.gather [hbm4b:s30+s29], $0x100, $0x38;
	[tilespmem:$0x13000] =	vst v63  }
0x268: {  	s30 =	sadd.s32 s0, s13;
	s31 =	simm.s32 $0x1800  }
0x269: {  	[tilespmem:s31], [sflag:$0x2] =	stream.linear.gather [hbm4b:s30+s29], $0x100, $0x38;
	[tilespmem:$0x13000] =	vst v63  }
0x26a: {  	s30 =	sadd.s32 $0x48000, s1;
	s31 =	simm.s32 $0x1900  }
0x26b: {  	[tilespmem:s31], [sflag:$0x2] =	stream.linear.gather [hbm4b:s30+s29], $0x100, $0x38;
	[tilespmem:$0x13000] =	vst v63  }
0x26c: {  	s30 =	sadd.s32 s0, s16;
	s31 =	simm.s32 $0x1A00  }
0x26d: {  	[tilespmem:s31], [sflag:$0x2] =	stream.linear.gather [hbm4b:s30+s29], $0x100, $0x38;
	[tilespmem:$0x13000] =	vst v63  }
0x26e: {  	s30 =	sadd.s32 $0x58000, s1;
	s31 =	simm.s32 $0x1B00  }
0x26f: {  	[tilespmem:s31], [sflag:$0x2] =	stream.linear.gather [hbm4b:s30+s29], $0x100, $0x38;
	[tilespmem:$0x13000] =	vst v63  }
0x270: {  	s30 =	sadd.s32 s0, s18;
	s31 =	simm.s32 $0x1C00  }
0x271: {  	[tilespmem:s31], [sflag:$0x2] =	stream.linear.gather [hbm4b:s30+s29], $0x100, $0x38;
	[tilespmem:$0x13000] =	vst v63  }
0x272: {  	s30 =	sadd.s32 $0x68000, s1;
	s31 =	simm.s32 $0x1D00  }
0x273: {  	[tilespmem:s31], [sflag:$0x2] =	stream.linear.gather [hbm4b:s30+s29], $0x100, $0x38;
	[tilespmem:$0x13000] =	vst v63  }
0x274: {  	s0 =	sadd.s32 s0, s19;
	s30 =	simm.s32 $0x1E00  }
0x275: {  	[tilespmem:s30], [sflag:$0x2] =	stream.linear.gather [hbm4b:s0+s29], $0x100, $0x38;
	[tilespmem:$0x13000] =	vst v63  }
0x276: {  	s0 =	sadd.s32 $0x78000, s1;
	s1 =	simm.s32 $0x1F00  }
0x277: {  	[tilespmem:s1], [sflag:$0x2] =	stream.linear.gather [hbm4b:s0+s29], $0x100, $0x38;
	[tilespmem:$0x13000] =	vst v63  }
0x278: {  	_ =	swait.ge [sflag:s2], $0x100  }
0x279: {  	[sflag:s2] =	ssyncset.done $0x0  }
0x27a: {  	[sflag:s2] =	ssyncadd.s32 $0xFFFFFF00  }
0x27b: {  	_ =	swait.ge [sflag:s2], $0x100  }
0x27c: {  	[sflag:s2] =	ssyncset.done $0x0  }
0x27d: {  	[sflag:s2] =	ssyncadd.s32 $0xFFFFFF00  }
0x27e: {  	_ =	swait.ge [sflag:s2], $0x100  }
0x27f: {  	[sflag:s2] =	ssyncset.done $0x0  }
0x280: {  	[sflag:s2] =	ssyncadd.s32 $0xFFFFFF00  }
0x281: {  	_ =	swait.ge [sflag:s2], $0x100  }
0x282: {  	[sflag:s2] =	ssyncset.done $0x0  }
0x283: {  	[sflag:s2] =	ssyncadd.s32 $0xFFFFFF00  }
0x284: {  	_ =	swait.ge [sflag:s2], $0x100  }
0x285: {  	[sflag:s2] =	ssyncset.done $0x0  }
0x286: {  	[sflag:s2] =	ssyncadd.s32 $0xFFFFFF00  }
0x287: {  	_ =	swait.ge [sflag:s2], $0x100  }
0x288: {  	[sflag:s2] =	ssyncset.done $0x0  }
0x289: {  	[sflag:s2] =	ssyncadd.s32 $0xFFFFFF00  }
0x28a: {  	_ =	swait.ge [sflag:s2], $0x100  }
0x28b: {  	[sflag:s2] =	ssyncset.done $0x0  }
0x28c: {  	[sflag:s2] =	ssyncadd.s32 $0xFFFFFF00  }
0x28d: {  	_ =	swait.ge [sflag:s2], $0x100  }
0x28e: {  	[sflag:s2] =	ssyncset.done $0x0  }
0x28f: {  	[sflag:s2] =	ssyncadd.s32 $0xFFFFFF00  }
0x290: {  	_ =	swait.ge [sflag:s2], $0x100  }
0x291: {  	[sflag:s2] =	ssyncset.done $0x0  }
0x292: {  	[sflag:s2] =	ssyncadd.s32 $0xFFFFFF00  }
0x293: {  	_ =	swait.ge [sflag:s2], $0x100  }
0x294: {  	[sflag:s2] =	ssyncset.done $0x0  }
0x295: {  	[sflag:s2] =	ssyncadd.s32 $0xFFFFFF00  }
0x296: {  	_ =	swait.ge [sflag:s2], $0x100  }
0x297: {  	[sflag:s2] =	ssyncset.done $0x0  }
0x298: {  	[sflag:s2] =	ssyncadd.s32 $0xFFFFFF00  }
0x299: {  	_ =	swait.ge [sflag:s2], $0x100  }
0x29a: {  	[sflag:s2] =	ssyncset.done $0x0  }
0x29b: {  	[sflag:s2] =	ssyncadd.s32 $0xFFFFFF00  }
0x29c: {  	_ =	swait.ge [sflag:s2], $0x100  }
0x29d: {  	[sflag:s2] =	ssyncset.done $0x0  }
0x29e: {  	[sflag:s2] =	ssyncadd.s32 $0xFFFFFF00  }
0x29f: {  	_ =	swait.ge [sflag:s2], $0x100  }
0x2a0: {  	[sflag:s2] =	ssyncset.done $0x0  }
0x2a1: {  	[sflag:s2] =	ssyncadd.s32 $0xFFFFFF00  }
0x2a2: {  	_ =	swait.ge [sflag:s2], $0x100  }
0x2a3: {  	[sflag:s2] =	ssyncset.done $0x0  }
0x2a4: {  	[sflag:s2] =	ssyncadd.s32 $0xFFFFFF00  }
0x2a5: {  	_ =	swait.ge [sflag:s2], $0x100  }
0x2a6: {  	[sflag:s2] =	ssyncset.done $0x0  }
0x2a7: {  	s30 =	simm.s32 $0x800;
	[sflag:s2] =	ssyncadd.s32 $0xFFFFFF00  }
0x2a8: {  	v8 =	vld [tilespmem:s30+$0x0]  }
0x2a9: {  	v7 =	vld [tilespmem:s30+$0x100]  }
0x2aa: {  	v9 =	vld [tilespmem:s30+$0x200]  }
0x2ab: {  	v10 =	vld [tilespmem:s30+$0x300]  }
0x2ac: {  	v12 =	vld [tilespmem:s30+$0xFFFFFB00]  }
0x2ad: {  	v14 =	vld [tilespmem:s30+$0x600]  }
0x2ae: {  	v21 =	vld [tilespmem:s30+$0x500]  }
0x2af: {  	v26 =	vld [tilespmem:s30+$0xFFFFFA00]  }
0x2b0: {  	v11 =	vld [tilespmem:s30+$0xFFFFFD00];
	v13 =	vperm.xlane v8, v0  }
0x2b1: {  	v15 =	vld [tilespmem:s30+$0x700];
	v16 =	vperm.xlane v9, v0;
	v18 =	vperm.xlane v10, v0  }
0x2b2: {  	v19 =	vperm.xlane v7, v0;
	v22 =	vperm.xlane v14, v0  }
0x2b3: {  	v20 =	vld [tilespmem:s30+$0xFFFFFF00];
	v25 =	vperm.xlane v12, v0;
	v29 =	vperm.xlane v21, v0  }
0x2b4: {  	v33 =	vperm.xlane v26, v0;
	v17 =	vsel vm0, v13, v7;
	v13 =	vld [tilespmem:s30+$0x400];
	v10 =	vsel vm0, v16, v10  }
0x2b5: {  	v16 =	vperm.xlane v11, v0;
	v18 =	vsel vm0, v9, v18;
	v7 =	vperm.xlane v17, v1  }
0x2b6: {  	v24 =	vld [tilespmem:s30+$0xFFFFFC00];
	v8 =	vsel vm0, v8, v19;
	v19 =	vperm.xlane v15, v0;
	v23 =	vperm.xlane v18, v1  }
0x2b7: {  	v22 =	vsel vm0, v22, v15;
	v9 =	vperm.xlane v10, v1;
	v7 =	vsel vm1, v7, v10;
	v10 =	vld [tilespmem:s30+$0xFFFFFE00]  }
0x2b8: {  	v15 =	vperm.xlane v20, v0;
	v31 =	vperm.xlane v8, v1;
	v8 =	vsel vm1, v8, v23  }
0x2b9: {  	v23 =	vperm.xlane v22, v1;
	v17 =	vsel vm1, v17, v9;
	v27 =	vperm.xlane v13, v0  }
0x2ba: {  	v12 =	vsel vm0, v33, v12;
	v32 =	vperm.xlane v8, v3;
	v37 =	vperm.xlane v17, v3  }
0x2bb: {  	v28 =	vld [tilespmem:s30+$0xFFFFF800];
	v21 =	vsel vm0, v27, v21;
	v27 =	vsel vm0, v14, v19;
	v19 =	vsel vm0, v13, v29  }
0x2bc: {  	v30 =	vsel vm0, v10, v15;
	v10 =	vperm.xlane v10, v0;
	v15 =	vperm.xlane v24, v0  }
0x2bd: {  	v29 =	vperm.xlane v27, v1;
	v34 =	vperm.xlane v19, v1;
	v36 =	vsel vm1, v21, v23  }
0x2be: {  	v16 =	vsel vm0, v24, v16;
	v14 =	vld [tilespmem:s30+$0xFFFFF900];
	v21 =	vperm.xlane v21, v1;
	v60 =	vperm.xlane v36, v3  }
0x2bf: {  	v13 =	vsel vm0, v10, v20;
	v10 =	vperm.xlane v30, v1;
	v20 =	vsel vm0, v26, v25  }
0x2c0: {  	v25 =	vperm.xlane v28, v0;
	v59 =	vsel vm0, v15, v11;
	v11 =	vperm.xlane v12, v1  }
0x2c1: {  	v9 =	vsel vm1, v34, v27;
	v21 =	vsel vm1, v21, v22;
	v24 =	vperm.xlane v13, v1  }
0x2c2: {  	v62 =	vperm.xlane v9, v3;
	v39 =	vsel vm2, v17, v60;
	v33 =	vperm.xlane v59, v1  }
0x2c3: {  	v26 =	vperm.xlane v14, v0;
	v14 =	vsel vm0, v25, v14;
	v35 =	vsel vm1, v16, v10  }
0x2c4: {  	v16 =	vperm.xlane v16, v1;
	v15 =	vsel vm1, v59, v24;
	v24 =	vsel vm1, v19, v29  }
0x2c5: {  	v29 =	vsel vm1, v14, v11;
	v11 =	vperm.xlane v14, v1;
	v25 =	vperm.xlane v24, v3  }
0x2c6: {  	v28 =	vsel vm0, v28, v26;
	v26 =	vperm.xlane v29, v3;
	v10 =	vsel vm2, v32, v24  }
0x2c7: {  	v61 =	vsel vm1, v16, v30;
	v24 =	vperm.xlane v7, v3;
	v30 =	vperm.xlane v21, v3  }
0x2c8: {  	v19 =	vsel vm1, v11, v12;
	v12 =	vperm.xlane v15, v3;
	v16 =	vperm.xlane v10, v4  }
0x2c9: {  	v27 =	vperm.xlane v61, v3;
	v8 =	vsel vm2, v8, v25;
	v25 =	vperm.xlane v28, v1  }
0x2ca: {  	v11 =	vsel vm2, v26, v15;
	v26 =	vperm.xlane v35, v3;
	v23 =	vperm.xlane v19, v3  }
0x2cb: {  	v24 =	vsel vm2, v24, v21;
	v21 =	vsel vm1, v31, v18;
	v18 =	vperm.xlane v39, v4  }
0x2cc: {  	v14 =	vperm.xlane v8, v4;
	v15 =	vperm.xlane v11, v4  }
0x2cd: {  	v12 =	vsel vm2, v29, v12;
	v25 =	vsel vm1, v25, v20;
	v20 =	vperm.xlane v20, v1  }
0x2ce: {  	v29 =	vperm.xlane v24, v4;
	v63 =	vperm.xlane v12, v4  }
0x2cf: {  	v27 =	vsel vm2, v25, v27;
	v38 =	vperm.xlane v25, v3;
	v28 =	vsel vm1, v28, v20  }
0x2d0: {  	v31 =	vperm.xlane v27, v4;
	v22 =	vperm.xlane v28, v3  }
0x2d1: {  	v32 =	vsel vm2, v21, v62;
	v20 =	vsel vm2, v37, v36;
	v17 =	vsel vm2, v38, v61  }
0x2d2: {  	s31 =	simm.s32 $0x200;
	v31 =	vsel vm3, v31, v32;
	v25 =	vsel vm2, v22, v35;
	v22 =	vsel vm3, v63, v39  }
.LBB2_12:
0x2d3: {  	p0 =	sne.s32 s31, $0x1E00  }
0x2d4: {  	v33 =	vsel vm1, v33, v13;
	v26 =	vsel vm2, v28, v26;
	v13 =	vperm.xlane v22, v5;
	s30 =	sadd.s32 $0x10, s30;
	s0 =	smov.u32 s31;
	s31 =	sadd.s32 $0x200, s31  }
0x2d5: {  	v7 =	vsel vm2, v7, v30;
	v30 =	vperm.xlane v32, v4;
	v28 =	vperm.xlane v33, v3  }
0x2d6: {  	v23 =	vsel vm2, v23, v33;
	v32 =	vperm.xlane v7, v4;
	v33 =	vperm.xlane v31, v2  }
0x2d7: {  	v19 =	vsel vm2, v19, v28;
	v28 =	vperm.xlane v23, v4  }
0x2d8: {  	v23 =	vsel vm3, v23, v29;
	v29 =	vperm.xlane v31, v5;
	v32 =	vsel vm3, v19, v32  }
0x2d9: {  	v27 =	vsel vm3, v27, v30;
	v31 =	vperm.xlane v26, v4;
	v19 =	vperm.xlane v19, v4  }
0x2da: {  	v15 =	vsel vm3, v15, v20;
	v14 =	vsel vm3, v26, v14;
	v26 =	vperm.xlane v23, v5  }
0x2db: {  	v23 =	vperm.xlane v23, v2;
	v24 =	vsel vm3, v28, v24;
	v28 =	vperm.xlane v27, v5  }
0x2dc: {  	v30 =	vperm.xlane v14, v2;
	v8 =	vsel vm3, v31, v8;
	v27 =	vperm.xlane v27, v2  }
0x2dd: {  	v14 =	vperm.xlane v14, v5;
	v7 =	vsel vm3, v19, v7;
	v19 =	vperm.xlane v20, v4  }
0x2de: {  	v20 =	vperm.xlane v24, v2;
	v24 =	vperm.xlane v24, v5  }
0x2df: {  	v31 =	vperm.xlane v15, v5;
	v11 =	vsel vm3, v11, v19;
	v19 =	vperm.xlane v32, v2  }
0x2e0: {  	v16 =	vsel vm3, v25, v16;
	v25 =	vperm.xlane v25, v4;
	v34 =	vperm.xlane v11, v2  }
0x2e1: {  	v35 =	vperm.xlane v16, v5;
	v11 =	vperm.xlane v11, v5  }
0x2e2: {  	v21 =	vperm.xlane v21, v3;
	v10 =	vsel vm3, v25, v10;
	v25 =	vperm.xlane v32, v5  }
0x2e3: {  	v22 =	vperm.xlane v22, v2;
	v16 =	vperm.xlane v16, v2;
	v11 =	vsel vm3, v35, v11  }
0x2e4: {  	v9 =	vsel vm2, v21, v9;
	v21 =	vperm.xlane v17, v4;
	v32 =	vperm.xlane v10, v5  }
0x2e5: {  	v12 =	vsel vm3, v12, v18;
	v18 =	vperm.xlane v9, v4;
	v16 =	vsel vm3, v16, v34  }
0x2e6: {  	v9 =	vsel vm3, v21, v9;
	v21 =	vperm.xlane v12, v5;
	v31 =	vsel vm3, v32, v31  }
0x2e7: {  	v17 =	vsel vm3, v17, v18;
	v15 =	vperm.xlane v15, v2;
	v18 =	vperm.xlane v9, v2  }
0x2e8: {  	v14 =	vsel vm3, v14, v21;
	v21 =	vperm.xlane v17, v2;
	v32 =	vperm.xlane v7, v2  }
0x2e9: {  	v12 =	vperm.xlane v12, v2;
	v19 =	vsel vm3, v27, v19;
	v27 =	vperm.xlane v8, v2  }
0x2ea: {  	v17 =	vperm.xlane v17, v5;
	v21 =	vsel vm3, v21, v23;
	v10 =	vperm.xlane v10, v2  }
0x2eb: {  	v18 =	vsel vm3, v18, v20;
	v21 =	vshll.u32 v21, $0x8;
	v8 =	vperm.xlane v8, v5  }
0x2ec: {  	v9 =	vperm.xlane v9, v5;
	v17 =	vsel vm3, v17, v26;
	v20 =	vsel vm3, v33, v32  }
0x2ed: {  	v7 =	vperm.xlane v7, v5;
	v10 =	vsel vm3, v10, v15;
	v20 =	vshll.u32 v20, $0x8  }
0x2ee: {  	v12 =	vsel vm3, v30, v12;
	v18 =	vshll.u32 v18, $0x8;
	v15 =	vshll.u32 v19, $0x8  }
0x2ef: {  	v9 =	vsel vm3, v9, v24;
	v10 =	vshll.u32 v10, $0x8;
	v7 =	vsel vm3, v29, v7  }
0x2f0: {  	v19 =	vsel vm3, v28, v25;
	v10 =	vadd.s32 v31, v10;
	v7 =	vadd.s32 v7, v20  }
0x2f1: {  	s1 =	sshra.s32 s29, $0x2;
	s29 =	smov.u32 s0;
	v15 =	vadd.s32 v19, v15;
	v19 =	vsel vm3, v27, v22;
	v10 =	vadd.s32 v6, v10  }
0x2f2: {  	v16 =	vshll.u32 v16, $0x8;
	v15 =	vadd.s32 v6, v15;
	v19 =	vshll.u32 v19, $0x8;
	[tilespmem:s1+$0x2060] =	vst v10  }
0x2f3: {  	v9 =	vadd.s32 v9, v18;
	v10 =	vshll.u32 v12, $0x8;
	v12 =	vadd.s32 v17, v21;
	[tilespmem:s1+$0x2010] =	vst v15  }
0x2f4: {  	v9 =	vadd.s32 v6, v9;
	v10 =	vadd.s32 v14, v10;
	v12 =	vadd.s32 v6, v12  }
0x2f5: {  	v8 =	vsel vm3, v8, v13;
	v11 =	vadd.s32 v11, v16;
	v10 =	vadd.s32 v6, v10;
	[tilespmem:s1+$0x2070] =	vst v9  }
0x2f6: {  	v8 =	vadd.s32 v8, v19;
	v7 =	vadd.s32 v6, v7;
	v9 =	vadd.s32 v6, v11;
	[tilespmem:s1+$0x2000] =	vst v10  }
0x2f7: {  	v8 =	vadd.s32 v6, v8;
	[tilespmem:s1+$0x2050] =	vst v7  }
0x2f8: {  	[tilespmem:s1+$0x2040] =	vst v8  }
0x2f9: {  	[tilespmem:s1+$0x2020] =	vst v9  }
0x2fa: {  	[tilespmem:s1+$0x2030] =	vst v12  }
0x2fb: {  	v8 =	vld [tilespmem:s30+$0x0]  }
0x2fc: {  	v7 =	vld [tilespmem:s30+$0x100]  }
0x2fd: {  	v9 =	vld [tilespmem:s30+$0x200]  }
0x2fe: {  	v10 =	vld [tilespmem:s30+$0x300]  }
0x2ff: {  	v11 =	vld [tilespmem:s30+$0xFFFFFD00]  }
0x300: {  	v12 =	vld [tilespmem:s30+$0xFFFFFB00];
	v13 =	vperm.xlane v8, v0  }
0x301: {  	v14 =	vld [tilespmem:s30+$0x600];
	v15 =	vperm.xlane v7, v0  }
0x302: {  	v16 =	vld [tilespmem:s30+$0x700];
	v17 =	vsel vm0, v13, v7;
	v7 =	vperm.xlane v9, v0  }
0x303: {  	v13 =	vld [tilespmem:s30+$0x400];
	v18 =	vperm.xlane v10, v0;
	v19 =	vperm.xlane v17, v1  }
0x304: {  	v20 =	vld [tilespmem:s30+$0xFFFFFF00];
	v21 =	vperm.xlane v11, v0;
	v7 =	vsel vm0, v7, v10  }
0x305: {  	v10 =	vld [tilespmem:s30+$0x500];
	v18 =	vsel vm0, v9, v18;
	v9 =	vperm.xlane v7, v1;
	v7 =	vsel vm1, v19, v7  }
0x306: {  	v19 =	vld [tilespmem:s30+$0xFFFFFE00];
	v22 =	vperm.xlane v14, v0;
	v23 =	vperm.xlane v18, v1  }
0x307: {  	v8 =	vsel vm0, v8, v15;
	v25 =	vperm.xlane v12, v0;
	v24 =	vld [tilespmem:s30+$0xFFFFFC00];
	v15 =	vperm.xlane v16, v0  }
0x308: {  	v31 =	vperm.xlane v8, v1;
	v26 =	vld [tilespmem:s30+$0xFFFFFA00];
	v27 =	vperm.xlane v13, v0;
	v22 =	vsel vm0, v22, v16  }
0x309: {  	v8 =	vsel vm1, v8, v23;
	v16 =	vperm.xlane v20, v0;
	v23 =	vperm.xlane v22, v1  }
0x30a: {  	v30 =	vsel vm0, v14, v15;
	v28 =	vld [tilespmem:s30+$0xFFFFF800];
	v29 =	vperm.xlane v10, v0;
	v27 =	vsel vm0, v27, v10  }
0x30b: {  	v32 =	vperm.xlane v8, v3;
	v16 =	vsel vm0, v19, v16;
	v10 =	vperm.xlane v19, v0  }
0x30c: {  	v14 =	vld [tilespmem:s30+$0xFFFFF900];
	v15 =	vperm.xlane v24, v0;
	v19 =	vsel vm0, v13, v29;
	v29 =	vperm.xlane v30, v1  }
0x30d: {  	v33 =	vperm.xlane v26, v0;
	v13 =	vsel vm0, v10, v20;
	v10 =	vperm.xlane v16, v1  }
0x30e: {  	v21 =	vsel vm0, v24, v21;
	v20 =	vsel vm0, v26, v25;
	v24 =	vperm.xlane v13, v1  }
0x30f: {  	v25 =	vperm.xlane v28, v0;
	v12 =	vsel vm0, v33, v12;
	v33 =	vsel vm0, v15, v11  }
0x310: {  	v11 =	vperm.xlane v12, v1;
	v15 =	vsel vm1, v33, v24;
	v24 =	vsel vm1, v19, v29  }
0x311: {  	v26 =	vperm.xlane v14, v0;
	v14 =	vsel vm0, v25, v14;
	v25 =	vperm.xlane v24, v3  }
0x312: {  	v34 =	vperm.xlane v19, v1;
	v29 =	vsel vm1, v14, v11;
	v11 =	vperm.xlane v14, v1  }
0x313: {  	v28 =	vsel vm0, v28, v26;
	v26 =	vperm.xlane v29, v3;
	v8 =	vsel vm2, v8, v25  }
0x314: {  	v25 =	vperm.xlane v28, v1;
	v19 =	vsel vm1, v11, v12;
	v14 =	vperm.xlane v8, v4  }
0x315: {  	v17 =	vsel vm1, v17, v9;
	v35 =	vsel vm1, v21, v10;
	v11 =	vsel vm2, v26, v15  }
0x316: {  	v12 =	vperm.xlane v15, v3;
	v25 =	vsel vm1, v25, v20;
	v15 =	vperm.xlane v11, v4  }
0x317: {  	v37 =	vperm.xlane v17, v3;
	v36 =	vsel vm1, v27, v23;
	v26 =	vperm.xlane v35, v3  }
0x318: {  	v10 =	vsel vm2, v32, v24;
	v23 =	vperm.xlane v19, v3;
	v20 =	vperm.xlane v20, v1  }
0x319: {  	v21 =	vperm.xlane v21, v1;
	v9 =	vsel vm1, v34, v30;
	v32 =	vperm.xlane v36, v3  }
0x31a: {  	v24 =	vperm.xlane v27, v1;
	v28 =	vsel vm1, v28, v20;
	v20 =	vsel vm2, v37, v36  }
0x31b: {  	v34 =	vsel vm1, v21, v16;
	v21 =	vperm.xlane v7, v3;
	v16 =	vperm.xlane v10, v4  }
0x31c: {  	v27 =	vperm.xlane v34, v3;
	v22 =	vsel vm1, v24, v22;
	v36 =	vperm.xlane v28, v3  }
0x31d: {  	v30 =	vperm.xlane v22, v3;
	v24 =	vsel vm2, v21, v22;
	v12 =	vsel vm2, v29, v12  }
.Ltmp10:
0x31e: {  	v22 =	vperm.xlane v9, v3;
	v29 =	vperm.xlane v24, v4;
	v27 =	vsel vm2, v25, v27;
	(pc) =	sbr.rel @p0 .LBB2_12-.Ltmp10, $4  }
0x31f: {  	v21 =	vsel vm1, v31, v18;
	v37 =	vperm.xlane v12, v4;
	v31 =	vperm.xlane v27, v4  }
0x320: {  	v39 =	vsel vm2, v17, v32;
	v32 =	vsel vm2, v21, v22;
	v38 =	vperm.xlane v25, v3  }
0x321: {  	v33 =	vperm.xlane v33, v1;
	v18 =	vperm.xlane v39, v4;
	v31 =	vsel vm3, v31, v32  }
0x322: {  	v17 =	vsel vm2, v38, v34;
	v22 =	vsel vm3, v37, v39;
	v25 =	vsel vm2, v36, v35  }
0x323: {  	v26 =	vsel vm2, v28, v26;
	v28 =	vperm.xlane v22, v5  }
0x324: {  	v61 =	vperm.xlane v32, v4;
	v63 =	vperm.xlane v31, v2  }
0x325: {  	v13 =	vsel vm1, v33, v13;
	v41 =	vperm.xlane v31, v5;
	v46 =	vperm.xlane v20, v4  }
0x326: {  	v7 =	vsel vm2, v7, v30;
	v49 =	vperm.xlane v25, v4;
	v21 =	vperm.xlane v21, v3  }
0x327: {  	v15 =	vsel vm3, v15, v20;
	v51 =	vperm.xlane v22, v2;
	v52 =	vperm.xlane v17, v4  }
0x328: {  	v16 =	vsel vm3, v25, v16;
	v33 =	vperm.xlane v13, v3;
	v62 =	vperm.xlane v7, v4  }
0x329: {  	v12 =	vsel vm3, v12, v18;
	v42 =	vperm.xlane v26, v4;
	v35 =	vperm.xlane v15, v5  }
0x32a: {  	v13 =	vsel vm2, v23, v13;
	v36 =	vperm.xlane v16, v5;
	v16 =	vperm.xlane v16, v2  }
0x32b: {  	v14 =	vsel vm3, v26, v14;
	v18 =	vperm.xlane v12, v5;
	v15 =	vperm.xlane v15, v2  }
0x32c: {  	v12 =	vperm.xlane v12, v2;
	v40 =	vperm.xlane v13, v4;
	v13 =	vsel vm3, v13, v29  }
0x32d: {  	v27 =	vsel vm3, v27, v61;
	v45 =	vperm.xlane v14, v2;
	v14 =	vperm.xlane v14, v5  }
0x32e: {  	v11 =	vsel vm3, v11, v46;
	v10 =	vsel vm3, v49, v10;
	v44 =	vperm.xlane v13, v5  }
0x32f: {  	v9 =	vsel vm2, v21, v9;
	v34 =	vperm.xlane v27, v5;
	v13 =	vperm.xlane v13, v2  }
0x330: {  	v19 =	vsel vm2, v19, v33;
	v27 =	vperm.xlane v27, v2;
	v50 =	vperm.xlane v11, v2  }
0x331: {  	v8 =	vsel vm3, v42, v8;
	v11 =	vperm.xlane v11, v5;
	v25 =	vperm.xlane v10, v5  }
0x332: {  	v53 =	vperm.xlane v9, v4;
	v9 =	vsel vm3, v52, v9;
	v10 =	vperm.xlane v10, v2  }
0x333: {  	v43 =	vperm.xlane v19, v4;
	v19 =	vsel vm3, v19, v62;
	v56 =	vperm.xlane v9, v2  }
0x334: {  	v24 =	vsel vm3, v40, v24;
	v58 =	vperm.xlane v8, v2;
	v8 =	vperm.xlane v8, v5  }
0x335: {  	v14 =	vsel vm3, v14, v18;
	v9 =	vperm.xlane v9, v5;
	v47 =	vperm.xlane v24, v2  }
0x336: {  	v12 =	vsel vm3, v45, v12;
	v24 =	vperm.xlane v24, v5;
	v48 =	vperm.xlane v19, v2  }
0x337: {  	v19 =	vperm.xlane v19, v5;
	v11 =	vsel vm3, v36, v11;
	v16 =	vsel vm3, v16, v50  }
0x338: {  	v54 =	vsel vm3, v17, v53;
	v55 =	vsel vm3, v25, v35;
	v10 =	vsel vm3, v10, v15  }
0x339: {  	v60 =	vshll.u32 v12, $0x8;
	v7 =	vsel vm3, v43, v7;
	v30 =	vperm.xlane v54, v2  }
0x33a: {  	v17 =	vperm.xlane v54, v5;
	v10 =	vshll.u32 v10, $0x8;
	v61 =	vsel vm3, v58, v51  }
0x33b: {  	v8 =	vsel vm3, v8, v28;
	v62 =	vshll.u32 v16, $0x8;
	v57 =	vperm.xlane v7, v2  }
0x33c: {  	v27 =	vsel vm3, v27, v48;
	v20 =	vsel vm3, v56, v47;
	v7 =	vperm.xlane v7, v5  }
0x33d: {  	v9 =	vsel vm3, v9, v24;
	v19 =	vsel vm3, v34, v19;
	v10 =	vadd.s32 v55, v10  }
0x33e: {  	v12 =	vshll.u32 v61, $0x8;
	v13 =	vsel vm3, v30, v13;
	v59 =	vshll.u32 v27, $0x8  }
0x33f: {  	s0 =	sshra.s32 s29, $0x2;
	v20 =	vshll.u32 v20, $0x8;
	v10 =	vadd.s32 v6, v10;
	v8 =	vadd.s32 v8, v12  }
0x340: {  	v18 =	vsel vm3, v63, v57;
	v15 =	vadd.s32 v19, v59;
	[tilespmem:s0+$0x2060] =	vst v10;
	v8 =	vadd.s32 v6, v8  }
0x341: {  	v7 =	vsel vm3, v41, v7;
	v9 =	vadd.s32 v9, v20;
	v15 =	vadd.s32 v6, v15;
	[tilespmem:s0+$0x2040] =	vst v8  }
0x342: {  	v10 =	vadd.s32 v14, v60;
	v18 =	vshll.u32 v18, $0x8;
	v9 =	vadd.s32 v6, v9;
	[tilespmem:s0+$0x2010] =	vst v15  }
.Ltmp11:
0x343: {  	v13 =	vshll.u32 v13, $0x8;
	v10 =	vadd.s32 v6, v10;
	v7 =	vadd.s32 v7, v18;
	[tilespmem:s0+$0x2070] =	vst v9;
	(pc) =	sbr.rel .LBB2_14-.Ltmp11, $4  }
0x344: {  	v63 =	vsel vm3, v17, v44;
	[tilespmem:s0+$0x2000] =	vst v10;
	v9 =	vadd.s32 v11, v62;
	v7 =	vadd.s32 v6, v7  }
0x345: {  	v9 =	vadd.s32 v6, v9;
	[tilespmem:s0+$0x2050] =	vst v7;
	v7 =	vadd.s32 v63, v13  }
0x346: {  	[tilespmem:s0+$0x2020] =	vst v9;
	v7 =	vadd.s32 v6, v7  }
0x347: {  	[tilespmem:s0+$0x2030] =	vst v7  }
.LBB2_16:
0x348: {  	_ =	sfence.sel $0x180000  }
0x349: {  	[bflag:$0x0] =	sbarrier.arrive $0xFFFF  }
0x34a: {  	_ =	strace $0x9000004A  }
0x34b: {  	s0 =	stileid.u32;
	[bflag:$0x2] =	sbarrier.arrive $0xFFFF  }
0x34c: {  	p0 =	sne.s32 s0, $0x0;
	s0 =	rddreg [dreg:$0x2]  }
0x34d: {  	s0 =	sadd.s32 @!p0 $0x100000, s0  }
0x34e: {  	[sflag:s0] =	ssyncadd.tile.s32 @!p0 $0x1;
	_ =	shalt  }
.Lfunc_end2:
_tile_overlayer_lowered:
.L_overlay_start_2:
0x34f: {  	(tag) =	ssettag $0x2  }
0x350: {  	s0 =	rddreg [dreg:$0x0];
	s2 =	stileid.u32  }
0x351: {  	s1 =	rddreg [dreg:$0x1];
	p0 =	sne.s32 s2, $0x0  }
0x352: {  	s3 =	rddreg [dreg:$0x2];
	[bflag:$0x3] =	sbarrier.arrive $0xFFFF;
	s2 =	simm.s32 @!p0 $0x1C07  }
0x353: {  	[timem:s3], [sflag:s2] =	dma.local @!p0 [hbm:s0], s1  }
0x354: {  	s0 =	simm.s32 @!p0 $0x7  }
0x355: {  	_ =	swait.ge @!p0 [sflag:s0], s1  }
0x356: {  	s1 =	ssub.s32 @!p0 $0x0, s1;
	[sflag:s0] =	ssyncset.done @!p0 $0x0  }
0x357: {  	[sflag:s0] =	ssyncadd.s32 @!p0 s1  }
0x358: {  	[bflag:$0x3] =	sbarrier.arrive $0xFFFF  }
0x359: {  	_ =	shalt  }

</sc_bundles>
